<compile_context>
chip_gen: v7x
topology: tpu7x:2x2x1
jax: 0.10.2.dev20260603
libtpu: 0.0.44.dev20260713+nightly
codegen_flags: <defaults>
</compile_context>

<pallas_src>
import functools

import numpy as np
import jax
import jax.numpy as jnp
from jax import lax
from jax.experimental import pallas as pl
from jax.experimental.pallas import tpu as pltpu
from jax.experimental.pallas import tpu_sc as plsc

_L = 16
_F = 2
_T = 1 << 19
_MASK = _T - 1
_N = 131072
_HID = 64
_ODIM = 9
_ENC = 3 * _L * _F
_TROWS = _L * _T * _F // 16

_NC = 2
_NS = 16
_NW = _NC * _NS
_PPT = _N // _NW
_CH = 64
_NCHUNK = _PPT // _CH
_NG = _CH // 16
_NSLOT = 32
_NSTRM = _NSLOT // 2

_CBLK = 64
_BPT = _TROWS * 16 // 256 // _NW

_RES_F32 = np.floor(16.0 * (1.4472692012786865 ** np.arange(_L))).astype(np.float32)

_P1 = np.int32(np.int64(2654435761) - (1 << 32))
_P2 = np.int32(805459861)
_P3 = np.int32(np.int64(3674653429) - (1 << 32))

_mesh = plsc.VectorSubcoreMesh(core_axis_name="c", subcore_axis_name="s")
_sc_params = pltpu.CompilerParams(needs_layout_passes=False,
                                  use_tc_tiling_on_sc=False)

_tbl_sds = jax.ShapeDtypeStruct((_TROWS, 16), jnp.float32)


@functools.partial(
    pl.kernel,
    out_type=(_tbl_sds, _tbl_sds, _tbl_sds),
    mesh=_mesh,
    compiler_params=_sc_params,
    scratch_types=[
        pltpu.VMEM((2, _CBLK * 16, 16), jnp.float32),
        pltpu.VMEM((2, _CBLK * 16, 16), jnp.float32),
        pltpu.SemaphoreType.DMA((2,)),
        pltpu.SemaphoreType.DMA((2,)),
    ],
)
def _convert_tables(t0, t1, t2, o0, o1, o2, in_v, out_v, semi, semo):
    cid = lax.axis_index("c")
    sid = lax.axis_index("s")
    wid = sid * _NC + cid
    lane = lax.iota(jnp.int32, 16)
    half = lane >> 1
    parity = lane & 1
    p8 = parity * 8
    nch = _BPT // _CBLK
    cb16 = _CBLK * 16

    for tin, tout in ((t0, o0), (t1, o1), (t2, o2)):
        def chunk_body(c, carry):
            b = c & 1

            @pl.when(c < nch)
            def _():
                row0 = (wid * _BPT + c * _CBLK) * 16
                pltpu.async_copy(tin.at[pl.ds(row0, cb16)], in_v.at[b],
                                 semi.at[b])

            @pl.when(c > 0)
            def _():
                bb = 1 - b

                @pl.when(c > 2)
                def _():
                    pltpu.make_async_copy(
                        out_v.at[bb], tout.at[pl.ds(0, cb16)],
                        semo.at[bb]).wait()

                pltpu.make_async_copy(
                    tin.at[pl.ds(0, cb16)], in_v.at[bb], semi.at[bb]).wait()

                def blk_body(blk, c2):
                    for k in range(16):
                        src = plsc.load_gather(
                            in_v, [jnp.full((16,), bb, jnp.int32),
                                   blk * 16 + (k >> 1) + p8,
                                   8 * (k & 1) + half])
                        out_v[bb, blk * 16 + k, :] = src
                    return c2

                lax.fori_loop(0, _CBLK, blk_body, 0)
                row1 = (wid * _BPT + (c - 1) * _CBLK) * 16
                pltpu.async_copy(out_v.at[bb], tout.at[pl.ds(row1, cb16)],
                                 semo.at[bb])

            return carry

        lax.fori_loop(0, nch + 1, chunk_body, 0)
        pltpu.make_async_copy(out_v.at[0], tout.at[pl.ds(0, cb16)],
                              semo.at[0]).wait()
        pltpu.make_async_copy(out_v.at[1], tout.at[pl.ds(0, cb16)],
                              semo.at[1]).wait()


@functools.partial(
    pl.kernel,
    out_type=jax.ShapeDtypeStruct((_ENC, _N), jnp.float32),
    mesh=_mesh,
    compiler_params=_sc_params,
    scratch_types=[
        pltpu.VMEM((16,), jnp.float32),
        pltpu.VMEM((10, _CH), jnp.float32),
        pltpu.VMEM((2, 10, _CH), jnp.float32),
        pltpu.VMEM((2, _NSTRM, 2 * _CH), jnp.int32),
        pltpu.VMEM((2, _NSLOT, _CH), jnp.int32),
        pltpu.VMEM((2, _NSLOT * _CH, 16), jnp.float32),
        pltpu.VMEM((_ENC, _CH), jnp.float32),
        pltpu.SemaphoreType.DMA((2,)),
    ],
)
def _encode_sc(coords, pos_t, nrm_t, pose_t, res_in, out,
               res_v, inp_v, frac_v, idx_v, idxlo_v, rows_v, enc_v, sems):
    cid = lax.axis_index("c")
    sid = lax.axis_index("s")
    wid = sid * _NC + cid
    pltpu.sync_copy(res_in, res_v)

    lane = lax.iota(jnp.int32, 16)

    tables = ((0, 3, 0, 0), (3, 3, 8, 32), (6, 4, 16, 64))

    def idx_phase(l, buf):
        resb = plsc.load_gather(res_v, [jnp.full((16,), l, jnp.int32)])
        lofs = l * (_T * _F // 16)

        def idx_body(g, c3):
            gof = g * 16
            for roff, nd, soff, _coff in tables:
                h0 = []
                h1 = []
                for dd in range(nd):
                    x = inp_v[roff + dd, pl.ds(gof, 16)]
                    pos = x * resb
                    ip = pos.astype(jnp.int32)
                    frac_v[buf, roff + dd, pl.ds(gof, 16)] = pos - ip.astype(jnp.float32)
                    if dd == 0:
                        a0 = ip
                        a1 = ip + 1
                    else:
                        p = (_P1, _P2, _P3)[dd - 1]
                        a0 = ip * p
                        a1 = a0 + p
                    h0.append(a0)
                    h1.append(a1)
                for c in range(1 << nd):
                    h = None
                    for dd in range(nd):
                        term = h1[dd] if (c >> (nd - 1 - dd)) & 1 else h0[dd]
                        h = term if h is None else h ^ term
                    t = h & _MASK
                    s = soff + c
                    idx_v[buf, s >> 1, pl.ds((s & 1) * _CH + gof, 16)] = (t >> 3) + lofs
                    idxlo_v[buf, s, pl.ds(gof, 16)] = (t & 7) * 2
            return c3

        lax.fori_loop(0, _NG, idx_body, 0)

    def fire(buf, sem):
        for p in range(_NSTRM):
            tref = pos_t if p < 4 else (nrm_t if p < 8 else pose_t)
            pltpu.async_copy(
                tref.at[idx_v.at[buf, p]],
                rows_v.at[buf, pl.ds(p * 2 * _CH, 2 * _CH)],
                sem)

    def drain(buf, sem):
        pltpu.make_async_copy(
            pos_t.at[pl.ds(0, _NSLOT * _CH)],
            rows_v.at[buf],
            sem).wait()

    def acc_phase(l, buf):
        def acc_body(g, c3):
            gof = g * 16
            rowv = gof + lane
            for roff, nd, soff, coff in tables:
                fr = [frac_v[buf, roff + dd, pl.ds(gof, 16)] for dd in range(nd)]
                om = [1.0 - f for f in fr]
                p01 = [om[0] * om[1], om[0] * fr[1], fr[0] * om[1], fr[0] * fr[1]]
                if nd == 3:
                    tail = [om[2], fr[2]]
                else:
                    tail = [om[2] * om[3], om[2] * fr[3], fr[2] * om[3], fr[2] * fr[3]]
                facc0 = None
                facc1 = None
                for c in range(1 << nd):
                    w = p01[c >> (nd - 2)] * tail[c & ((1 << (nd - 2)) - 1)]
                    s = soff + c
                    col0 = idxlo_v[buf, s, pl.ds(gof, 16)]
                    v0 = plsc.load_gather(rows_v, [jnp.full((16,), buf, jnp.int32),
                                                   s * _CH + rowv, col0])
                    v1 = plsc.load_gather(rows_v, [jnp.full((16,), buf, jnp.int32),
                                                   s * _CH + rowv, col0 + 1])
                    if facc0 is None:
                        facc0 = w * v0
                        facc1 = w * v1
                    else:
                        facc0 = facc0 + w * v0
                        facc1 = facc1 + w * v1
                enc_v[coff + 2 * l, pl.ds(gof, 16)] = facc0
                enc_v[coff + 2 * l + 1, pl.ds(gof, 16)] = facc1
            return c3

        lax.fori_loop(0, _NG, acc_body, 0)

    def chunk_body(ch, carry):
        pltpu.sync_copy(coords.at[wid, ch], inp_v)

        def lvl(l, c2):
            b = l & 1

            @pl.when(l < _L)
            def _():
                idx_phase(l, b)
                fire(b, sems.at[b])

            @pl.when(l > 0)
            def _():
                drain(1 - b, sems.at[1 - b])
                acc_phase(l - 1, 1 - b)

            return c2

        lax.fori_loop(0, _L + 1, lvl, 0)
        pltpu.sync_copy(enc_v, out.at[:, pl.ds(wid * _PPT + ch * _CH, _CH)])
        return carry

    lax.fori_loop(0, _NCHUNK, chunk_body, 0)


_BN = 8192


def _mlp_body(enc_ref, w0_ref, w1_ref, w2_ref, out_ref):
    h = jnp.maximum(
        lax.dot_general(enc_ref[...], w0_ref[...], (((0,), (0,)), ((), ())),
                        preferred_element_type=jnp.float32), 0.0)
    h = jnp.maximum(
        jnp.dot(h, w1_ref[...], preferred_element_type=jnp.float32), 0.0)
    out_ref[...] = jnp.dot(h, w2_ref[...], preferred_element_type=jnp.float32)


def _mlp(enc, W0, W1, W2):
    return pl.pallas_call(
        _mlp_body,
        grid=(_N // _BN,),
        in_specs=[
            pl.BlockSpec((_ENC, _BN), lambda i: (0, i)),
            pl.BlockSpec((_ENC, _HID), lambda i: (0, 0)),
            pl.BlockSpec((_HID, _HID), lambda i: (0, 0)),
            pl.BlockSpec((_HID, _ODIM), lambda i: (0, 0)),
        ],
        out_specs=pl.BlockSpec((_BN, _ODIM), lambda i: (i, 0)),
        out_shape=jax.ShapeDtypeStruct((_N, _ODIM), jnp.float32),
    )(enc, W0, W1, W2)


def kernel(face_centers, face_normals, pose_extended, pos_table, normal_table,
           pose_table, W0, W1, W2):
    coords = jnp.concatenate(
        [face_centers.T, face_normals.T, pose_extended.T], axis=0)
    coords = coords.reshape(10, _NW, _NCHUNK, _CH).transpose(1, 2, 0, 3)

    def native_view(tbl):
        return tbl.reshape(_L, _T // 128, 128, _F).transpose(0, 1, 3, 2).reshape(
            _TROWS, 16)

    pos_c, nrm_c, pose_c = _convert_tables(
        native_view(pos_table), native_view(normal_table),
        native_view(pose_table))
    enc = _encode_sc(coords, pos_c, nrm_c, pose_c, jnp.asarray(_RES_F32))
    return _mlp(enc, W0, W1, W2)

# --- scband reference (transcript-rebuilt; emitter-appended) ---
"""Pipeline reference for scband-hash-grid-w-pose-54365696033029 (READ-ONLY COPY).

The authoritative reference and input builder live on the scoring server;
editing this copy changes nothing except your own understanding.
"""

import jax, jax.numpy as jnp
import numpy as np

L = 16
F = 2
T = 1 << 19
BASE_RES = 16
PER_LEVEL_SCALE = 1.4472692012786865
N_PTS = 131072
HIDDEN = 64
OUT_DIM = 9

_PRIMES = jnp.asarray(np.array([1, 2654435761, 805459861, 3674653429], dtype=np.uint32))

def _corner_offsets(D):
    grids = np.meshgrid(*([np.array([0, 1], dtype=np.uint32)] * D), indexing='ij')
    return jnp.asarray(np.stack(grids, axis=-1).reshape(-1, D))

def _hash_index(coords, D):
    h = coords[..., 0] * _PRIMES[0]
    for d in range(1, D):
        h = h ^ (coords[..., d] * _PRIMES[d])
    return h % jnp.uint32(T)

def hashgrid_encode(x, table):
    N, D = x.shape
    offs = _corner_offsets(D)
    offs_f = offs.astype(x.dtype)
    feats_out = []
    for l in range(L):
        res = int(np.floor(BASE_RES * (PER_LEVEL_SCALE ** l)))
        pos = x * res
        pos0 = jnp.floor(pos)
        frac = pos - pos0
        corner = pos0.astype(jnp.uint32)[:, None, :] + offs[None, :, :]
        idx = _hash_index(corner, D)
        f = jnp.take(table[l], idx, axis=0)
        w = jnp.prod(jnp.where(offs_f[None, :, :] > 0, frac[:, None, :], 1.0 - frac[:, None, :]), axis=-1)
        feats_out.append(jnp.sum(f * w[..., None], axis=1))
    return jnp.concatenate(feats_out, axis=-1)

def setup_inputs(seed: int = 0):
    key = jax.random.key(seed)
    ks = jax.random.split(key, 9)
    face_centers = jax.random.uniform(ks[0], (N_PTS, 3), dtype=jnp.float32)
    face_normals = jax.random.uniform(ks[1], (N_PTS, 3), dtype=jnp.float32)
    pose_extended = jax.random.uniform(ks[2], (N_PTS, 4), dtype=jnp.float32)
    pos_table = jax.random.uniform(ks[3], (L, T, F), minval=-1e-4, maxval=1e-4, dtype=jnp.float32)
    normal_table = jax.random.uniform(ks[4], (L, T, F), minval=-1e-4, maxval=1e-4, dtype=jnp.float32)
    pose_table = jax.random.uniform(ks[5], (L, T, F), minval=-1e-4, maxval=1e-4, dtype=jnp.float32)
    in_dim = 3 * L * F
    W0 = jax.random.normal(ks[6], (in_dim, HIDDEN), dtype=jnp.float32) * (2.0 / in_dim) ** 0.5
    W1 = jax.random.normal(ks[7], (HIDDEN, HIDDEN), dtype=jnp.float32) * (2.0 / HIDDEN) ** 0.5
    W2 = jax.random.normal(ks[8], (HIDDEN, OUT_DIM), dtype=jnp.float32) * (2.0 / HIDDEN) ** 0.5
    return {"face_centers": face_centers, "face_normals": face_normals, "pose_extended": pose_extended, "pos_table": pos_table, "normal_table": normal_table, "pose_table": pose_table, "W0": W0, "W1": W1, "W2": W2}

def reference(face_centers, face_normals, pose_extended, pos_table, normal_table, pose_table, W0, W1, W2):
    pe = hashgrid_encode(face_centers, pos_table)
    ne = hashgrid_encode(face_normals, normal_table)
    qe = hashgrid_encode(pose_extended, pose_table)
    h = jnp.concatenate((pe, ne, qe), axis=1)
    h = jax.nn.relu(h @ W0)
    h = jax.nn.relu(h @ W1)
    return h @ W2

if __name__ == "__main__":
    import jax
    _d = setup_inputs()
    print(jax.jit(kernel)(*tuple(_d.values())))

</pallas_src>

<mosaic_0001>
#map = affine_map<(d0, d1) -> (0, 0)>
module attributes {stable_mosaic.version = 14 : i64} {
  func.func @_convert_tables(%arg0: i32, %arg1: i32, %arg2: memref<1048576x16xf32, #tpu.memory_space<hbm>>, %arg3: memref<1048576x16xf32, #tpu.memory_space<hbm>>, %arg4: memref<1048576x16xf32, #tpu.memory_space<hbm>>, %arg5: memref<1048576x16xf32, #tpu.memory_space<hbm>>, %arg6: memref<1048576x16xf32, #tpu.memory_space<hbm>>, %arg7: memref<1048576x16xf32, #tpu.memory_space<hbm>>, %arg8: memref<2x1024x16xf32, #tpu.memory_space<vmem>>, %arg9: memref<2x1024x16xf32, #tpu.memory_space<vmem>>, %arg10: memref<2x!tpu.dma_semaphore, #tpu.memory_space<semaphore_mem>>, %arg11: memref<2x!tpu.dma_semaphore, #tpu.memory_space<semaphore_mem>>) attributes {dimension_semantics = [#tpu.dimension_semantics<core_parallel>, #tpu.dimension_semantics<subcore_parallel>], iteration_bounds = array<i64: 2, 16>, scalar_prefetch = 0 : i64, scratch_operands = 4 : i64, tpu.core_type = #tpu.core_type<sc_vector_subcore>, window_params = [{transform_indices = #map}, {transform_indices = #map}, {transform_indices = #map}, {transform_indices = #map}, {transform_indices = #map}, {transform_indices = #map}]} {
    %mul3A = arith.constant 2 : i32
    %mul3A_0 = arith.muli %arg1, %mul3A : i32
    %add3A = arith.addi %mul3A_0, %arg0 : i32
    %iota3A = tpu.iota {dimensions = array<i32: 0>} : vector<16xi32>
    %shift_right_arithmetic3A = arith.constant 1 : i32
    %shift_right_arithmetic3A_1 = vector.broadcast %shift_right_arithmetic3A : i32 to vector<16xi32>
    %shift_right_arithmetic3A_2 = arith.shrsi %iota3A, %shift_right_arithmetic3A_1 : vector<16xi32>
    %and3A = arith.constant 1 : i32
    %and3A_3 = vector.broadcast %and3A : i32 to vector<16xi32>
    %and3A_4 = arith.andi %iota3A, %and3A_3 : vector<16xi32>
    %mul3A_5 = arith.constant 8 : i32
    %mul3A_6 = vector.broadcast %mul3A_5 : i32 to vector<16xi32>
    %mul3A_7 = arith.muli %and3A_4, %mul3A_6 : vector<16xi32>
    %scan3A = arith.constant 0 : i32
    %scan3A_8 = arith.constant 0 : i32
    %scan3A_9 = arith.constant 33 : i32
    %scan3A_10 = arith.addi %scan3A_8, %scan3A_9 : i32
    %scan3A_11 = arith.constant 1 : i32
    scf.for %scan3A_132 = %scan3A_8 to %scan3A_10 step %scan3A_11  : i32 {
      %and3A_133 = arith.constant 1 : i32
      %and3A_134 = arith.andi %scan3A_132, %and3A_133 : i32
      %lt3A = arith.constant 32 : i32
      %lt3A_135 = arith.cmpi slt, %scan3A_132, %lt3A : i32
      %convert_element_type3A = arith.extui %lt3A_135 : i1 to i32
      %cond3A = arith.constant 0 : i32
      %cond3A_136 = arith.cmpi ne, %convert_element_type3A, %cond3A : i32
      scf.if %cond3A_136 {
        %mul3A_141 = arith.constant 2048 : i32
        %mul3A_142 = arith.muli %add3A, %mul3A_141 : i32
        %mul3A_143 = arith.constant 64 : i32
        %mul3A_144 = arith.muli %scan3A_132, %mul3A_143 : i32
        %add3A_145 = arith.addi %mul3A_142, %mul3A_144 : i32
        %mul3A_146 = arith.constant 16 : i32
        %mul3A_147 = arith.muli %add3A_145, %mul3A_146 : i32
        %dma_start3A = arith.constant 0 : i32
        %dma_start3A_148 = arith.constant 0 : i32
        %dma_start3A_149 = tpu.memref_slice %arg8[%and3A_134, %dma_start3A, %dma_start3A_148] : memref<2x1024x16xf32, #tpu.memory_space<vmem>> -> memref<1x1024x16xf32, #tpu.memory_space<vmem>>
        %dma_start3A_150 = tpu.memref_squeeze %dma_start3A_149 : memref<1x1024x16xf32, #tpu.memory_space<vmem>> -> memref<1024x16xf32, #tpu.memory_space<vmem>>
        %dma_start3A_151 = arith.constant 0 : i32
        %dma_start3A_152 = tpu.memref_slice %arg2[%mul3A_147, %dma_start3A_151] : memref<1048576x16xf32, #tpu.memory_space<hbm>> -> memref<1024x16xf32, #tpu.memory_space<hbm>>
        %dma_start3A_153 = tpu.memref_slice %arg10[%and3A_134] : memref<2x!tpu.dma_semaphore, #tpu.memory_space<semaphore_mem>> -> memref<1x!tpu.dma_semaphore, #tpu.memory_space<semaphore_mem>>
        %dma_start3A_154 = tpu.memref_squeeze %dma_start3A_153 : memref<1x!tpu.dma_semaphore, #tpu.memory_space<semaphore_mem>> -> memref<!tpu.dma_semaphore, #tpu.memory_space<semaphore_mem>>
        %dma_start3A_155 = arith.constant 0 : i32
        %dma_start3A_156 = arith.constant 0 : i32
        %dma_start3A_157 = tpu.memref_slice %arg8[%and3A_134, %dma_start3A_155, %dma_start3A_156] : memref<2x1024x16xf32, #tpu.memory_space<vmem>> -> memref<1x1024x16xf32, #tpu.memory_space<vmem>>
        %dma_start3A_158 = tpu.memref_squeeze %dma_start3A_157 : memref<1x1024x16xf32, #tpu.memory_space<vmem>> -> memref<1024x16xf32, #tpu.memory_space<vmem>>
        %dma_start3A_159 = arith.constant 0 : i32
        %dma_start3A_160 = tpu.memref_slice %arg2[%mul3A_147, %dma_start3A_159] : memref<1048576x16xf32, #tpu.memory_space<hbm>> -> memref<1024x16xf32, #tpu.memory_space<hbm>>
        tpu.enqueue_dma source(%dma_start3A_160 : memref<1024x16xf32, #tpu.memory_space<hbm>>) target(%dma_start3A_158 : memref<1024x16xf32, #tpu.memory_space<vmem>>) target_semaphore(%dma_start3A_154 : memref<!tpu.dma_semaphore, #tpu.memory_space<semaphore_mem>>)
      } else {
      }
      %gt3A = arith.constant 0 : i32
      %gt3A_137 = arith.cmpi sgt, %scan3A_132, %gt3A : i32
      %convert_element_type3A_138 = arith.extui %gt3A_137 : i1 to i32
      %cond3A_139 = arith.constant 0 : i32
      %cond3A_140 = arith.cmpi ne, %convert_element_type3A_138, %cond3A_139 : i32
      scf.if %cond3A_140 {
        %sub3A = arith.constant 1 : i32
        %sub3A_141 = arith.subi %sub3A, %and3A_134 : i32
        %gt3A_142 = arith.constant 2 : i32
        %gt3A_143 = arith.cmpi sgt, %scan3A_132, %gt3A_142 : i32
        %convert_element_type3A_144 = arith.extui %gt3A_143 : i1 to i32
        %cond3A_145 = arith.constant 0 : i32
        %cond3A_146 = arith.cmpi ne, %convert_element_type3A_144, %cond3A_145 : i32
        scf.if %cond3A_146 {
          %dma_wait3A_191 = arith.constant 0 : i32
          %dma_wait3A_192 = arith.constant 0 : i32
          %dma_wait3A_193 = tpu.memref_slice %arg9[%sub3A_141, %dma_wait3A_191, %dma_wait3A_192] : memref<2x1024x16xf32, #tpu.memory_space<vmem>> -> memref<1x1024x16xf32, #tpu.memory_space<vmem>>
          %dma_wait3A_194 = tpu.memref_squeeze %dma_wait3A_193 : memref<1x1024x16xf32, #tpu.memory_space<vmem>> -> memref<1024x16xf32, #tpu.memory_space<vmem>>
          %dma_wait3A_195 = arith.constant 0 : i32
          %dma_wait3A_196 = arith.constant 0 : i32
          %dma_wait3A_197 = tpu.memref_slice %arg5[%dma_wait3A_195, %dma_wait3A_196] : memref<1048576x16xf32, #tpu.memory_space<hbm>> -> memref<1024x16xf32, #tpu.memory_space<hbm>>
          %dma_wait3A_198 = tpu.memref_slice %arg11[%sub3A_141] : memref<2x!tpu.dma_semaphore, #tpu.memory_space<semaphore_mem>> -> memref<1x!tpu.dma_semaphore, #tpu.memory_space<semaphore_mem>>
          %dma_wait3A_199 = tpu.memref_squeeze %dma_wait3A_198 : memref<1x!tpu.dma_semaphore, #tpu.memory_space<semaphore_mem>> -> memref<!tpu.dma_semaphore, #tpu.memory_space<semaphore_mem>>
          %dma_wait3A_200 = arith.constant 0 : i32
          %dma_wait3A_201 = arith.constant 0 : i32
          %dma_wait3A_202 = tpu.memref_slice %arg5[%dma_wait3A_200, %dma_wait3A_201] : memref<1048576x16xf32, #tpu.memory_space<hbm>> -> memref<1024x16xf32, #tpu.memory_space<hbm>>
          %dma_wait3A_203 = arith.constant 0 : i32
          %dma_wait3A_204 = arith.constant 0 : i32
          %dma_wait3A_205 = tpu.memref_slice %arg9[%sub3A_141, %dma_wait3A_203, %dma_wait3A_204] : memref<2x1024x16xf32, #tpu.memory_space<vmem>> -> memref<1x1024x16xf32, #tpu.memory_space<vmem>>
          %dma_wait3A_206 = tpu.memref_squeeze %dma_wait3A_205 : memref<1x1024x16xf32, #tpu.memory_space<vmem>> -> memref<1024x16xf32, #tpu.memory_space<vmem>>
          tpu.wait_dma2 semaphore(%dma_wait3A_199 : memref<!tpu.dma_semaphore, #tpu.memory_space<semaphore_mem>>) src(%dma_wait3A_206 : memref<1024x16xf32, #tpu.memory_space<vmem>>) dst(%dma_wait3A_202 : memref<1024x16xf32, #tpu.memory_space<hbm>>)
        } else {
        }
        %dma_wait3A_147 = arith.constant 0 : i32
        %dma_wait3A_148 = arith.constant 0 : i32
        %dma_wait3A_149 = tpu.memref_slice %arg8[%sub3A_141, %dma_wait3A_147, %dma_wait3A_148] : memref<2x1024x16xf32, #tpu.memory_space<vmem>> -> memref<1x1024x16xf32, #tpu.memory_space<vmem>>
        %dma_wait3A_150 = tpu.memref_squeeze %dma_wait3A_149 : memref<1x1024x16xf32, #tpu.memory_space<vmem>> -> memref<1024x16xf32, #tpu.memory_space<vmem>>
        %dma_wait3A_151 = arith.constant 0 : i32
        %dma_wait3A_152 = arith.constant 0 : i32
        %dma_wait3A_153 = tpu.memref_slice %arg2[%dma_wait3A_151, %dma_wait3A_152] : memref<1048576x16xf32, #tpu.memory_space<hbm>> -> memref<1024x16xf32, #tpu.memory_space<hbm>>
        %dma_wait3A_154 = tpu.memref_slice %arg10[%sub3A_141] : memref<2x!tpu.dma_semaphore, #tpu.memory_space<semaphore_mem>> -> memref<1x!tpu.dma_semaphore, #tpu.memory_space<semaphore_mem>>
        %dma_wait3A_155 = tpu.memref_squeeze %dma_wait3A_154 : memref<1x!tpu.dma_semaphore, #tpu.memory_space<semaphore_mem>> -> memref<!tpu.dma_semaphore, #tpu.memory_space<semaphore_mem>>
        %dma_wait3A_156 = arith.constant 0 : i32
        %dma_wait3A_157 = arith.constant 0 : i32
        %dma_wait3A_158 = tpu.memref_slice %arg8[%sub3A_141, %dma_wait3A_156, %dma_wait3A_157] : memref<2x1024x16xf32, #tpu.memory_space<vmem>> -> memref<1x1024x16xf32, #tpu.memory_space<vmem>>
        %dma_wait3A_159 = tpu.memref_squeeze %dma_wait3A_158 : memref<1x1024x16xf32, #tpu.memory_space<vmem>> -> memref<1024x16xf32, #tpu.memory_space<vmem>>
        %dma_wait3A_160 = arith.constant 0 : i32
        %dma_wait3A_161 = arith.constant 0 : i32
        %dma_wait3A_162 = tpu.memref_slice %arg2[%dma_wait3A_160, %dma_wait3A_161] : memref<1048576x16xf32, #tpu.memory_space<hbm>> -> memref<1024x16xf32, #tpu.memory_space<hbm>>
        tpu.wait_dma2 semaphore(%dma_wait3A_155 : memref<!tpu.dma_semaphore, #tpu.memory_space<semaphore_mem>>) src(%dma_wait3A_162 : memref<1024x16xf32, #tpu.memory_space<hbm>>) dst(%dma_wait3A_159 : memref<1024x16xf32, #tpu.memory_space<vmem>>)
        %scan3A_163 = arith.constant 0 : i32
        %scan3A_164 = arith.constant 0 : i32
        %scan3A_165 = arith.constant 64 : i32
        %scan3A_166 = arith.addi %scan3A_164, %scan3A_165 : i32
        %scan3A_167 = arith.constant 1 : i32
        scf.for %scan3A_191 = %scan3A_164 to %scan3A_166 step %scan3A_167  : i32 {
          %broadcast_in_dim3A = vector.broadcast %sub3A_141 : i32 to vector<16xi32>
          %mul3A_192 = arith.constant 16 : i32
          %mul3A_193 = arith.muli %scan3A_191, %mul3A_192 : i32
          %add3A_194 = arith.constant 0 : i32
          %add3A_195 = arith.addi %mul3A_193, %add3A_194 : i32
          %add3A_196 = vector.broadcast %add3A_195 : i32 to vector<16xi32>
          %add3A_197 = arith.addi %add3A_196, %mul3A_7 : vector<16xi32>
          %add3A_198 = arith.constant 0 : i32
          %add3A_199 = vector.broadcast %add3A_198 : i32 to vector<16xi32>
          %add3A_200 = arith.addi %add3A_199, %shift_right_arithmetic3A_2 : vector<16xi32>
          %gather3A = tpu.vector_load_idx %arg8[%broadcast_in_dim3A, %add3A_197, %add3A_200] : memref<2x1024x16xf32, #tpu.memory_space<vmem>>[vector<16xi32>, vector<16xi32>, vector<16xi32>], vector<16xf32>,
          %mul3A_201 = arith.constant 16 : i32
          %mul3A_202 = arith.muli %scan3A_191, %mul3A_201 : i32
          %add3A_203 = arith.constant 0 : i32
          %add3A_204 = arith.addi %mul3A_202, %add3A_203 : i32
          %swap3A = arith.index_cast %sub3A_141 : i32 to index
          %swap3A_205 = arith.index_cast %add3A_204 : i32 to index
          %swap3A_206 = arith.constant 0 : index
          %swap3A_207 = tpu.vector_load %arg9[%swap3A, %swap3A_205, %swap3A_206] {strides = array<i32>} : memref<2x1024x16xf32, #tpu.memory_space<vmem>>, vector<16xf32>,
          tpu.vector_store %arg9[%swap3A, %swap3A_205, %swap3A_206], %gather3A {strides = array<i32>} : memref<2x1024x16xf32, #tpu.memory_space<vmem>>, vector<16xf32>,
          %broadcast_in_dim3A_208 = vector.broadcast %sub3A_141 : i32 to vector<16xi32>
          %mul3A_209 = arith.constant 16 : i32
          %mul3A_210 = arith.muli %scan3A_191, %mul3A_209 : i32
          %add3A_211 = arith.constant 0 : i32
          %add3A_212 = arith.addi %mul3A_210, %add3A_211 : i32
          %add3A_213 = vector.broadcast %add3A_212 : i32 to vector<16xi32>
          %add3A_214 = arith.addi %add3A_213, %mul3A_7 : vector<16xi32>
          %add3A_215 = arith.constant 8 : i32
          %add3A_216 = vector.broadcast %add3A_215 : i32 to vector<16xi32>
          %add3A_217 = arith.addi %add3A_216, %shift_right_arithmetic3A_2 : vector<16xi32>
          %gather3A_218 = tpu.vector_load_idx %arg8[%broadcast_in_dim3A_208, %add3A_214, %add3A_217] : memref<2x1024x16xf32, #tpu.memory_space<vmem>>[vector<16xi32>, vector<16xi32>, vector<16xi32>], vector<16xf32>,
          %mul3A_219 = arith.constant 16 : i32
          %mul3A_220 = arith.muli %scan3A_191, %mul3A_219 : i32
          %add3A_221 = arith.constant 1 : i32
          %add3A_222 = arith.addi %mul3A_220, %add3A_221 : i32
          %swap3A_223 = arith.index_cast %sub3A_141 : i32 to index
          %swap3A_224 = arith.index_cast %add3A_222 : i32 to index
          %swap3A_225 = arith.constant 0 : index
          %swap3A_226 = tpu.vector_load %arg9[%swap3A_223, %swap3A_224, %swap3A_225] {strides = array<i32>} : memref<2x1024x16xf32, #tpu.memory_space<vmem>>, vector<16xf32>,
          tpu.vector_store %arg9[%swap3A_223, %swap3A_224, %swap3A_225], %gather3A_218 {strides = array<i32>} : memref<2x1024x16xf32, #tpu.memory_space<vmem>>, vector<16xf32>,
          %broadcast_in_dim3A_227 = vector.broadcast %sub3A_141 : i32 to vector<16xi32>
          %mul3A_228 = arith.constant 16 : i32
          %mul3A_229 = arith.muli %scan3A_191, %mul3A_228 : i32
          %add3A_230 = arith.constant 1 : i32
          %add3A_231 = arith.addi %mul3A_229, %add3A_230 : i32
          %add3A_232 = vector.broadcast %add3A_231 : i32 to vector<16xi32>
          %add3A_233 = arith.addi %add3A_232, %mul3A_7 : vector<16xi32>
          %add3A_234 = arith.constant 0 : i32
          %add3A_235 = vector.broadcast %add3A_234 : i32 to vector<16xi32>
          %add3A_236 = arith.addi %add3A_235, %shift_right_arithmetic3A_2 : vector<16xi32>
          %gather3A_237 = tpu.vector_load_idx %arg8[%broadcast_in_dim3A_227, %add3A_233, %add3A_236] : memref<2x1024x16xf32, #tpu.memory_space<vmem>>[vector<16xi32>, vector<16xi32>, vector<16xi32>], vector<16xf32>,
          %mul3A_238 = arith.constant 16 : i32
          %mul3A_239 = arith.muli %scan3A_191, %mul3A_238 : i32
          %add3A_240 = arith.constant 2 : i32
          %add3A_241 = arith.addi %mul3A_239, %add3A_240 : i32
          %swap3A_242 = arith.index_cast %sub3A_141 : i32 to index
          %swap3A_243 = arith.index_cast %add3A_241 : i32 to index
          %swap3A_244 = arith.constant 0 : index
          %swap3A_245 = tpu.vector_load %arg9[%swap3A_242, %swap3A_243, %swap3A_244] {strides = array<i32>} : memref<2x1024x16xf32, #tpu.memory_space<vmem>>, vector<16xf32>,
          tpu.vector_store %arg9[%swap3A_242, %swap3A_243, %swap3A_244], %gather3A_237 {strides = array<i32>} : memref<2x1024x16xf32, #tpu.memory_space<vmem>>, vector<16xf32>,
          %broadcast_in_dim3A_246 = vector.broadcast %sub3A_141 : i32 to vector<16xi32>
          %mul3A_247 = arith.constant 16 : i32
          %mul3A_248 = arith.muli %scan3A_191, %mul3A_247 : i32
          %add3A_249 = arith.constant 1 : i32
          %add3A_250 = arith.addi %mul3A_248, %add3A_249 : i32
          %add3A_251 = vector.broadcast %add3A_250 : i32 to vector<16xi32>
          %add3A_252 = arith.addi %add3A_251, %mul3A_7 : vector<16xi32>
          %add3A_253 = arith.constant 8 : i32
          %add3A_254 = vector.broadcast %add3A_253 : i32 to vector<16xi32>
          %add3A_255 = arith.addi %add3A_254, %shift_right_arithmetic3A_2 : vector<16xi32>
          %gather3A_256 = tpu.vector_load_idx %arg8[%broadcast_in_dim3A_246, %add3A_252, %add3A_255] : memref<2x1024x16xf32, #tpu.memory_space<vmem>>[vector<16xi32>, vector<16xi32>, vector<16xi32>], vector<16xf32>,
          %mul3A_257 = arith.constant 16 : i32
          %mul3A_258 = arith.muli %scan3A_191, %mul3A_257 : i32
          %add3A_259 = arith.constant 3 : i32
          %add3A_260 = arith.addi %mul3A_258, %add3A_259 : i32
          %swap3A_261 = arith.index_cast %sub3A_141 : i32 to index
          %swap3A_262 = arith.index_cast %add3A_260 : i32 to index
          %swap3A_263 = arith.constant 0 : index
          %swap3A_264 = tpu.vector_load %arg9[%swap3A_261, %swap3A_262, %swap3A_263] {strides = array<i32>} : memref<2x1024x16xf32, #tpu.memory_space<vmem>>, vector<16xf32>,
          tpu.vector_store %arg9[%swap3A_261, %swap3A_262, %swap3A_263], %gather3A_256 {strides = array<i32>} : memref<2x1024x16xf32, #tpu.memory_space<vmem>>, vector<16xf32>,
          %broadcast_in_dim3A_265 = vector.broadcast %sub3A_141 : i32 to vector<16xi32>
          %mul3A_266 = arith.constant 16 : i32
          %mul3A_267 = arith.muli %scan3A_191, %mul3A_266 : i32
          %add3A_268 = arith.constant 2 : i32
          %add3A_269 = arith.addi %mul3A_267, %add3A_268 : i32
          %add3A_270 = vector.broadcast %add3A_269 : i32 to vector<16xi32>
          %add3A_271 = arith.addi %add3A_270, %mul3A_7 : vector<16xi32>
          %add3A_272 = arith.constant 0 : i32
          %add3A_273 = vector.broadcast %add3A_272 : i32 to vector<16xi32>
          %add3A_274 = arith.addi %add3A_273, %shift_right_arithmetic3A_2 : vector<16xi32>
          %gather3A_275 = tpu.vector_load_idx %arg8[%broadcast_in_dim3A_265, %add3A_271, %add3A_274] : memref<2x1024x16xf32, #tpu.memory_space<vmem>>[vector<16xi32>, vector<16xi32>, vector<16xi32>], vector<16xf32>,
          %mul3A_276 = arith.constant 16 : i32
          %mul3A_277 = arith.muli %scan3A_191, %mul3A_276 : i32
          %add3A_278 = arith.constant 4 : i32
          %add3A_279 = arith.addi %mul3A_277, %add3A_278 : i32
          %swap3A_280 = arith.index_cast %sub3A_141 : i32 to index
          %swap3A_281 = arith.index_cast %add3A_279 : i32 to index
          %swap3A_282 = arith.constant 0 : index
          %swap3A_283 = tpu.vector_load %arg9[%swap3A_280, %swap3A_281, %swap3A_282] {strides = array<i32>} : memref<2x1024x16xf32, #tpu.memory_space<vmem>>, vector<16xf32>,
          tpu.vector_store %arg9[%swap3A_280, %swap3A_281, %swap3A_282], %gather3A_275 {strides = array<i32>} : memref<2x1024x16xf32, #tpu.memory_space<vmem>>, vector<16xf32>,
          %broadcast_in_dim3A_284 = vector.broadcast %sub3A_141 : i32 to vector<16xi32>
          %mul3A_285 = arith.constant 16 : i32
          %mul3A_286 = arith.muli %scan3A_191, %mul3A_285 : i32
          %add3A_287 = arith.constant 2 : i32
          %add3A_288 = arith.addi %mul3A_286, %add3A_287 : i32
          %add3A_289 = vector.broadcast %add3A_288 : i32 to vector<16xi32>
          %add3A_290 = arith.addi %add3A_289, %mul3A_7 : vector<16xi32>
          %add3A_291 = arith.constant 8 : i32
          %add3A_292 = vector.broadcast %add3A_291 : i32 to vector<16xi32>
          %add3A_293 = arith.addi %add3A_292, %shift_right_arithmetic3A_2 : vector<16xi32>
          %gather3A_294 = tpu.vector_load_idx %arg8[%broadcast_in_dim3A_284, %add3A_290, %add3A_293] : memref<2x1024x16xf32, #tpu.memory_space<vmem>>[vector<16xi32>, vector<16xi32>, vector<16xi32>], vector<16xf32>,
          %mul3A_295 = arith.constant 16 : i32
          %mul3A_296 = arith.muli %scan3A_191, %mul3A_295 : i32
          %add3A_297 = arith.constant 5 : i32
          %add3A_298 = arith.addi %mul3A_296, %add3A_297 : i32
          %swap3A_299 = arith.index_cast %sub3A_141 : i32 to index
          %swap3A_300 = arith.index_cast %add3A_298 : i32 to index
          %swap3A_301 = arith.constant 0 : index
          %swap3A_302 = tpu.vector_load %arg9[%swap3A_299, %swap3A_300, %swap3A_301] {strides = array<i32>} : memref<2x1024x16xf32, #tpu.memory_space<vmem>>, vector<16xf32>,
          tpu.vector_store %arg9[%swap3A_299, %swap3A_300, %swap3A_301], %gather3A_294 {strides = array<i32>} : memref<2x1024x16xf32, #tpu.memory_space<vmem>>, vector<16xf32>,
          %broadcast_in_dim3A_303 = vector.broadcast %sub3A_141 : i32 to vector<16xi32>
          %mul3A_304 = arith.constant 16 : i32
          %mul3A_305 = arith.muli %scan3A_191, %mul3A_304 : i32
          %add3A_306 = arith.constant 3 : i32
          %add3A_307 = arith.addi %mul3A_305, %add3A_306 : i32
          %add3A_308 = vector.broadcast %add3A_307 : i32 to vector<16xi32>
          %add3A_309 = arith.addi %add3A_308, %mul3A_7 : vector<16xi32>
          %add3A_310 = arith.constant 0 : i32
          %add3A_311 = vector.broadcast %add3A_310 : i32 to vector<16xi32>
          %add3A_312 = arith.addi %add3A_311, %shift_right_arithmetic3A_2 : vector<16xi32>
          %gather3A_313 = tpu.vector_load_idx %arg8[%broadcast_in_dim3A_303, %add3A_309, %add3A_312] : memref<2x1024x16xf32, #tpu.memory_space<vmem>>[vector<16xi32>, vector<16xi32>, vector<16xi32>], vector<16xf32>,
          %mul3A_314 = arith.constant 16 : i32
          %mul3A_315 = arith.muli %scan3A_191, %mul3A_314 : i32
          %add3A_316 = arith.constant 6 : i32
          %add3A_317 = arith.addi %mul3A_315, %add3A_316 : i32
          %swap3A_318 = arith.index_cast %sub3A_141 : i32 to index
          %swap3A_319 = arith.index_cast %add3A_317 : i32 to index
          %swap3A_320 = arith.constant 0 : index
          %swap3A_321 = tpu.vector_load %arg9[%swap3A_318, %swap3A_319, %swap3A_320] {strides = array<i32>} : memref<2x1024x16xf32, #tpu.memory_space<vmem>>, vector<16xf32>,
          tpu.vector_store %arg9[%swap3A_318, %swap3A_319, %swap3A_320], %gather3A_313 {strides = array<i32>} : memref<2x1024x16xf32, #tpu.memory_space<vmem>>, vector<16xf32>,
          %broadcast_in_dim3A_322 = vector.broadcast %sub3A_141 : i32 to vector<16xi32>
          %mul3A_323 = arith.constant 16 : i32
          %mul3A_324 = arith.muli %scan3A_191, %mul3A_323 : i32
          %add3A_325 = arith.constant 3 : i32
          %add3A_326 = arith.addi %mul3A_324, %add3A_325 : i32
          %add3A_327 = vector.broadcast %add3A_326 : i32 to vector<16xi32>
          %add3A_328 = arith.addi %add3A_327, %mul3A_7 : vector<16xi32>
          %add3A_329 = arith.constant 8 : i32
          %add3A_330 = vector.broadcast %add3A_329 : i32 to vector<16xi32>
          %add3A_331 = arith.addi %add3A_330, %shift_right_arithmetic3A_2 : vector<16xi32>
          %gather3A_332 = tpu.vector_load_idx %arg8[%broadcast_in_dim3A_322, %add3A_328, %add3A_331] : memref<2x1024x16xf32, #tpu.memory_space<vmem>>[vector<16xi32>, vector<16xi32>, vector<16xi32>], vector<16xf32>,
          %mul3A_333 = arith.constant 16 : i32
          %mul3A_334 = arith.muli %scan3A_191, %mul3A_333 : i32
          %add3A_335 = arith.constant 7 : i32
          %add3A_336 = arith.addi %mul3A_334, %add3A_335 : i32
          %swap3A_337 = arith.index_cast %sub3A_141 : i32 to index
          %swap3A_338 = arith.index_cast %add3A_336 : i32 to index
          %swap3A_339 = arith.constant 0 : index
          %swap3A_340 = tpu.vector_load %arg9[%swap3A_337, %swap3A_338, %swap3A_339] {strides = array<i32>} : memref<2x1024x16xf32, #tpu.memory_space<vmem>>, vector<16xf32>,
          tpu.vector_store %arg9[%swap3A_337, %swap3A_338, %swap3A_339], %gather3A_332 {strides = array<i32>} : memref<2x1024x16xf32, #tpu.memory_space<vmem>>, vector<16xf32>,
          %broadcast_in_dim3A_341 = vector.broadcast %sub3A_141 : i32 to vector<16xi32>
          %mul3A_342 = arith.constant 16 : i32
          %mul3A_343 = arith.muli %scan3A_191, %mul3A_342 : i32
          %add3A_344 = arith.constant 4 : i32
          %add3A_345 = arith.addi %mul3A_343, %add3A_344 : i32
          %add3A_346 = vector.broadcast %add3A_345 : i32 to vector<16xi32>
          %add3A_347 = arith.addi %add3A_346, %mul3A_7 : vector<16xi32>
          %add3A_348 = arith.constant 0 : i32
          %add3A_349 = vector.broadcast %add3A_348 : i32 to vector<16xi32>
          %add3A_350 = arith.addi %add3A_349, %shift_right_arithmetic3A_2 : vector<16xi32>
          %gather3A_351 = tpu.vector_load_idx %arg8[%broadcast_in_dim3A_341, %add3A_347, %add3A_350] : memref<2x1024x16xf32, #tpu.memory_space<vmem>>[vector<16xi32>, vector<16xi32>, vector<16xi32>], vector<16xf32>,
          %mul3A_352 = arith.constant 16 : i32
          %mul3A_353 = arith.muli %scan3A_191, %mul3A_352 : i32
          %add3A_354 = arith.constant 8 : i32
          %add3A_355 = arith.addi %mul3A_353, %add3A_354 : i32
          %swap3A_356 = arith.index_cast %sub3A_141 : i32 to index
          %swap3A_357 = arith.index_cast %add3A_355 : i32 to index
          %swap3A_358 = arith.constant 0 : index
          %swap3A_359 = tpu.vector_load %arg9[%swap3A_356, %swap3A_357, %swap3A_358] {strides = array<i32>} : memref<2x1024x16xf32, #tpu.memory_space<vmem>>, vector<16xf32>,
          tpu.vector_store %arg9[%swap3A_356, %swap3A_357, %swap3A_358], %gather3A_351 {strides = array<i32>} : memref<2x1024x16xf32, #tpu.memory_space<vmem>>, vector<16xf32>,
          %broadcast_in_dim3A_360 = vector.broadcast %sub3A_141 : i32 to vector<16xi32>
          %mul3A_361 = arith.constant 16 : i32
          %mul3A_362 = arith.muli %scan3A_191, %mul3A_361 : i32
          %add3A_363 = arith.constant 4 : i32
          %add3A_364 = arith.addi %mul3A_362, %add3A_363 : i32
          %add3A_365 = vector.broadcast %add3A_364 : i32 to vector<16xi32>
          %add3A_366 = arith.addi %add3A_365, %mul3A_7 : vector<16xi32>
          %add3A_367 = arith.constant 8 : i32
          %add3A_368 = vector.broadcast %add3A_367 : i32 to vector<16xi32>
          %add3A_369 = arith.addi %add3A_368, %shift_right_arithmetic3A_2 : vector<16xi32>
          %gather3A_370 = tpu.vector_load_idx %arg8[%broadcast_in_dim3A_360, %add3A_366, %add3A_369] : memref<2x1024x16xf32, #tpu.memory_space<vmem>>[vector<16xi32>, vector<16xi32>, vector<16xi32>], vector<16xf32>,
          %mul3A_371 = arith.constant 16 : i32
          %mul3A_372 = arith.muli %scan3A_191, %mul3A_371 : i32
          %add3A_373 = arith.constant 9 : i32
          %add3A_374 = arith.addi %mul3A_372, %add3A_373 : i32
          %swap3A_375 = arith.index_cast %sub3A_141 : i32 to index
          %swap3A_376 = arith.index_cast %add3A_374 : i32 to index
          %swap3A_377 = arith.constant 0 : index
          %swap3A_378 = tpu.vector_load %arg9[%swap3A_375, %swap3A_376, %swap3A_377] {strides = array<i32>} : memref<2x1024x16xf32, #tpu.memory_space<vmem>>, vector<16xf32>,
          tpu.vector_store %arg9[%swap3A_375, %swap3A_376, %swap3A_377], %gather3A_370 {strides = array<i32>} : memref<2x1024x16xf32, #tpu.memory_space<vmem>>, vector<16xf32>,
          %broadcast_in_dim3A_379 = vector.broadcast %sub3A_141 : i32 to vector<16xi32>
          %mul3A_380 = arith.constant 16 : i32
          %mul3A_381 = arith.muli %scan3A_191, %mul3A_380 : i32
          %add3A_382 = arith.constant 5 : i32
          %add3A_383 = arith.addi %mul3A_381, %add3A_382 : i32
          %add3A_384 = vector.broadcast %add3A_383 : i32 to vector<16xi32>
          %add3A_385 = arith.addi %add3A_384, %mul3A_7 : vector<16xi32>
          %add3A_386 = arith.constant 0 : i32
          %add3A_387 = vector.broadcast %add3A_386 : i32 to vector<16xi32>
          %add3A_388 = arith.addi %add3A_387, %shift_right_arithmetic3A_2 : vector<16xi32>
          %gather3A_389 = tpu.vector_load_idx %arg8[%broadcast_in_dim3A_379, %add3A_385, %add3A_388] : memref<2x1024x16xf32, #tpu.memory_space<vmem>>[vector<16xi32>, vector<16xi32>, vector<16xi32>], vector<16xf32>,
          %mul3A_390 = arith.constant 16 : i32
          %mul3A_391 = arith.muli %scan3A_191, %mul3A_390 : i32
          %add3A_392 = arith.constant 10 : i32
          %add3A_393 = arith.addi %mul3A_391, %add3A_392 : i32
          %swap3A_394 = arith.index_cast %sub3A_141 : i32 to index
          %swap3A_395 = arith.index_cast %add3A_393 : i32 to index
          %swap3A_396 = arith.constant 0 : index
          %swap3A_397 = tpu.vector_load %arg9[%swap3A_394, %swap3A_395, %swap3A_396] {strides = array<i32>} : memref<2x1024x16xf32, #tpu.memory_space<vmem>>, vector<16xf32>,
          tpu.vector_store %arg9[%swap3A_394, %swap3A_395, %swap3A_396], %gather3A_389 {strides = array<i32>} : memref<2x1024x16xf32, #tpu.memory_space<vmem>>, vector<16xf32>,
          %broadcast_in_dim3A_398 = vector.broadcast %sub3A_141 : i32 to vector<16xi32>
          %mul3A_399 = arith.constant 16 : i32
          %mul3A_400 = arith.muli %scan3A_191, %mul3A_399 : i32
          %add3A_401 = arith.constant 5 : i32
          %add3A_402 = arith.addi %mul3A_400, %add3A_401 : i32
          %add3A_403 = vector.broadcast %add3A_402 : i32 to vector<16xi32>
          %add3A_404 = arith.addi %add3A_403, %mul3A_7 : vector<16xi32>
          %add3A_405 = arith.constant 8 : i32
          %add3A_406 = vector.broadcast %add3A_405 : i32 to vector<16xi32>
          %add3A_407 = arith.addi %add3A_406, %shift_right_arithmetic3A_2 : vector<16xi32>
          %gather3A_408 = tpu.vector_load_idx %arg8[%broadcast_in_dim3A_398, %add3A_404, %add3A_407] : memref<2x1024x16xf32, #tpu.memory_space<vmem>>[vector<16xi32>, vector<16xi32>, vector<16xi32>], vector<16xf32>,
          %mul3A_409 = arith.constant 16 : i32
          %mul3A_410 = arith.muli %scan3A_191, %mul3A_409 : i32
          %add3A_411 = arith.constant 11 : i32
          %add3A_412 = arith.addi %mul3A_410, %add3A_411 : i32
          %swap3A_413 = arith.index_cast %sub3A_141 : i32 to index
          %swap3A_414 = arith.index_cast %add3A_412 : i32 to index
          %swap3A_415 = arith.constant 0 : index
          %swap3A_416 = tpu.vector_load %arg9[%swap3A_413, %swap3A_414, %swap3A_415] {strides = array<i32>} : memref<2x1024x16xf32, #tpu.memory_space<vmem>>, vector<16xf32>,
          tpu.vector_store %arg9[%swap3A_413, %swap3A_414, %swap3A_415], %gather3A_408 {strides = array<i32>} : memref<2x1024x16xf32, #tpu.memory_space<vmem>>, vector<16xf32>,
          %broadcast_in_dim3A_417 = vector.broadcast %sub3A_141 : i32 to vector<16xi32>
          %mul3A_418 = arith.constant 16 : i32
          %mul3A_419 = arith.muli %scan3A_191, %mul3A_418 : i32
          %add3A_420 = arith.constant 6 : i32
          %add3A_421 = arith.addi %mul3A_419, %add3A_420 : i32
          %add3A_422 = vector.broadcast %add3A_421 : i32 to vector<16xi32>
          %add3A_423 = arith.addi %add3A_422, %mul3A_7 : vector<16xi32>
          %add3A_424 = arith.constant 0 : i32
          %add3A_425 = vector.broadcast %add3A_424 : i32 to vector<16xi32>
          %add3A_426 = arith.addi %add3A_425, %shift_right_arithmetic3A_2 : vector<16xi32>
          %gather3A_427 = tpu.vector_load_idx %arg8[%broadcast_in_dim3A_417, %add3A_423, %add3A_426] : memref<2x1024x16xf32, #tpu.memory_space<vmem>>[vector<16xi32>, vector<16xi32>, vector<16xi32>], vector<16xf32>,
          %mul3A_428 = arith.constant 16 : i32
          %mul3A_429 = arith.muli %scan3A_191, %mul3A_428 : i32
          %add3A_430 = arith.constant 12 : i32
          %add3A_431 = arith.addi %mul3A_429, %add3A_430 : i32
          %swap3A_432 = arith.index_cast %sub3A_141 : i32 to index
          %swap3A_433 = arith.index_cast %add3A_431 : i32 to index
          %swap3A_434 = arith.constant 0 : index
          %swap3A_435 = tpu.vector_load %arg9[%swap3A_432, %swap3A_433, %swap3A_434] {strides = array<i32>} : memref<2x1024x16xf32, #tpu.memory_space<vmem>>, vector<16xf32>,
          tpu.vector_store %arg9[%swap3A_432, %swap3A_433, %swap3A_434], %gather3A_427 {strides = array<i32>} : memref<2x1024x16xf32, #tpu.memory_space<vmem>>, vector<16xf32>,
          %broadcast_in_dim3A_436 = vector.broadcast %sub3A_141 : i32 to vector<16xi32>
          %mul3A_437 = arith.constant 16 : i32
          %mul3A_438 = arith.muli %scan3A_191, %mul3A_437 : i32
          %add3A_439 = arith.constant 6 : i32
          %add3A_440 = arith.addi %mul3A_438, %add3A_439 : i32
          %add3A_441 = vector.broadcast %add3A_440 : i32 to vector<16xi32>
          %add3A_442 = arith.addi %add3A_441, %mul3A_7 : vector<16xi32>
          %add3A_443 = arith.constant 8 : i32
          %add3A_444 = vector.broadcast %add3A_443 : i32 to vector<16xi32>
          %add3A_445 = arith.addi %add3A_444, %shift_right_arithmetic3A_2 : vector<16xi32>
          %gather3A_446 = tpu.vector_load_idx %arg8[%broadcast_in_dim3A_436, %add3A_442, %add3A_445] : memref<2x1024x16xf32, #tpu.memory_space<vmem>>[vector<16xi32>, vector<16xi32>, vector<16xi32>], vector<16xf32>,
          %mul3A_447 = arith.constant 16 : i32
          %mul3A_448 = arith.muli %scan3A_191, %mul3A_447 : i32
          %add3A_449 = arith.constant 13 : i32
          %add3A_450 = arith.addi %mul3A_448, %add3A_449 : i32
          %swap3A_451 = arith.index_cast %sub3A_141 : i32 to index
          %swap3A_452 = arith.index_cast %add3A_450 : i32 to index
          %swap3A_453 = arith.constant 0 : index
          %swap3A_454 = tpu.vector_load %arg9[%swap3A_451, %swap3A_452, %swap3A_453] {strides = array<i32>} : memref<2x1024x16xf32, #tpu.memory_space<vmem>>, vector<16xf32>,
          tpu.vector_store %arg9[%swap3A_451, %swap3A_452, %swap3A_453], %gather3A_446 {strides = array<i32>} : memref<2x1024x16xf32, #tpu.memory_space<vmem>>, vector<16xf32>,
          %broadcast_in_dim3A_455 = vector.broadcast %sub3A_141 : i32 to vector<16xi32>
          %mul3A_456 = arith.constant 16 : i32
          %mul3A_457 = arith.muli %scan3A_191, %mul3A_456 : i32
          %add3A_458 = arith.constant 7 : i32
          %add3A_459 = arith.addi %mul3A_457, %add3A_458 : i32
          %add3A_460 = vector.broadcast %add3A_459 : i32 to vector<16xi32>
          %add3A_461 = arith.addi %add3A_460, %mul3A_7 : vector<16xi32>
          %add3A_462 = arith.constant 0 : i32
          %add3A_463 = vector.broadcast %add3A_462 : i32 to vector<16xi32>
          %add3A_464 = arith.addi %add3A_463, %shift_right_arithmetic3A_2 : vector<16xi32>
          %gather3A_465 = tpu.vector_load_idx %arg8[%broadcast_in_dim3A_455, %add3A_461, %add3A_464] : memref<2x1024x16xf32, #tpu.memory_space<vmem>>[vector<16xi32>, vector<16xi32>, vector<16xi32>], vector<16xf32>,
          %mul3A_466 = arith.constant 16 : i32
          %mul3A_467 = arith.muli %scan3A_191, %mul3A_466 : i32
          %add3A_468 = arith.constant 14 : i32
          %add3A_469 = arith.addi %mul3A_467, %add3A_468 : i32
          %swap3A_470 = arith.index_cast %sub3A_141 : i32 to index
          %swap3A_471 = arith.index_cast %add3A_469 : i32 to index
          %swap3A_472 = arith.constant 0 : index
          %swap3A_473 = tpu.vector_load %arg9[%swap3A_470, %swap3A_471, %swap3A_472] {strides = array<i32>} : memref<2x1024x16xf32, #tpu.memory_space<vmem>>, vector<16xf32>,
          tpu.vector_store %arg9[%swap3A_470, %swap3A_471, %swap3A_472], %gather3A_465 {strides = array<i32>} : memref<2x1024x16xf32, #tpu.memory_space<vmem>>, vector<16xf32>,
          %broadcast_in_dim3A_474 = vector.broadcast %sub3A_141 : i32 to vector<16xi32>
          %mul3A_475 = arith.constant 16 : i32
          %mul3A_476 = arith.muli %scan3A_191, %mul3A_475 : i32
          %add3A_477 = arith.constant 7 : i32
          %add3A_478 = arith.addi %mul3A_476, %add3A_477 : i32
          %add3A_479 = vector.broadcast %add3A_478 : i32 to vector<16xi32>
          %add3A_480 = arith.addi %add3A_479, %mul3A_7 : vector<16xi32>
          %add3A_481 = arith.constant 8 : i32
          %add3A_482 = vector.broadcast %add3A_481 : i32 to vector<16xi32>
          %add3A_483 = arith.addi %add3A_482, %shift_right_arithmetic3A_2 : vector<16xi32>
          %gather3A_484 = tpu.vector_load_idx %arg8[%broadcast_in_dim3A_474, %add3A_480, %add3A_483] : memref<2x1024x16xf32, #tpu.memory_space<vmem>>[vector<16xi32>, vector<16xi32>, vector<16xi32>], vector<16xf32>,
          %mul3A_485 = arith.constant 16 : i32
          %mul3A_486 = arith.muli %scan3A_191, %mul3A_485 : i32
          %add3A_487 = arith.constant 15 : i32
          %add3A_488 = arith.addi %mul3A_486, %add3A_487 : i32
          %swap3A_489 = arith.index_cast %sub3A_141 : i32 to index
          %swap3A_490 = arith.index_cast %add3A_488 : i32 to index
          %swap3A_491 = arith.constant 0 : index
          %swap3A_492 = tpu.vector_load %arg9[%swap3A_489, %swap3A_490, %swap3A_491] {strides = array<i32>} : memref<2x1024x16xf32, #tpu.memory_space<vmem>>, vector<16xf32>,
          tpu.vector_store %arg9[%swap3A_489, %swap3A_490, %swap3A_491], %gather3A_484 {strides = array<i32>} : memref<2x1024x16xf32, #tpu.memory_space<vmem>>, vector<16xf32>,
        }
        %scan3A_168 = arith.constant 64 : i32
        %mul3A_169 = arith.constant 2048 : i32
        %mul3A_170 = arith.muli %add3A, %mul3A_169 : i32
        %sub3A_171 = arith.constant 1 : i32
        %sub3A_172 = arith.subi %scan3A_132, %sub3A_171 : i32
        %mul3A_173 = arith.constant 64 : i32
        %mul3A_174 = arith.muli %sub3A_172, %mul3A_173 : i32
        %add3A_175 = arith.addi %mul3A_170, %mul3A_174 : i32
        %mul3A_176 = arith.constant 16 : i32
        %mul3A_177 = arith.muli %add3A_175, %mul3A_176 : i32
        %dma_start3A = arith.constant 0 : i32
        %dma_start3A_178 = arith.constant 0 : i32
        %dma_start3A_179 = tpu.memref_slice %arg9[%sub3A_141, %dma_start3A, %dma_start3A_178] : memref<2x1024x16xf32, #tpu.memory_space<vmem>> -> memref<1x1024x16xf32, #tpu.memory_space<vmem>>
        %dma_start3A_180 = tpu.memref_squeeze %dma_start3A_179 : memref<1x1024x16xf32, #tpu.memory_space<vmem>> -> memref<1024x16xf32, #tpu.memory_space<vmem>>
        %dma_start3A_181 = arith.constant 0 : i32
        %dma_start3A_182 = tpu.memref_slice %arg5[%mul3A_177, %dma_start3A_181] : memref<1048576x16xf32, #tpu.memory_space<hbm>> -> memref<1024x16xf32, #tpu.memory_space<hbm>>
        %dma_start3A_183 = tpu.memref_slice %arg11[%sub3A_141] : memref<2x!tpu.dma_semaphore, #tpu.memory_space<semaphore_mem>> -> memref<1x!tpu.dma_semaphore, #tpu.memory_space<semaphore_mem>>
        %dma_start3A_184 = tpu.memref_squeeze %dma_start3A_183 : memref<1x!tpu.dma_semaphore, #tpu.memory_space<semaphore_mem>> -> memref<!tpu.dma_semaphore, #tpu.memory_space<semaphore_mem>>
        %dma_start3A_185 = arith.constant 0 : i32
        %dma_start3A_186 = tpu.memref_slice %arg5[%mul3A_177, %dma_start3A_185] : memref<1048576x16xf32, #tpu.memory_space<hbm>> -> memref<1024x16xf32, #tpu.memory_space<hbm>>
        %dma_start3A_187 = arith.constant 0 : i32
        %dma_start3A_188 = arith.constant 0 : i32
        %dma_start3A_189 = tpu.memref_slice %arg9[%sub3A_141, %dma_start3A_187, %dma_start3A_188] : memref<2x1024x16xf32, #tpu.memory_space<vmem>> -> memref<1x1024x16xf32, #tpu.memory_space<vmem>>
        %dma_start3A_190 = tpu.memref_squeeze %dma_start3A_189 : memref<1x1024x16xf32, #tpu.memory_space<vmem>> -> memref<1024x16xf32, #tpu.memory_space<vmem>>
        tpu.enqueue_dma source(%dma_start3A_190 : memref<1024x16xf32, #tpu.memory_space<vmem>>) target(%dma_start3A_186 : memref<1024x16xf32, #tpu.memory_space<hbm>>) target_semaphore(%dma_start3A_184 : memref<!tpu.dma_semaphore, #tpu.memory_space<semaphore_mem>>)
      } else {
      }
    }
    %scan3A_12 = arith.constant 33 : i32
    %dma_wait3A = arith.constant 0 : i32
    %dma_wait3A_13 = arith.constant 0 : i32
    %dma_wait3A_14 = arith.constant 0 : i32
    %dma_wait3A_15 = arith.constant 0 : i32
    %dma_wait3A_16 = tpu.memref_slice %arg9[%dma_wait3A, %dma_wait3A_14, %dma_wait3A_15] : memref<2x1024x16xf32, #tpu.memory_space<vmem>> -> memref<1x1024x16xf32, #tpu.memory_space<vmem>>
    %dma_wait3A_17 = tpu.memref_squeeze %dma_wait3A_16 : memref<1x1024x16xf32, #tpu.memory_space<vmem>> -> memref<1024x16xf32, #tpu.memory_space<vmem>>
    %dma_wait3A_18 = arith.constant 0 : i32
    %dma_wait3A_19 = arith.constant 0 : i32
    %dma_wait3A_20 = tpu.memref_slice %arg5[%dma_wait3A_18, %dma_wait3A_19] : memref<1048576x16xf32, #tpu.memory_space<hbm>> -> memref<1024x16xf32, #tpu.memory_space<hbm>>
    %dma_wait3A_21 = tpu.memref_slice %arg11[%dma_wait3A_13] : memref<2x!tpu.dma_semaphore, #tpu.memory_space<semaphore_mem>> -> memref<1x!tpu.dma_semaphore, #tpu.memory_space<semaphore_mem>>
    %dma_wait3A_22 = tpu.memref_squeeze %dma_wait3A_21 : memref<1x!tpu.dma_semaphore, #tpu.memory_space<semaphore_mem>> -> memref<!tpu.dma_semaphore, #tpu.memory_space<semaphore_mem>>
    %dma_wait3A_23 = arith.constant 0 : i32
    %dma_wait3A_24 = arith.constant 0 : i32
    %dma_wait3A_25 = tpu.memref_slice %arg5[%dma_wait3A_23, %dma_wait3A_24] : memref<1048576x16xf32, #tpu.memory_space<hbm>> -> memref<1024x16xf32, #tpu.memory_space<hbm>>
    %dma_wait3A_26 = arith.constant 0 : i32
    %dma_wait3A_27 = arith.constant 0 : i32
    %dma_wait3A_28 = tpu.memref_slice %arg9[%dma_wait3A, %dma_wait3A_26, %dma_wait3A_27] : memref<2x1024x16xf32, #tpu.memory_space<vmem>> -> memref<1x1024x16xf32, #tpu.memory_space<vmem>>
    %dma_wait3A_29 = tpu.memref_squeeze %dma_wait3A_28 : memref<1x1024x16xf32, #tpu.memory_space<vmem>> -> memref<1024x16xf32, #tpu.memory_space<vmem>>
    tpu.wait_dma2 semaphore(%dma_wait3A_22 : memref<!tpu.dma_semaphore, #tpu.memory_space<semaphore_mem>>) src(%dma_wait3A_29 : memref<1024x16xf32, #tpu.memory_space<vmem>>) dst(%dma_wait3A_25 : memref<1024x16xf32, #tpu.memory_space<hbm>>)
    %dma_wait3A_30 = arith.constant 1 : i32
    %dma_wait3A_31 = arith.constant 1 : i32
    %dma_wait3A_32 = arith.constant 0 : i32
    %dma_wait3A_33 = arith.constant 0 : i32
    %dma_wait3A_34 = tpu.memref_slice %arg9[%dma_wait3A_30, %dma_wait3A_32, %dma_wait3A_33] : memref<2x1024x16xf32, #tpu.memory_space<vmem>> -> memref<1x1024x16xf32, #tpu.memory_space<vmem>>
    %dma_wait3A_35 = tpu.memref_squeeze %dma_wait3A_34 : memref<1x1024x16xf32, #tpu.memory_space<vmem>> -> memref<1024x16xf32, #tpu.memory_space<vmem>>
    %dma_wait3A_36 = arith.constant 0 : i32
    %dma_wait3A_37 = arith.constant 0 : i32
    %dma_wait3A_38 = tpu.memref_slice %arg5[%dma_wait3A_36, %dma_wait3A_37] : memref<1048576x16xf32, #tpu.memory_space<hbm>> -> memref<1024x16xf32, #tpu.memory_space<hbm>>
    %dma_wait3A_39 = tpu.memref_slice %arg11[%dma_wait3A_31] : memref<2x!tpu.dma_semaphore, #tpu.memory_space<semaphore_mem>> -> memref<1x!tpu.dma_semaphore, #tpu.memory_space<semaphore_mem>>
    %dma_wait3A_40 = tpu.memref_squeeze %dma_wait3A_39 : memref<1x!tpu.dma_semaphore, #tpu.memory_space<semaphore_mem>> -> memref<!tpu.dma_semaphore, #tpu.memory_space<semaphore_mem>>
    %dma_wait3A_41 = arith.constant 0 : i32
    %dma_wait3A_42 = arith.constant 0 : i32
    %dma_wait3A_43 = tpu.memref_slice %arg5[%dma_wait3A_41, %dma_wait3A_42] : memref<1048576x16xf32, #tpu.memory_space<hbm>> -> memref<1024x16xf32, #tpu.memory_space<hbm>>
    %dma_wait3A_44 = arith.constant 0 : i32
    %dma_wait3A_45 = arith.constant 0 : i32
    %dma_wait3A_46 = tpu.memref_slice %arg9[%dma_wait3A_30, %dma_wait3A_44, %dma_wait3A_45] : memref<2x1024x16xf32, #tpu.memory_space<vmem>> -> memref<1x1024x16xf32, #tpu.memory_space<vmem>>
    %dma_wait3A_47 = tpu.memref_squeeze %dma_wait3A_46 : memref<1x1024x16xf32, #tpu.memory_space<vmem>> -> memref<1024x16xf32, #tpu.memory_space<vmem>>
    tpu.wait_dma2 semaphore(%dma_wait3A_40 : memref<!tpu.dma_semaphore, #tpu.memory_space<semaphore_mem>>) src(%dma_wait3A_47 : memref<1024x16xf32, #tpu.memory_space<vmem>>) dst(%dma_wait3A_43 : memref<1024x16xf32, #tpu.memory_space<hbm>>)
    %scan3A_48 = arith.constant 0 : i32
    %scan3A_49 = arith.constant 0 : i32
    %scan3A_50 = arith.constant 33 : i32
    %scan3A_51 = arith.addi %scan3A_49, %scan3A_50 : i32
    %scan3A_52 = arith.constant 1 : i32
    scf.for %scan3A_132 = %scan3A_49 to %scan3A_51 step %scan3A_52  : i32 {
      %and3A_133 = arith.constant 1 : i32
      %and3A_134 = arith.andi %scan3A_132, %and3A_133 : i32
      %lt3A = arith.constant 32 : i32
      %lt3A_135 = arith.cmpi slt, %scan3A_132, %lt3A : i32
      %convert_element_type3A = arith.extui %lt3A_135 : i1 to i32
      %cond3A = arith.constant 0 : i32
      %cond3A_136 = arith.cmpi ne, %convert_element_type3A, %cond3A : i32
      scf.if %cond3A_136 {
        %mul3A_141 = arith.constant 2048 : i32
        %mul3A_142 = arith.muli %add3A, %mul3A_141 : i32
        %mul3A_143 = arith.constant 64 : i32
        %mul3A_144 = arith.muli %scan3A_132, %mul3A_143 : i32
        %add3A_145 = arith.addi %mul3A_142, %mul3A_144 : i32
        %mul3A_146 = arith.constant 16 : i32
        %mul3A_147 = arith.muli %add3A_145, %mul3A_146 : i32
        %dma_start3A = arith.constant 0 : i32
        %dma_start3A_148 = arith.constant 0 : i32
        %dma_start3A_149 = tpu.memref_slice %arg8[%and3A_134, %dma_start3A, %dma_start3A_148] : memref<2x1024x16xf32, #tpu.memory_space<vmem>> -> memref<1x1024x16xf32, #tpu.memory_space<vmem>>
        %dma_start3A_150 = tpu.memref_squeeze %dma_start3A_149 : memref<1x1024x16xf32, #tpu.memory_space<vmem>> -> memref<1024x16xf32, #tpu.memory_space<vmem>>
        %dma_start3A_151 = arith.constant 0 : i32
        %dma_start3A_152 = tpu.memref_slice %arg3[%mul3A_147, %dma_start3A_151] : memref<1048576x16xf32, #tpu.memory_space<hbm>> -> memref<1024x16xf32, #tpu.memory_space<hbm>>
        %dma_start3A_153 = tpu.memref_slice %arg10[%and3A_134] : memref<2x!tpu.dma_semaphore, #tpu.memory_space<semaphore_mem>> -> memref<1x!tpu.dma_semaphore, #tpu.memory_space<semaphore_mem>>
        %dma_start3A_154 = tpu.memref_squeeze %dma_start3A_153 : memref<1x!tpu.dma_semaphore, #tpu.memory_space<semaphore_mem>> -> memref<!tpu.dma_semaphore, #tpu.memory_space<semaphore_mem>>
        %dma_start3A_155 = arith.constant 0 : i32
        %dma_start3A_156 = arith.constant 0 : i32
        %dma_start3A_157 = tpu.memref_slice %arg8[%and3A_134, %dma_start3A_155, %dma_start3A_156] : memref<2x1024x16xf32, #tpu.memory_space<vmem>> -> memref<1x1024x16xf32, #tpu.memory_space<vmem>>
        %dma_start3A_158 = tpu.memref_squeeze %dma_start3A_157 : memref<1x1024x16xf32, #tpu.memory_space<vmem>> -> memref<1024x16xf32, #tpu.memory_space<vmem>>
        %dma_start3A_159 = arith.constant 0 : i32
        %dma_start3A_160 = tpu.memref_slice %arg3[%mul3A_147, %dma_start3A_159] : memref<1048576x16xf32, #tpu.memory_space<hbm>> -> memref<1024x16xf32, #tpu.memory_space<hbm>>
        tpu.enqueue_dma source(%dma_start3A_160 : memref<1024x16xf32, #tpu.memory_space<hbm>>) target(%dma_start3A_158 : memref<1024x16xf32, #tpu.memory_space<vmem>>) target_semaphore(%dma_start3A_154 : memref<!tpu.dma_semaphore, #tpu.memory_space<semaphore_mem>>)
      } else {
      }
      %gt3A = arith.constant 0 : i32
      %gt3A_137 = arith.cmpi sgt, %scan3A_132, %gt3A : i32
      %convert_element_type3A_138 = arith.extui %gt3A_137 : i1 to i32
      %cond3A_139 = arith.constant 0 : i32
      %cond3A_140 = arith.cmpi ne, %convert_element_type3A_138, %cond3A_139 : i32
      scf.if %cond3A_140 {
        %sub3A = arith.constant 1 : i32
        %sub3A_141 = arith.subi %sub3A, %and3A_134 : i32
        %gt3A_142 = arith.constant 2 : i32
        %gt3A_143 = arith.cmpi sgt, %scan3A_132, %gt3A_142 : i32
        %convert_element_type3A_144 = arith.extui %gt3A_143 : i1 to i32
        %cond3A_145 = arith.constant 0 : i32
        %cond3A_146 = arith.cmpi ne, %convert_element_type3A_144, %cond3A_145 : i32
        scf.if %cond3A_146 {
          %dma_wait3A_191 = arith.constant 0 : i32
          %dma_wait3A_192 = arith.constant 0 : i32
          %dma_wait3A_193 = tpu.memref_slice %arg9[%sub3A_141, %dma_wait3A_191, %dma_wait3A_192] : memref<2x1024x16xf32, #tpu.memory_space<vmem>> -> memref<1x1024x16xf32, #tpu.memory_space<vmem>>
          %dma_wait3A_194 = tpu.memref_squeeze %dma_wait3A_193 : memref<1x1024x16xf32, #tpu.memory_space<vmem>> -> memref<1024x16xf32, #tpu.memory_space<vmem>>
          %dma_wait3A_195 = arith.constant 0 : i32
          %dma_wait3A_196 = arith.constant 0 : i32
          %dma_wait3A_197 = tpu.memref_slice %arg6[%dma_wait3A_195, %dma_wait3A_196] : memref<1048576x16xf32, #tpu.memory_space<hbm>> -> memref<1024x16xf32, #tpu.memory_space<hbm>>
          %dma_wait3A_198 = tpu.memref_slice %arg11[%sub3A_141] : memref<2x!tpu.dma_semaphore, #tpu.memory_space<semaphore_mem>> -> memref<1x!tpu.dma_semaphore, #tpu.memory_space<semaphore_mem>>
          %dma_wait3A_199 = tpu.memref_squeeze %dma_wait3A_198 : memref<1x!tpu.dma_semaphore, #tpu.memory_space<semaphore_mem>> -> memref<!tpu.dma_semaphore, #tpu.memory_space<semaphore_mem>>
          %dma_wait3A_200 = arith.constant 0 : i32
          %dma_wait3A_201 = arith.constant 0 : i32
          %dma_wait3A_202 = tpu.memref_slice %arg6[%dma_wait3A_200, %dma_wait3A_201] : memref<1048576x16xf32, #tpu.memory_space<hbm>> -> memref<1024x16xf32, #tpu.memory_space<hbm>>
          %dma_wait3A_203 = arith.constant 0 : i32
          %dma_wait3A_204 = arith.constant 0 : i32
          %dma_wait3A_205 = tpu.memref_slice %arg9[%sub3A_141, %dma_wait3A_203, %dma_wait3A_204] : memref<2x1024x16xf32, #tpu.memory_space<vmem>> -> memref<1x1024x16xf32, #tpu.memory_space<vmem>>
          %dma_wait3A_206 = tpu.memref_squeeze %dma_wait3A_205 : memref<1x1024x16xf32, #tpu.memory_space<vmem>> -> memref<1024x16xf32, #tpu.memory_space<vmem>>
          tpu.wait_dma2 semaphore(%dma_wait3A_199 : memref<!tpu.dma_semaphore, #tpu.memory_space<semaphore_mem>>) src(%dma_wait3A_206 : memref<1024x16xf32, #tpu.memory_space<vmem>>) dst(%dma_wait3A_202 : memref<1024x16xf32, #tpu.memory_space<hbm>>)
        } else {
        }
        %dma_wait3A_147 = arith.constant 0 : i32
        %dma_wait3A_148 = arith.constant 0 : i32
        %dma_wait3A_149 = tpu.memref_slice %arg8[%sub3A_141, %dma_wait3A_147, %dma_wait3A_148] : memref<2x1024x16xf32, #tpu.memory_space<vmem>> -> memref<1x1024x16xf32, #tpu.memory_space<vmem>>
        %dma_wait3A_150 = tpu.memref_squeeze %dma_wait3A_149 : memref<1x1024x16xf32, #tpu.memory_space<vmem>> -> memref<1024x16xf32, #tpu.memory_space<vmem>>
        %dma_wait3A_151 = arith.constant 0 : i32
        %dma_wait3A_152 = arith.constant 0 : i32
        %dma_wait3A_153 = tpu.memref_slice %arg3[%dma_wait3A_151, %dma_wait3A_152] : memref<1048576x16xf32, #tpu.memory_space<hbm>> -> memref<1024x16xf32, #tpu.memory_space<hbm>>
        %dma_wait3A_154 = tpu.memref_slice %arg10[%sub3A_141] : memref<2x!tpu.dma_semaphore, #tpu.memory_space<semaphore_mem>> -> memref<1x!tpu.dma_semaphore, #tpu.memory_space<semaphore_mem>>
        %dma_wait3A_155 = tpu.memref_squeeze %dma_wait3A_154 : memref<1x!tpu.dma_semaphore, #tpu.memory_space<semaphore_mem>> -> memref<!tpu.dma_semaphore, #tpu.memory_space<semaphore_mem>>
        %dma_wait3A_156 = arith.constant 0 : i32
        %dma_wait3A_157 = arith.constant 0 : i32
        %dma_wait3A_158 = tpu.memref_slice %arg8[%sub3A_141, %dma_wait3A_156, %dma_wait3A_157] : memref<2x1024x16xf32, #tpu.memory_space<vmem>> -> memref<1x1024x16xf32, #tpu.memory_space<vmem>>
        %dma_wait3A_159 = tpu.memref_squeeze %dma_wait3A_158 : memref<1x1024x16xf32, #tpu.memory_space<vmem>> -> memref<1024x16xf32, #tpu.memory_space<vmem>>
        %dma_wait3A_160 = arith.constant 0 : i32
        %dma_wait3A_161 = arith.constant 0 : i32
        %dma_wait3A_162 = tpu.memref_slice %arg3[%dma_wait3A_160, %dma_wait3A_161] : memref<1048576x16xf32, #tpu.memory_space<hbm>> -> memref<1024x16xf32, #tpu.memory_space<hbm>>
        tpu.wait_dma2 semaphore(%dma_wait3A_155 : memref<!tpu.dma_semaphore, #tpu.memory_space<semaphore_mem>>) src(%dma_wait3A_162 : memref<1024x16xf32, #tpu.memory_space<hbm>>) dst(%dma_wait3A_159 : memref<1024x16xf32, #tpu.memory_space<vmem>>)
        %scan3A_163 = arith.constant 0 : i32
        %scan3A_164 = arith.constant 0 : i32
        %scan3A_165 = arith.constant 64 : i32
        %scan3A_166 = arith.addi %scan3A_164, %scan3A_165 : i32
        %scan3A_167 = arith.constant 1 : i32
        scf.for %scan3A_191 = %scan3A_164 to %scan3A_166 step %scan3A_167  : i32 {
          %broadcast_in_dim3A = vector.broadcast %sub3A_141 : i32 to vector<16xi32>
          %mul3A_192 = arith.constant 16 : i32
          %mul3A_193 = arith.muli %scan3A_191, %mul3A_192 : i32
          %add3A_194 = arith.constant 0 : i32
          %add3A_195 = arith.addi %mul3A_193, %add3A_194 : i32
          %add3A_196 = vector.broadcast %add3A_195 : i32 to vector<16xi32>
          %add3A_197 = arith.addi %add3A_196, %mul3A_7 : vector<16xi32>
          %add3A_198 = arith.constant 0 : i32
          %add3A_199 = vector.broadcast %add3A_198 : i32 to vector<16xi32>
          %add3A_200 = arith.addi %add3A_199, %shift_right_arithmetic3A_2 : vector<16xi32>
          %gather3A = tpu.vector_load_idx %arg8[%broadcast_in_dim3A, %add3A_197, %add3A_200] : memref<2x1024x16xf32, #tpu.memory_space<vmem>>[vector<16xi32>, vector<16xi32>, vector<16xi32>], vector<16xf32>,
          %mul3A_201 = arith.constant 16 : i32
          %mul3A_202 = arith.muli %scan3A_191, %mul3A_201 : i32
          %add3A_203 = arith.constant 0 : i32
          %add3A_204 = arith.addi %mul3A_202, %add3A_203 : i32
          %swap3A = arith.index_cast %sub3A_141 : i32 to index
          %swap3A_205 = arith.index_cast %add3A_204 : i32 to index
          %swap3A_206 = arith.constant 0 : index
          %swap3A_207 = tpu.vector_load %arg9[%swap3A, %swap3A_205, %swap3A_206] {strides = array<i32>} : memref<2x1024x16xf32, #tpu.memory_space<vmem>>, vector<16xf32>,
          tpu.vector_store %arg9[%swap3A, %swap3A_205, %swap3A_206], %gather3A {strides = array<i32>} : memref<2x1024x16xf32, #tpu.memory_space<vmem>>, vector<16xf32>,
          %broadcast_in_dim3A_208 = vector.broadcast %sub3A_141 : i32 to vector<16xi32>
          %mul3A_209 = arith.constant 16 : i32
          %mul3A_210 = arith.muli %scan3A_191, %mul3A_209 : i32
          %add3A_211 = arith.constant 0 : i32
          %add3A_212 = arith.addi %mul3A_210, %add3A_211 : i32
          %add3A_213 = vector.broadcast %add3A_212 : i32 to vector<16xi32>
          %add3A_214 = arith.addi %add3A_213, %mul3A_7 : vector<16xi32>
          %add3A_215 = arith.constant 8 : i32
          %add3A_216 = vector.broadcast %add3A_215 : i32 to vector<16xi32>
          %add3A_217 = arith.addi %add3A_216, %shift_right_arithmetic3A_2 : vector<16xi32>
          %gather3A_218 = tpu.vector_load_idx %arg8[%broadcast_in_dim3A_208, %add3A_214, %add3A_217] : memref<2x1024x16xf32, #tpu.memory_space<vmem>>[vector<16xi32>, vector<16xi32>, vector<16xi32>], vector<16xf32>,
          %mul3A_219 = arith.constant 16 : i32
          %mul3A_220 = arith.muli %scan3A_191, %mul3A_219 : i32
          %add3A_221 = arith.constant 1 : i32
          %add3A_222 = arith.addi %mul3A_220, %add3A_221 : i32
          %swap3A_223 = arith.index_cast %sub3A_141 : i32 to index
          %swap3A_224 = arith.index_cast %add3A_222 : i32 to index
          %swap3A_225 = arith.constant 0 : index
          %swap3A_226 = tpu.vector_load %arg9[%swap3A_223, %swap3A_224, %swap3A_225] {strides = array<i32>} : memref<2x1024x16xf32, #tpu.memory_space<vmem>>, vector<16xf32>,
          tpu.vector_store %arg9[%swap3A_223, %swap3A_224, %swap3A_225], %gather3A_218 {strides = array<i32>} : memref<2x1024x16xf32, #tpu.memory_space<vmem>>, vector<16xf32>,
          %broadcast_in_dim3A_227 = vector.broadcast %sub3A_141 : i32 to vector<16xi32>
          %mul3A_228 = arith.constant 16 : i32
          %mul3A_229 = arith.muli %scan3A_191, %mul3A_228 : i32
          %add3A_230 = arith.constant 1 : i32
          %add3A_231 = arith.addi %mul3A_229, %add3A_230 : i32
          %add3A_232 = vector.broadcast %add3A_231 : i32 to vector<16xi32>
          %add3A_233 = arith.addi %add3A_232, %mul3A_7 : vector<16xi32>
          %add3A_234 = arith.constant 0 : i32
          %add3A_235 = vector.broadcast %add3A_234 : i32 to vector<16xi32>
          %add3A_236 = arith.addi %add3A_235, %shift_right_arithmetic3A_2 : vector<16xi32>
          %gather3A_237 = tpu.vector_load_idx %arg8[%broadcast_in_dim3A_227, %add3A_233, %add3A_236] : memref<2x1024x16xf32, #tpu.memory_space<vmem>>[vector<16xi32>, vector<16xi32>, vector<16xi32>], vector<16xf32>,
          %mul3A_238 = arith.constant 16 : i32
          %mul3A_239 = arith.muli %scan3A_191, %mul3A_238 : i32
          %add3A_240 = arith.constant 2 : i32
          %add3A_241 = arith.addi %mul3A_239, %add3A_240 : i32
          %swap3A_242 = arith.index_cast %sub3A_141 : i32 to index
          %swap3A_243 = arith.index_cast %add3A_241 : i32 to index
          %swap3A_244 = arith.constant 0 : index
          %swap3A_245 = tpu.vector_load %arg9[%swap3A_242, %swap3A_243, %swap3A_244] {strides = array<i32>} : memref<2x1024x16xf32, #tpu.memory_space<vmem>>, vector<16xf32>,
          tpu.vector_store %arg9[%swap3A_242, %swap3A_243, %swap3A_244], %gather3A_237 {strides = array<i32>} : memref<2x1024x16xf32, #tpu.memory_space<vmem>>, vector<16xf32>,
          %broadcast_in_dim3A_246 = vector.broadcast %sub3A_141 : i32 to vector<16xi32>
          %mul3A_247 = arith.constant 16 : i32
          %mul3A_248 = arith.muli %scan3A_191, %mul3A_247 : i32
          %add3A_249 = arith.constant 1 : i32
          %add3A_250 = arith.addi %mul3A_248, %add3A_249 : i32
          %add3A_251 = vector.broadcast %add3A_250 : i32 to vector<16xi32>
          %add3A_252 = arith.addi %add3A_251, %mul3A_7 : vector<16xi32>
          %add3A_253 = arith.constant 8 : i32
          %add3A_254 = vector.broadcast %add3A_253 : i32 to vector<16xi32>
          %add3A_255 = arith.addi %add3A_254, %shift_right_arithmetic3A_2 : vector<16xi32>
          %gather3A_256 = tpu.vector_load_idx %arg8[%broadcast_in_dim3A_246, %add3A_252, %add3A_255] : memref<2x1024x16xf32, #tpu.memory_space<vmem>>[vector<16xi32>, vector<16xi32>, vector<16xi32>], vector<16xf32>,
          %mul3A_257 = arith.constant 16 : i32
          %mul3A_258 = arith.muli %scan3A_191, %mul3A_257 : i32
          %add3A_259 = arith.constant 3 : i32
          %add3A_260 = arith.addi %mul3A_258, %add3A_259 : i32
          %swap3A_261 = arith.index_cast %sub3A_141 : i32 to index
          %swap3A_262 = arith.index_cast %add3A_260 : i32 to index
          %swap3A_263 = arith.constant 0 : index
          %swap3A_264 = tpu.vector_load %arg9[%swap3A_261, %swap3A_262, %swap3A_263] {strides = array<i32>} : memref<2x1024x16xf32, #tpu.memory_space<vmem>>, vector<16xf32>,
          tpu.vector_store %arg9[%swap3A_261, %swap3A_262, %swap3A_263], %gather3A_256 {strides = array<i32>} : memref<2x1024x16xf32, #tpu.memory_space<vmem>>, vector<16xf32>,
          %broadcast_in_dim3A_265 = vector.broadcast %sub3A_141 : i32 to vector<16xi32>
          %mul3A_266 = arith.constant 16 : i32
          %mul3A_267 = arith.muli %scan3A_191, %mul3A_266 : i32
          %add3A_268 = arith.constant 2 : i32
          %add3A_269 = arith.addi %mul3A_267, %add3A_268 : i32
          %add3A_270 = vector.broadcast %add3A_269 : i32 to vector<16xi32>
          %add3A_271 = arith.addi %add3A_270, %mul3A_7 : vector<16xi32>
          %add3A_272 = arith.constant 0 : i32
          %add3A_273 = vector.broadcast %add3A_272 : i32 to vector<16xi32>
          %add3A_274 = arith.addi %add3A_273, %shift_right_arithmetic3A_2 : vector<16xi32>
          %gather3A_275 = tpu.vector_load_idx %arg8[%broadcast_in_dim3A_265, %add3A_271, %add3A_274] : memref<2x1024x16xf32, #tpu.memory_space<vmem>>[vector<16xi32>, vector<16xi32>, vector<16xi32>], vector<16xf32>,
          %mul3A_276 = arith.constant 16 : i32
          %mul3A_277 = arith.muli %scan3A_191, %mul3A_276 : i32
          %add3A_278 = arith.constant 4 : i32
          %add3A_279 = arith.addi %mul3A_277, %add3A_278 : i32
          %swap3A_280 = arith.index_cast %sub3A_141 : i32 to index
          %swap3A_281 = arith.index_cast %add3A_279 : i32 to index
          %swap3A_282 = arith.constant 0 : index
          %swap3A_283 = tpu.vector_load %arg9[%swap3A_280, %swap3A_281, %swap3A_282] {strides = array<i32>} : memref<2x1024x16xf32, #tpu.memory_space<vmem>>, vector<16xf32>,
          tpu.vector_store %arg9[%swap3A_280, %swap3A_281, %swap3A_282], %gather3A_275 {strides = array<i32>} : memref<2x1024x16xf32, #tpu.memory_space<vmem>>, vector<16xf32>,
          %broadcast_in_dim3A_284 = vector.broadcast %sub3A_141 : i32 to vector<16xi32>
          %mul3A_285 = arith.constant 16 : i32
          %mul3A_286 = arith.muli %scan3A_191, %mul3A_285 : i32
          %add3A_287 = arith.constant 2 : i32
          %add3A_288 = arith.addi %mul3A_286, %add3A_287 : i32
          %add3A_289 = vector.broadcast %add3A_288 : i32 to vector<16xi32>
          %add3A_290 = arith.addi %add3A_289, %mul3A_7 : vector<16xi32>
          %add3A_291 = arith.constant 8 : i32
          %add3A_292 = vector.broadcast %add3A_291 : i32 to vector<16xi32>
          %add3A_293 = arith.addi %add3A_292, %shift_right_arithmetic3A_2 : vector<16xi32>
          %gather3A_294 = tpu.vector_load_idx %arg8[%broadcast_in_dim3A_284, %add3A_290, %add3A_293] : memref<2x1024x16xf32, #tpu.memory_space<vmem>>[vector<16xi32>, vector<16xi32>, vector<16xi32>], vector<16xf32>,
          %mul3A_295 = arith.constant 16 : i32
          %mul3A_296 = arith.muli %scan3A_191, %mul3A_295 : i32
          %add3A_297 = arith.constant 5 : i32
          %add3A_298 = arith.addi %mul3A_296, %add3A_297 : i32
          %swap3A_299 = arith.index_cast %sub3A_141 : i32 to index
          %swap3A_300 = arith.index_cast %add3A_298 : i32 to index
          %swap3A_301 = arith.constant 0 : index
          %swap3A_302 = tpu.vector_load %arg9[%swap3A_299, %swap3A_300, %swap3A_301] {strides = array<i32>} : memref<2x1024x16xf32, #tpu.memory_space<vmem>>, vector<16xf32>,
          tpu.vector_store %arg9[%swap3A_299, %swap3A_300, %swap3A_301], %gather3A_294 {strides = array<i32>} : memref<2x1024x16xf32, #tpu.memory_space<vmem>>, vector<16xf32>,
          %broadcast_in_dim3A_303 = vector.broadcast %sub3A_141 : i32 to vector<16xi32>
          %mul3A_304 = arith.constant 16 : i32
          %mul3A_305 = arith.muli %scan3A_191, %mul3A_304 : i32
          %add3A_306 = arith.constant 3 : i32
          %add3A_307 = arith.addi %mul3A_305, %add3A_306 : i32
          %add3A_308 = vector.broadcast %add3A_307 : i32 to vector<16xi32>
          %add3A_309 = arith.addi %add3A_308, %mul3A_7 : vector<16xi32>
          %add3A_310 = arith.constant 0 : i32
          %add3A_311 = vector.broadcast %add3A_310 : i32 to vector<16xi32>
          %add3A_312 = arith.addi %add3A_311, %shift_right_arithmetic3A_2 : vector<16xi32>
          %gather3A_313 = tpu.vector_load_idx %arg8[%broadcast_in_dim3A_303, %add3A_309, %add3A_312] : memref<2x1024x16xf32, #tpu.memory_space<vmem>>[vector<16xi32>, vector<16xi32>, vector<16xi32>], vector<16xf32>,
          %mul3A_314 = arith.constant 16 : i32
          %mul3A_315 = arith.muli %scan3A_191, %mul3A_314 : i32
          %add3A_316 = arith.constant 6 : i32
          %add3A_317 = arith.addi %mul3A_315, %add3A_316 : i32
          %swap3A_318 = arith.index_cast %sub3A_141 : i32 to index
          %swap3A_319 = arith.index_cast %add3A_317 : i32 to index
          %swap3A_320 = arith.constant 0 : index
          %swap3A_321 = tpu.vector_load %arg9[%swap3A_318, %swap3A_319, %swap3A_320] {strides = array<i32>} : memref<2x1024x16xf32, #tpu.memory_space<vmem>>, vector<16xf32>,
          tpu.vector_store %arg9[%swap3A_318, %swap3A_319, %swap3A_320], %gather3A_313 {strides = array<i32>} : memref<2x1024x16xf32, #tpu.memory_space<vmem>>, vector<16xf32>,
          %broadcast_in_dim3A_322 = vector.broadcast %sub3A_141 : i32 to vector<16xi32>
          %mul3A_323 = arith.constant 16 : i32
          %mul3A_324 = arith.muli %scan3A_191, %mul3A_323 : i32
          %add3A_325 = arith.constant 3 : i32
          %add3A_326 = arith.addi %mul3A_324, %add3A_325 : i32
          %add3A_327 = vector.broadcast %add3A_326 : i32 to vector<16xi32>
          %add3A_328 = arith.addi %add3A_327, %mul3A_7 : vector<16xi32>
          %add3A_329 = arith.constant 8 : i32
          %add3A_330 = vector.broadcast %add3A_329 : i32 to vector<16xi32>
          %add3A_331 = arith.addi %add3A_330, %shift_right_arithmetic3A_2 : vector<16xi32>
          %gather3A_332 = tpu.vector_load_idx %arg8[%broadcast_in_dim3A_322, %add3A_328, %add3A_331] : memref<2x1024x16xf32, #tpu.memory_space<vmem>>[vector<16xi32>, vector<16xi32>, vector<16xi32>], vector<16xf32>,
          %mul3A_333 = arith.constant 16 : i32
          %mul3A_334 = arith.muli %scan3A_191, %mul3A_333 : i32
          %add3A_335 = arith.constant 7 : i32
          %add3A_336 = arith.addi %mul3A_334, %add3A_335 : i32
          %swap3A_337 = arith.index_cast %sub3A_141 : i32 to index
          %swap3A_338 = arith.index_cast %add3A_336 : i32 to index
          %swap3A_339 = arith.constant 0 : index
          %swap3A_340 = tpu.vector_load %arg9[%swap3A_337, %swap3A_338, %swap3A_339] {strides = array<i32>} : memref<2x1024x16xf32, #tpu.memory_space<vmem>>, vector<16xf32>,
          tpu.vector_store %arg9[%swap3A_337, %swap3A_338, %swap3A_339], %gather3A_332 {strides = array<i32>} : memref<2x1024x16xf32, #tpu.memory_space<vmem>>, vector<16xf32>,
          %broadcast_in_dim3A_341 = vector.broadcast %sub3A_141 : i32 to vector<16xi32>
          %mul3A_342 = arith.constant 16 : i32
          %mul3A_343 = arith.muli %scan3A_191, %mul3A_342 : i32
          %add3A_344 = arith.constant 4 : i32
          %add3A_345 = arith.addi %mul3A_343, %add3A_344 : i32
          %add3A_346 = vector.broadcast %add3A_345 : i32 to vector<16xi32>
          %add3A_347 = arith.addi %add3A_346, %mul3A_7 : vector<16xi32>
          %add3A_348 = arith.constant 0 : i32
          %add3A_349 = vector.broadcast %add3A_348 : i32 to vector<16xi32>
          %add3A_350 = arith.addi %add3A_349, %shift_right_arithmetic3A_2 : vector<16xi32>
          %gather3A_351 = tpu.vector_load_idx %arg8[%broadcast_in_dim3A_341, %add3A_347, %add3A_350] : memref<2x1024x16xf32, #tpu.memory_space<vmem>>[vector<16xi32>, vector<16xi32>, vector<16xi32>], vector<16xf32>,
          %mul3A_352 = arith.constant 16 : i32
          %mul3A_353 = arith.muli %scan3A_191, %mul3A_352 : i32
          %add3A_354 = arith.constant 8 : i32
          %add3A_355 = arith.addi %mul3A_353, %add3A_354 : i32
          %swap3A_356 = arith.index_cast %sub3A_141 : i32 to index
          %swap3A_357 = arith.index_cast %add3A_355 : i32 to index
          %swap3A_358 = arith.constant 0 : index
          %swap3A_359 = tpu.vector_load %arg9[%swap3A_356, %swap3A_357, %swap3A_358] {strides = array<i32>} : memref<2x1024x16xf32, #tpu.memory_space<vmem>>, vector<16xf32>,
          tpu.vector_store %arg9[%swap3A_356, %swap3A_357, %swap3A_358], %gather3A_351 {strides = array<i32>} : memref<2x1024x16xf32, #tpu.memory_space<vmem>>, vector<16xf32>,
          %broadcast_in_dim3A_360 = vector.broadcast %sub3A_141 : i32 to vector<16xi32>
          %mul3A_361 = arith.constant 16 : i32
          %mul3A_362 = arith.muli %scan3A_191, %mul3A_361 : i32
          %add3A_363 = arith.constant 4 : i32
          %add3A_364 = arith.addi %mul3A_362, %add3A_363 : i32
          %add3A_365 = vector.broadcast %add3A_364 : i32 to vector<16xi32>
          %add3A_366 = arith.addi %add3A_365, %mul3A_7 : vector<16xi32>
          %add3A_367 = arith.constant 8 : i32
          %add3A_368 = vector.broadcast %add3A_367 : i32 to vector<16xi32>
          %add3A_369 = arith.addi %add3A_368, %shift_right_arithmetic3A_2 : vector<16xi32>
          %gather3A_370 = tpu.vector_load_idx %arg8[%broadcast_in_dim3A_360, %add3A_366, %add3A_369] : memref<2x1024x16xf32, #tpu.memory_space<vmem>>[vector<16xi32>, vector<16xi32>, vector<16xi32>], vector<16xf32>,
          %mul3A_371 = arith.constant 16 : i32
          %mul3A_372 = arith.muli %scan3A_191, %mul3A_371 : i32
          %add3A_373 = arith.constant 9 : i32
          %add3A_374 = arith.addi %mul3A_372, %add3A_373 : i32
          %swap3A_375 = arith.index_cast %sub3A_141 : i32 to index
          %swap3A_376 = arith.index_cast %add3A_374 : i32 to index
          %swap3A_377 = arith.constant 0 : index
          %swap3A_378 = tpu.vector_load %arg9[%swap3A_375, %swap3A_376, %swap3A_377] {strides = array<i32>} : memref<2x1024x16xf32, #tpu.memory_space<vmem>>, vector<16xf32>,
          tpu.vector_store %arg9[%swap3A_375, %swap3A_376, %swap3A_377], %gather3A_370 {strides = array<i32>} : memref<2x1024x16xf32, #tpu.memory_space<vmem>>, vector<16xf32>,
          %broadcast_in_dim3A_379 = vector.broadcast %sub3A_141 : i32 to vector<16xi32>
          %mul3A_380 = arith.constant 16 : i32
          %mul3A_381 = arith.muli %scan3A_191, %mul3A_380 : i32
          %add3A_382 = arith.constant 5 : i32
          %add3A_383 = arith.addi %mul3A_381, %add3A_382 : i32
          %add3A_384 = vector.broadcast %add3A_383 : i32 to vector<16xi32>
          %add3A_385 = arith.addi %add3A_384, %mul3A_7 : vector<16xi32>
          %add3A_386 = arith.constant 0 : i32
          %add3A_387 = vector.broadcast %add3A_386 : i32 to vector<16xi32>
          %add3A_388 = arith.addi %add3A_387, %shift_right_arithmetic3A_2 : vector<16xi32>
          %gather3A_389 = tpu.vector_load_idx %arg8[%broadcast_in_dim3A_379, %add3A_385, %add3A_388] : memref<2x1024x16xf32, #tpu.memory_space<vmem>>[vector<16xi32>, vector<16xi32>, vector<16xi32>], vector<16xf32>,
          %mul3A_390 = arith.constant 16 : i32
          %mul3A_391 = arith.muli %scan3A_191, %mul3A_390 : i32
          %add3A_392 = arith.constant 10 : i32
          %add3A_393 = arith.addi %mul3A_391, %add3A_392 : i32
          %swap3A_394 = arith.index_cast %sub3A_141 : i32 to index
          %swap3A_395 = arith.index_cast %add3A_393 : i32 to index
          %swap3A_396 = arith.constant 0 : index
          %swap3A_397 = tpu.vector_load %arg9[%swap3A_394, %swap3A_395, %swap3A_396] {strides = array<i32>} : memref<2x1024x16xf32, #tpu.memory_space<vmem>>, vector<16xf32>,
          tpu.vector_store %arg9[%swap3A_394, %swap3A_395, %swap3A_396], %gather3A_389 {strides = array<i32>} : memref<2x1024x16xf32, #tpu.memory_space<vmem>>, vector<16xf32>,
          %broadcast_in_dim3A_398 = vector.broadcast %sub3A_141 : i32 to vector<16xi32>
          %mul3A_399 = arith.constant 16 : i32
          %mul3A_400 = arith.muli %scan3A_191, %mul3A_399 : i32
          %add3A_401 = arith.constant 5 : i32
          %add3A_402 = arith.addi %mul3A_400, %add3A_401 : i32
          %add3A_403 = vector.broadcast %add3A_402 : i32 to vector<16xi32>
          %add3A_404 = arith.addi %add3A_403, %mul3A_7 : vector<16xi32>
          %add3A_405 = arith.constant 8 : i32
          %add3A_406 = vector.broadcast %add3A_405 : i32 to vector<16xi32>
          %add3A_407 = arith.addi %add3A_406, %shift_right_arithmetic3A_2 : vector<16xi32>
          %gather3A_408 = tpu.vector_load_idx %arg8[%broadcast_in_dim3A_398, %add3A_404, %add3A_407] : memref<2x1024x16xf32, #tpu.memory_space<vmem>>[vector<16xi32>, vector<16xi32>, vector<16xi32>], vector<16xf32>,
          %mul3A_409 = arith.constant 16 : i32
          %mul3A_410 = arith.muli %scan3A_191, %mul3A_409 : i32
          %add3A_411 = arith.constant 11 : i32
          %add3A_412 = arith.addi %mul3A_410, %add3A_411 : i32
          %swap3A_413 = arith.index_cast %sub3A_141 : i32 to index
          %swap3A_414 = arith.index_cast %add3A_412 : i32 to index
          %swap3A_415 = arith.constant 0 : index
          %swap3A_416 = tpu.vector_load %arg9[%swap3A_413, %swap3A_414, %swap3A_415] {strides = array<i32>} : memref<2x1024x16xf32, #tpu.memory_space<vmem>>, vector<16xf32>,
          tpu.vector_store %arg9[%swap3A_413, %swap3A_414, %swap3A_415], %gather3A_408 {strides = array<i32>} : memref<2x1024x16xf32, #tpu.memory_space<vmem>>, vector<16xf32>,
          %broadcast_in_dim3A_417 = vector.broadcast %sub3A_141 : i32 to vector<16xi32>
          %mul3A_418 = arith.constant 16 : i32
          %mul3A_419 = arith.muli %scan3A_191, %mul3A_418 : i32
          %add3A_420 = arith.constant 6 : i32
          %add3A_421 = arith.addi %mul3A_419, %add3A_420 : i32
          %add3A_422 = vector.broadcast %add3A_421 : i32 to vector<16xi32>
          %add3A_423 = arith.addi %add3A_422, %mul3A_7 : vector<16xi32>
          %add3A_424 = arith.constant 0 : i32
          %add3A_425 = vector.broadcast %add3A_424 : i32 to vector<16xi32>
          %add3A_426 = arith.addi %add3A_425, %shift_right_arithmetic3A_2 : vector<16xi32>
          %gather3A_427 = tpu.vector_load_idx %arg8[%broadcast_in_dim3A_417, %add3A_423, %add3A_426] : memref<2x1024x16xf32, #tpu.memory_space<vmem>>[vector<16xi32>, vector<16xi32>, vector<16xi32>], vector<16xf32>,
          %mul3A_428 = arith.constant 16 : i32
          %mul3A_429 = arith.muli %scan3A_191, %mul3A_428 : i32
          %add3A_430 = arith.constant 12 : i32
          %add3A_431 = arith.addi %mul3A_429, %add3A_430 : i32
          %swap3A_432 = arith.index_cast %sub3A_141 : i32 to index
          %swap3A_433 = arith.index_cast %add3A_431 : i32 to index
          %swap3A_434 = arith.constant 0 : index
          %swap3A_435 = tpu.vector_load %arg9[%swap3A_432, %swap3A_433, %swap3A_434] {strides = array<i32>} : memref<2x1024x16xf32, #tpu.memory_space<vmem>>, vector<16xf32>,
          tpu.vector_store %arg9[%swap3A_432, %swap3A_433, %swap3A_434], %gather3A_427 {strides = array<i32>} : memref<2x1024x16xf32, #tpu.memory_space<vmem>>, vector<16xf32>,
          %broadcast_in_dim3A_436 = vector.broadcast %sub3A_141 : i32 to vector<16xi32>
          %mul3A_437 = arith.constant 16 : i32
          %mul3A_438 = arith.muli %scan3A_191, %mul3A_437 : i32
          %add3A_439 = arith.constant 6 : i32
          %add3A_440 = arith.addi %mul3A_438, %add3A_439 : i32
          %add3A_441 = vector.broadcast %add3A_440 : i32 to vector<16xi32>
          %add3A_442 = arith.addi %add3A_441, %mul3A_7 : vector<16xi32>
          %add3A_443 = arith.constant 8 : i32
          %add3A_444 = vector.broadcast %add3A_443 : i32 to vector<16xi32>
          %add3A_445 = arith.addi %add3A_444, %shift_right_arithmetic3A_2 : vector<16xi32>
          %gather3A_446 = tpu.vector_load_idx %arg8[%broadcast_in_dim3A_436, %add3A_442, %add3A_445] : memref<2x1024x16xf32, #tpu.memory_space<vmem>>[vector<16xi32>, vector<16xi32>, vector<16xi32>], vector<16xf32>,
          %mul3A_447 = arith.constant 16 : i32
          %mul3A_448 = arith.muli %scan3A_191, %mul3A_447 : i32
          %add3A_449 = arith.constant 13 : i32
          %add3A_450 = arith.addi %mul3A_448, %add3A_449 : i32
          %swap3A_451 = arith.index_cast %sub3A_141 : i32 to index
          %swap3A_452 = arith.index_cast %add3A_450 : i32 to index
          %swap3A_453 = arith.constant 0 : index
          %swap3A_454 = tpu.vector_load %arg9[%swap3A_451, %swap3A_452, %swap3A_453] {strides = array<i32>} : memref<2x1024x16xf32, #tpu.memory_space<vmem>>, vector<16xf32>,
          tpu.vector_store %arg9[%swap3A_451, %swap3A_452, %swap3A_453], %gather3A_446 {strides = array<i32>} : memref<2x1024x16xf32, #tpu.memory_space<vmem>>, vector<16xf32>,
          %broadcast_in_dim3A_455 = vector.broadcast %sub3A_141 : i32 to vector<16xi32>
          %mul3A_456 = arith.constant 16 : i32
          %mul3A_457 = arith.muli %scan3A_191, %mul3A_456 : i32
          %add3A_458 = arith.constant 7 : i32
          %add3A_459 = arith.addi %mul3A_457, %add3A_458 : i32
          %add3A_460 = vector.broadcast %add3A_459 : i32 to vector<16xi32>
          %add3A_461 = arith.addi %add3A_460, %mul3A_7 : vector<16xi32>
          %add3A_462 = arith.constant 0 : i32
          %add3A_463 = vector.broadcast %add3A_462 : i32 to vector<16xi32>
          %add3A_464 = arith.addi %add3A_463, %shift_right_arithmetic3A_2 : vector<16xi32>
          %gather3A_465 = tpu.vector_load_idx %arg8[%broadcast_in_dim3A_455, %add3A_461, %add3A_464] : memref<2x1024x16xf32, #tpu.memory_space<vmem>>[vector<16xi32>, vector<16xi32>, vector<16xi32>], vector<16xf32>,
          %mul3A_466 = arith.constant 16 : i32
          %mul3A_467 = arith.muli %scan3A_191, %mul3A_466 : i32
          %add3A_468 = arith.constant 14 : i32
          %add3A_469 = arith.addi %mul3A_467, %add3A_468 : i32
          %swap3A_470 = arith.index_cast %sub3A_141 : i32 to index
          %swap3A_471 = arith.index_cast %add3A_469 : i32 to index
          %swap3A_472 = arith.constant 0 : index
          %swap3A_473 = tpu.vector_load %arg9[%swap3A_470, %swap3A_471, %swap3A_472] {strides = array<i32>} : memref<2x1024x16xf32, #tpu.memory_space<vmem>>, vector<16xf32>,
          tpu.vector_store %arg9[%swap3A_470, %swap3A_471, %swap3A_472], %gather3A_465 {strides = array<i32>} : memref<2x1024x16xf32, #tpu.memory_space<vmem>>, vector<16xf32>,
          %broadcast_in_dim3A_474 = vector.broadcast %sub3A_141 : i32 to vector<16xi32>
          %mul3A_475 = arith.constant 16 : i32
          %mul3A_476 = arith.muli %scan3A_191, %mul3A_475 : i32
          %add3A_477 = arith.constant 7 : i32
          %add3A_478 = arith.addi %mul3A_476, %add3A_477 : i32
          %add3A_479 = vector.broadcast %add3A_478 : i32 to vector<16xi32>
          %add3A_480 = arith.addi %add3A_479, %mul3A_7 : vector<16xi32>
          %add3A_481 = arith.constant 8 : i32
          %add3A_482 = vector.broadcast %add3A_481 : i32 to vector<16xi32>
          %add3A_483 = arith.addi %add3A_482, %shift_right_arithmetic3A_2 : vector<16xi32>
          %gather3A_484 = tpu.vector_load_idx %arg8[%broadcast_in_dim3A_474, %add3A_480, %add3A_483] : memref<2x1024x16xf32, #tpu.memory_space<vmem>>[vector<16xi32>, vector<16xi32>, vector<16xi32>], vector<16xf32>,
          %mul3A_485 = arith.constant 16 : i32
          %mul3A_486 = arith.muli %scan3A_191, %mul3A_485 : i32
          %add3A_487 = arith.constant 15 : i32
          %add3A_488 = arith.addi %mul3A_486, %add3A_487 : i32
          %swap3A_489 = arith.index_cast %sub3A_141 : i32 to index
          %swap3A_490 = arith.index_cast %add3A_488 : i32 to index
          %swap3A_491 = arith.constant 0 : index
          %swap3A_492 = tpu.vector_load %arg9[%swap3A_489, %swap3A_490, %swap3A_491] {strides = array<i32>} : memref<2x1024x16xf32, #tpu.memory_space<vmem>>, vector<16xf32>,
          tpu.vector_store %arg9[%swap3A_489, %swap3A_490, %swap3A_491], %gather3A_484 {strides = array<i32>} : memref<2x1024x16xf32, #tpu.memory_space<vmem>>, vector<16xf32>,
        }
        %scan3A_168 = arith.constant 64 : i32
        %mul3A_169 = arith.constant 2048 : i32
        %mul3A_170 = arith.muli %add3A, %mul3A_169 : i32
        %sub3A_171 = arith.constant 1 : i32
        %sub3A_172 = arith.subi %scan3A_132, %sub3A_171 : i32
        %mul3A_173 = arith.constant 64 : i32
        %mul3A_174 = arith.muli %sub3A_172, %mul3A_173 : i32
        %add3A_175 = arith.addi %mul3A_170, %mul3A_174 : i32
        %mul3A_176 = arith.constant 16 : i32
        %mul3A_177 = arith.muli %add3A_175, %mul3A_176 : i32
        %dma_start3A = arith.constant 0 : i32
        %dma_start3A_178 = arith.constant 0 : i32
        %dma_start3A_179 = tpu.memref_slice %arg9[%sub3A_141, %dma_start3A, %dma_start3A_178] : memref<2x1024x16xf32, #tpu.memory_space<vmem>> -> memref<1x1024x16xf32, #tpu.memory_space<vmem>>
        %dma_start3A_180 = tpu.memref_squeeze %dma_start3A_179 : memref<1x1024x16xf32, #tpu.memory_space<vmem>> -> memref<1024x16xf32, #tpu.memory_space<vmem>>
        %dma_start3A_181 = arith.constant 0 : i32
        %dma_start3A_182 = tpu.memref_slice %arg6[%mul3A_177, %dma_start3A_181] : memref<1048576x16xf32, #tpu.memory_space<hbm>> -> memref<1024x16xf32, #tpu.memory_space<hbm>>
        %dma_start3A_183 = tpu.memref_slice %arg11[%sub3A_141] : memref<2x!tpu.dma_semaphore, #tpu.memory_space<semaphore_mem>> -> memref<1x!tpu.dma_semaphore, #tpu.memory_space<semaphore_mem>>
        %dma_start3A_184 = tpu.memref_squeeze %dma_start3A_183 : memref<1x!tpu.dma_semaphore, #tpu.memory_space<semaphore_mem>> -> memref<!tpu.dma_semaphore, #tpu.memory_space<semaphore_mem>>
        %dma_start3A_185 = arith.constant 0 : i32
        %dma_start3A_186 = tpu.memref_slice %arg6[%mul3A_177, %dma_start3A_185] : memref<1048576x16xf32, #tpu.memory_space<hbm>> -> memref<1024x16xf32, #tpu.memory_space<hbm>>
        %dma_start3A_187 = arith.constant 0 : i32
        %dma_start3A_188 = arith.constant 0 : i32
        %dma_start3A_189 = tpu.memref_slice %arg9[%sub3A_141, %dma_start3A_187, %dma_start3A_188] : memref<2x1024x16xf32, #tpu.memory_space<vmem>> -> memref<1x1024x16xf32, #tpu.memory_space<vmem>>
        %dma_start3A_190 = tpu.memref_squeeze %dma_start3A_189 : memref<1x1024x16xf32, #tpu.memory_space<vmem>> -> memref<1024x16xf32, #tpu.memory_space<vmem>>
        tpu.enqueue_dma source(%dma_start3A_190 : memref<1024x16xf32, #tpu.memory_space<vmem>>) target(%dma_start3A_186 : memref<1024x16xf32, #tpu.memory_space<hbm>>) target_semaphore(%dma_start3A_184 : memref<!tpu.dma_semaphore, #tpu.memory_space<semaphore_mem>>)
      } else {
      }
    }
    %scan3A_53 = arith.constant 33 : i32
    %dma_wait3A_54 = arith.constant 0 : i32
    %dma_wait3A_55 = arith.constant 0 : i32
    %dma_wait3A_56 = arith.constant 0 : i32
    %dma_wait3A_57 = arith.constant 0 : i32
    %dma_wait3A_58 = tpu.memref_slice %arg9[%dma_wait3A_54, %dma_wait3A_56, %dma_wait3A_57] : memref<2x1024x16xf32, #tpu.memory_space<vmem>> -> memref<1x1024x16xf32, #tpu.memory_space<vmem>>
    %dma_wait3A_59 = tpu.memref_squeeze %dma_wait3A_58 : memref<1x1024x16xf32, #tpu.memory_space<vmem>> -> memref<1024x16xf32, #tpu.memory_space<vmem>>
    %dma_wait3A_60 = arith.constant 0 : i32
    %dma_wait3A_61 = arith.constant 0 : i32
    %dma_wait3A_62 = tpu.memref_slice %arg6[%dma_wait3A_60, %dma_wait3A_61] : memref<1048576x16xf32, #tpu.memory_space<hbm>> -> memref<1024x16xf32, #tpu.memory_space<hbm>>
    %dma_wait3A_63 = tpu.memref_slice %arg11[%dma_wait3A_55] : memref<2x!tpu.dma_semaphore, #tpu.memory_space<semaphore_mem>> -> memref<1x!tpu.dma_semaphore, #tpu.memory_space<semaphore_mem>>
    %dma_wait3A_64 = tpu.memref_squeeze %dma_wait3A_63 : memref<1x!tpu.dma_semaphore, #tpu.memory_space<semaphore_mem>> -> memref<!tpu.dma_semaphore, #tpu.memory_space<semaphore_mem>>
    %dma_wait3A_65 = arith.constant 0 : i32
    %dma_wait3A_66 = arith.constant 0 : i32
    %dma_wait3A_67 = tpu.memref_slice %arg6[%dma_wait3A_65, %dma_wait3A_66] : memref<1048576x16xf32, #tpu.memory_space<hbm>> -> memref<1024x16xf32, #tpu.memory_space<hbm>>
    %dma_wait3A_68 = arith.constant 0 : i32
    %dma_wait3A_69 = arith.constant 0 : i32
    %dma_wait3A_70 = tpu.memref_slice %arg9[%dma_wait3A_54, %dma_wait3A_68, %dma_wait3A_69] : memref<2x1024x16xf32, #tpu.memory_space<vmem>> -> memref<1x1024x16xf32, #tpu.memory_space<vmem>>
    %dma_wait3A_71 = tpu.memref_squeeze %dma_wait3A_70 : memref<1x1024x16xf32, #tpu.memory_space<vmem>> -> memref<1024x16xf32, #tpu.memory_space<vmem>>
    tpu.wait_dma2 semaphore(%dma_wait3A_64 : memref<!tpu.dma_semaphore, #tpu.memory_space<semaphore_mem>>) src(%dma_wait3A_71 : memref<1024x16xf32, #tpu.memory_space<vmem>>) dst(%dma_wait3A_67 : memref<1024x16xf32, #tpu.memory_space<hbm>>)
    %dma_wait3A_72 = arith.constant 1 : i32
    %dma_wait3A_73 = arith.constant 1 : i32
    %dma_wait3A_74 = arith.constant 0 : i32
    %dma_wait3A_75 = arith.constant 0 : i32
    %dma_wait3A_76 = tpu.memref_slice %arg9[%dma_wait3A_72, %dma_wait3A_74, %dma_wait3A_75] : memref<2x1024x16xf32, #tpu.memory_space<vmem>> -> memref<1x1024x16xf32, #tpu.memory_space<vmem>>
    %dma_wait3A_77 = tpu.memref_squeeze %dma_wait3A_76 : memref<1x1024x16xf32, #tpu.memory_space<vmem>> -> memref<1024x16xf32, #tpu.memory_space<vmem>>
    %dma_wait3A_78 = arith.constant 0 : i32
    %dma_wait3A_79 = arith.constant 0 : i32
    %dma_wait3A_80 = tpu.memref_slice %arg6[%dma_wait3A_78, %dma_wait3A_79] : memref<1048576x16xf32, #tpu.memory_space<hbm>> -> memref<1024x16xf32, #tpu.memory_space<hbm>>
    %dma_wait3A_81 = tpu.memref_slice %arg11[%dma_wait3A_73] : memref<2x!tpu.dma_semaphore, #tpu.memory_space<semaphore_mem>> -> memref<1x!tpu.dma_semaphore, #tpu.memory_space<semaphore_mem>>
    %dma_wait3A_82 = tpu.memref_squeeze %dma_wait3A_81 : memref<1x!tpu.dma_semaphore, #tpu.memory_space<semaphore_mem>> -> memref<!tpu.dma_semaphore, #tpu.memory_space<semaphore_mem>>
    %dma_wait3A_83 = arith.constant 0 : i32
    %dma_wait3A_84 = arith.constant 0 : i32
    %dma_wait3A_85 = tpu.memref_slice %arg6[%dma_wait3A_83, %dma_wait3A_84] : memref<1048576x16xf32, #tpu.memory_space<hbm>> -> memref<1024x16xf32, #tpu.memory_space<hbm>>
    %dma_wait3A_86 = arith.constant 0 : i32
    %dma_wait3A_87 = arith.constant 0 : i32
    %dma_wait3A_88 = tpu.memref_slice %arg9[%dma_wait3A_72, %dma_wait3A_86, %dma_wait3A_87] : memref<2x1024x16xf32, #tpu.memory_space<vmem>> -> memref<1x1024x16xf32, #tpu.memory_space<vmem>>
    %dma_wait3A_89 = tpu.memref_squeeze %dma_wait3A_88 : memref<1x1024x16xf32, #tpu.memory_space<vmem>> -> memref<1024x16xf32, #tpu.memory_space<vmem>>
    tpu.wait_dma2 semaphore(%dma_wait3A_82 : memref<!tpu.dma_semaphore, #tpu.memory_space<semaphore_mem>>) src(%dma_wait3A_89 : memref<1024x16xf32, #tpu.memory_space<vmem>>) dst(%dma_wait3A_85 : memref<1024x16xf32, #tpu.memory_space<hbm>>)
    %scan3A_90 = arith.constant 0 : i32
    %scan3A_91 = arith.constant 0 : i32
    %scan3A_92 = arith.constant 33 : i32
    %scan3A_93 = arith.addi %scan3A_91, %scan3A_92 : i32
    %scan3A_94 = arith.constant 1 : i32
    scf.for %scan3A_132 = %scan3A_91 to %scan3A_93 step %scan3A_94  : i32 {
      %and3A_133 = arith.constant 1 : i32
      %and3A_134 = arith.andi %scan3A_132, %and3A_133 : i32
      %lt3A = arith.constant 32 : i32
      %lt3A_135 = arith.cmpi slt, %scan3A_132, %lt3A : i32
      %convert_element_type3A = arith.extui %lt3A_135 : i1 to i32
      %cond3A = arith.constant 0 : i32
      %cond3A_136 = arith.cmpi ne, %convert_element_type3A, %cond3A : i32
      scf.if %cond3A_136 {
        %mul3A_141 = arith.constant 2048 : i32
        %mul3A_142 = arith.muli %add3A, %mul3A_141 : i32
        %mul3A_143 = arith.constant 64 : i32
        %mul3A_144 = arith.muli %scan3A_132, %mul3A_143 : i32
        %add3A_145 = arith.addi %mul3A_142, %mul3A_144 : i32
        %mul3A_146 = arith.constant 16 : i32
        %mul3A_147 = arith.muli %add3A_145, %mul3A_146 : i32
        %dma_start3A = arith.constant 0 : i32
        %dma_start3A_148 = arith.constant 0 : i32
        %dma_start3A_149 = tpu.memref_slice %arg8[%and3A_134, %dma_start3A, %dma_start3A_148] : memref<2x1024x16xf32, #tpu.memory_space<vmem>> -> memref<1x1024x16xf32, #tpu.memory_space<vmem>>
        %dma_start3A_150 = tpu.memref_squeeze %dma_start3A_149 : memref<1x1024x16xf32, #tpu.memory_space<vmem>> -> memref<1024x16xf32, #tpu.memory_space<vmem>>
        %dma_start3A_151 = arith.constant 0 : i32
        %dma_start3A_152 = tpu.memref_slice %arg4[%mul3A_147, %dma_start3A_151] : memref<1048576x16xf32, #tpu.memory_space<hbm>> -> memref<1024x16xf32, #tpu.memory_space<hbm>>
        %dma_start3A_153 = tpu.memref_slice %arg10[%and3A_134] : memref<2x!tpu.dma_semaphore, #tpu.memory_space<semaphore_mem>> -> memref<1x!tpu.dma_semaphore, #tpu.memory_space<semaphore_mem>>
        %dma_start3A_154 = tpu.memref_squeeze %dma_start3A_153 : memref<1x!tpu.dma_semaphore, #tpu.memory_space<semaphore_mem>> -> memref<!tpu.dma_semaphore, #tpu.memory_space<semaphore_mem>>
        %dma_start3A_155 = arith.constant 0 : i32
        %dma_start3A_156 = arith.constant 0 : i32
        %dma_start3A_157 = tpu.memref_slice %arg8[%and3A_134, %dma_start3A_155, %dma_start3A_156] : memref<2x1024x16xf32, #tpu.memory_space<vmem>> -> memref<1x1024x16xf32, #tpu.memory_space<vmem>>
        %dma_start3A_158 = tpu.memref_squeeze %dma_start3A_157 : memref<1x1024x16xf32, #tpu.memory_space<vmem>> -> memref<1024x16xf32, #tpu.memory_space<vmem>>
        %dma_start3A_159 = arith.constant 0 : i32
        %dma_start3A_160 = tpu.memref_slice %arg4[%mul3A_147, %dma_start3A_159] : memref<1048576x16xf32, #tpu.memory_space<hbm>> -> memref<1024x16xf32, #tpu.memory_space<hbm>>
        tpu.enqueue_dma source(%dma_start3A_160 : memref<1024x16xf32, #tpu.memory_space<hbm>>) target(%dma_start3A_158 : memref<1024x16xf32, #tpu.memory_space<vmem>>) target_semaphore(%dma_start3A_154 : memref<!tpu.dma_semaphore, #tpu.memory_space<semaphore_mem>>)
      } else {
      }
      %gt3A = arith.constant 0 : i32
      %gt3A_137 = arith.cmpi sgt, %scan3A_132, %gt3A : i32
      %convert_element_type3A_138 = arith.extui %gt3A_137 : i1 to i32
      %cond3A_139 = arith.constant 0 : i32
      %cond3A_140 = arith.cmpi ne, %convert_element_type3A_138, %cond3A_139 : i32
      scf.if %cond3A_140 {
        %sub3A = arith.constant 1 : i32
        %sub3A_141 = arith.subi %sub3A, %and3A_134 : i32
        %gt3A_142 = arith.constant 2 : i32
        %gt3A_143 = arith.cmpi sgt, %scan3A_132, %gt3A_142 : i32
        %convert_element_type3A_144 = arith.extui %gt3A_143 : i1 to i32
        %cond3A_145 = arith.constant 0 : i32
        %cond3A_146 = arith.cmpi ne, %convert_element_type3A_144, %cond3A_145 : i32
        scf.if %cond3A_146 {
          %dma_wait3A_191 = arith.constant 0 : i32
          %dma_wait3A_192 = arith.constant 0 : i32
          %dma_wait3A_193 = tpu.memref_slice %arg9[%sub3A_141, %dma_wait3A_191, %dma_wait3A_192] : memref<2x1024x16xf32, #tpu.memory_space<vmem>> -> memref<1x1024x16xf32, #tpu.memory_space<vmem>>
          %dma_wait3A_194 = tpu.memref_squeeze %dma_wait3A_193 : memref<1x1024x16xf32, #tpu.memory_space<vmem>> -> memref<1024x16xf32, #tpu.memory_space<vmem>>
          %dma_wait3A_195 = arith.constant 0 : i32
          %dma_wait3A_196 = arith.constant 0 : i32
          %dma_wait3A_197 = tpu.memref_slice %arg7[%dma_wait3A_195, %dma_wait3A_196] : memref<1048576x16xf32, #tpu.memory_space<hbm>> -> memref<1024x16xf32, #tpu.memory_space<hbm>>
          %dma_wait3A_198 = tpu.memref_slice %arg11[%sub3A_141] : memref<2x!tpu.dma_semaphore, #tpu.memory_space<semaphore_mem>> -> memref<1x!tpu.dma_semaphore, #tpu.memory_space<semaphore_mem>>
          %dma_wait3A_199 = tpu.memref_squeeze %dma_wait3A_198 : memref<1x!tpu.dma_semaphore, #tpu.memory_space<semaphore_mem>> -> memref<!tpu.dma_semaphore, #tpu.memory_space<semaphore_mem>>
          %dma_wait3A_200 = arith.constant 0 : i32
          %dma_wait3A_201 = arith.constant 0 : i32
          %dma_wait3A_202 = tpu.memref_slice %arg7[%dma_wait3A_200, %dma_wait3A_201] : memref<1048576x16xf32, #tpu.memory_space<hbm>> -> memref<1024x16xf32, #tpu.memory_space<hbm>>
          %dma_wait3A_203 = arith.constant 0 : i32
          %dma_wait3A_204 = arith.constant 0 : i32
          %dma_wait3A_205 = tpu.memref_slice %arg9[%sub3A_141, %dma_wait3A_203, %dma_wait3A_204] : memref<2x1024x16xf32, #tpu.memory_space<vmem>> -> memref<1x1024x16xf32, #tpu.memory_space<vmem>>
          %dma_wait3A_206 = tpu.memref_squeeze %dma_wait3A_205 : memref<1x1024x16xf32, #tpu.memory_space<vmem>> -> memref<1024x16xf32, #tpu.memory_space<vmem>>
          tpu.wait_dma2 semaphore(%dma_wait3A_199 : memref<!tpu.dma_semaphore, #tpu.memory_space<semaphore_mem>>) src(%dma_wait3A_206 : memref<1024x16xf32, #tpu.memory_space<vmem>>) dst(%dma_wait3A_202 : memref<1024x16xf32, #tpu.memory_space<hbm>>)
        } else {
        }
        %dma_wait3A_147 = arith.constant 0 : i32
        %dma_wait3A_148 = arith.constant 0 : i32
        %dma_wait3A_149 = tpu.memref_slice %arg8[%sub3A_141, %dma_wait3A_147, %dma_wait3A_148] : memref<2x1024x16xf32, #tpu.memory_space<vmem>> -> memref<1x1024x16xf32, #tpu.memory_space<vmem>>
        %dma_wait3A_150 = tpu.memref_squeeze %dma_wait3A_149 : memref<1x1024x16xf32, #tpu.memory_space<vmem>> -> memref<1024x16xf32, #tpu.memory_space<vmem>>
        %dma_wait3A_151 = arith.constant 0 : i32
        %dma_wait3A_152 = arith.constant 0 : i32
        %dma_wait3A_153 = tpu.memref_slice %arg4[%dma_wait3A_151, %dma_wait3A_152] : memref<1048576x16xf32, #tpu.memory_space<hbm>> -> memref<1024x16xf32, #tpu.memory_space<hbm>>
        %dma_wait3A_154 = tpu.memref_slice %arg10[%sub3A_141] : memref<2x!tpu.dma_semaphore, #tpu.memory_space<semaphore_mem>> -> memref<1x!tpu.dma_semaphore, #tpu.memory_space<semaphore_mem>>
        %dma_wait3A_155 = tpu.memref_squeeze %dma_wait3A_154 : memref<1x!tpu.dma_semaphore, #tpu.memory_space<semaphore_mem>> -> memref<!tpu.dma_semaphore, #tpu.memory_space<semaphore_mem>>
        %dma_wait3A_156 = arith.constant 0 : i32
        %dma_wait3A_157 = arith.constant 0 : i32
        %dma_wait3A_158 = tpu.memref_slice %arg8[%sub3A_141, %dma_wait3A_156, %dma_wait3A_157] : memref<2x1024x16xf32, #tpu.memory_space<vmem>> -> memref<1x1024x16xf32, #tpu.memory_space<vmem>>
        %dma_wait3A_159 = tpu.memref_squeeze %dma_wait3A_158 : memref<1x1024x16xf32, #tpu.memory_space<vmem>> -> memref<1024x16xf32, #tpu.memory_space<vmem>>
        %dma_wait3A_160 = arith.constant 0 : i32
        %dma_wait3A_161 = arith.constant 0 : i32
        %dma_wait3A_162 = tpu.memref_slice %arg4[%dma_wait3A_160, %dma_wait3A_161] : memref<1048576x16xf32, #tpu.memory_space<hbm>> -> memref<1024x16xf32, #tpu.memory_space<hbm>>
        tpu.wait_dma2 semaphore(%dma_wait3A_155 : memref<!tpu.dma_semaphore, #tpu.memory_space<semaphore_mem>>) src(%dma_wait3A_162 : memref<1024x16xf32, #tpu.memory_space<hbm>>) dst(%dma_wait3A_159 : memref<1024x16xf32, #tpu.memory_space<vmem>>)
        %scan3A_163 = arith.constant 0 : i32
        %scan3A_164 = arith.constant 0 : i32
        %scan3A_165 = arith.constant 64 : i32
        %scan3A_166 = arith.addi %scan3A_164, %scan3A_165 : i32
        %scan3A_167 = arith.constant 1 : i32
        scf.for %scan3A_191 = %scan3A_164 to %scan3A_166 step %scan3A_167  : i32 {
          %broadcast_in_dim3A = vector.broadcast %sub3A_141 : i32 to vector<16xi32>
          %mul3A_192 = arith.constant 16 : i32
          %mul3A_193 = arith.muli %scan3A_191, %mul3A_192 : i32
          %add3A_194 = arith.constant 0 : i32
          %add3A_195 = arith.addi %mul3A_193, %add3A_194 : i32
          %add3A_196 = vector.broadcast %add3A_195 : i32 to vector<16xi32>
          %add3A_197 = arith.addi %add3A_196, %mul3A_7 : vector<16xi32>
          %add3A_198 = arith.constant 0 : i32
          %add3A_199 = vector.broadcast %add3A_198 : i32 to vector<16xi32>
          %add3A_200 = arith.addi %add3A_199, %shift_right_arithmetic3A_2 : vector<16xi32>
          %gather3A = tpu.vector_load_idx %arg8[%broadcast_in_dim3A, %add3A_197, %add3A_200] : memref<2x1024x16xf32, #tpu.memory_space<vmem>>[vector<16xi32>, vector<16xi32>, vector<16xi32>], vector<16xf32>,
          %mul3A_201 = arith.constant 16 : i32
          %mul3A_202 = arith.muli %scan3A_191, %mul3A_201 : i32
          %add3A_203 = arith.constant 0 : i32
          %add3A_204 = arith.addi %mul3A_202, %add3A_203 : i32
          %swap3A = arith.index_cast %sub3A_141 : i32 to index
          %swap3A_205 = arith.index_cast %add3A_204 : i32 to index
          %swap3A_206 = arith.constant 0 : index
          %swap3A_207 = tpu.vector_load %arg9[%swap3A, %swap3A_205, %swap3A_206] {strides = array<i32>} : memref<2x1024x16xf32, #tpu.memory_space<vmem>>, vector<16xf32>,
          tpu.vector_store %arg9[%swap3A, %swap3A_205, %swap3A_206], %gather3A {strides = array<i32>} : memref<2x1024x16xf32, #tpu.memory_space<vmem>>, vector<16xf32>,
          %broadcast_in_dim3A_208 = vector.broadcast %sub3A_141 : i32 to vector<16xi32>
          %mul3A_209 = arith.constant 16 : i32
          %mul3A_210 = arith.muli %scan3A_191, %mul3A_209 : i32
          %add3A_211 = arith.constant 0 : i32
          %add3A_212 = arith.addi %mul3A_210, %add3A_211 : i32
          %add3A_213 = vector.broadcast %add3A_212 : i32 to vector<16xi32>
          %add3A_214 = arith.addi %add3A_213, %mul3A_7 : vector<16xi32>
          %add3A_215 = arith.constant 8 : i32
          %add3A_216 = vector.broadcast %add3A_215 : i32 to vector<16xi32>
          %add3A_217 = arith.addi %add3A_216, %shift_right_arithmetic3A_2 : vector<16xi32>
          %gather3A_218 = tpu.vector_load_idx %arg8[%broadcast_in_dim3A_208, %add3A_214, %add3A_217] : memref<2x1024x16xf32, #tpu.memory_space<vmem>>[vector<16xi32>, vector<16xi32>, vector<16xi32>], vector<16xf32>,
          %mul3A_219 = arith.constant 16 : i32
          %mul3A_220 = arith.muli %scan3A_191, %mul3A_219 : i32
          %add3A_221 = arith.constant 1 : i32
          %add3A_222 = arith.addi %mul3A_220, %add3A_221 : i32
          %swap3A_223 = arith.index_cast %sub3A_141 : i32 to index
          %swap3A_224 = arith.index_cast %add3A_222 : i32 to index
          %swap3A_225 = arith.constant 0 : index
          %swap3A_226 = tpu.vector_load %arg9[%swap3A_223, %swap3A_224, %swap3A_225] {strides = array<i32>} : memref<2x1024x16xf32, #tpu.memory_space<vmem>>, vector<16xf32>,
          tpu.vector_store %arg9[%swap3A_223, %swap3A_224, %swap3A_225], %gather3A_218 {strides = array<i32>} : memref<2x1024x16xf32, #tpu.memory_space<vmem>>, vector<16xf32>,
          %broadcast_in_dim3A_227 = vector.broadcast %sub3A_141 : i32 to vector<16xi32>
          %mul3A_228 = arith.constant 16 : i32
          %mul3A_229 = arith.muli %scan3A_191, %mul3A_228 : i32
          %add3A_230 = arith.constant 1 : i32
          %add3A_231 = arith.addi %mul3A_229, %add3A_230 : i32
          %add3A_232 = vector.broadcast %add3A_231 : i32 to vector<16xi32>
          %add3A_233 = arith.addi %add3A_232, %mul3A_7 : vector<16xi32>
          %add3A_234 = arith.constant 0 : i32
          %add3A_235 = vector.broadcast %add3A_234 : i32 to vector<16xi32>
          %add3A_236 = arith.addi %add3A_235, %shift_right_arithmetic3A_2 : vector<16xi32>
          %gather3A_237 = tpu.vector_load_idx %arg8[%broadcast_in_dim3A_227, %add3A_233, %add3A_236] : memref<2x1024x16xf32, #tpu.memory_space<vmem>>[vector<16xi32>, vector<16xi32>, vector<16xi32>], vector<16xf32>,
          %mul3A_238 = arith.constant 16 : i32
          %mul3A_239 = arith.muli %scan3A_191, %mul3A_238 : i32
          %add3A_240 = arith.constant 2 : i32
          %add3A_241 = arith.addi %mul3A_239, %add3A_240 : i32
          %swap3A_242 = arith.index_cast %sub3A_141 : i32 to index
          %swap3A_243 = arith.index_cast %add3A_241 : i32 to index
          %swap3A_244 = arith.constant 0 : index
          %swap3A_245 = tpu.vector_load %arg9[%swap3A_242, %swap3A_243, %swap3A_244] {strides = array<i32>} : memref<2x1024x16xf32, #tpu.memory_space<vmem>>, vector<16xf32>,
          tpu.vector_store %arg9[%swap3A_242, %swap3A_243, %swap3A_244], %gather3A_237 {strides = array<i32>} : memref<2x1024x16xf32, #tpu.memory_space<vmem>>, vector<16xf32>,
          %broadcast_in_dim3A_246 = vector.broadcast %sub3A_141 : i32 to vector<16xi32>
          %mul3A_247 = arith.constant 16 : i32
          %mul3A_248 = arith.muli %scan3A_191, %mul3A_247 : i32
          %add3A_249 = arith.constant 1 : i32
          %add3A_250 = arith.addi %mul3A_248, %add3A_249 : i32
          %add3A_251 = vector.broadcast %add3A_250 : i32 to vector<16xi32>
          %add3A_252 = arith.addi %add3A_251, %mul3A_7 : vector<16xi32>
          %add3A_253 = arith.constant 8 : i32
          %add3A_254 = vector.broadcast %add3A_253 : i32 to vector<16xi32>
          %add3A_255 = arith.addi %add3A_254, %shift_right_arithmetic3A_2 : vector<16xi32>
          %gather3A_256 = tpu.vector_load_idx %arg8[%broadcast_in_dim3A_246, %add3A_252, %add3A_255] : memref<2x1024x16xf32, #tpu.memory_space<vmem>>[vector<16xi32>, vector<16xi32>, vector<16xi32>], vector<16xf32>,
          %mul3A_257 = arith.constant 16 : i32
          %mul3A_258 = arith.muli %scan3A_191, %mul3A_257 : i32
          %add3A_259 = arith.constant 3 : i32
          %add3A_260 = arith.addi %mul3A_258, %add3A_259 : i32
          %swap3A_261 = arith.index_cast %sub3A_141 : i32 to index
          %swap3A_262 = arith.index_cast %add3A_260 : i32 to index
          %swap3A_263 = arith.constant 0 : index
          %swap3A_264 = tpu.vector_load %arg9[%swap3A_261, %swap3A_262, %swap3A_263] {strides = array<i32>} : memref<2x1024x16xf32, #tpu.memory_space<vmem>>, vector<16xf32>,
          tpu.vector_store %arg9[%swap3A_261, %swap3A_262, %swap3A_263], %gather3A_256 {strides = array<i32>} : memref<2x1024x16xf32, #tpu.memory_space<vmem>>, vector<16xf32>,
          %broadcast_in_dim3A_265 = vector.broadcast %sub3A_141 : i32 to vector<16xi32>
          %mul3A_266 = arith.constant 16 : i32
          %mul3A_267 = arith.muli %scan3A_191, %mul3A_266 : i32
          %add3A_268 = arith.constant 2 : i32
          %add3A_269 = arith.addi %mul3A_267, %add3A_268 : i32
          %add3A_270 = vector.broadcast %add3A_269 : i32 to vector<16xi32>
          %add3A_271 = arith.addi %add3A_270, %mul3A_7 : vector<16xi32>
          %add3A_272 = arith.constant 0 : i32
          %add3A_273 = vector.broadcast %add3A_272 : i32 to vector<16xi32>
          %add3A_274 = arith.addi %add3A_273, %shift_right_arithmetic3A_2 : vector<16xi32>
          %gather3A_275 = tpu.vector_load_idx %arg8[%broadcast_in_dim3A_265, %add3A_271, %add3A_274] : memref<2x1024x16xf32, #tpu.memory_space<vmem>>[vector<16xi32>, vector<16xi32>, vector<16xi32>], vector<16xf32>,
          %mul3A_276 = arith.constant 16 : i32
          %mul3A_277 = arith.muli %scan3A_191, %mul3A_276 : i32
          %add3A_278 = arith.constant 4 : i32
          %add3A_279 = arith.addi %mul3A_277, %add3A_278 : i32
          %swap3A_280 = arith.index_cast %sub3A_141 : i32 to index
          %swap3A_281 = arith.index_cast %add3A_279 : i32 to index
          %swap3A_282 = arith.constant 0 : index
          %swap3A_283 = tpu.vector_load %arg9[%swap3A_280, %swap3A_281, %swap3A_282] {strides = array<i32>} : memref<2x1024x16xf32, #tpu.memory_space<vmem>>, vector<16xf32>,
          tpu.vector_store %arg9[%swap3A_280, %swap3A_281, %swap3A_282], %gather3A_275 {strides = array<i32>} : memref<2x1024x16xf32, #tpu.memory_space<vmem>>, vector<16xf32>,
          %broadcast_in_dim3A_284 = vector.broadcast %sub3A_141 : i32 to vector<16xi32>
          %mul3A_285 = arith.constant 16 : i32
          %mul3A_286 = arith.muli %scan3A_191, %mul3A_285 : i32
          %add3A_287 = arith.constant 2 : i32
          %add3A_288 = arith.addi %mul3A_286, %add3A_287 : i32
          %add3A_289 = vector.broadcast %add3A_288 : i32 to vector<16xi32>
          %add3A_290 = arith.addi %add3A_289, %mul3A_7 : vector<16xi32>
          %add3A_291 = arith.constant 8 : i32
          %add3A_292 = vector.broadcast %add3A_291 : i32 to vector<16xi32>
          %add3A_293 = arith.addi %add3A_292, %shift_right_arithmetic3A_2 : vector<16xi32>
          %gather3A_294 = tpu.vector_load_idx %arg8[%broadcast_in_dim3A_284, %add3A_290, %add3A_293] : memref<2x1024x16xf32, #tpu.memory_space<vmem>>[vector<16xi32>, vector<16xi32>, vector<16xi32>], vector<16xf32>,
          %mul3A_295 = arith.constant 16 : i32
          %mul3A_296 = arith.muli %scan3A_191, %mul3A_295 : i32
          %add3A_297 = arith.constant 5 : i32
          %add3A_298 = arith.addi %mul3A_296, %add3A_297 : i32
          %swap3A_299 = arith.index_cast %sub3A_141 : i32 to index
          %swap3A_300 = arith.index_cast %add3A_298 : i32 to index
          %swap3A_301 = arith.constant 0 : index
          %swap3A_302 = tpu.vector_load %arg9[%swap3A_299, %swap3A_300, %swap3A_301] {strides = array<i32>} : memref<2x1024x16xf32, #tpu.memory_space<vmem>>, vector<16xf32>,
          tpu.vector_store %arg9[%swap3A_299, %swap3A_300, %swap3A_301], %gather3A_294 {strides = array<i32>} : memref<2x1024x16xf32, #tpu.memory_space<vmem>>, vector<16xf32>,
          %broadcast_in_dim3A_303 = vector.broadcast %sub3A_141 : i32 to vector<16xi32>
          %mul3A_304 = arith.constant 16 : i32
          %mul3A_305 = arith.muli %scan3A_191, %mul3A_304 : i32
          %add3A_306 = arith.constant 3 : i32
          %add3A_307 = arith.addi %mul3A_305, %add3A_306 : i32
          %add3A_308 = vector.broadcast %add3A_307 : i32 to vector<16xi32>
          %add3A_309 = arith.addi %add3A_308, %mul3A_7 : vector<16xi32>
          %add3A_310 = arith.constant 0 : i32
          %add3A_311 = vector.broadcast %add3A_310 : i32 to vector<16xi32>
          %add3A_312 = arith.addi %add3A_311, %shift_right_arithmetic3A_2 : vector<16xi32>
          %gather3A_313 = tpu.vector_load_idx %arg8[%broadcast_in_dim3A_303, %add3A_309, %add3A_312] : memref<2x1024x16xf32, #tpu.memory_space<vmem>>[vector<16xi32>, vector<16xi32>, vector<16xi32>], vector<16xf32>,
          %mul3A_314 = arith.constant 16 : i32
          %mul3A_315 = arith.muli %scan3A_191, %mul3A_314 : i32
          %add3A_316 = arith.constant 6 : i32
          %add3A_317 = arith.addi %mul3A_315, %add3A_316 : i32
          %swap3A_318 = arith.index_cast %sub3A_141 : i32 to index
          %swap3A_319 = arith.index_cast %add3A_317 : i32 to index
          %swap3A_320 = arith.constant 0 : index
          %swap3A_321 = tpu.vector_load %arg9[%swap3A_318, %swap3A_319, %swap3A_320] {strides = array<i32>} : memref<2x1024x16xf32, #tpu.memory_space<vmem>>, vector<16xf32>,
          tpu.vector_store %arg9[%swap3A_318, %swap3A_319, %swap3A_320], %gather3A_313 {strides = array<i32>} : memref<2x1024x16xf32, #tpu.memory_space<vmem>>, vector<16xf32>,
          %broadcast_in_dim3A_322 = vector.broadcast %sub3A_141 : i32 to vector<16xi32>
          %mul3A_323 = arith.constant 16 : i32
          %mul3A_324 = arith.muli %scan3A_191, %mul3A_323 : i32
          %add3A_325 = arith.constant 3 : i32
          %add3A_326 = arith.addi %mul3A_324, %add3A_325 : i32
          %add3A_327 = vector.broadcast %add3A_326 : i32 to vector<16xi32>
          %add3A_328 = arith.addi %add3A_327, %mul3A_7 : vector<16xi32>
          %add3A_329 = arith.constant 8 : i32
          %add3A_330 = vector.broadcast %add3A_329 : i32 to vector<16xi32>
          %add3A_331 = arith.addi %add3A_330, %shift_right_arithmetic3A_2 : vector<16xi32>
          %gather3A_332 = tpu.vector_load_idx %arg8[%broadcast_in_dim3A_322, %add3A_328, %add3A_331] : memref<2x1024x16xf32, #tpu.memory_space<vmem>>[vector<16xi32>, vector<16xi32>, vector<16xi32>], vector<16xf32>,
          %mul3A_333 = arith.constant 16 : i32
          %mul3A_334 = arith.muli %scan3A_191, %mul3A_333 : i32
          %add3A_335 = arith.constant 7 : i32
          %add3A_336 = arith.addi %mul3A_334, %add3A_335 : i32
          %swap3A_337 = arith.index_cast %sub3A_141 : i32 to index
          %swap3A_338 = arith.index_cast %add3A_336 : i32 to index
          %swap3A_339 = arith.constant 0 : index
          %swap3A_340 = tpu.vector_load %arg9[%swap3A_337, %swap3A_338, %swap3A_339] {strides = array<i32>} : memref<2x1024x16xf32, #tpu.memory_space<vmem>>, vector<16xf32>,
          tpu.vector_store %arg9[%swap3A_337, %swap3A_338, %swap3A_339], %gather3A_332 {strides = array<i32>} : memref<2x1024x16xf32, #tpu.memory_space<vmem>>, vector<16xf32>,
          %broadcast_in_dim3A_341 = vector.broadcast %sub3A_141 : i32 to vector<16xi32>
          %mul3A_342 = arith.constant 16 : i32
          %mul3A_343 = arith.muli %scan3A_191, %mul3A_342 : i32
          %add3A_344 = arith.constant 4 : i32
          %add3A_345 = arith.addi %mul3A_343, %add3A_344 : i32
          %add3A_346 = vector.broadcast %add3A_345 : i32 to vector<16xi32>
          %add3A_347 = arith.addi %add3A_346, %mul3A_7 : vector<16xi32>
          %add3A_348 = arith.constant 0 : i32
          %add3A_349 = vector.broadcast %add3A_348 : i32 to vector<16xi32>
          %add3A_350 = arith.addi %add3A_349, %shift_right_arithmetic3A_2 : vector<16xi32>
          %gather3A_351 = tpu.vector_load_idx %arg8[%broadcast_in_dim3A_341, %add3A_347, %add3A_350] : memref<2x1024x16xf32, #tpu.memory_space<vmem>>[vector<16xi32>, vector<16xi32>, vector<16xi32>], vector<16xf32>,
          %mul3A_352 = arith.constant 16 : i32
          %mul3A_353 = arith.muli %scan3A_191, %mul3A_352 : i32
          %add3A_354 = arith.constant 8 : i32
          %add3A_355 = arith.addi %mul3A_353, %add3A_354 : i32
          %swap3A_356 = arith.index_cast %sub3A_141 : i32 to index
          %swap3A_357 = arith.index_cast %add3A_355 : i32 to index
          %swap3A_358 = arith.constant 0 : index
          %swap3A_359 = tpu.vector_load %arg9[%swap3A_356, %swap3A_357, %swap3A_358] {strides = array<i32>} : memref<2x1024x16xf32, #tpu.memory_space<vmem>>, vector<16xf32>,
          tpu.vector_store %arg9[%swap3A_356, %swap3A_357, %swap3A_358], %gather3A_351 {strides = array<i32>} : memref<2x1024x16xf32, #tpu.memory_space<vmem>>, vector<16xf32>,
          %broadcast_in_dim3A_360 = vector.broadcast %sub3A_141 : i32 to vector<16xi32>
          %mul3A_361 = arith.constant 16 : i32
          %mul3A_362 = arith.muli %scan3A_191, %mul3A_361 : i32
          %add3A_363 = arith.constant 4 : i32
          %add3A_364 = arith.addi %mul3A_362, %add3A_363 : i32
          %add3A_365 = vector.broadcast %add3A_364 : i32 to vector<16xi32>
          %add3A_366 = arith.addi %add3A_365, %mul3A_7 : vector<16xi32>
          %add3A_367 = arith.constant 8 : i32
          %add3A_368 = vector.broadcast %add3A_367 : i32 to vector<16xi32>
          %add3A_369 = arith.addi %add3A_368, %shift_right_arithmetic3A_2 : vector<16xi32>
          %gather3A_370 = tpu.vector_load_idx %arg8[%broadcast_in_dim3A_360, %add3A_366, %add3A_369] : memref<2x1024x16xf32, #tpu.memory_space<vmem>>[vector<16xi32>, vector<16xi32>, vector<16xi32>], vector<16xf32>,
          %mul3A_371 = arith.constant 16 : i32
          %mul3A_372 = arith.muli %scan3A_191, %mul3A_371 : i32
          %add3A_373 = arith.constant 9 : i32
          %add3A_374 = arith.addi %mul3A_372, %add3A_373 : i32
          %swap3A_375 = arith.index_cast %sub3A_141 : i32 to index
          %swap3A_376 = arith.index_cast %add3A_374 : i32 to index
          %swap3A_377 = arith.constant 0 : index
          %swap3A_378 = tpu.vector_load %arg9[%swap3A_375, %swap3A_376, %swap3A_377] {strides = array<i32>} : memref<2x1024x16xf32, #tpu.memory_space<vmem>>, vector<16xf32>,
          tpu.vector_store %arg9[%swap3A_375, %swap3A_376, %swap3A_377], %gather3A_370 {strides = array<i32>} : memref<2x1024x16xf32, #tpu.memory_space<vmem>>, vector<16xf32>,
          %broadcast_in_dim3A_379 = vector.broadcast %sub3A_141 : i32 to vector<16xi32>
          %mul3A_380 = arith.constant 16 : i32
          %mul3A_381 = arith.muli %scan3A_191, %mul3A_380 : i32
          %add3A_382 = arith.constant 5 : i32
          %add3A_383 = arith.addi %mul3A_381, %add3A_382 : i32
          %add3A_384 = vector.broadcast %add3A_383 : i32 to vector<16xi32>
          %add3A_385 = arith.addi %add3A_384, %mul3A_7 : vector<16xi32>
          %add3A_386 = arith.constant 0 : i32
          %add3A_387 = vector.broadcast %add3A_386 : i32 to vector<16xi32>
          %add3A_388 = arith.addi %add3A_387, %shift_right_arithmetic3A_2 : vector<16xi32>
          %gather3A_389 = tpu.vector_load_idx %arg8[%broadcast_in_dim3A_379, %add3A_385, %add3A_388] : memref<2x1024x16xf32, #tpu.memory_space<vmem>>[vector<16xi32>, vector<16xi32>, vector<16xi32>], vector<16xf32>,
          %mul3A_390 = arith.constant 16 : i32
          %mul3A_391 = arith.muli %scan3A_191, %mul3A_390 : i32
          %add3A_392 = arith.constant 10 : i32
          %add3A_393 = arith.addi %mul3A_391, %add3A_392 : i32
          %swap3A_394 = arith.index_cast %sub3A_141 : i32 to index
          %swap3A_395 = arith.index_cast %add3A_393 : i32 to index
          %swap3A_396 = arith.constant 0 : index
          %swap3A_397 = tpu.vector_load %arg9[%swap3A_394, %swap3A_395, %swap3A_396] {strides = array<i32>} : memref<2x1024x16xf32, #tpu.memory_space<vmem>>, vector<16xf32>,
          tpu.vector_store %arg9[%swap3A_394, %swap3A_395, %swap3A_396], %gather3A_389 {strides = array<i32>} : memref<2x1024x16xf32, #tpu.memory_space<vmem>>, vector<16xf32>,
          %broadcast_in_dim3A_398 = vector.broadcast %sub3A_141 : i32 to vector<16xi32>
          %mul3A_399 = arith.constant 16 : i32
          %mul3A_400 = arith.muli %scan3A_191, %mul3A_399 : i32
          %add3A_401 = arith.constant 5 : i32
          %add3A_402 = arith.addi %mul3A_400, %add3A_401 : i32
          %add3A_403 = vector.broadcast %add3A_402 : i32 to vector<16xi32>
          %add3A_404 = arith.addi %add3A_403, %mul3A_7 : vector<16xi32>
          %add3A_405 = arith.constant 8 : i32
          %add3A_406 = vector.broadcast %add3A_405 : i32 to vector<16xi32>
          %add3A_407 = arith.addi %add3A_406, %shift_right_arithmetic3A_2 : vector<16xi32>
          %gather3A_408 = tpu.vector_load_idx %arg8[%broadcast_in_dim3A_398, %add3A_404, %add3A_407] : memref<2x1024x16xf32, #tpu.memory_space<vmem>>[vector<16xi32>, vector<16xi32>, vector<16xi32>], vector<16xf32>,
          %mul3A_409 = arith.constant 16 : i32
          %mul3A_410 = arith.muli %scan3A_191, %mul3A_409 : i32
          %add3A_411 = arith.constant 11 : i32
          %add3A_412 = arith.addi %mul3A_410, %add3A_411 : i32
          %swap3A_413 = arith.index_cast %sub3A_141 : i32 to index
          %swap3A_414 = arith.index_cast %add3A_412 : i32 to index
          %swap3A_415 = arith.constant 0 : index
          %swap3A_416 = tpu.vector_load %arg9[%swap3A_413, %swap3A_414, %swap3A_415] {strides = array<i32>} : memref<2x1024x16xf32, #tpu.memory_space<vmem>>, vector<16xf32>,
          tpu.vector_store %arg9[%swap3A_413, %swap3A_414, %swap3A_415], %gather3A_408 {strides = array<i32>} : memref<2x1024x16xf32, #tpu.memory_space<vmem>>, vector<16xf32>,
          %broadcast_in_dim3A_417 = vector.broadcast %sub3A_141 : i32 to vector<16xi32>
          %mul3A_418 = arith.constant 16 : i32
          %mul3A_419 = arith.muli %scan3A_191, %mul3A_418 : i32
          %add3A_420 = arith.constant 6 : i32
          %add3A_421 = arith.addi %mul3A_419, %add3A_420 : i32
          %add3A_422 = vector.broadcast %add3A_421 : i32 to vector<16xi32>
          %add3A_423 = arith.addi %add3A_422, %mul3A_7 : vector<16xi32>
          %add3A_424 = arith.constant 0 : i32
          %add3A_425 = vector.broadcast %add3A_424 : i32 to vector<16xi32>
          %add3A_426 = arith.addi %add3A_425, %shift_right_arithmetic3A_2 : vector<16xi32>
          %gather3A_427 = tpu.vector_load_idx %arg8[%broadcast_in_dim3A_417, %add3A_423, %add3A_426] : memref<2x1024x16xf32, #tpu.memory_space<vmem>>[vector<16xi32>, vector<16xi32>, vector<16xi32>], vector<16xf32>,
          %mul3A_428 = arith.constant 16 : i32
          %mul3A_429 = arith.muli %scan3A_191, %mul3A_428 : i32
          %add3A_430 = arith.constant 12 : i32
          %add3A_431 = arith.addi %mul3A_429, %add3A_430 : i32
          %swap3A_432 = arith.index_cast %sub3A_141 : i32 to index
          %swap3A_433 = arith.index_cast %add3A_431 : i32 to index
          %swap3A_434 = arith.constant 0 : index
          %swap3A_435 = tpu.vector_load %arg9[%swap3A_432, %swap3A_433, %swap3A_434] {strides = array<i32>} : memref<2x1024x16xf32, #tpu.memory_space<vmem>>, vector<16xf32>,
          tpu.vector_store %arg9[%swap3A_432, %swap3A_433, %swap3A_434], %gather3A_427 {strides = array<i32>} : memref<2x1024x16xf32, #tpu.memory_space<vmem>>, vector<16xf32>,
          %broadcast_in_dim3A_436 = vector.broadcast %sub3A_141 : i32 to vector<16xi32>
          %mul3A_437 = arith.constant 16 : i32
          %mul3A_438 = arith.muli %scan3A_191, %mul3A_437 : i32
          %add3A_439 = arith.constant 6 : i32
          %add3A_440 = arith.addi %mul3A_438, %add3A_439 : i32
          %add3A_441 = vector.broadcast %add3A_440 : i32 to vector<16xi32>
          %add3A_442 = arith.addi %add3A_441, %mul3A_7 : vector<16xi32>
          %add3A_443 = arith.constant 8 : i32
          %add3A_444 = vector.broadcast %add3A_443 : i32 to vector<16xi32>
          %add3A_445 = arith.addi %add3A_444, %shift_right_arithmetic3A_2 : vector<16xi32>
          %gather3A_446 = tpu.vector_load_idx %arg8[%broadcast_in_dim3A_436, %add3A_442, %add3A_445] : memref<2x1024x16xf32, #tpu.memory_space<vmem>>[vector<16xi32>, vector<16xi32>, vector<16xi32>], vector<16xf32>,
          %mul3A_447 = arith.constant 16 : i32
          %mul3A_448 = arith.muli %scan3A_191, %mul3A_447 : i32
          %add3A_449 = arith.constant 13 : i32
          %add3A_450 = arith.addi %mul3A_448, %add3A_449 : i32
          %swap3A_451 = arith.index_cast %sub3A_141 : i32 to index
          %swap3A_452 = arith.index_cast %add3A_450 : i32 to index
          %swap3A_453 = arith.constant 0 : index
          %swap3A_454 = tpu.vector_load %arg9[%swap3A_451, %swap3A_452, %swap3A_453] {strides = array<i32>} : memref<2x1024x16xf32, #tpu.memory_space<vmem>>, vector<16xf32>,
          tpu.vector_store %arg9[%swap3A_451, %swap3A_452, %swap3A_453], %gather3A_446 {strides = array<i32>} : memref<2x1024x16xf32, #tpu.memory_space<vmem>>, vector<16xf32>,
          %broadcast_in_dim3A_455 = vector.broadcast %sub3A_141 : i32 to vector<16xi32>
          %mul3A_456 = arith.constant 16 : i32
          %mul3A_457 = arith.muli %scan3A_191, %mul3A_456 : i32
          %add3A_458 = arith.constant 7 : i32
          %add3A_459 = arith.addi %mul3A_457, %add3A_458 : i32
          %add3A_460 = vector.broadcast %add3A_459 : i32 to vector<16xi32>
          %add3A_461 = arith.addi %add3A_460, %mul3A_7 : vector<16xi32>
          %add3A_462 = arith.constant 0 : i32
          %add3A_463 = vector.broadcast %add3A_462 : i32 to vector<16xi32>
          %add3A_464 = arith.addi %add3A_463, %shift_right_arithmetic3A_2 : vector<16xi32>
          %gather3A_465 = tpu.vector_load_idx %arg8[%broadcast_in_dim3A_455, %add3A_461, %add3A_464] : memref<2x1024x16xf32, #tpu.memory_space<vmem>>[vector<16xi32>, vector<16xi32>, vector<16xi32>], vector<16xf32>,
          %mul3A_466 = arith.constant 16 : i32
          %mul3A_467 = arith.muli %scan3A_191, %mul3A_466 : i32
          %add3A_468 = arith.constant 14 : i32
          %add3A_469 = arith.addi %mul3A_467, %add3A_468 : i32
          %swap3A_470 = arith.index_cast %sub3A_141 : i32 to index
          %swap3A_471 = arith.index_cast %add3A_469 : i32 to index
          %swap3A_472 = arith.constant 0 : index
          %swap3A_473 = tpu.vector_load %arg9[%swap3A_470, %swap3A_471, %swap3A_472] {strides = array<i32>} : memref<2x1024x16xf32, #tpu.memory_space<vmem>>, vector<16xf32>,
          tpu.vector_store %arg9[%swap3A_470, %swap3A_471, %swap3A_472], %gather3A_465 {strides = array<i32>} : memref<2x1024x16xf32, #tpu.memory_space<vmem>>, vector<16xf32>,
          %broadcast_in_dim3A_474 = vector.broadcast %sub3A_141 : i32 to vector<16xi32>
          %mul3A_475 = arith.constant 16 : i32
          %mul3A_476 = arith.muli %scan3A_191, %mul3A_475 : i32
          %add3A_477 = arith.constant 7 : i32
          %add3A_478 = arith.addi %mul3A_476, %add3A_477 : i32
          %add3A_479 = vector.broadcast %add3A_478 : i32 to vector<16xi32>
          %add3A_480 = arith.addi %add3A_479, %mul3A_7 : vector<16xi32>
          %add3A_481 = arith.constant 8 : i32
          %add3A_482 = vector.broadcast %add3A_481 : i32 to vector<16xi32>
          %add3A_483 = arith.addi %add3A_482, %shift_right_arithmetic3A_2 : vector<16xi32>
          %gather3A_484 = tpu.vector_load_idx %arg8[%broadcast_in_dim3A_474, %add3A_480, %add3A_483] : memref<2x1024x16xf32, #tpu.memory_space<vmem>>[vector<16xi32>, vector<16xi32>, vector<16xi32>], vector<16xf32>,
          %mul3A_485 = arith.constant 16 : i32
          %mul3A_486 = arith.muli %scan3A_191, %mul3A_485 : i32
          %add3A_487 = arith.constant 15 : i32
          %add3A_488 = arith.addi %mul3A_486, %add3A_487 : i32
          %swap3A_489 = arith.index_cast %sub3A_141 : i32 to index
          %swap3A_490 = arith.index_cast %add3A_488 : i32 to index
          %swap3A_491 = arith.constant 0 : index
          %swap3A_492 = tpu.vector_load %arg9[%swap3A_489, %swap3A_490, %swap3A_491] {strides = array<i32>} : memref<2x1024x16xf32, #tpu.memory_space<vmem>>, vector<16xf32>,
          tpu.vector_store %arg9[%swap3A_489, %swap3A_490, %swap3A_491], %gather3A_484 {strides = array<i32>} : memref<2x1024x16xf32, #tpu.memory_space<vmem>>, vector<16xf32>,
        }
        %scan3A_168 = arith.constant 64 : i32
        %mul3A_169 = arith.constant 2048 : i32
        %mul3A_170 = arith.muli %add3A, %mul3A_169 : i32
        %sub3A_171 = arith.constant 1 : i32
        %sub3A_172 = arith.subi %scan3A_132, %sub3A_171 : i32
        %mul3A_173 = arith.constant 64 : i32
        %mul3A_174 = arith.muli %sub3A_172, %mul3A_173 : i32
        %add3A_175 = arith.addi %mul3A_170, %mul3A_174 : i32
        %mul3A_176 = arith.constant 16 : i32
        %mul3A_177 = arith.muli %add3A_175, %mul3A_176 : i32
        %dma_start3A = arith.constant 0 : i32
        %dma_start3A_178 = arith.constant 0 : i32
        %dma_start3A_179 = tpu.memref_slice %arg9[%sub3A_141, %dma_start3A, %dma_start3A_178] : memref<2x1024x16xf32, #tpu.memory_space<vmem>> -> memref<1x1024x16xf32, #tpu.memory_space<vmem>>
        %dma_start3A_180 = tpu.memref_squeeze %dma_start3A_179 : memref<1x1024x16xf32, #tpu.memory_space<vmem>> -> memref<1024x16xf32, #tpu.memory_space<vmem>>
        %dma_start3A_181 = arith.constant 0 : i32
        %dma_start3A_182 = tpu.memref_slice %arg7[%mul3A_177, %dma_start3A_181] : memref<1048576x16xf32, #tpu.memory_space<hbm>> -> memref<1024x16xf32, #tpu.memory_space<hbm>>
        %dma_start3A_183 = tpu.memref_slice %arg11[%sub3A_141] : memref<2x!tpu.dma_semaphore, #tpu.memory_space<semaphore_mem>> -> memref<1x!tpu.dma_semaphore, #tpu.memory_space<semaphore_mem>>
        %dma_start3A_184 = tpu.memref_squeeze %dma_start3A_183 : memref<1x!tpu.dma_semaphore, #tpu.memory_space<semaphore_mem>> -> memref<!tpu.dma_semaphore, #tpu.memory_space<semaphore_mem>>
        %dma_start3A_185 = arith.constant 0 : i32
        %dma_start3A_186 = tpu.memref_slice %arg7[%mul3A_177, %dma_start3A_185] : memref<1048576x16xf32, #tpu.memory_space<hbm>> -> memref<1024x16xf32, #tpu.memory_space<hbm>>
        %dma_start3A_187 = arith.constant 0 : i32
        %dma_start3A_188 = arith.constant 0 : i32
        %dma_start3A_189 = tpu.memref_slice %arg9[%sub3A_141, %dma_start3A_187, %dma_start3A_188] : memref<2x1024x16xf32, #tpu.memory_space<vmem>> -> memref<1x1024x16xf32, #tpu.memory_space<vmem>>
        %dma_start3A_190 = tpu.memref_squeeze %dma_start3A_189 : memref<1x1024x16xf32, #tpu.memory_space<vmem>> -> memref<1024x16xf32, #tpu.memory_space<vmem>>
        tpu.enqueue_dma source(%dma_start3A_190 : memref<1024x16xf32, #tpu.memory_space<vmem>>) target(%dma_start3A_186 : memref<1024x16xf32, #tpu.memory_space<hbm>>) target_semaphore(%dma_start3A_184 : memref<!tpu.dma_semaphore, #tpu.memory_space<semaphore_mem>>)
      } else {
      }
    }
    %scan3A_95 = arith.constant 33 : i32
    %dma_wait3A_96 = arith.constant 0 : i32
    %dma_wait3A_97 = arith.constant 0 : i32
    %dma_wait3A_98 = arith.constant 0 : i32
    %dma_wait3A_99 = arith.constant 0 : i32
    %dma_wait3A_100 = tpu.memref_slice %arg9[%dma_wait3A_96, %dma_wait3A_98, %dma_wait3A_99] : memref<2x1024x16xf32, #tpu.memory_space<vmem>> -> memref<1x1024x16xf32, #tpu.memory_space<vmem>>
    %dma_wait3A_101 = tpu.memref_squeeze %dma_wait3A_100 : memref<1x1024x16xf32, #tpu.memory_space<vmem>> -> memref<1024x16xf32, #tpu.memory_space<vmem>>
    %dma_wait3A_102 = arith.constant 0 : i32
    %dma_wait3A_103 = arith.constant 0 : i32
    %dma_wait3A_104 = tpu.memref_slice %arg7[%dma_wait3A_102, %dma_wait3A_103] : memref<1048576x16xf32, #tpu.memory_space<hbm>> -> memref<1024x16xf32, #tpu.memory_space<hbm>>
    %dma_wait3A_105 = tpu.memref_slice %arg11[%dma_wait3A_97] : memref<2x!tpu.dma_semaphore, #tpu.memory_space<semaphore_mem>> -> memref<1x!tpu.dma_semaphore, #tpu.memory_space<semaphore_mem>>
    %dma_wait3A_106 = tpu.memref_squeeze %dma_wait3A_105 : memref<1x!tpu.dma_semaphore, #tpu.memory_space<semaphore_mem>> -> memref<!tpu.dma_semaphore, #tpu.memory_space<semaphore_mem>>
    %dma_wait3A_107 = arith.constant 0 : i32
    %dma_wait3A_108 = arith.constant 0 : i32
    %dma_wait3A_109 = tpu.memref_slice %arg7[%dma_wait3A_107, %dma_wait3A_108] : memref<1048576x16xf32, #tpu.memory_space<hbm>> -> memref<1024x16xf32, #tpu.memory_space<hbm>>
    %dma_wait3A_110 = arith.constant 0 : i32
    %dma_wait3A_111 = arith.constant 0 : i32
    %dma_wait3A_112 = tpu.memref_slice %arg9[%dma_wait3A_96, %dma_wait3A_110, %dma_wait3A_111] : memref<2x1024x16xf32, #tpu.memory_space<vmem>> -> memref<1x1024x16xf32, #tpu.memory_space<vmem>>
    %dma_wait3A_113 = tpu.memref_squeeze %dma_wait3A_112 : memref<1x1024x16xf32, #tpu.memory_space<vmem>> -> memref<1024x16xf32, #tpu.memory_space<vmem>>
    tpu.wait_dma2 semaphore(%dma_wait3A_106 : memref<!tpu.dma_semaphore, #tpu.memory_space<semaphore_mem>>) src(%dma_wait3A_113 : memref<1024x16xf32, #tpu.memory_space<vmem>>) dst(%dma_wait3A_109 : memref<1024x16xf32, #tpu.memory_space<hbm>>)
    %dma_wait3A_114 = arith.constant 1 : i32
    %dma_wait3A_115 = arith.constant 1 : i32
    %dma_wait3A_116 = arith.constant 0 : i32
    %dma_wait3A_117 = arith.constant 0 : i32
    %dma_wait3A_118 = tpu.memref_slice %arg9[%dma_wait3A_114, %dma_wait3A_116, %dma_wait3A_117] : memref<2x1024x16xf32, #tpu.memory_space<vmem>> -> memref<1x1024x16xf32, #tpu.memory_space<vmem>>
    %dma_wait3A_119 = tpu.memref_squeeze %dma_wait3A_118 : memref<1x1024x16xf32, #tpu.memory_space<vmem>> -> memref<1024x16xf32, #tpu.memory_space<vmem>>
    %dma_wait3A_120 = arith.constant 0 : i32
    %dma_wait3A_121 = arith.constant 0 : i32
    %dma_wait3A_122 = tpu.memref_slice %arg7[%dma_wait3A_120, %dma_wait3A_121] : memref<1048576x16xf32, #tpu.memory_space<hbm>> -> memref<1024x16xf32, #tpu.memory_space<hbm>>
    %dma_wait3A_123 = tpu.memref_slice %arg11[%dma_wait3A_115] : memref<2x!tpu.dma_semaphore, #tpu.memory_space<semaphore_mem>> -> memref<1x!tpu.dma_semaphore, #tpu.memory_space<semaphore_mem>>
    %dma_wait3A_124 = tpu.memref_squeeze %dma_wait3A_123 : memref<1x!tpu.dma_semaphore, #tpu.memory_space<semaphore_mem>> -> memref<!tpu.dma_semaphore, #tpu.memory_space<semaphore_mem>>
    %dma_wait3A_125 = arith.constant 0 : i32
    %dma_wait3A_126 = arith.constant 0 : i32
    %dma_wait3A_127 = tpu.memref_slice %arg7[%dma_wait3A_125, %dma_wait3A_126] : memref<1048576x16xf32, #tpu.memory_space<hbm>> -> memref<1024x16xf32, #tpu.memory_space<hbm>>
    %dma_wait3A_128 = arith.constant 0 : i32
    %dma_wait3A_129 = arith.constant 0 : i32
    %dma_wait3A_130 = tpu.memref_slice %arg9[%dma_wait3A_114, %dma_wait3A_128, %dma_wait3A_129] : memref<2x1024x16xf32, #tpu.memory_space<vmem>> -> memref<1x1024x16xf32, #tpu.memory_space<vmem>>
    %dma_wait3A_131 = tpu.memref_squeeze %dma_wait3A_130 : memref<1x1024x16xf32, #tpu.memory_space<vmem>> -> memref<1024x16xf32, #tpu.memory_space<vmem>>
    tpu.wait_dma2 semaphore(%dma_wait3A_124 : memref<!tpu.dma_semaphore, #tpu.memory_space<semaphore_mem>>) src(%dma_wait3A_131 : memref<1024x16xf32, #tpu.memory_space<vmem>>) dst(%dma_wait3A_127 : memref<1024x16xf32, #tpu.memory_space<hbm>>)
    return
  }
}

#map = affine_map<(d0, d1) -> (0, 0, 0, 0)>
#map1 = affine_map<(d0, d1) -> (0, 0)>
#map2 = affine_map<(d0, d1) -> (0)>
module attributes {stable_mosaic.version = 14 : i64} {
  func.func @_encode_sc(%arg0: i32, %arg1: i32, %arg2: memref<32x64x10x64xf32, #tpu.memory_space<hbm>>, %arg3: memref<1048576x16xf32, #tpu.memory_space<hbm>>, %arg4: memref<1048576x16xf32, #tpu.memory_space<hbm>>, %arg5: memref<1048576x16xf32, #tpu.memory_space<hbm>>, %arg6: memref<16xf32, #tpu.memory_space<hbm>>, %arg7: memref<96x131072xf32, #tpu.memory_space<hbm>>, %arg8: memref<16xf32, #tpu.memory_space<vmem>>, %arg9: memref<10x64xf32, #tpu.memory_space<vmem>>, %arg10: memref<2x10x64xf32, #tpu.memory_space<vmem>>, %arg11: memref<2x16x128xi32, #tpu.memory_space<vmem>>, %arg12: memref<2x32x64xi32, #tpu.memory_space<vmem>>, %arg13: memref<2x2048x16xf32, #tpu.memory_space<vmem>>, %arg14: memref<96x64xf32, #tpu.memory_space<vmem>>, %arg15: memref<2x!tpu.dma_semaphore, #tpu.memory_space<semaphore_mem>>) attributes {dimension_semantics = [#tpu.dimension_semantics<core_parallel>, #tpu.dimension_semantics<subcore_parallel>], iteration_bounds = array<i64: 2, 16>, scalar_prefetch = 0 : i64, scratch_operands = 8 : i64, tpu.core_type = #tpu.core_type<sc_vector_subcore>, window_params = [{transform_indices = #map}, {transform_indices = #map1}, {transform_indices = #map1}, {transform_indices = #map1}, {transform_indices = #map2}, {transform_indices = #map1}]} {
    %mul3A = arith.constant 2 : i32
    %mul3A_0 = arith.muli %arg1, %mul3A : i32
    %add3A = arith.addi %mul3A_0, %arg0 : i32
    "tpu.region"() ({
      %run_scoped3A = tpu.sem_alloc : memref<!tpu.dma_semaphore, #tpu.memory_space<semaphore_mem>>
      tpu.enqueue_dma source(%arg6 : memref<16xf32, #tpu.memory_space<hbm>>) target(%arg8 : memref<16xf32, #tpu.memory_space<vmem>>) target_semaphore(%run_scoped3A : memref<!tpu.dma_semaphore, #tpu.memory_space<semaphore_mem>>)
      tpu.wait_dma2 semaphore(%run_scoped3A : memref<!tpu.dma_semaphore, #tpu.memory_space<semaphore_mem>>) src(%arg6 : memref<16xf32, #tpu.memory_space<hbm>>) dst(%arg8 : memref<16xf32, #tpu.memory_space<vmem>>)
      tpu.yield
    }) : () -> ()
    %iota3A = tpu.iota {dimensions = array<i32: 0>} : vector<16xi32>
    %scan3A = arith.constant 0 : i32
    %scan3A_1 = arith.constant 0 : i32
    %scan3A_2 = arith.constant 64 : i32
    %scan3A_3 = arith.addi %scan3A_1, %scan3A_2 : i32
    %scan3A_4 = arith.constant 1 : i32
    scf.for %scan3A_6 = %scan3A_1 to %scan3A_3 step %scan3A_4  : i32 {
      "tpu.region"() ({
        %run_scoped3A = tpu.sem_alloc : memref<!tpu.dma_semaphore, #tpu.memory_space<semaphore_mem>>
        %dma_start3A = arith.constant 0 : i32
        %dma_start3A_18 = arith.constant 0 : i32
        %dma_start3A_19 = tpu.memref_slice %arg2[%add3A, %scan3A_6, %dma_start3A, %dma_start3A_18] : memref<32x64x10x64xf32, #tpu.memory_space<hbm>> -> memref<1x1x10x64xf32, #tpu.memory_space<hbm>>
        %dma_start3A_20 = tpu.memref_squeeze %dma_start3A_19 : memref<1x1x10x64xf32, #tpu.memory_space<hbm>> -> memref<10x64xf32, #tpu.memory_space<hbm>>
        %dma_start3A_21 = arith.constant 0 : i32
        %dma_start3A_22 = arith.constant 0 : i32
        %dma_start3A_23 = tpu.memref_slice %arg2[%add3A, %scan3A_6, %dma_start3A_21, %dma_start3A_22] : memref<32x64x10x64xf32, #tpu.memory_space<hbm>> -> memref<1x1x10x64xf32, #tpu.memory_space<hbm>>
        %dma_start3A_24 = tpu.memref_squeeze %dma_start3A_23 : memref<1x1x10x64xf32, #tpu.memory_space<hbm>> -> memref<10x64xf32, #tpu.memory_space<hbm>>
        tpu.enqueue_dma source(%dma_start3A_24 : memref<10x64xf32, #tpu.memory_space<hbm>>) target(%arg9 : memref<10x64xf32, #tpu.memory_space<vmem>>) target_semaphore(%run_scoped3A : memref<!tpu.dma_semaphore, #tpu.memory_space<semaphore_mem>>)
        %dma_wait3A = arith.constant 0 : i32
        %dma_wait3A_25 = arith.constant 0 : i32
        %dma_wait3A_26 = tpu.memref_slice %arg2[%add3A, %scan3A_6, %dma_wait3A, %dma_wait3A_25] : memref<32x64x10x64xf32, #tpu.memory_space<hbm>> -> memref<1x1x10x64xf32, #tpu.memory_space<hbm>>
        %dma_wait3A_27 = tpu.memref_squeeze %dma_wait3A_26 : memref<1x1x10x64xf32, #tpu.memory_space<hbm>> -> memref<10x64xf32, #tpu.memory_space<hbm>>
        %dma_wait3A_28 = arith.constant 0 : i32
        %dma_wait3A_29 = arith.constant 0 : i32
        %dma_wait3A_30 = tpu.memref_slice %arg2[%add3A, %scan3A_6, %dma_wait3A_28, %dma_wait3A_29] : memref<32x64x10x64xf32, #tpu.memory_space<hbm>> -> memref<1x1x10x64xf32, #tpu.memory_space<hbm>>
        %dma_wait3A_31 = tpu.memref_squeeze %dma_wait3A_30 : memref<1x1x10x64xf32, #tpu.memory_space<hbm>> -> memref<10x64xf32, #tpu.memory_space<hbm>>
        tpu.wait_dma2 semaphore(%run_scoped3A : memref<!tpu.dma_semaphore, #tpu.memory_space<semaphore_mem>>) src(%dma_wait3A_31 : memref<10x64xf32, #tpu.memory_space<hbm>>) dst(%arg9 : memref<10x64xf32, #tpu.memory_space<vmem>>)
        tpu.yield
      }) : () -> ()
      %scan3A_7 = arith.constant 0 : i32
      %scan3A_8 = arith.constant 0 : i32
      %scan3A_9 = arith.constant 17 : i32
      %scan3A_10 = arith.addi %scan3A_8, %scan3A_9 : i32
      %scan3A_11 = arith.constant 1 : i32
      scf.for %scan3A_18 = %scan3A_8 to %scan3A_10 step %scan3A_11  : i32 {
        %and3A = arith.constant 1 : i32
        %and3A_19 = arith.andi %scan3A_18, %and3A : i32
        %lt3A = arith.constant 16 : i32
        %lt3A_20 = arith.cmpi slt, %scan3A_18, %lt3A : i32
        %convert_element_type3A = arith.extui %lt3A_20 : i1 to i32
        %cond3A = arith.constant 0 : i32
        %cond3A_21 = arith.cmpi ne, %convert_element_type3A, %cond3A : i32
        scf.if %cond3A_21 {
          %broadcast_in_dim3A = vector.broadcast %scan3A_18 : i32 to vector<16xi32>
          %gather3A = tpu.vector_load_idx %arg8[%broadcast_in_dim3A] : memref<16xf32, #tpu.memory_space<vmem>>[vector<16xi32>], vector<16xf32>,
          %mul3A_26 = arith.constant 65536 : i32
          %mul3A_27 = arith.muli %scan3A_18, %mul3A_26 : i32
          %scan3A_28 = arith.constant 0 : i32
          %scan3A_29 = arith.constant 0 : i32
          %scan3A_30 = arith.constant 4 : i32
          %scan3A_31 = arith.addi %scan3A_29, %scan3A_30 : i32
          %scan3A_32 = arith.constant 1 : i32
          scf.for %scan3A_241 = %scan3A_29 to %scan3A_31 step %scan3A_32  : i32 {
            %mul3A_242 = arith.constant 16 : i32
            %mul3A_243 = arith.muli %scan3A_241, %mul3A_242 : i32
            %get3A = arith.constant 0 : i32
            %get3A_244 = arith.index_cast %get3A : i32 to index
            %get3A_245 = arith.index_cast %mul3A_243 : i32 to index
            %get3A_246 = tpu.vector_load %arg9[%get3A_244, %get3A_245] {strides = array<i32>} : memref<10x64xf32, #tpu.memory_space<vmem>>, vector<16xf32>,
            %mul3A_247 = arith.mulf %get3A_246, %gather3A : vector<16xf32>
            %convert_element_type3A_248 = arith.fptosi %mul3A_247 : vector<16xf32> to vector<16xi32>
            %convert_element_type3A_249 = arith.sitofp %convert_element_type3A_248 : vector<16xi32> to vector<16xf32>
            %sub3A = arith.subf %mul3A_247, %convert_element_type3A_249 : vector<16xf32>
            %swap3A = arith.constant 0 : i32
            %swap3A_250 = arith.index_cast %and3A_19 : i32 to index
            %swap3A_251 = arith.index_cast %swap3A : i32 to index
            %swap3A_252 = arith.index_cast %mul3A_243 : i32 to index
            %swap3A_253 = tpu.vector_load %arg10[%swap3A_250, %swap3A_251, %swap3A_252] {strides = array<i32>} : memref<2x10x64xf32, #tpu.memory_space<vmem>>, vector<16xf32>,
            tpu.vector_store %arg10[%swap3A_250, %swap3A_251, %swap3A_252], %sub3A {strides = array<i32>} : memref<2x10x64xf32, #tpu.memory_space<vmem>>, vector<16xf32>,
            %add3A_254 = arith.constant 1 : i32
            %add3A_255 = vector.broadcast %add3A_254 : i32 to vector<16xi32>
            %add3A_256 = arith.addi %convert_element_type3A_248, %add3A_255 : vector<16xi32>
            %get3A_257 = arith.constant 1 : i32
            %get3A_258 = arith.index_cast %get3A_257 : i32 to index
            %get3A_259 = arith.index_cast %mul3A_243 : i32 to index
            %get3A_260 = tpu.vector_load %arg9[%get3A_258, %get3A_259] {strides = array<i32>} : memref<10x64xf32, #tpu.memory_space<vmem>>, vector<16xf32>,
            %mul3A_261 = arith.mulf %get3A_260, %gather3A : vector<16xf32>
            %convert_element_type3A_262 = arith.fptosi %mul3A_261 : vector<16xf32> to vector<16xi32>
            %convert_element_type3A_263 = arith.sitofp %convert_element_type3A_262 : vector<16xi32> to vector<16xf32>
            %sub3A_264 = arith.subf %mul3A_261, %convert_element_type3A_263 : vector<16xf32>
            %swap3A_265 = arith.constant 1 : i32
            %swap3A_266 = arith.index_cast %and3A_19 : i32 to index
            %swap3A_267 = arith.index_cast %swap3A_265 : i32 to index
            %swap3A_268 = arith.index_cast %mul3A_243 : i32 to index
            %swap3A_269 = tpu.vector_load %arg10[%swap3A_266, %swap3A_267, %swap3A_268] {strides = array<i32>} : memref<2x10x64xf32, #tpu.memory_space<vmem>>, vector<16xf32>,
            tpu.vector_store %arg10[%swap3A_266, %swap3A_267, %swap3A_268], %sub3A_264 {strides = array<i32>} : memref<2x10x64xf32, #tpu.memory_space<vmem>>, vector<16xf32>,
            %mul3A_270 = arith.constant -1640531535 : i32
            %mul3A_271 = vector.broadcast %mul3A_270 : i32 to vector<16xi32>
            %mul3A_272 = arith.muli %convert_element_type3A_262, %mul3A_271 : vector<16xi32>
            %add3A_273 = arith.constant -1640531535 : i32
            %add3A_274 = vector.broadcast %add3A_273 : i32 to vector<16xi32>
            %add3A_275 = arith.addi %mul3A_272, %add3A_274 : vector<16xi32>
            %get3A_276 = arith.constant 2 : i32
            %get3A_277 = arith.index_cast %get3A_276 : i32 to index
            %get3A_278 = arith.index_cast %mul3A_243 : i32 to index
            %get3A_279 = tpu.vector_load %arg9[%get3A_277, %get3A_278] {strides = array<i32>} : memref<10x64xf32, #tpu.memory_space<vmem>>, vector<16xf32>,
            %mul3A_280 = arith.mulf %get3A_279, %gather3A : vector<16xf32>
            %convert_element_type3A_281 = arith.fptosi %mul3A_280 : vector<16xf32> to vector<16xi32>
            %convert_element_type3A_282 = arith.sitofp %convert_element_type3A_281 : vector<16xi32> to vector<16xf32>
            %sub3A_283 = arith.subf %mul3A_280, %convert_element_type3A_282 : vector<16xf32>
            %swap3A_284 = arith.constant 2 : i32
            %swap3A_285 = arith.index_cast %and3A_19 : i32 to index
            %swap3A_286 = arith.index_cast %swap3A_284 : i32 to index
            %swap3A_287 = arith.index_cast %mul3A_243 : i32 to index
            %swap3A_288 = tpu.vector_load %arg10[%swap3A_285, %swap3A_286, %swap3A_287] {strides = array<i32>} : memref<2x10x64xf32, #tpu.memory_space<vmem>>, vector<16xf32>,
            tpu.vector_store %arg10[%swap3A_285, %swap3A_286, %swap3A_287], %sub3A_283 {strides = array<i32>} : memref<2x10x64xf32, #tpu.memory_space<vmem>>, vector<16xf32>,
            %mul3A_289 = arith.constant 805459861 : i32
            %mul3A_290 = vector.broadcast %mul3A_289 : i32 to vector<16xi32>
            %mul3A_291 = arith.muli %convert_element_type3A_281, %mul3A_290 : vector<16xi32>
            %add3A_292 = arith.constant 805459861 : i32
            %add3A_293 = vector.broadcast %add3A_292 : i32 to vector<16xi32>
            %add3A_294 = arith.addi %mul3A_291, %add3A_293 : vector<16xi32>
            %xor3A = arith.xori %convert_element_type3A_248, %mul3A_272 : vector<16xi32>
            %xor3A_295 = arith.xori %xor3A, %mul3A_291 : vector<16xi32>
            %and3A_296 = arith.constant 524287 : i32
            %and3A_297 = vector.broadcast %and3A_296 : i32 to vector<16xi32>
            %and3A_298 = arith.andi %xor3A_295, %and3A_297 : vector<16xi32>
            %shift_right_arithmetic3A = arith.constant 3 : i32
            %shift_right_arithmetic3A_299 = vector.broadcast %shift_right_arithmetic3A : i32 to vector<16xi32>
            %shift_right_arithmetic3A_300 = arith.shrsi %and3A_298, %shift_right_arithmetic3A_299 : vector<16xi32>
            %add3A_301 = vector.broadcast %mul3A_27 : i32 to vector<16xi32>
            %add3A_302 = arith.addi %shift_right_arithmetic3A_300, %add3A_301 : vector<16xi32>
            %add3A_303 = arith.constant 0 : i32
            %add3A_304 = arith.addi %add3A_303, %mul3A_243 : i32
            %swap3A_305 = arith.constant 0 : i32
            %swap3A_306 = arith.index_cast %and3A_19 : i32 to index
            %swap3A_307 = arith.index_cast %swap3A_305 : i32 to index
            %swap3A_308 = arith.index_cast %add3A_304 : i32 to index
            %swap3A_309 = tpu.vector_load %arg11[%swap3A_306, %swap3A_307, %swap3A_308] {strides = array<i32>} : memref<2x16x128xi32, #tpu.memory_space<vmem>>, vector<16xi32>,
            tpu.vector_store %arg11[%swap3A_306, %swap3A_307, %swap3A_308], %add3A_302 {strides = array<i32>} : memref<2x16x128xi32, #tpu.memory_space<vmem>>, vector<16xi32>,
            %and3A_310 = arith.constant 7 : i32
            %and3A_311 = vector.broadcast %and3A_310 : i32 to vector<16xi32>
            %and3A_312 = arith.andi %and3A_298, %and3A_311 : vector<16xi32>
            %mul3A_313 = arith.constant 2 : i32
            %mul3A_314 = vector.broadcast %mul3A_313 : i32 to vector<16xi32>
            %mul3A_315 = arith.muli %and3A_312, %mul3A_314 : vector<16xi32>
            %swap3A_316 = arith.constant 0 : i32
            %swap3A_317 = arith.index_cast %and3A_19 : i32 to index
            %swap3A_318 = arith.index_cast %swap3A_316 : i32 to index
            %swap3A_319 = arith.index_cast %mul3A_243 : i32 to index
            %swap3A_320 = tpu.vector_load %arg12[%swap3A_317, %swap3A_318, %swap3A_319] {strides = array<i32>} : memref<2x32x64xi32, #tpu.memory_space<vmem>>, vector<16xi32>,
            tpu.vector_store %arg12[%swap3A_317, %swap3A_318, %swap3A_319], %mul3A_315 {strides = array<i32>} : memref<2x32x64xi32, #tpu.memory_space<vmem>>, vector<16xi32>,
            %xor3A_321 = arith.xori %convert_element_type3A_248, %mul3A_272 : vector<16xi32>
            %xor3A_322 = arith.xori %xor3A_321, %add3A_294 : vector<16xi32>
            %and3A_323 = arith.constant 524287 : i32
            %and3A_324 = vector.broadcast %and3A_323 : i32 to vector<16xi32>
            %and3A_325 = arith.andi %xor3A_322, %and3A_324 : vector<16xi32>
            %shift_right_arithmetic3A_326 = arith.constant 3 : i32
            %shift_right_arithmetic3A_327 = vector.broadcast %shift_right_arithmetic3A_326 : i32 to vector<16xi32>
            %shift_right_arithmetic3A_328 = arith.shrsi %and3A_325, %shift_right_arithmetic3A_327 : vector<16xi32>
            %add3A_329 = vector.broadcast %mul3A_27 : i32 to vector<16xi32>
            %add3A_330 = arith.addi %shift_right_arithmetic3A_328, %add3A_329 : vector<16xi32>
            %add3A_331 = arith.constant 64 : i32
            %add3A_332 = arith.addi %add3A_331, %mul3A_243 : i32
            %swap3A_333 = arith.constant 0 : i32
            %swap3A_334 = arith.index_cast %and3A_19 : i32 to index
            %swap3A_335 = arith.index_cast %swap3A_333 : i32 to index
            %swap3A_336 = arith.index_cast %add3A_332 : i32 to index
            %swap3A_337 = tpu.vector_load %arg11[%swap3A_334, %swap3A_335, %swap3A_336] {strides = array<i32>} : memref<2x16x128xi32, #tpu.memory_space<vmem>>, vector<16xi32>,
            tpu.vector_store %arg11[%swap3A_334, %swap3A_335, %swap3A_336], %add3A_330 {strides = array<i32>} : memref<2x16x128xi32, #tpu.memory_space<vmem>>, vector<16xi32>,
            %and3A_338 = arith.constant 7 : i32
            %and3A_339 = vector.broadcast %and3A_338 : i32 to vector<16xi32>
            %and3A_340 = arith.andi %and3A_325, %and3A_339 : vector<16xi32>
            %mul3A_341 = arith.constant 2 : i32
            %mul3A_342 = vector.broadcast %mul3A_341 : i32 to vector<16xi32>
            %mul3A_343 = arith.muli %and3A_340, %mul3A_342 : vector<16xi32>
            %swap3A_344 = arith.constant 1 : i32
            %swap3A_345 = arith.index_cast %and3A_19 : i32 to index
            %swap3A_346 = arith.index_cast %swap3A_344 : i32 to index
            %swap3A_347 = arith.index_cast %mul3A_243 : i32 to index
            %swap3A_348 = tpu.vector_load %arg12[%swap3A_345, %swap3A_346, %swap3A_347] {strides = array<i32>} : memref<2x32x64xi32, #tpu.memory_space<vmem>>, vector<16xi32>,
            tpu.vector_store %arg12[%swap3A_345, %swap3A_346, %swap3A_347], %mul3A_343 {strides = array<i32>} : memref<2x32x64xi32, #tpu.memory_space<vmem>>, vector<16xi32>,
            %xor3A_349 = arith.xori %convert_element_type3A_248, %add3A_275 : vector<16xi32>
            %xor3A_350 = arith.xori %xor3A_349, %mul3A_291 : vector<16xi32>
            %and3A_351 = arith.constant 524287 : i32
            %and3A_352 = vector.broadcast %and3A_351 : i32 to vector<16xi32>
            %and3A_353 = arith.andi %xor3A_350, %and3A_352 : vector<16xi32>
            %shift_right_arithmetic3A_354 = arith.constant 3 : i32
            %shift_right_arithmetic3A_355 = vector.broadcast %shift_right_arithmetic3A_354 : i32 to vector<16xi32>
            %shift_right_arithmetic3A_356 = arith.shrsi %and3A_353, %shift_right_arithmetic3A_355 : vector<16xi32>
            %add3A_357 = vector.broadcast %mul3A_27 : i32 to vector<16xi32>
            %add3A_358 = arith.addi %shift_right_arithmetic3A_356, %add3A_357 : vector<16xi32>
            %add3A_359 = arith.constant 0 : i32
            %add3A_360 = arith.addi %add3A_359, %mul3A_243 : i32
            %swap3A_361 = arith.constant 1 : i32
            %swap3A_362 = arith.index_cast %and3A_19 : i32 to index
            %swap3A_363 = arith.index_cast %swap3A_361 : i32 to index
            %swap3A_364 = arith.index_cast %add3A_360 : i32 to index
            %swap3A_365 = tpu.vector_load %arg11[%swap3A_362, %swap3A_363, %swap3A_364] {strides = array<i32>} : memref<2x16x128xi32, #tpu.memory_space<vmem>>, vector<16xi32>,
            tpu.vector_store %arg11[%swap3A_362, %swap3A_363, %swap3A_364], %add3A_358 {strides = array<i32>} : memref<2x16x128xi32, #tpu.memory_space<vmem>>, vector<16xi32>,
            %and3A_366 = arith.constant 7 : i32
            %and3A_367 = vector.broadcast %and3A_366 : i32 to vector<16xi32>
            %and3A_368 = arith.andi %and3A_353, %and3A_367 : vector<16xi32>
            %mul3A_369 = arith.constant 2 : i32
            %mul3A_370 = vector.broadcast %mul3A_369 : i32 to vector<16xi32>
            %mul3A_371 = arith.muli %and3A_368, %mul3A_370 : vector<16xi32>
            %swap3A_372 = arith.constant 2 : i32
            %swap3A_373 = arith.index_cast %and3A_19 : i32 to index
            %swap3A_374 = arith.index_cast %swap3A_372 : i32 to index
            %swap3A_375 = arith.index_cast %mul3A_243 : i32 to index
            %swap3A_376 = tpu.vector_load %arg12[%swap3A_373, %swap3A_374, %swap3A_375] {strides = array<i32>} : memref<2x32x64xi32, #tpu.memory_space<vmem>>, vector<16xi32>,
            tpu.vector_store %arg12[%swap3A_373, %swap3A_374, %swap3A_375], %mul3A_371 {strides = array<i32>} : memref<2x32x64xi32, #tpu.memory_space<vmem>>, vector<16xi32>,
            %xor3A_377 = arith.xori %convert_element_type3A_248, %add3A_275 : vector<16xi32>
            %xor3A_378 = arith.xori %xor3A_377, %add3A_294 : vector<16xi32>
            %and3A_379 = arith.constant 524287 : i32
            %and3A_380 = vector.broadcast %and3A_379 : i32 to vector<16xi32>
            %and3A_381 = arith.andi %xor3A_378, %and3A_380 : vector<16xi32>
            %shift_right_arithmetic3A_382 = arith.constant 3 : i32
            %shift_right_arithmetic3A_383 = vector.broadcast %shift_right_arithmetic3A_382 : i32 to vector<16xi32>
            %shift_right_arithmetic3A_384 = arith.shrsi %and3A_381, %shift_right_arithmetic3A_383 : vector<16xi32>
            %add3A_385 = vector.broadcast %mul3A_27 : i32 to vector<16xi32>
            %add3A_386 = arith.addi %shift_right_arithmetic3A_384, %add3A_385 : vector<16xi32>
            %add3A_387 = arith.constant 64 : i32
            %add3A_388 = arith.addi %add3A_387, %mul3A_243 : i32
            %swap3A_389 = arith.constant 1 : i32
            %swap3A_390 = arith.index_cast %and3A_19 : i32 to index
            %swap3A_391 = arith.index_cast %swap3A_389 : i32 to index
            %swap3A_392 = arith.index_cast %add3A_388 : i32 to index
            %swap3A_393 = tpu.vector_load %arg11[%swap3A_390, %swap3A_391, %swap3A_392] {strides = array<i32>} : memref<2x16x128xi32, #tpu.memory_space<vmem>>, vector<16xi32>,
            tpu.vector_store %arg11[%swap3A_390, %swap3A_391, %swap3A_392], %add3A_386 {strides = array<i32>} : memref<2x16x128xi32, #tpu.memory_space<vmem>>, vector<16xi32>,
            %and3A_394 = arith.constant 7 : i32
            %and3A_395 = vector.broadcast %and3A_394 : i32 to vector<16xi32>
            %and3A_396 = arith.andi %and3A_381, %and3A_395 : vector<16xi32>
            %mul3A_397 = arith.constant 2 : i32
            %mul3A_398 = vector.broadcast %mul3A_397 : i32 to vector<16xi32>
            %mul3A_399 = arith.muli %and3A_396, %mul3A_398 : vector<16xi32>
            %swap3A_400 = arith.constant 3 : i32
            %swap3A_401 = arith.index_cast %and3A_19 : i32 to index
            %swap3A_402 = arith.index_cast %swap3A_400 : i32 to index
            %swap3A_403 = arith.index_cast %mul3A_243 : i32 to index
            %swap3A_404 = tpu.vector_load %arg12[%swap3A_401, %swap3A_402, %swap3A_403] {strides = array<i32>} : memref<2x32x64xi32, #tpu.memory_space<vmem>>, vector<16xi32>,
            tpu.vector_store %arg12[%swap3A_401, %swap3A_402, %swap3A_403], %mul3A_399 {strides = array<i32>} : memref<2x32x64xi32, #tpu.memory_space<vmem>>, vector<16xi32>,
            %xor3A_405 = arith.xori %add3A_256, %mul3A_272 : vector<16xi32>
            %xor3A_406 = arith.xori %xor3A_405, %mul3A_291 : vector<16xi32>
            %and3A_407 = arith.constant 524287 : i32
            %and3A_408 = vector.broadcast %and3A_407 : i32 to vector<16xi32>
            %and3A_409 = arith.andi %xor3A_406, %and3A_408 : vector<16xi32>
            %shift_right_arithmetic3A_410 = arith.constant 3 : i32
            %shift_right_arithmetic3A_411 = vector.broadcast %shift_right_arithmetic3A_410 : i32 to vector<16xi32>
            %shift_right_arithmetic3A_412 = arith.shrsi %and3A_409, %shift_right_arithmetic3A_411 : vector<16xi32>
            %add3A_413 = vector.broadcast %mul3A_27 : i32 to vector<16xi32>
            %add3A_414 = arith.addi %shift_right_arithmetic3A_412, %add3A_413 : vector<16xi32>
            %add3A_415 = arith.constant 0 : i32
            %add3A_416 = arith.addi %add3A_415, %mul3A_243 : i32
            %swap3A_417 = arith.constant 2 : i32
            %swap3A_418 = arith.index_cast %and3A_19 : i32 to index
            %swap3A_419 = arith.index_cast %swap3A_417 : i32 to index
            %swap3A_420 = arith.index_cast %add3A_416 : i32 to index
            %swap3A_421 = tpu.vector_load %arg11[%swap3A_418, %swap3A_419, %swap3A_420] {strides = array<i32>} : memref<2x16x128xi32, #tpu.memory_space<vmem>>, vector<16xi32>,
            tpu.vector_store %arg11[%swap3A_418, %swap3A_419, %swap3A_420], %add3A_414 {strides = array<i32>} : memref<2x16x128xi32, #tpu.memory_space<vmem>>, vector<16xi32>,
            %and3A_422 = arith.constant 7 : i32
            %and3A_423 = vector.broadcast %and3A_422 : i32 to vector<16xi32>
            %and3A_424 = arith.andi %and3A_409, %and3A_423 : vector<16xi32>
            %mul3A_425 = arith.constant 2 : i32
            %mul3A_426 = vector.broadcast %mul3A_425 : i32 to vector<16xi32>
            %mul3A_427 = arith.muli %and3A_424, %mul3A_426 : vector<16xi32>
            %swap3A_428 = arith.constant 4 : i32
            %swap3A_429 = arith.index_cast %and3A_19 : i32 to index
            %swap3A_430 = arith.index_cast %swap3A_428 : i32 to index
            %swap3A_431 = arith.index_cast %mul3A_243 : i32 to index
            %swap3A_432 = tpu.vector_load %arg12[%swap3A_429, %swap3A_430, %swap3A_431] {strides = array<i32>} : memref<2x32x64xi32, #tpu.memory_space<vmem>>, vector<16xi32>,
            tpu.vector_store %arg12[%swap3A_429, %swap3A_430, %swap3A_431], %mul3A_427 {strides = array<i32>} : memref<2x32x64xi32, #tpu.memory_space<vmem>>, vector<16xi32>,
            %xor3A_433 = arith.xori %add3A_256, %mul3A_272 : vector<16xi32>
            %xor3A_434 = arith.xori %xor3A_433, %add3A_294 : vector<16xi32>
            %and3A_435 = arith.constant 524287 : i32
            %and3A_436 = vector.broadcast %and3A_435 : i32 to vector<16xi32>
            %and3A_437 = arith.andi %xor3A_434, %and3A_436 : vector<16xi32>
            %shift_right_arithmetic3A_438 = arith.constant 3 : i32
            %shift_right_arithmetic3A_439 = vector.broadcast %shift_right_arithmetic3A_438 : i32 to vector<16xi32>
            %shift_right_arithmetic3A_440 = arith.shrsi %and3A_437, %shift_right_arithmetic3A_439 : vector<16xi32>
            %add3A_441 = vector.broadcast %mul3A_27 : i32 to vector<16xi32>
            %add3A_442 = arith.addi %shift_right_arithmetic3A_440, %add3A_441 : vector<16xi32>
            %add3A_443 = arith.constant 64 : i32
            %add3A_444 = arith.addi %add3A_443, %mul3A_243 : i32
            %swap3A_445 = arith.constant 2 : i32
            %swap3A_446 = arith.index_cast %and3A_19 : i32 to index
            %swap3A_447 = arith.index_cast %swap3A_445 : i32 to index
            %swap3A_448 = arith.index_cast %add3A_444 : i32 to index
            %swap3A_449 = tpu.vector_load %arg11[%swap3A_446, %swap3A_447, %swap3A_448] {strides = array<i32>} : memref<2x16x128xi32, #tpu.memory_space<vmem>>, vector<16xi32>,
            tpu.vector_store %arg11[%swap3A_446, %swap3A_447, %swap3A_448], %add3A_442 {strides = array<i32>} : memref<2x16x128xi32, #tpu.memory_space<vmem>>, vector<16xi32>,
            %and3A_450 = arith.constant 7 : i32
            %and3A_451 = vector.broadcast %and3A_450 : i32 to vector<16xi32>
            %and3A_452 = arith.andi %and3A_437, %and3A_451 : vector<16xi32>
            %mul3A_453 = arith.constant 2 : i32
            %mul3A_454 = vector.broadcast %mul3A_453 : i32 to vector<16xi32>
            %mul3A_455 = arith.muli %and3A_452, %mul3A_454 : vector<16xi32>
            %swap3A_456 = arith.constant 5 : i32
            %swap3A_457 = arith.index_cast %and3A_19 : i32 to index
            %swap3A_458 = arith.index_cast %swap3A_456 : i32 to index
            %swap3A_459 = arith.index_cast %mul3A_243 : i32 to index
            %swap3A_460 = tpu.vector_load %arg12[%swap3A_457, %swap3A_458, %swap3A_459] {strides = array<i32>} : memref<2x32x64xi32, #tpu.memory_space<vmem>>, vector<16xi32>,
            tpu.vector_store %arg12[%swap3A_457, %swap3A_458, %swap3A_459], %mul3A_455 {strides = array<i32>} : memref<2x32x64xi32, #tpu.memory_space<vmem>>, vector<16xi32>,
            %xor3A_461 = arith.xori %add3A_256, %add3A_275 : vector<16xi32>
            %xor3A_462 = arith.xori %xor3A_461, %mul3A_291 : vector<16xi32>
            %and3A_463 = arith.constant 524287 : i32
            %and3A_464 = vector.broadcast %and3A_463 : i32 to vector<16xi32>
            %and3A_465 = arith.andi %xor3A_462, %and3A_464 : vector<16xi32>
            %shift_right_arithmetic3A_466 = arith.constant 3 : i32
            %shift_right_arithmetic3A_467 = vector.broadcast %shift_right_arithmetic3A_466 : i32 to vector<16xi32>
            %shift_right_arithmetic3A_468 = arith.shrsi %and3A_465, %shift_right_arithmetic3A_467 : vector<16xi32>
            %add3A_469 = vector.broadcast %mul3A_27 : i32 to vector<16xi32>
            %add3A_470 = arith.addi %shift_right_arithmetic3A_468, %add3A_469 : vector<16xi32>
            %add3A_471 = arith.constant 0 : i32
            %add3A_472 = arith.addi %add3A_471, %mul3A_243 : i32
            %swap3A_473 = arith.constant 3 : i32
            %swap3A_474 = arith.index_cast %and3A_19 : i32 to index
            %swap3A_475 = arith.index_cast %swap3A_473 : i32 to index
            %swap3A_476 = arith.index_cast %add3A_472 : i32 to index
            %swap3A_477 = tpu.vector_load %arg11[%swap3A_474, %swap3A_475, %swap3A_476] {strides = array<i32>} : memref<2x16x128xi32, #tpu.memory_space<vmem>>, vector<16xi32>,
            tpu.vector_store %arg11[%swap3A_474, %swap3A_475, %swap3A_476], %add3A_470 {strides = array<i32>} : memref<2x16x128xi32, #tpu.memory_space<vmem>>, vector<16xi32>,
            %and3A_478 = arith.constant 7 : i32
            %and3A_479 = vector.broadcast %and3A_478 : i32 to vector<16xi32>
            %and3A_480 = arith.andi %and3A_465, %and3A_479 : vector<16xi32>
            %mul3A_481 = arith.constant 2 : i32
            %mul3A_482 = vector.broadcast %mul3A_481 : i32 to vector<16xi32>
            %mul3A_483 = arith.muli %and3A_480, %mul3A_482 : vector<16xi32>
            %swap3A_484 = arith.constant 6 : i32
            %swap3A_485 = arith.index_cast %and3A_19 : i32 to index
            %swap3A_486 = arith.index_cast %swap3A_484 : i32 to index
            %swap3A_487 = arith.index_cast %mul3A_243 : i32 to index
            %swap3A_488 = tpu.vector_load %arg12[%swap3A_485, %swap3A_486, %swap3A_487] {strides = array<i32>} : memref<2x32x64xi32, #tpu.memory_space<vmem>>, vector<16xi32>,
            tpu.vector_store %arg12[%swap3A_485, %swap3A_486, %swap3A_487], %mul3A_483 {strides = array<i32>} : memref<2x32x64xi32, #tpu.memory_space<vmem>>, vector<16xi32>,
            %xor3A_489 = arith.xori %add3A_256, %add3A_275 : vector<16xi32>
            %xor3A_490 = arith.xori %xor3A_489, %add3A_294 : vector<16xi32>
            %and3A_491 = arith.constant 524287 : i32
            %and3A_492 = vector.broadcast %and3A_491 : i32 to vector<16xi32>
            %and3A_493 = arith.andi %xor3A_490, %and3A_492 : vector<16xi32>
            %shift_right_arithmetic3A_494 = arith.constant 3 : i32
            %shift_right_arithmetic3A_495 = vector.broadcast %shift_right_arithmetic3A_494 : i32 to vector<16xi32>
            %shift_right_arithmetic3A_496 = arith.shrsi %and3A_493, %shift_right_arithmetic3A_495 : vector<16xi32>
            %add3A_497 = vector.broadcast %mul3A_27 : i32 to vector<16xi32>
            %add3A_498 = arith.addi %shift_right_arithmetic3A_496, %add3A_497 : vector<16xi32>
            %add3A_499 = arith.constant 64 : i32
            %add3A_500 = arith.addi %add3A_499, %mul3A_243 : i32
            %swap3A_501 = arith.constant 3 : i32
            %swap3A_502 = arith.index_cast %and3A_19 : i32 to index
            %swap3A_503 = arith.index_cast %swap3A_501 : i32 to index
            %swap3A_504 = arith.index_cast %add3A_500 : i32 to index
            %swap3A_505 = tpu.vector_load %arg11[%swap3A_502, %swap3A_503, %swap3A_504] {strides = array<i32>} : memref<2x16x128xi32, #tpu.memory_space<vmem>>, vector<16xi32>,
            tpu.vector_store %arg11[%swap3A_502, %swap3A_503, %swap3A_504], %add3A_498 {strides = array<i32>} : memref<2x16x128xi32, #tpu.memory_space<vmem>>, vector<16xi32>,
            %and3A_506 = arith.constant 7 : i32
            %and3A_507 = vector.broadcast %and3A_506 : i32 to vector<16xi32>
            %and3A_508 = arith.andi %and3A_493, %and3A_507 : vector<16xi32>
            %mul3A_509 = arith.constant 2 : i32
            %mul3A_510 = vector.broadcast %mul3A_509 : i32 to vector<16xi32>
            %mul3A_511 = arith.muli %and3A_508, %mul3A_510 : vector<16xi32>
            %swap3A_512 = arith.constant 7 : i32
            %swap3A_513 = arith.index_cast %and3A_19 : i32 to index
            %swap3A_514 = arith.index_cast %swap3A_512 : i32 to index
            %swap3A_515 = arith.index_cast %mul3A_243 : i32 to index
            %swap3A_516 = tpu.vector_load %arg12[%swap3A_513, %swap3A_514, %swap3A_515] {strides = array<i32>} : memref<2x32x64xi32, #tpu.memory_space<vmem>>, vector<16xi32>,
            tpu.vector_store %arg12[%swap3A_513, %swap3A_514, %swap3A_515], %mul3A_511 {strides = array<i32>} : memref<2x32x64xi32, #tpu.memory_space<vmem>>, vector<16xi32>,
            %get3A_517 = arith.constant 3 : i32
            %get3A_518 = arith.index_cast %get3A_517 : i32 to index
            %get3A_519 = arith.index_cast %mul3A_243 : i32 to index
            %get3A_520 = tpu.vector_load %arg9[%get3A_518, %get3A_519] {strides = array<i32>} : memref<10x64xf32, #tpu.memory_space<vmem>>, vector<16xf32>,
            %mul3A_521 = arith.mulf %get3A_520, %gather3A : vector<16xf32>
            %convert_element_type3A_522 = arith.fptosi %mul3A_521 : vector<16xf32> to vector<16xi32>
            %convert_element_type3A_523 = arith.sitofp %convert_element_type3A_522 : vector<16xi32> to vector<16xf32>
            %sub3A_524 = arith.subf %mul3A_521, %convert_element_type3A_523 : vector<16xf32>
            %swap3A_525 = arith.constant 3 : i32
            %swap3A_526 = arith.index_cast %and3A_19 : i32 to index
            %swap3A_527 = arith.index_cast %swap3A_525 : i32 to index
            %swap3A_528 = arith.index_cast %mul3A_243 : i32 to index
            %swap3A_529 = tpu.vector_load %arg10[%swap3A_526, %swap3A_527, %swap3A_528] {strides = array<i32>} : memref<2x10x64xf32, #tpu.memory_space<vmem>>, vector<16xf32>,
            tpu.vector_store %arg10[%swap3A_526, %swap3A_527, %swap3A_528], %sub3A_524 {strides = array<i32>} : memref<2x10x64xf32, #tpu.memory_space<vmem>>, vector<16xf32>,
            %add3A_530 = arith.constant 1 : i32
            %add3A_531 = vector.broadcast %add3A_530 : i32 to vector<16xi32>
            %add3A_532 = arith.addi %convert_element_type3A_522, %add3A_531 : vector<16xi32>
            %get3A_533 = arith.constant 4 : i32
            %get3A_534 = arith.index_cast %get3A_533 : i32 to index
            %get3A_535 = arith.index_cast %mul3A_243 : i32 to index
            %get3A_536 = tpu.vector_load %arg9[%get3A_534, %get3A_535] {strides = array<i32>} : memref<10x64xf32, #tpu.memory_space<vmem>>, vector<16xf32>,
            %mul3A_537 = arith.mulf %get3A_536, %gather3A : vector<16xf32>
            %convert_element_type3A_538 = arith.fptosi %mul3A_537 : vector<16xf32> to vector<16xi32>
            %convert_element_type3A_539 = arith.sitofp %convert_element_type3A_538 : vector<16xi32> to vector<16xf32>
            %sub3A_540 = arith.subf %mul3A_537, %convert_element_type3A_539 : vector<16xf32>
            %swap3A_541 = arith.constant 4 : i32
            %swap3A_542 = arith.index_cast %and3A_19 : i32 to index
            %swap3A_543 = arith.index_cast %swap3A_541 : i32 to index
            %swap3A_544 = arith.index_cast %mul3A_243 : i32 to index
            %swap3A_545 = tpu.vector_load %arg10[%swap3A_542, %swap3A_543, %swap3A_544] {strides = array<i32>} : memref<2x10x64xf32, #tpu.memory_space<vmem>>, vector<16xf32>,
            tpu.vector_store %arg10[%swap3A_542, %swap3A_543, %swap3A_544], %sub3A_540 {strides = array<i32>} : memref<2x10x64xf32, #tpu.memory_space<vmem>>, vector<16xf32>,
            %mul3A_546 = arith.constant -1640531535 : i32
            %mul3A_547 = vector.broadcast %mul3A_546 : i32 to vector<16xi32>
            %mul3A_548 = arith.muli %convert_element_type3A_538, %mul3A_547 : vector<16xi32>
            %add3A_549 = arith.constant -1640531535 : i32
            %add3A_550 = vector.broadcast %add3A_549 : i32 to vector<16xi32>
            %add3A_551 = arith.addi %mul3A_548, %add3A_550 : vector<16xi32>
            %get3A_552 = arith.constant 5 : i32
            %get3A_553 = arith.index_cast %get3A_552 : i32 to index
            %get3A_554 = arith.index_cast %mul3A_243 : i32 to index
            %get3A_555 = tpu.vector_load %arg9[%get3A_553, %get3A_554] {strides = array<i32>} : memref<10x64xf32, #tpu.memory_space<vmem>>, vector<16xf32>,
            %mul3A_556 = arith.mulf %get3A_555, %gather3A : vector<16xf32>
            %convert_element_type3A_557 = arith.fptosi %mul3A_556 : vector<16xf32> to vector<16xi32>
            %convert_element_type3A_558 = arith.sitofp %convert_element_type3A_557 : vector<16xi32> to vector<16xf32>
            %sub3A_559 = arith.subf %mul3A_556, %convert_element_type3A_558 : vector<16xf32>
            %swap3A_560 = arith.constant 5 : i32
            %swap3A_561 = arith.index_cast %and3A_19 : i32 to index
            %swap3A_562 = arith.index_cast %swap3A_560 : i32 to index
            %swap3A_563 = arith.index_cast %mul3A_243 : i32 to index
            %swap3A_564 = tpu.vector_load %arg10[%swap3A_561, %swap3A_562, %swap3A_563] {strides = array<i32>} : memref<2x10x64xf32, #tpu.memory_space<vmem>>, vector<16xf32>,
            tpu.vector_store %arg10[%swap3A_561, %swap3A_562, %swap3A_563], %sub3A_559 {strides = array<i32>} : memref<2x10x64xf32, #tpu.memory_space<vmem>>, vector<16xf32>,
            %mul3A_565 = arith.constant 805459861 : i32
            %mul3A_566 = vector.broadcast %mul3A_565 : i32 to vector<16xi32>
            %mul3A_567 = arith.muli %convert_element_type3A_557, %mul3A_566 : vector<16xi32>
            %add3A_568 = arith.constant 805459861 : i32
            %add3A_569 = vector.broadcast %add3A_568 : i32 to vector<16xi32>
            %add3A_570 = arith.addi %mul3A_567, %add3A_569 : vector<16xi32>
            %xor3A_571 = arith.xori %convert_element_type3A_522, %mul3A_548 : vector<16xi32>
            %xor3A_572 = arith.xori %xor3A_571, %mul3A_567 : vector<16xi32>
            %and3A_573 = arith.constant 524287 : i32
            %and3A_574 = vector.broadcast %and3A_573 : i32 to vector<16xi32>
            %and3A_575 = arith.andi %xor3A_572, %and3A_574 : vector<16xi32>
            %shift_right_arithmetic3A_576 = arith.constant 3 : i32
            %shift_right_arithmetic3A_577 = vector.broadcast %shift_right_arithmetic3A_576 : i32 to vector<16xi32>
            %shift_right_arithmetic3A_578 = arith.shrsi %and3A_575, %shift_right_arithmetic3A_577 : vector<16xi32>
            %add3A_579 = vector.broadcast %mul3A_27 : i32 to vector<16xi32>
            %add3A_580 = arith.addi %shift_right_arithmetic3A_578, %add3A_579 : vector<16xi32>
            %add3A_581 = arith.constant 0 : i32
            %add3A_582 = arith.addi %add3A_581, %mul3A_243 : i32
            %swap3A_583 = arith.constant 4 : i32
            %swap3A_584 = arith.index_cast %and3A_19 : i32 to index
            %swap3A_585 = arith.index_cast %swap3A_583 : i32 to index
            %swap3A_586 = arith.index_cast %add3A_582 : i32 to index
            %swap3A_587 = tpu.vector_load %arg11[%swap3A_584, %swap3A_585, %swap3A_586] {strides = array<i32>} : memref<2x16x128xi32, #tpu.memory_space<vmem>>, vector<16xi32>,
            tpu.vector_store %arg11[%swap3A_584, %swap3A_585, %swap3A_586], %add3A_580 {strides = array<i32>} : memref<2x16x128xi32, #tpu.memory_space<vmem>>, vector<16xi32>,
            %and3A_588 = arith.constant 7 : i32
            %and3A_589 = vector.broadcast %and3A_588 : i32 to vector<16xi32>
            %and3A_590 = arith.andi %and3A_575, %and3A_589 : vector<16xi32>
            %mul3A_591 = arith.constant 2 : i32
            %mul3A_592 = vector.broadcast %mul3A_591 : i32 to vector<16xi32>
            %mul3A_593 = arith.muli %and3A_590, %mul3A_592 : vector<16xi32>
            %swap3A_594 = arith.constant 8 : i32
            %swap3A_595 = arith.index_cast %and3A_19 : i32 to index
            %swap3A_596 = arith.index_cast %swap3A_594 : i32 to index
            %swap3A_597 = arith.index_cast %mul3A_243 : i32 to index
            %swap3A_598 = tpu.vector_load %arg12[%swap3A_595, %swap3A_596, %swap3A_597] {strides = array<i32>} : memref<2x32x64xi32, #tpu.memory_space<vmem>>, vector<16xi32>,
            tpu.vector_store %arg12[%swap3A_595, %swap3A_596, %swap3A_597], %mul3A_593 {strides = array<i32>} : memref<2x32x64xi32, #tpu.memory_space<vmem>>, vector<16xi32>,
            %xor3A_599 = arith.xori %convert_element_type3A_522, %mul3A_548 : vector<16xi32>
            %xor3A_600 = arith.xori %xor3A_599, %add3A_570 : vector<16xi32>
            %and3A_601 = arith.constant 524287 : i32
            %and3A_602 = vector.broadcast %and3A_601 : i32 to vector<16xi32>
            %and3A_603 = arith.andi %xor3A_600, %and3A_602 : vector<16xi32>
            %shift_right_arithmetic3A_604 = arith.constant 3 : i32
            %shift_right_arithmetic3A_605 = vector.broadcast %shift_right_arithmetic3A_604 : i32 to vector<16xi32>
            %shift_right_arithmetic3A_606 = arith.shrsi %and3A_603, %shift_right_arithmetic3A_605 : vector<16xi32>
            %add3A_607 = vector.broadcast %mul3A_27 : i32 to vector<16xi32>
            %add3A_608 = arith.addi %shift_right_arithmetic3A_606, %add3A_607 : vector<16xi32>
            %add3A_609 = arith.constant 64 : i32
            %add3A_610 = arith.addi %add3A_609, %mul3A_243 : i32
            %swap3A_611 = arith.constant 4 : i32
            %swap3A_612 = arith.index_cast %and3A_19 : i32 to index
            %swap3A_613 = arith.index_cast %swap3A_611 : i32 to index
            %swap3A_614 = arith.index_cast %add3A_610 : i32 to index
            %swap3A_615 = tpu.vector_load %arg11[%swap3A_612, %swap3A_613, %swap3A_614] {strides = array<i32>} : memref<2x16x128xi32, #tpu.memory_space<vmem>>, vector<16xi32>,
            tpu.vector_store %arg11[%swap3A_612, %swap3A_613, %swap3A_614], %add3A_608 {strides = array<i32>} : memref<2x16x128xi32, #tpu.memory_space<vmem>>, vector<16xi32>,
            %and3A_616 = arith.constant 7 : i32
            %and3A_617 = vector.broadcast %and3A_616 : i32 to vector<16xi32>
            %and3A_618 = arith.andi %and3A_603, %and3A_617 : vector<16xi32>
            %mul3A_619 = arith.constant 2 : i32
            %mul3A_620 = vector.broadcast %mul3A_619 : i32 to vector<16xi32>
            %mul3A_621 = arith.muli %and3A_618, %mul3A_620 : vector<16xi32>
            %swap3A_622 = arith.constant 9 : i32
            %swap3A_623 = arith.index_cast %and3A_19 : i32 to index
            %swap3A_624 = arith.index_cast %swap3A_622 : i32 to index
            %swap3A_625 = arith.index_cast %mul3A_243 : i32 to index
            %swap3A_626 = tpu.vector_load %arg12[%swap3A_623, %swap3A_624, %swap3A_625] {strides = array<i32>} : memref<2x32x64xi32, #tpu.memory_space<vmem>>, vector<16xi32>,
            tpu.vector_store %arg12[%swap3A_623, %swap3A_624, %swap3A_625], %mul3A_621 {strides = array<i32>} : memref<2x32x64xi32, #tpu.memory_space<vmem>>, vector<16xi32>,
            %xor3A_627 = arith.xori %convert_element_type3A_522, %add3A_551 : vector<16xi32>
            %xor3A_628 = arith.xori %xor3A_627, %mul3A_567 : vector<16xi32>
            %and3A_629 = arith.constant 524287 : i32
            %and3A_630 = vector.broadcast %and3A_629 : i32 to vector<16xi32>
            %and3A_631 = arith.andi %xor3A_628, %and3A_630 : vector<16xi32>
            %shift_right_arithmetic3A_632 = arith.constant 3 : i32
            %shift_right_arithmetic3A_633 = vector.broadcast %shift_right_arithmetic3A_632 : i32 to vector<16xi32>
            %shift_right_arithmetic3A_634 = arith.shrsi %and3A_631, %shift_right_arithmetic3A_633 : vector<16xi32>
            %add3A_635 = vector.broadcast %mul3A_27 : i32 to vector<16xi32>
            %add3A_636 = arith.addi %shift_right_arithmetic3A_634, %add3A_635 : vector<16xi32>
            %add3A_637 = arith.constant 0 : i32
            %add3A_638 = arith.addi %add3A_637, %mul3A_243 : i32
            %swap3A_639 = arith.constant 5 : i32
            %swap3A_640 = arith.index_cast %and3A_19 : i32 to index
            %swap3A_641 = arith.index_cast %swap3A_639 : i32 to index
            %swap3A_642 = arith.index_cast %add3A_638 : i32 to index
            %swap3A_643 = tpu.vector_load %arg11[%swap3A_640, %swap3A_641, %swap3A_642] {strides = array<i32>} : memref<2x16x128xi32, #tpu.memory_space<vmem>>, vector<16xi32>,
            tpu.vector_store %arg11[%swap3A_640, %swap3A_641, %swap3A_642], %add3A_636 {strides = array<i32>} : memref<2x16x128xi32, #tpu.memory_space<vmem>>, vector<16xi32>,
            %and3A_644 = arith.constant 7 : i32
            %and3A_645 = vector.broadcast %and3A_644 : i32 to vector<16xi32>
            %and3A_646 = arith.andi %and3A_631, %and3A_645 : vector<16xi32>
            %mul3A_647 = arith.constant 2 : i32
            %mul3A_648 = vector.broadcast %mul3A_647 : i32 to vector<16xi32>
            %mul3A_649 = arith.muli %and3A_646, %mul3A_648 : vector<16xi32>
            %swap3A_650 = arith.constant 10 : i32
            %swap3A_651 = arith.index_cast %and3A_19 : i32 to index
            %swap3A_652 = arith.index_cast %swap3A_650 : i32 to index
            %swap3A_653 = arith.index_cast %mul3A_243 : i32 to index
            %swap3A_654 = tpu.vector_load %arg12[%swap3A_651, %swap3A_652, %swap3A_653] {strides = array<i32>} : memref<2x32x64xi32, #tpu.memory_space<vmem>>, vector<16xi32>,
            tpu.vector_store %arg12[%swap3A_651, %swap3A_652, %swap3A_653], %mul3A_649 {strides = array<i32>} : memref<2x32x64xi32, #tpu.memory_space<vmem>>, vector<16xi32>,
            %xor3A_655 = arith.xori %convert_element_type3A_522, %add3A_551 : vector<16xi32>
            %xor3A_656 = arith.xori %xor3A_655, %add3A_570 : vector<16xi32>
            %and3A_657 = arith.constant 524287 : i32
            %and3A_658 = vector.broadcast %and3A_657 : i32 to vector<16xi32>
            %and3A_659 = arith.andi %xor3A_656, %and3A_658 : vector<16xi32>
            %shift_right_arithmetic3A_660 = arith.constant 3 : i32
            %shift_right_arithmetic3A_661 = vector.broadcast %shift_right_arithmetic3A_660 : i32 to vector<16xi32>
            %shift_right_arithmetic3A_662 = arith.shrsi %and3A_659, %shift_right_arithmetic3A_661 : vector<16xi32>
            %add3A_663 = vector.broadcast %mul3A_27 : i32 to vector<16xi32>
            %add3A_664 = arith.addi %shift_right_arithmetic3A_662, %add3A_663 : vector<16xi32>
            %add3A_665 = arith.constant 64 : i32
            %add3A_666 = arith.addi %add3A_665, %mul3A_243 : i32
            %swap3A_667 = arith.constant 5 : i32
            %swap3A_668 = arith.index_cast %and3A_19 : i32 to index
            %swap3A_669 = arith.index_cast %swap3A_667 : i32 to index
            %swap3A_670 = arith.index_cast %add3A_666 : i32 to index
            %swap3A_671 = tpu.vector_load %arg11[%swap3A_668, %swap3A_669, %swap3A_670] {strides = array<i32>} : memref<2x16x128xi32, #tpu.memory_space<vmem>>, vector<16xi32>,
            tpu.vector_store %arg11[%swap3A_668, %swap3A_669, %swap3A_670], %add3A_664 {strides = array<i32>} : memref<2x16x128xi32, #tpu.memory_space<vmem>>, vector<16xi32>,
            %and3A_672 = arith.constant 7 : i32
            %and3A_673 = vector.broadcast %and3A_672 : i32 to vector<16xi32>
            %and3A_674 = arith.andi %and3A_659, %and3A_673 : vector<16xi32>
            %mul3A_675 = arith.constant 2 : i32
            %mul3A_676 = vector.broadcast %mul3A_675 : i32 to vector<16xi32>
            %mul3A_677 = arith.muli %and3A_674, %mul3A_676 : vector<16xi32>
            %swap3A_678 = arith.constant 11 : i32
            %swap3A_679 = arith.index_cast %and3A_19 : i32 to index
            %swap3A_680 = arith.index_cast %swap3A_678 : i32 to index
            %swap3A_681 = arith.index_cast %mul3A_243 : i32 to index
            %swap3A_682 = tpu.vector_load %arg12[%swap3A_679, %swap3A_680, %swap3A_681] {strides = array<i32>} : memref<2x32x64xi32, #tpu.memory_space<vmem>>, vector<16xi32>,
            tpu.vector_store %arg12[%swap3A_679, %swap3A_680, %swap3A_681], %mul3A_677 {strides = array<i32>} : memref<2x32x64xi32, #tpu.memory_space<vmem>>, vector<16xi32>,
            %xor3A_683 = arith.xori %add3A_532, %mul3A_548 : vector<16xi32>
            %xor3A_684 = arith.xori %xor3A_683, %mul3A_567 : vector<16xi32>
            %and3A_685 = arith.constant 524287 : i32
            %and3A_686 = vector.broadcast %and3A_685 : i32 to vector<16xi32>
            %and3A_687 = arith.andi %xor3A_684, %and3A_686 : vector<16xi32>
            %shift_right_arithmetic3A_688 = arith.constant 3 : i32
            %shift_right_arithmetic3A_689 = vector.broadcast %shift_right_arithmetic3A_688 : i32 to vector<16xi32>
            %shift_right_arithmetic3A_690 = arith.shrsi %and3A_687, %shift_right_arithmetic3A_689 : vector<16xi32>
            %add3A_691 = vector.broadcast %mul3A_27 : i32 to vector<16xi32>
            %add3A_692 = arith.addi %shift_right_arithmetic3A_690, %add3A_691 : vector<16xi32>
            %add3A_693 = arith.constant 0 : i32
            %add3A_694 = arith.addi %add3A_693, %mul3A_243 : i32
            %swap3A_695 = arith.constant 6 : i32
            %swap3A_696 = arith.index_cast %and3A_19 : i32 to index
            %swap3A_697 = arith.index_cast %swap3A_695 : i32 to index
            %swap3A_698 = arith.index_cast %add3A_694 : i32 to index
            %swap3A_699 = tpu.vector_load %arg11[%swap3A_696, %swap3A_697, %swap3A_698] {strides = array<i32>} : memref<2x16x128xi32, #tpu.memory_space<vmem>>, vector<16xi32>,
            tpu.vector_store %arg11[%swap3A_696, %swap3A_697, %swap3A_698], %add3A_692 {strides = array<i32>} : memref<2x16x128xi32, #tpu.memory_space<vmem>>, vector<16xi32>,
            %and3A_700 = arith.constant 7 : i32
            %and3A_701 = vector.broadcast %and3A_700 : i32 to vector<16xi32>
            %and3A_702 = arith.andi %and3A_687, %and3A_701 : vector<16xi32>
            %mul3A_703 = arith.constant 2 : i32
            %mul3A_704 = vector.broadcast %mul3A_703 : i32 to vector<16xi32>
            %mul3A_705 = arith.muli %and3A_702, %mul3A_704 : vector<16xi32>
            %swap3A_706 = arith.constant 12 : i32
            %swap3A_707 = arith.index_cast %and3A_19 : i32 to index
            %swap3A_708 = arith.index_cast %swap3A_706 : i32 to index
            %swap3A_709 = arith.index_cast %mul3A_243 : i32 to index
            %swap3A_710 = tpu.vector_load %arg12[%swap3A_707, %swap3A_708, %swap3A_709] {strides = array<i32>} : memref<2x32x64xi32, #tpu.memory_space<vmem>>, vector<16xi32>,
            tpu.vector_store %arg12[%swap3A_707, %swap3A_708, %swap3A_709], %mul3A_705 {strides = array<i32>} : memref<2x32x64xi32, #tpu.memory_space<vmem>>, vector<16xi32>,
            %xor3A_711 = arith.xori %add3A_532, %mul3A_548 : vector<16xi32>
            %xor3A_712 = arith.xori %xor3A_711, %add3A_570 : vector<16xi32>
            %and3A_713 = arith.constant 524287 : i32
            %and3A_714 = vector.broadcast %and3A_713 : i32 to vector<16xi32>
            %and3A_715 = arith.andi %xor3A_712, %and3A_714 : vector<16xi32>
            %shift_right_arithmetic3A_716 = arith.constant 3 : i32
            %shift_right_arithmetic3A_717 = vector.broadcast %shift_right_arithmetic3A_716 : i32 to vector<16xi32>
            %shift_right_arithmetic3A_718 = arith.shrsi %and3A_715, %shift_right_arithmetic3A_717 : vector<16xi32>
            %add3A_719 = vector.broadcast %mul3A_27 : i32 to vector<16xi32>
            %add3A_720 = arith.addi %shift_right_arithmetic3A_718, %add3A_719 : vector<16xi32>
            %add3A_721 = arith.constant 64 : i32
            %add3A_722 = arith.addi %add3A_721, %mul3A_243 : i32
            %swap3A_723 = arith.constant 6 : i32
            %swap3A_724 = arith.index_cast %and3A_19 : i32 to index
            %swap3A_725 = arith.index_cast %swap3A_723 : i32 to index
            %swap3A_726 = arith.index_cast %add3A_722 : i32 to index
            %swap3A_727 = tpu.vector_load %arg11[%swap3A_724, %swap3A_725, %swap3A_726] {strides = array<i32>} : memref<2x16x128xi32, #tpu.memory_space<vmem>>, vector<16xi32>,
            tpu.vector_store %arg11[%swap3A_724, %swap3A_725, %swap3A_726], %add3A_720 {strides = array<i32>} : memref<2x16x128xi32, #tpu.memory_space<vmem>>, vector<16xi32>,
            %and3A_728 = arith.constant 7 : i32
            %and3A_729 = vector.broadcast %and3A_728 : i32 to vector<16xi32>
            %and3A_730 = arith.andi %and3A_715, %and3A_729 : vector<16xi32>
            %mul3A_731 = arith.constant 2 : i32
            %mul3A_732 = vector.broadcast %mul3A_731 : i32 to vector<16xi32>
            %mul3A_733 = arith.muli %and3A_730, %mul3A_732 : vector<16xi32>
            %swap3A_734 = arith.constant 13 : i32
            %swap3A_735 = arith.index_cast %and3A_19 : i32 to index
            %swap3A_736 = arith.index_cast %swap3A_734 : i32 to index
            %swap3A_737 = arith.index_cast %mul3A_243 : i32 to index
            %swap3A_738 = tpu.vector_load %arg12[%swap3A_735, %swap3A_736, %swap3A_737] {strides = array<i32>} : memref<2x32x64xi32, #tpu.memory_space<vmem>>, vector<16xi32>,
            tpu.vector_store %arg12[%swap3A_735, %swap3A_736, %swap3A_737], %mul3A_733 {strides = array<i32>} : memref<2x32x64xi32, #tpu.memory_space<vmem>>, vector<16xi32>,
            %xor3A_739 = arith.xori %add3A_532, %add3A_551 : vector<16xi32>
            %xor3A_740 = arith.xori %xor3A_739, %mul3A_567 : vector<16xi32>
            %and3A_741 = arith.constant 524287 : i32
            %and3A_742 = vector.broadcast %and3A_741 : i32 to vector<16xi32>
            %and3A_743 = arith.andi %xor3A_740, %and3A_742 : vector<16xi32>
            %shift_right_arithmetic3A_744 = arith.constant 3 : i32
            %shift_right_arithmetic3A_745 = vector.broadcast %shift_right_arithmetic3A_744 : i32 to vector<16xi32>
            %shift_right_arithmetic3A_746 = arith.shrsi %and3A_743, %shift_right_arithmetic3A_745 : vector<16xi32>
            %add3A_747 = vector.broadcast %mul3A_27 : i32 to vector<16xi32>
            %add3A_748 = arith.addi %shift_right_arithmetic3A_746, %add3A_747 : vector<16xi32>
            %add3A_749 = arith.constant 0 : i32
            %add3A_750 = arith.addi %add3A_749, %mul3A_243 : i32
            %swap3A_751 = arith.constant 7 : i32
            %swap3A_752 = arith.index_cast %and3A_19 : i32 to index
            %swap3A_753 = arith.index_cast %swap3A_751 : i32 to index
            %swap3A_754 = arith.index_cast %add3A_750 : i32 to index
            %swap3A_755 = tpu.vector_load %arg11[%swap3A_752, %swap3A_753, %swap3A_754] {strides = array<i32>} : memref<2x16x128xi32, #tpu.memory_space<vmem>>, vector<16xi32>,
            tpu.vector_store %arg11[%swap3A_752, %swap3A_753, %swap3A_754], %add3A_748 {strides = array<i32>} : memref<2x16x128xi32, #tpu.memory_space<vmem>>, vector<16xi32>,
            %and3A_756 = arith.constant 7 : i32
            %and3A_757 = vector.broadcast %and3A_756 : i32 to vector<16xi32>
            %and3A_758 = arith.andi %and3A_743, %and3A_757 : vector<16xi32>
            %mul3A_759 = arith.constant 2 : i32
            %mul3A_760 = vector.broadcast %mul3A_759 : i32 to vector<16xi32>
            %mul3A_761 = arith.muli %and3A_758, %mul3A_760 : vector<16xi32>
            %swap3A_762 = arith.constant 14 : i32
            %swap3A_763 = arith.index_cast %and3A_19 : i32 to index
            %swap3A_764 = arith.index_cast %swap3A_762 : i32 to index
            %swap3A_765 = arith.index_cast %mul3A_243 : i32 to index
            %swap3A_766 = tpu.vector_load %arg12[%swap3A_763, %swap3A_764, %swap3A_765] {strides = array<i32>} : memref<2x32x64xi32, #tpu.memory_space<vmem>>, vector<16xi32>,
            tpu.vector_store %arg12[%swap3A_763, %swap3A_764, %swap3A_765], %mul3A_761 {strides = array<i32>} : memref<2x32x64xi32, #tpu.memory_space<vmem>>, vector<16xi32>,
            %xor3A_767 = arith.xori %add3A_532, %add3A_551 : vector<16xi32>
            %xor3A_768 = arith.xori %xor3A_767, %add3A_570 : vector<16xi32>
            %and3A_769 = arith.constant 524287 : i32
            %and3A_770 = vector.broadcast %and3A_769 : i32 to vector<16xi32>
            %and3A_771 = arith.andi %xor3A_768, %and3A_770 : vector<16xi32>
            %shift_right_arithmetic3A_772 = arith.constant 3 : i32
            %shift_right_arithmetic3A_773 = vector.broadcast %shift_right_arithmetic3A_772 : i32 to vector<16xi32>
            %shift_right_arithmetic3A_774 = arith.shrsi %and3A_771, %shift_right_arithmetic3A_773 : vector<16xi32>
            %add3A_775 = vector.broadcast %mul3A_27 : i32 to vector<16xi32>
            %add3A_776 = arith.addi %shift_right_arithmetic3A_774, %add3A_775 : vector<16xi32>
            %add3A_777 = arith.constant 64 : i32
            %add3A_778 = arith.addi %add3A_777, %mul3A_243 : i32
            %swap3A_779 = arith.constant 7 : i32
            %swap3A_780 = arith.index_cast %and3A_19 : i32 to index
            %swap3A_781 = arith.index_cast %swap3A_779 : i32 to index
            %swap3A_782 = arith.index_cast %add3A_778 : i32 to index
            %swap3A_783 = tpu.vector_load %arg11[%swap3A_780, %swap3A_781, %swap3A_782] {strides = array<i32>} : memref<2x16x128xi32, #tpu.memory_space<vmem>>, vector<16xi32>,
            tpu.vector_store %arg11[%swap3A_780, %swap3A_781, %swap3A_782], %add3A_776 {strides = array<i32>} : memref<2x16x128xi32, #tpu.memory_space<vmem>>, vector<16xi32>,
            %and3A_784 = arith.constant 7 : i32
            %and3A_785 = vector.broadcast %and3A_784 : i32 to vector<16xi32>
            %and3A_786 = arith.andi %and3A_771, %and3A_785 : vector<16xi32>
            %mul3A_787 = arith.constant 2 : i32
            %mul3A_788 = vector.broadcast %mul3A_787 : i32 to vector<16xi32>
            %mul3A_789 = arith.muli %and3A_786, %mul3A_788 : vector<16xi32>
            %swap3A_790 = arith.constant 15 : i32
            %swap3A_791 = arith.index_cast %and3A_19 : i32 to index
            %swap3A_792 = arith.index_cast %swap3A_790 : i32 to index
            %swap3A_793 = arith.index_cast %mul3A_243 : i32 to index
            %swap3A_794 = tpu.vector_load %arg12[%swap3A_791, %swap3A_792, %swap3A_793] {strides = array<i32>} : memref<2x32x64xi32, #tpu.memory_space<vmem>>, vector<16xi32>,
            tpu.vector_store %arg12[%swap3A_791, %swap3A_792, %swap3A_793], %mul3A_789 {strides = array<i32>} : memref<2x32x64xi32, #tpu.memory_space<vmem>>, vector<16xi32>,
            %get3A_795 = arith.constant 6 : i32
            %get3A_796 = arith.index_cast %get3A_795 : i32 to index
            %get3A_797 = arith.index_cast %mul3A_243 : i32 to index
            %get3A_798 = tpu.vector_load %arg9[%get3A_796, %get3A_797] {strides = array<i32>} : memref<10x64xf32, #tpu.memory_space<vmem>>, vector<16xf32>,
            %mul3A_799 = arith.mulf %get3A_798, %gather3A : vector<16xf32>
            %convert_element_type3A_800 = arith.fptosi %mul3A_799 : vector<16xf32> to vector<16xi32>
            %convert_element_type3A_801 = arith.sitofp %convert_element_type3A_800 : vector<16xi32> to vector<16xf32>
            %sub3A_802 = arith.subf %mul3A_799, %convert_element_type3A_801 : vector<16xf32>
            %swap3A_803 = arith.constant 6 : i32
            %swap3A_804 = arith.index_cast %and3A_19 : i32 to index
            %swap3A_805 = arith.index_cast %swap3A_803 : i32 to index
            %swap3A_806 = arith.index_cast %mul3A_243 : i32 to index
            %swap3A_807 = tpu.vector_load %arg10[%swap3A_804, %swap3A_805, %swap3A_806] {strides = array<i32>} : memref<2x10x64xf32, #tpu.memory_space<vmem>>, vector<16xf32>,
            tpu.vector_store %arg10[%swap3A_804, %swap3A_805, %swap3A_806], %sub3A_802 {strides = array<i32>} : memref<2x10x64xf32, #tpu.memory_space<vmem>>, vector<16xf32>,
            %add3A_808 = arith.constant 1 : i32
            %add3A_809 = vector.broadcast %add3A_808 : i32 to vector<16xi32>
            %add3A_810 = arith.addi %convert_element_type3A_800, %add3A_809 : vector<16xi32>
            %get3A_811 = arith.constant 7 : i32
            %get3A_812 = arith.index_cast %get3A_811 : i32 to index
            %get3A_813 = arith.index_cast %mul3A_243 : i32 to index
            %get3A_814 = tpu.vector_load %arg9[%get3A_812, %get3A_813] {strides = array<i32>} : memref<10x64xf32, #tpu.memory_space<vmem>>, vector<16xf32>,
            %mul3A_815 = arith.mulf %get3A_814, %gather3A : vector<16xf32>
            %convert_element_type3A_816 = arith.fptosi %mul3A_815 : vector<16xf32> to vector<16xi32>
            %convert_element_type3A_817 = arith.sitofp %convert_element_type3A_816 : vector<16xi32> to vector<16xf32>
            %sub3A_818 = arith.subf %mul3A_815, %convert_element_type3A_817 : vector<16xf32>
            %swap3A_819 = arith.constant 7 : i32
            %swap3A_820 = arith.index_cast %and3A_19 : i32 to index
            %swap3A_821 = arith.index_cast %swap3A_819 : i32 to index
            %swap3A_822 = arith.index_cast %mul3A_243 : i32 to index
            %swap3A_823 = tpu.vector_load %arg10[%swap3A_820, %swap3A_821, %swap3A_822] {strides = array<i32>} : memref<2x10x64xf32, #tpu.memory_space<vmem>>, vector<16xf32>,
            tpu.vector_store %arg10[%swap3A_820, %swap3A_821, %swap3A_822], %sub3A_818 {strides = array<i32>} : memref<2x10x64xf32, #tpu.memory_space<vmem>>, vector<16xf32>,
            %mul3A_824 = arith.constant -1640531535 : i32
            %mul3A_825 = vector.broadcast %mul3A_824 : i32 to vector<16xi32>
            %mul3A_826 = arith.muli %convert_element_type3A_816, %mul3A_825 : vector<16xi32>
            %add3A_827 = arith.constant -1640531535 : i32
            %add3A_828 = vector.broadcast %add3A_827 : i32 to vector<16xi32>
            %add3A_829 = arith.addi %mul3A_826, %add3A_828 : vector<16xi32>
            %get3A_830 = arith.constant 8 : i32
            %get3A_831 = arith.index_cast %get3A_830 : i32 to index
            %get3A_832 = arith.index_cast %mul3A_243 : i32 to index
            %get3A_833 = tpu.vector_load %arg9[%get3A_831, %get3A_832] {strides = array<i32>} : memref<10x64xf32, #tpu.memory_space<vmem>>, vector<16xf32>,
            %mul3A_834 = arith.mulf %get3A_833, %gather3A : vector<16xf32>
            %convert_element_type3A_835 = arith.fptosi %mul3A_834 : vector<16xf32> to vector<16xi32>
            %convert_element_type3A_836 = arith.sitofp %convert_element_type3A_835 : vector<16xi32> to vector<16xf32>
            %sub3A_837 = arith.subf %mul3A_834, %convert_element_type3A_836 : vector<16xf32>
            %swap3A_838 = arith.constant 8 : i32
            %swap3A_839 = arith.index_cast %and3A_19 : i32 to index
            %swap3A_840 = arith.index_cast %swap3A_838 : i32 to index
            %swap3A_841 = arith.index_cast %mul3A_243 : i32 to index
            %swap3A_842 = tpu.vector_load %arg10[%swap3A_839, %swap3A_840, %swap3A_841] {strides = array<i32>} : memref<2x10x64xf32, #tpu.memory_space<vmem>>, vector<16xf32>,
            tpu.vector_store %arg10[%swap3A_839, %swap3A_840, %swap3A_841], %sub3A_837 {strides = array<i32>} : memref<2x10x64xf32, #tpu.memory_space<vmem>>, vector<16xf32>,
            %mul3A_843 = arith.constant 805459861 : i32
            %mul3A_844 = vector.broadcast %mul3A_843 : i32 to vector<16xi32>
            %mul3A_845 = arith.muli %convert_element_type3A_835, %mul3A_844 : vector<16xi32>
            %add3A_846 = arith.constant 805459861 : i32
            %add3A_847 = vector.broadcast %add3A_846 : i32 to vector<16xi32>
            %add3A_848 = arith.addi %mul3A_845, %add3A_847 : vector<16xi32>
            %get3A_849 = arith.constant 9 : i32
            %get3A_850 = arith.index_cast %get3A_849 : i32 to index
            %get3A_851 = arith.index_cast %mul3A_243 : i32 to index
            %get3A_852 = tpu.vector_load %arg9[%get3A_850, %get3A_851] {strides = array<i32>} : memref<10x64xf32, #tpu.memory_space<vmem>>, vector<16xf32>,
            %mul3A_853 = arith.mulf %get3A_852, %gather3A : vector<16xf32>
            %convert_element_type3A_854 = arith.fptosi %mul3A_853 : vector<16xf32> to vector<16xi32>
            %convert_element_type3A_855 = arith.sitofp %convert_element_type3A_854 : vector<16xi32> to vector<16xf32>
            %sub3A_856 = arith.subf %mul3A_853, %convert_element_type3A_855 : vector<16xf32>
            %swap3A_857 = arith.constant 9 : i32
            %swap3A_858 = arith.index_cast %and3A_19 : i32 to index
            %swap3A_859 = arith.index_cast %swap3A_857 : i32 to index
            %swap3A_860 = arith.index_cast %mul3A_243 : i32 to index
            %swap3A_861 = tpu.vector_load %arg10[%swap3A_858, %swap3A_859, %swap3A_860] {strides = array<i32>} : memref<2x10x64xf32, #tpu.memory_space<vmem>>, vector<16xf32>,
            tpu.vector_store %arg10[%swap3A_858, %swap3A_859, %swap3A_860], %sub3A_856 {strides = array<i32>} : memref<2x10x64xf32, #tpu.memory_space<vmem>>, vector<16xf32>,
            %mul3A_862 = arith.constant -620313867 : i32
            %mul3A_863 = vector.broadcast %mul3A_862 : i32 to vector<16xi32>
            %mul3A_864 = arith.muli %convert_element_type3A_854, %mul3A_863 : vector<16xi32>
            %add3A_865 = arith.constant -620313867 : i32
            %add3A_866 = vector.broadcast %add3A_865 : i32 to vector<16xi32>
            %add3A_867 = arith.addi %mul3A_864, %add3A_866 : vector<16xi32>
            %xor3A_868 = arith.xori %convert_element_type3A_800, %mul3A_826 : vector<16xi32>
            %xor3A_869 = arith.xori %xor3A_868, %mul3A_845 : vector<16xi32>
            %xor3A_870 = arith.xori %xor3A_869, %mul3A_864 : vector<16xi32>
            %and3A_871 = arith.constant 524287 : i32
            %and3A_872 = vector.broadcast %and3A_871 : i32 to vector<16xi32>
            %and3A_873 = arith.andi %xor3A_870, %and3A_872 : vector<16xi32>
            %shift_right_arithmetic3A_874 = arith.constant 3 : i32
            %shift_right_arithmetic3A_875 = vector.broadcast %shift_right_arithmetic3A_874 : i32 to vector<16xi32>
            %shift_right_arithmetic3A_876 = arith.shrsi %and3A_873, %shift_right_arithmetic3A_875 : vector<16xi32>
            %add3A_877 = vector.broadcast %mul3A_27 : i32 to vector<16xi32>
            %add3A_878 = arith.addi %shift_right_arithmetic3A_876, %add3A_877 : vector<16xi32>
            %add3A_879 = arith.constant 0 : i32
            %add3A_880 = arith.addi %add3A_879, %mul3A_243 : i32
            %swap3A_881 = arith.constant 8 : i32
            %swap3A_882 = arith.index_cast %and3A_19 : i32 to index
            %swap3A_883 = arith.index_cast %swap3A_881 : i32 to index
            %swap3A_884 = arith.index_cast %add3A_880 : i32 to index
            %swap3A_885 = tpu.vector_load %arg11[%swap3A_882, %swap3A_883, %swap3A_884] {strides = array<i32>} : memref<2x16x128xi32, #tpu.memory_space<vmem>>, vector<16xi32>,
            tpu.vector_store %arg11[%swap3A_882, %swap3A_883, %swap3A_884], %add3A_878 {strides = array<i32>} : memref<2x16x128xi32, #tpu.memory_space<vmem>>, vector<16xi32>,
            %and3A_886 = arith.constant 7 : i32
            %and3A_887 = vector.broadcast %and3A_886 : i32 to vector<16xi32>
            %and3A_888 = arith.andi %and3A_873, %and3A_887 : vector<16xi32>
            %mul3A_889 = arith.constant 2 : i32
            %mul3A_890 = vector.broadcast %mul3A_889 : i32 to vector<16xi32>
            %mul3A_891 = arith.muli %and3A_888, %mul3A_890 : vector<16xi32>
            %swap3A_892 = arith.constant 16 : i32
            %swap3A_893 = arith.index_cast %and3A_19 : i32 to index
            %swap3A_894 = arith.index_cast %swap3A_892 : i32 to index
            %swap3A_895 = arith.index_cast %mul3A_243 : i32 to index
            %swap3A_896 = tpu.vector_load %arg12[%swap3A_893, %swap3A_894, %swap3A_895] {strides = array<i32>} : memref<2x32x64xi32, #tpu.memory_space<vmem>>, vector<16xi32>,
            tpu.vector_store %arg12[%swap3A_893, %swap3A_894, %swap3A_895], %mul3A_891 {strides = array<i32>} : memref<2x32x64xi32, #tpu.memory_space<vmem>>, vector<16xi32>,
            %xor3A_897 = arith.xori %convert_element_type3A_800, %mul3A_826 : vector<16xi32>
            %xor3A_898 = arith.xori %xor3A_897, %mul3A_845 : vector<16xi32>
            %xor3A_899 = arith.xori %xor3A_898, %add3A_867 : vector<16xi32>
            %and3A_900 = arith.constant 524287 : i32
            %and3A_901 = vector.broadcast %and3A_900 : i32 to vector<16xi32>
            %and3A_902 = arith.andi %xor3A_899, %and3A_901 : vector<16xi32>
            %shift_right_arithmetic3A_903 = arith.constant 3 : i32
            %shift_right_arithmetic3A_904 = vector.broadcast %shift_right_arithmetic3A_903 : i32 to vector<16xi32>
            %shift_right_arithmetic3A_905 = arith.shrsi %and3A_902, %shift_right_arithmetic3A_904 : vector<16xi32>
            %add3A_906 = vector.broadcast %mul3A_27 : i32 to vector<16xi32>
            %add3A_907 = arith.addi %shift_right_arithmetic3A_905, %add3A_906 : vector<16xi32>
            %add3A_908 = arith.constant 64 : i32
            %add3A_909 = arith.addi %add3A_908, %mul3A_243 : i32
            %swap3A_910 = arith.constant 8 : i32
            %swap3A_911 = arith.index_cast %and3A_19 : i32 to index
            %swap3A_912 = arith.index_cast %swap3A_910 : i32 to index
            %swap3A_913 = arith.index_cast %add3A_909 : i32 to index
            %swap3A_914 = tpu.vector_load %arg11[%swap3A_911, %swap3A_912, %swap3A_913] {strides = array<i32>} : memref<2x16x128xi32, #tpu.memory_space<vmem>>, vector<16xi32>,
            tpu.vector_store %arg11[%swap3A_911, %swap3A_912, %swap3A_913], %add3A_907 {strides = array<i32>} : memref<2x16x128xi32, #tpu.memory_space<vmem>>, vector<16xi32>,
            %and3A_915 = arith.constant 7 : i32
            %and3A_916 = vector.broadcast %and3A_915 : i32 to vector<16xi32>
            %and3A_917 = arith.andi %and3A_902, %and3A_916 : vector<16xi32>
            %mul3A_918 = arith.constant 2 : i32
            %mul3A_919 = vector.broadcast %mul3A_918 : i32 to vector<16xi32>
            %mul3A_920 = arith.muli %and3A_917, %mul3A_919 : vector<16xi32>
            %swap3A_921 = arith.constant 17 : i32
            %swap3A_922 = arith.index_cast %and3A_19 : i32 to index
            %swap3A_923 = arith.index_cast %swap3A_921 : i32 to index
            %swap3A_924 = arith.index_cast %mul3A_243 : i32 to index
            %swap3A_925 = tpu.vector_load %arg12[%swap3A_922, %swap3A_923, %swap3A_924] {strides = array<i32>} : memref<2x32x64xi32, #tpu.memory_space<vmem>>, vector<16xi32>,
            tpu.vector_store %arg12[%swap3A_922, %swap3A_923, %swap3A_924], %mul3A_920 {strides = array<i32>} : memref<2x32x64xi32, #tpu.memory_space<vmem>>, vector<16xi32>,
            %xor3A_926 = arith.xori %convert_element_type3A_800, %mul3A_826 : vector<16xi32>
            %xor3A_927 = arith.xori %xor3A_926, %add3A_848 : vector<16xi32>
            %xor3A_928 = arith.xori %xor3A_927, %mul3A_864 : vector<16xi32>
            %and3A_929 = arith.constant 524287 : i32
            %and3A_930 = vector.broadcast %and3A_929 : i32 to vector<16xi32>
            %and3A_931 = arith.andi %xor3A_928, %and3A_930 : vector<16xi32>
            %shift_right_arithmetic3A_932 = arith.constant 3 : i32
            %shift_right_arithmetic3A_933 = vector.broadcast %shift_right_arithmetic3A_932 : i32 to vector<16xi32>
            %shift_right_arithmetic3A_934 = arith.shrsi %and3A_931, %shift_right_arithmetic3A_933 : vector<16xi32>
            %add3A_935 = vector.broadcast %mul3A_27 : i32 to vector<16xi32>
            %add3A_936 = arith.addi %shift_right_arithmetic3A_934, %add3A_935 : vector<16xi32>
            %add3A_937 = arith.constant 0 : i32
            %add3A_938 = arith.addi %add3A_937, %mul3A_243 : i32
            %swap3A_939 = arith.constant 9 : i32
            %swap3A_940 = arith.index_cast %and3A_19 : i32 to index
            %swap3A_941 = arith.index_cast %swap3A_939 : i32 to index
            %swap3A_942 = arith.index_cast %add3A_938 : i32 to index
            %swap3A_943 = tpu.vector_load %arg11[%swap3A_940, %swap3A_941, %swap3A_942] {strides = array<i32>} : memref<2x16x128xi32, #tpu.memory_space<vmem>>, vector<16xi32>,
            tpu.vector_store %arg11[%swap3A_940, %swap3A_941, %swap3A_942], %add3A_936 {strides = array<i32>} : memref<2x16x128xi32, #tpu.memory_space<vmem>>, vector<16xi32>,
            %and3A_944 = arith.constant 7 : i32
            %and3A_945 = vector.broadcast %and3A_944 : i32 to vector<16xi32>
            %and3A_946 = arith.andi %and3A_931, %and3A_945 : vector<16xi32>
            %mul3A_947 = arith.constant 2 : i32
            %mul3A_948 = vector.broadcast %mul3A_947 : i32 to vector<16xi32>
            %mul3A_949 = arith.muli %and3A_946, %mul3A_948 : vector<16xi32>
            %swap3A_950 = arith.constant 18 : i32
            %swap3A_951 = arith.index_cast %and3A_19 : i32 to index
            %swap3A_952 = arith.index_cast %swap3A_950 : i32 to index
            %swap3A_953 = arith.index_cast %mul3A_243 : i32 to index
            %swap3A_954 = tpu.vector_load %arg12[%swap3A_951, %swap3A_952, %swap3A_953] {strides = array<i32>} : memref<2x32x64xi32, #tpu.memory_space<vmem>>, vector<16xi32>,
            tpu.vector_store %arg12[%swap3A_951, %swap3A_952, %swap3A_953], %mul3A_949 {strides = array<i32>} : memref<2x32x64xi32, #tpu.memory_space<vmem>>, vector<16xi32>,
            %xor3A_955 = arith.xori %convert_element_type3A_800, %mul3A_826 : vector<16xi32>
            %xor3A_956 = arith.xori %xor3A_955, %add3A_848 : vector<16xi32>
            %xor3A_957 = arith.xori %xor3A_956, %add3A_867 : vector<16xi32>
            %and3A_958 = arith.constant 524287 : i32
            %and3A_959 = vector.broadcast %and3A_958 : i32 to vector<16xi32>
            %and3A_960 = arith.andi %xor3A_957, %and3A_959 : vector<16xi32>
            %shift_right_arithmetic3A_961 = arith.constant 3 : i32
            %shift_right_arithmetic3A_962 = vector.broadcast %shift_right_arithmetic3A_961 : i32 to vector<16xi32>
            %shift_right_arithmetic3A_963 = arith.shrsi %and3A_960, %shift_right_arithmetic3A_962 : vector<16xi32>
            %add3A_964 = vector.broadcast %mul3A_27 : i32 to vector<16xi32>
            %add3A_965 = arith.addi %shift_right_arithmetic3A_963, %add3A_964 : vector<16xi32>
            %add3A_966 = arith.constant 64 : i32
            %add3A_967 = arith.addi %add3A_966, %mul3A_243 : i32
            %swap3A_968 = arith.constant 9 : i32
            %swap3A_969 = arith.index_cast %and3A_19 : i32 to index
            %swap3A_970 = arith.index_cast %swap3A_968 : i32 to index
            %swap3A_971 = arith.index_cast %add3A_967 : i32 to index
            %swap3A_972 = tpu.vector_load %arg11[%swap3A_969, %swap3A_970, %swap3A_971] {strides = array<i32>} : memref<2x16x128xi32, #tpu.memory_space<vmem>>, vector<16xi32>,
            tpu.vector_store %arg11[%swap3A_969, %swap3A_970, %swap3A_971], %add3A_965 {strides = array<i32>} : memref<2x16x128xi32, #tpu.memory_space<vmem>>, vector<16xi32>,
            %and3A_973 = arith.constant 7 : i32
            %and3A_974 = vector.broadcast %and3A_973 : i32 to vector<16xi32>
            %and3A_975 = arith.andi %and3A_960, %and3A_974 : vector<16xi32>
            %mul3A_976 = arith.constant 2 : i32
            %mul3A_977 = vector.broadcast %mul3A_976 : i32 to vector<16xi32>
            %mul3A_978 = arith.muli %and3A_975, %mul3A_977 : vector<16xi32>
            %swap3A_979 = arith.constant 19 : i32
            %swap3A_980 = arith.index_cast %and3A_19 : i32 to index
            %swap3A_981 = arith.index_cast %swap3A_979 : i32 to index
            %swap3A_982 = arith.index_cast %mul3A_243 : i32 to index
            %swap3A_983 = tpu.vector_load %arg12[%swap3A_980, %swap3A_981, %swap3A_982] {strides = array<i32>} : memref<2x32x64xi32, #tpu.memory_space<vmem>>, vector<16xi32>,
            tpu.vector_store %arg12[%swap3A_980, %swap3A_981, %swap3A_982], %mul3A_978 {strides = array<i32>} : memref<2x32x64xi32, #tpu.memory_space<vmem>>, vector<16xi32>,
            %xor3A_984 = arith.xori %convert_element_type3A_800, %add3A_829 : vector<16xi32>
            %xor3A_985 = arith.xori %xor3A_984, %mul3A_845 : vector<16xi32>
            %xor3A_986 = arith.xori %xor3A_985, %mul3A_864 : vector<16xi32>
            %and3A_987 = arith.constant 524287 : i32
            %and3A_988 = vector.broadcast %and3A_987 : i32 to vector<16xi32>
            %and3A_989 = arith.andi %xor3A_986, %and3A_988 : vector<16xi32>
            %shift_right_arithmetic3A_990 = arith.constant 3 : i32
            %shift_right_arithmetic3A_991 = vector.broadcast %shift_right_arithmetic3A_990 : i32 to vector<16xi32>
            %shift_right_arithmetic3A_992 = arith.shrsi %and3A_989, %shift_right_arithmetic3A_991 : vector<16xi32>
            %add3A_993 = vector.broadcast %mul3A_27 : i32 to vector<16xi32>
            %add3A_994 = arith.addi %shift_right_arithmetic3A_992, %add3A_993 : vector<16xi32>
            %add3A_995 = arith.constant 0 : i32
            %add3A_996 = arith.addi %add3A_995, %mul3A_243 : i32
            %swap3A_997 = arith.constant 10 : i32
            %swap3A_998 = arith.index_cast %and3A_19 : i32 to index
            %swap3A_999 = arith.index_cast %swap3A_997 : i32 to index
            %swap3A_1000 = arith.index_cast %add3A_996 : i32 to index
            %swap3A_1001 = tpu.vector_load %arg11[%swap3A_998, %swap3A_999, %swap3A_1000] {strides = array<i32>} : memref<2x16x128xi32, #tpu.memory_space<vmem>>, vector<16xi32>,
            tpu.vector_store %arg11[%swap3A_998, %swap3A_999, %swap3A_1000], %add3A_994 {strides = array<i32>} : memref<2x16x128xi32, #tpu.memory_space<vmem>>, vector<16xi32>,
            %and3A_1002 = arith.constant 7 : i32
            %and3A_1003 = vector.broadcast %and3A_1002 : i32 to vector<16xi32>
            %and3A_1004 = arith.andi %and3A_989, %and3A_1003 : vector<16xi32>
            %mul3A_1005 = arith.constant 2 : i32
            %mul3A_1006 = vector.broadcast %mul3A_1005 : i32 to vector<16xi32>
            %mul3A_1007 = arith.muli %and3A_1004, %mul3A_1006 : vector<16xi32>
            %swap3A_1008 = arith.constant 20 : i32
            %swap3A_1009 = arith.index_cast %and3A_19 : i32 to index
            %swap3A_1010 = arith.index_cast %swap3A_1008 : i32 to index
            %swap3A_1011 = arith.index_cast %mul3A_243 : i32 to index
            %swap3A_1012 = tpu.vector_load %arg12[%swap3A_1009, %swap3A_1010, %swap3A_1011] {strides = array<i32>} : memref<2x32x64xi32, #tpu.memory_space<vmem>>, vector<16xi32>,
            tpu.vector_store %arg12[%swap3A_1009, %swap3A_1010, %swap3A_1011], %mul3A_1007 {strides = array<i32>} : memref<2x32x64xi32, #tpu.memory_space<vmem>>, vector<16xi32>,
            %xor3A_1013 = arith.xori %convert_element_type3A_800, %add3A_829 : vector<16xi32>
            %xor3A_1014 = arith.xori %xor3A_1013, %mul3A_845 : vector<16xi32>
            %xor3A_1015 = arith.xori %xor3A_1014, %add3A_867 : vector<16xi32>
            %and3A_1016 = arith.constant 524287 : i32
            %and3A_1017 = vector.broadcast %and3A_1016 : i32 to vector<16xi32>
            %and3A_1018 = arith.andi %xor3A_1015, %and3A_1017 : vector<16xi32>
            %shift_right_arithmetic3A_1019 = arith.constant 3 : i32
            %shift_right_arithmetic3A_1020 = vector.broadcast %shift_right_arithmetic3A_1019 : i32 to vector<16xi32>
            %shift_right_arithmetic3A_1021 = arith.shrsi %and3A_1018, %shift_right_arithmetic3A_1020 : vector<16xi32>
            %add3A_1022 = vector.broadcast %mul3A_27 : i32 to vector<16xi32>
            %add3A_1023 = arith.addi %shift_right_arithmetic3A_1021, %add3A_1022 : vector<16xi32>
            %add3A_1024 = arith.constant 64 : i32
            %add3A_1025 = arith.addi %add3A_1024, %mul3A_243 : i32
            %swap3A_1026 = arith.constant 10 : i32
            %swap3A_1027 = arith.index_cast %and3A_19 : i32 to index
            %swap3A_1028 = arith.index_cast %swap3A_1026 : i32 to index
            %swap3A_1029 = arith.index_cast %add3A_1025 : i32 to index
            %swap3A_1030 = tpu.vector_load %arg11[%swap3A_1027, %swap3A_1028, %swap3A_1029] {strides = array<i32>} : memref<2x16x128xi32, #tpu.memory_space<vmem>>, vector<16xi32>,
            tpu.vector_store %arg11[%swap3A_1027, %swap3A_1028, %swap3A_1029], %add3A_1023 {strides = array<i32>} : memref<2x16x128xi32, #tpu.memory_space<vmem>>, vector<16xi32>,
            %and3A_1031 = arith.constant 7 : i32
            %and3A_1032 = vector.broadcast %and3A_1031 : i32 to vector<16xi32>
            %and3A_1033 = arith.andi %and3A_1018, %and3A_1032 : vector<16xi32>
            %mul3A_1034 = arith.constant 2 : i32
            %mul3A_1035 = vector.broadcast %mul3A_1034 : i32 to vector<16xi32>
            %mul3A_1036 = arith.muli %and3A_1033, %mul3A_1035 : vector<16xi32>
            %swap3A_1037 = arith.constant 21 : i32
            %swap3A_1038 = arith.index_cast %and3A_19 : i32 to index
            %swap3A_1039 = arith.index_cast %swap3A_1037 : i32 to index
            %swap3A_1040 = arith.index_cast %mul3A_243 : i32 to index
            %swap3A_1041 = tpu.vector_load %arg12[%swap3A_1038, %swap3A_1039, %swap3A_1040] {strides = array<i32>} : memref<2x32x64xi32, #tpu.memory_space<vmem>>, vector<16xi32>,
            tpu.vector_store %arg12[%swap3A_1038, %swap3A_1039, %swap3A_1040], %mul3A_1036 {strides = array<i32>} : memref<2x32x64xi32, #tpu.memory_space<vmem>>, vector<16xi32>,
            %xor3A_1042 = arith.xori %convert_element_type3A_800, %add3A_829 : vector<16xi32>
            %xor3A_1043 = arith.xori %xor3A_1042, %add3A_848 : vector<16xi32>
            %xor3A_1044 = arith.xori %xor3A_1043, %mul3A_864 : vector<16xi32>
            %and3A_1045 = arith.constant 524287 : i32
            %and3A_1046 = vector.broadcast %and3A_1045 : i32 to vector<16xi32>
            %and3A_1047 = arith.andi %xor3A_1044, %and3A_1046 : vector<16xi32>
            %shift_right_arithmetic3A_1048 = arith.constant 3 : i32
            %shift_right_arithmetic3A_1049 = vector.broadcast %shift_right_arithmetic3A_1048 : i32 to vector<16xi32>
            %shift_right_arithmetic3A_1050 = arith.shrsi %and3A_1047, %shift_right_arithmetic3A_1049 : vector<16xi32>
            %add3A_1051 = vector.broadcast %mul3A_27 : i32 to vector<16xi32>
            %add3A_1052 = arith.addi %shift_right_arithmetic3A_1050, %add3A_1051 : vector<16xi32>
            %add3A_1053 = arith.constant 0 : i32
            %add3A_1054 = arith.addi %add3A_1053, %mul3A_243 : i32
            %swap3A_1055 = arith.constant 11 : i32
            %swap3A_1056 = arith.index_cast %and3A_19 : i32 to index
            %swap3A_1057 = arith.index_cast %swap3A_1055 : i32 to index
            %swap3A_1058 = arith.index_cast %add3A_1054 : i32 to index
            %swap3A_1059 = tpu.vector_load %arg11[%swap3A_1056, %swap3A_1057, %swap3A_1058] {strides = array<i32>} : memref<2x16x128xi32, #tpu.memory_space<vmem>>, vector<16xi32>,
            tpu.vector_store %arg11[%swap3A_1056, %swap3A_1057, %swap3A_1058], %add3A_1052 {strides = array<i32>} : memref<2x16x128xi32, #tpu.memory_space<vmem>>, vector<16xi32>,
            %and3A_1060 = arith.constant 7 : i32
            %and3A_1061 = vector.broadcast %and3A_1060 : i32 to vector<16xi32>
            %and3A_1062 = arith.andi %and3A_1047, %and3A_1061 : vector<16xi32>
            %mul3A_1063 = arith.constant 2 : i32
            %mul3A_1064 = vector.broadcast %mul3A_1063 : i32 to vector<16xi32>
            %mul3A_1065 = arith.muli %and3A_1062, %mul3A_1064 : vector<16xi32>
            %swap3A_1066 = arith.constant 22 : i32
            %swap3A_1067 = arith.index_cast %and3A_19 : i32 to index
            %swap3A_1068 = arith.index_cast %swap3A_1066 : i32 to index
            %swap3A_1069 = arith.index_cast %mul3A_243 : i32 to index
            %swap3A_1070 = tpu.vector_load %arg12[%swap3A_1067, %swap3A_1068, %swap3A_1069] {strides = array<i32>} : memref<2x32x64xi32, #tpu.memory_space<vmem>>, vector<16xi32>,
            tpu.vector_store %arg12[%swap3A_1067, %swap3A_1068, %swap3A_1069], %mul3A_1065 {strides = array<i32>} : memref<2x32x64xi32, #tpu.memory_space<vmem>>, vector<16xi32>,
            %xor3A_1071 = arith.xori %convert_element_type3A_800, %add3A_829 : vector<16xi32>
            %xor3A_1072 = arith.xori %xor3A_1071, %add3A_848 : vector<16xi32>
            %xor3A_1073 = arith.xori %xor3A_1072, %add3A_867 : vector<16xi32>
            %and3A_1074 = arith.constant 524287 : i32
            %and3A_1075 = vector.broadcast %and3A_1074 : i32 to vector<16xi32>
            %and3A_1076 = arith.andi %xor3A_1073, %and3A_1075 : vector<16xi32>
            %shift_right_arithmetic3A_1077 = arith.constant 3 : i32
            %shift_right_arithmetic3A_1078 = vector.broadcast %shift_right_arithmetic3A_1077 : i32 to vector<16xi32>
            %shift_right_arithmetic3A_1079 = arith.shrsi %and3A_1076, %shift_right_arithmetic3A_1078 : vector<16xi32>
            %add3A_1080 = vector.broadcast %mul3A_27 : i32 to vector<16xi32>
            %add3A_1081 = arith.addi %shift_right_arithmetic3A_1079, %add3A_1080 : vector<16xi32>
            %add3A_1082 = arith.constant 64 : i32
            %add3A_1083 = arith.addi %add3A_1082, %mul3A_243 : i32
            %swap3A_1084 = arith.constant 11 : i32
            %swap3A_1085 = arith.index_cast %and3A_19 : i32 to index
            %swap3A_1086 = arith.index_cast %swap3A_1084 : i32 to index
            %swap3A_1087 = arith.index_cast %add3A_1083 : i32 to index
            %swap3A_1088 = tpu.vector_load %arg11[%swap3A_1085, %swap3A_1086, %swap3A_1087] {strides = array<i32>} : memref<2x16x128xi32, #tpu.memory_space<vmem>>, vector<16xi32>,
            tpu.vector_store %arg11[%swap3A_1085, %swap3A_1086, %swap3A_1087], %add3A_1081 {strides = array<i32>} : memref<2x16x128xi32, #tpu.memory_space<vmem>>, vector<16xi32>,
            %and3A_1089 = arith.constant 7 : i32
            %and3A_1090 = vector.broadcast %and3A_1089 : i32 to vector<16xi32>
            %and3A_1091 = arith.andi %and3A_1076, %and3A_1090 : vector<16xi32>
            %mul3A_1092 = arith.constant 2 : i32
            %mul3A_1093 = vector.broadcast %mul3A_1092 : i32 to vector<16xi32>
            %mul3A_1094 = arith.muli %and3A_1091, %mul3A_1093 : vector<16xi32>
            %swap3A_1095 = arith.constant 23 : i32
            %swap3A_1096 = arith.index_cast %and3A_19 : i32 to index
            %swap3A_1097 = arith.index_cast %swap3A_1095 : i32 to index
            %swap3A_1098 = arith.index_cast %mul3A_243 : i32 to index
            %swap3A_1099 = tpu.vector_load %arg12[%swap3A_1096, %swap3A_1097, %swap3A_1098] {strides = array<i32>} : memref<2x32x64xi32, #tpu.memory_space<vmem>>, vector<16xi32>,
            tpu.vector_store %arg12[%swap3A_1096, %swap3A_1097, %swap3A_1098], %mul3A_1094 {strides = array<i32>} : memref<2x32x64xi32, #tpu.memory_space<vmem>>, vector<16xi32>,
            %xor3A_1100 = arith.xori %add3A_810, %mul3A_826 : vector<16xi32>
            %xor3A_1101 = arith.xori %xor3A_1100, %mul3A_845 : vector<16xi32>
            %xor3A_1102 = arith.xori %xor3A_1101, %mul3A_864 : vector<16xi32>
            %and3A_1103 = arith.constant 524287 : i32
            %and3A_1104 = vector.broadcast %and3A_1103 : i32 to vector<16xi32>
            %and3A_1105 = arith.andi %xor3A_1102, %and3A_1104 : vector<16xi32>
            %shift_right_arithmetic3A_1106 = arith.constant 3 : i32
            %shift_right_arithmetic3A_1107 = vector.broadcast %shift_right_arithmetic3A_1106 : i32 to vector<16xi32>
            %shift_right_arithmetic3A_1108 = arith.shrsi %and3A_1105, %shift_right_arithmetic3A_1107 : vector<16xi32>
            %add3A_1109 = vector.broadcast %mul3A_27 : i32 to vector<16xi32>
            %add3A_1110 = arith.addi %shift_right_arithmetic3A_1108, %add3A_1109 : vector<16xi32>
            %add3A_1111 = arith.constant 0 : i32
            %add3A_1112 = arith.addi %add3A_1111, %mul3A_243 : i32
            %swap3A_1113 = arith.constant 12 : i32
            %swap3A_1114 = arith.index_cast %and3A_19 : i32 to index
            %swap3A_1115 = arith.index_cast %swap3A_1113 : i32 to index
            %swap3A_1116 = arith.index_cast %add3A_1112 : i32 to index
            %swap3A_1117 = tpu.vector_load %arg11[%swap3A_1114, %swap3A_1115, %swap3A_1116] {strides = array<i32>} : memref<2x16x128xi32, #tpu.memory_space<vmem>>, vector<16xi32>,
            tpu.vector_store %arg11[%swap3A_1114, %swap3A_1115, %swap3A_1116], %add3A_1110 {strides = array<i32>} : memref<2x16x128xi32, #tpu.memory_space<vmem>>, vector<16xi32>,
            %and3A_1118 = arith.constant 7 : i32
            %and3A_1119 = vector.broadcast %and3A_1118 : i32 to vector<16xi32>
            %and3A_1120 = arith.andi %and3A_1105, %and3A_1119 : vector<16xi32>
            %mul3A_1121 = arith.constant 2 : i32
            %mul3A_1122 = vector.broadcast %mul3A_1121 : i32 to vector<16xi32>
            %mul3A_1123 = arith.muli %and3A_1120, %mul3A_1122 : vector<16xi32>
            %swap3A_1124 = arith.constant 24 : i32
            %swap3A_1125 = arith.index_cast %and3A_19 : i32 to index
            %swap3A_1126 = arith.index_cast %swap3A_1124 : i32 to index
            %swap3A_1127 = arith.index_cast %mul3A_243 : i32 to index
            %swap3A_1128 = tpu.vector_load %arg12[%swap3A_1125, %swap3A_1126, %swap3A_1127] {strides = array<i32>} : memref<2x32x64xi32, #tpu.memory_space<vmem>>, vector<16xi32>,
            tpu.vector_store %arg12[%swap3A_1125, %swap3A_1126, %swap3A_1127], %mul3A_1123 {strides = array<i32>} : memref<2x32x64xi32, #tpu.memory_space<vmem>>, vector<16xi32>,
            %xor3A_1129 = arith.xori %add3A_810, %mul3A_826 : vector<16xi32>
            %xor3A_1130 = arith.xori %xor3A_1129, %mul3A_845 : vector<16xi32>
            %xor3A_1131 = arith.xori %xor3A_1130, %add3A_867 : vector<16xi32>
            %and3A_1132 = arith.constant 524287 : i32
            %and3A_1133 = vector.broadcast %and3A_1132 : i32 to vector<16xi32>
            %and3A_1134 = arith.andi %xor3A_1131, %and3A_1133 : vector<16xi32>
            %shift_right_arithmetic3A_1135 = arith.constant 3 : i32
            %shift_right_arithmetic3A_1136 = vector.broadcast %shift_right_arithmetic3A_1135 : i32 to vector<16xi32>
            %shift_right_arithmetic3A_1137 = arith.shrsi %and3A_1134, %shift_right_arithmetic3A_1136 : vector<16xi32>
            %add3A_1138 = vector.broadcast %mul3A_27 : i32 to vector<16xi32>
            %add3A_1139 = arith.addi %shift_right_arithmetic3A_1137, %add3A_1138 : vector<16xi32>
            %add3A_1140 = arith.constant 64 : i32
            %add3A_1141 = arith.addi %add3A_1140, %mul3A_243 : i32
            %swap3A_1142 = arith.constant 12 : i32
            %swap3A_1143 = arith.index_cast %and3A_19 : i32 to index
            %swap3A_1144 = arith.index_cast %swap3A_1142 : i32 to index
            %swap3A_1145 = arith.index_cast %add3A_1141 : i32 to index
            %swap3A_1146 = tpu.vector_load %arg11[%swap3A_1143, %swap3A_1144, %swap3A_1145] {strides = array<i32>} : memref<2x16x128xi32, #tpu.memory_space<vmem>>, vector<16xi32>,
            tpu.vector_store %arg11[%swap3A_1143, %swap3A_1144, %swap3A_1145], %add3A_1139 {strides = array<i32>} : memref<2x16x128xi32, #tpu.memory_space<vmem>>, vector<16xi32>,
            %and3A_1147 = arith.constant 7 : i32
            %and3A_1148 = vector.broadcast %and3A_1147 : i32 to vector<16xi32>
            %and3A_1149 = arith.andi %and3A_1134, %and3A_1148 : vector<16xi32>
            %mul3A_1150 = arith.constant 2 : i32
            %mul3A_1151 = vector.broadcast %mul3A_1150 : i32 to vector<16xi32>
            %mul3A_1152 = arith.muli %and3A_1149, %mul3A_1151 : vector<16xi32>
            %swap3A_1153 = arith.constant 25 : i32
            %swap3A_1154 = arith.index_cast %and3A_19 : i32 to index
            %swap3A_1155 = arith.index_cast %swap3A_1153 : i32 to index
            %swap3A_1156 = arith.index_cast %mul3A_243 : i32 to index
            %swap3A_1157 = tpu.vector_load %arg12[%swap3A_1154, %swap3A_1155, %swap3A_1156] {strides = array<i32>} : memref<2x32x64xi32, #tpu.memory_space<vmem>>, vector<16xi32>,
            tpu.vector_store %arg12[%swap3A_1154, %swap3A_1155, %swap3A_1156], %mul3A_1152 {strides = array<i32>} : memref<2x32x64xi32, #tpu.memory_space<vmem>>, vector<16xi32>,
            %xor3A_1158 = arith.xori %add3A_810, %mul3A_826 : vector<16xi32>
            %xor3A_1159 = arith.xori %xor3A_1158, %add3A_848 : vector<16xi32>
            %xor3A_1160 = arith.xori %xor3A_1159, %mul3A_864 : vector<16xi32>
            %and3A_1161 = arith.constant 524287 : i32
            %and3A_1162 = vector.broadcast %and3A_1161 : i32 to vector<16xi32>
            %and3A_1163 = arith.andi %xor3A_1160, %and3A_1162 : vector<16xi32>
            %shift_right_arithmetic3A_1164 = arith.constant 3 : i32
            %shift_right_arithmetic3A_1165 = vector.broadcast %shift_right_arithmetic3A_1164 : i32 to vector<16xi32>
            %shift_right_arithmetic3A_1166 = arith.shrsi %and3A_1163, %shift_right_arithmetic3A_1165 : vector<16xi32>
            %add3A_1167 = vector.broadcast %mul3A_27 : i32 to vector<16xi32>
            %add3A_1168 = arith.addi %shift_right_arithmetic3A_1166, %add3A_1167 : vector<16xi32>
            %add3A_1169 = arith.constant 0 : i32
            %add3A_1170 = arith.addi %add3A_1169, %mul3A_243 : i32
            %swap3A_1171 = arith.constant 13 : i32
            %swap3A_1172 = arith.index_cast %and3A_19 : i32 to index
            %swap3A_1173 = arith.index_cast %swap3A_1171 : i32 to index
            %swap3A_1174 = arith.index_cast %add3A_1170 : i32 to index
            %swap3A_1175 = tpu.vector_load %arg11[%swap3A_1172, %swap3A_1173, %swap3A_1174] {strides = array<i32>} : memref<2x16x128xi32, #tpu.memory_space<vmem>>, vector<16xi32>,
            tpu.vector_store %arg11[%swap3A_1172, %swap3A_1173, %swap3A_1174], %add3A_1168 {strides = array<i32>} : memref<2x16x128xi32, #tpu.memory_space<vmem>>, vector<16xi32>,
            %and3A_1176 = arith.constant 7 : i32
            %and3A_1177 = vector.broadcast %and3A_1176 : i32 to vector<16xi32>
            %and3A_1178 = arith.andi %and3A_1163, %and3A_1177 : vector<16xi32>
            %mul3A_1179 = arith.constant 2 : i32
            %mul3A_1180 = vector.broadcast %mul3A_1179 : i32 to vector<16xi32>
            %mul3A_1181 = arith.muli %and3A_1178, %mul3A_1180 : vector<16xi32>
            %swap3A_1182 = arith.constant 26 : i32
            %swap3A_1183 = arith.index_cast %and3A_19 : i32 to index
            %swap3A_1184 = arith.index_cast %swap3A_1182 : i32 to index
            %swap3A_1185 = arith.index_cast %mul3A_243 : i32 to index
            %swap3A_1186 = tpu.vector_load %arg12[%swap3A_1183, %swap3A_1184, %swap3A_1185] {strides = array<i32>} : memref<2x32x64xi32, #tpu.memory_space<vmem>>, vector<16xi32>,
            tpu.vector_store %arg12[%swap3A_1183, %swap3A_1184, %swap3A_1185], %mul3A_1181 {strides = array<i32>} : memref<2x32x64xi32, #tpu.memory_space<vmem>>, vector<16xi32>,
            %xor3A_1187 = arith.xori %add3A_810, %mul3A_826 : vector<16xi32>
            %xor3A_1188 = arith.xori %xor3A_1187, %add3A_848 : vector<16xi32>
            %xor3A_1189 = arith.xori %xor3A_1188, %add3A_867 : vector<16xi32>
            %and3A_1190 = arith.constant 524287 : i32
            %and3A_1191 = vector.broadcast %and3A_1190 : i32 to vector<16xi32>
            %and3A_1192 = arith.andi %xor3A_1189, %and3A_1191 : vector<16xi32>
            %shift_right_arithmetic3A_1193 = arith.constant 3 : i32
            %shift_right_arithmetic3A_1194 = vector.broadcast %shift_right_arithmetic3A_1193 : i32 to vector<16xi32>
            %shift_right_arithmetic3A_1195 = arith.shrsi %and3A_1192, %shift_right_arithmetic3A_1194 : vector<16xi32>
            %add3A_1196 = vector.broadcast %mul3A_27 : i32 to vector<16xi32>
            %add3A_1197 = arith.addi %shift_right_arithmetic3A_1195, %add3A_1196 : vector<16xi32>
            %add3A_1198 = arith.constant 64 : i32
            %add3A_1199 = arith.addi %add3A_1198, %mul3A_243 : i32
            %swap3A_1200 = arith.constant 13 : i32
            %swap3A_1201 = arith.index_cast %and3A_19 : i32 to index
            %swap3A_1202 = arith.index_cast %swap3A_1200 : i32 to index
            %swap3A_1203 = arith.index_cast %add3A_1199 : i32 to index
            %swap3A_1204 = tpu.vector_load %arg11[%swap3A_1201, %swap3A_1202, %swap3A_1203] {strides = array<i32>} : memref<2x16x128xi32, #tpu.memory_space<vmem>>, vector<16xi32>,
            tpu.vector_store %arg11[%swap3A_1201, %swap3A_1202, %swap3A_1203], %add3A_1197 {strides = array<i32>} : memref<2x16x128xi32, #tpu.memory_space<vmem>>, vector<16xi32>,
            %and3A_1205 = arith.constant 7 : i32
            %and3A_1206 = vector.broadcast %and3A_1205 : i32 to vector<16xi32>
            %and3A_1207 = arith.andi %and3A_1192, %and3A_1206 : vector<16xi32>
            %mul3A_1208 = arith.constant 2 : i32
            %mul3A_1209 = vector.broadcast %mul3A_1208 : i32 to vector<16xi32>
            %mul3A_1210 = arith.muli %and3A_1207, %mul3A_1209 : vector<16xi32>
            %swap3A_1211 = arith.constant 27 : i32
            %swap3A_1212 = arith.index_cast %and3A_19 : i32 to index
            %swap3A_1213 = arith.index_cast %swap3A_1211 : i32 to index
            %swap3A_1214 = arith.index_cast %mul3A_243 : i32 to index
            %swap3A_1215 = tpu.vector_load %arg12[%swap3A_1212, %swap3A_1213, %swap3A_1214] {strides = array<i32>} : memref<2x32x64xi32, #tpu.memory_space<vmem>>, vector<16xi32>,
            tpu.vector_store %arg12[%swap3A_1212, %swap3A_1213, %swap3A_1214], %mul3A_1210 {strides = array<i32>} : memref<2x32x64xi32, #tpu.memory_space<vmem>>, vector<16xi32>,
            %xor3A_1216 = arith.xori %add3A_810, %add3A_829 : vector<16xi32>
            %xor3A_1217 = arith.xori %xor3A_1216, %mul3A_845 : vector<16xi32>
            %xor3A_1218 = arith.xori %xor3A_1217, %mul3A_864 : vector<16xi32>
            %and3A_1219 = arith.constant 524287 : i32
            %and3A_1220 = vector.broadcast %and3A_1219 : i32 to vector<16xi32>
            %and3A_1221 = arith.andi %xor3A_1218, %and3A_1220 : vector<16xi32>
            %shift_right_arithmetic3A_1222 = arith.constant 3 : i32
            %shift_right_arithmetic3A_1223 = vector.broadcast %shift_right_arithmetic3A_1222 : i32 to vector<16xi32>
            %shift_right_arithmetic3A_1224 = arith.shrsi %and3A_1221, %shift_right_arithmetic3A_1223 : vector<16xi32>
            %add3A_1225 = vector.broadcast %mul3A_27 : i32 to vector<16xi32>
            %add3A_1226 = arith.addi %shift_right_arithmetic3A_1224, %add3A_1225 : vector<16xi32>
            %add3A_1227 = arith.constant 0 : i32
            %add3A_1228 = arith.addi %add3A_1227, %mul3A_243 : i32
            %swap3A_1229 = arith.constant 14 : i32
            %swap3A_1230 = arith.index_cast %and3A_19 : i32 to index
            %swap3A_1231 = arith.index_cast %swap3A_1229 : i32 to index
            %swap3A_1232 = arith.index_cast %add3A_1228 : i32 to index
            %swap3A_1233 = tpu.vector_load %arg11[%swap3A_1230, %swap3A_1231, %swap3A_1232] {strides = array<i32>} : memref<2x16x128xi32, #tpu.memory_space<vmem>>, vector<16xi32>,
            tpu.vector_store %arg11[%swap3A_1230, %swap3A_1231, %swap3A_1232], %add3A_1226 {strides = array<i32>} : memref<2x16x128xi32, #tpu.memory_space<vmem>>, vector<16xi32>,
            %and3A_1234 = arith.constant 7 : i32
            %and3A_1235 = vector.broadcast %and3A_1234 : i32 to vector<16xi32>
            %and3A_1236 = arith.andi %and3A_1221, %and3A_1235 : vector<16xi32>
            %mul3A_1237 = arith.constant 2 : i32
            %mul3A_1238 = vector.broadcast %mul3A_1237 : i32 to vector<16xi32>
            %mul3A_1239 = arith.muli %and3A_1236, %mul3A_1238 : vector<16xi32>
            %swap3A_1240 = arith.constant 28 : i32
            %swap3A_1241 = arith.index_cast %and3A_19 : i32 to index
            %swap3A_1242 = arith.index_cast %swap3A_1240 : i32 to index
            %swap3A_1243 = arith.index_cast %mul3A_243 : i32 to index
            %swap3A_1244 = tpu.vector_load %arg12[%swap3A_1241, %swap3A_1242, %swap3A_1243] {strides = array<i32>} : memref<2x32x64xi32, #tpu.memory_space<vmem>>, vector<16xi32>,
            tpu.vector_store %arg12[%swap3A_1241, %swap3A_1242, %swap3A_1243], %mul3A_1239 {strides = array<i32>} : memref<2x32x64xi32, #tpu.memory_space<vmem>>, vector<16xi32>,
            %xor3A_1245 = arith.xori %add3A_810, %add3A_829 : vector<16xi32>
            %xor3A_1246 = arith.xori %xor3A_1245, %mul3A_845 : vector<16xi32>
            %xor3A_1247 = arith.xori %xor3A_1246, %add3A_867 : vector<16xi32>
            %and3A_1248 = arith.constant 524287 : i32
            %and3A_1249 = vector.broadcast %and3A_1248 : i32 to vector<16xi32>
            %and3A_1250 = arith.andi %xor3A_1247, %and3A_1249 : vector<16xi32>
            %shift_right_arithmetic3A_1251 = arith.constant 3 : i32
            %shift_right_arithmetic3A_1252 = vector.broadcast %shift_right_arithmetic3A_1251 : i32 to vector<16xi32>
            %shift_right_arithmetic3A_1253 = arith.shrsi %and3A_1250, %shift_right_arithmetic3A_1252 : vector<16xi32>
            %add3A_1254 = vector.broadcast %mul3A_27 : i32 to vector<16xi32>
            %add3A_1255 = arith.addi %shift_right_arithmetic3A_1253, %add3A_1254 : vector<16xi32>
            %add3A_1256 = arith.constant 64 : i32
            %add3A_1257 = arith.addi %add3A_1256, %mul3A_243 : i32
            %swap3A_1258 = arith.constant 14 : i32
            %swap3A_1259 = arith.index_cast %and3A_19 : i32 to index
            %swap3A_1260 = arith.index_cast %swap3A_1258 : i32 to index
            %swap3A_1261 = arith.index_cast %add3A_1257 : i32 to index
            %swap3A_1262 = tpu.vector_load %arg11[%swap3A_1259, %swap3A_1260, %swap3A_1261] {strides = array<i32>} : memref<2x16x128xi32, #tpu.memory_space<vmem>>, vector<16xi32>,
            tpu.vector_store %arg11[%swap3A_1259, %swap3A_1260, %swap3A_1261], %add3A_1255 {strides = array<i32>} : memref<2x16x128xi32, #tpu.memory_space<vmem>>, vector<16xi32>,
            %and3A_1263 = arith.constant 7 : i32
            %and3A_1264 = vector.broadcast %and3A_1263 : i32 to vector<16xi32>
            %and3A_1265 = arith.andi %and3A_1250, %and3A_1264 : vector<16xi32>
            %mul3A_1266 = arith.constant 2 : i32
            %mul3A_1267 = vector.broadcast %mul3A_1266 : i32 to vector<16xi32>
            %mul3A_1268 = arith.muli %and3A_1265, %mul3A_1267 : vector<16xi32>
            %swap3A_1269 = arith.constant 29 : i32
            %swap3A_1270 = arith.index_cast %and3A_19 : i32 to index
            %swap3A_1271 = arith.index_cast %swap3A_1269 : i32 to index
            %swap3A_1272 = arith.index_cast %mul3A_243 : i32 to index
            %swap3A_1273 = tpu.vector_load %arg12[%swap3A_1270, %swap3A_1271, %swap3A_1272] {strides = array<i32>} : memref<2x32x64xi32, #tpu.memory_space<vmem>>, vector<16xi32>,
            tpu.vector_store %arg12[%swap3A_1270, %swap3A_1271, %swap3A_1272], %mul3A_1268 {strides = array<i32>} : memref<2x32x64xi32, #tpu.memory_space<vmem>>, vector<16xi32>,
            %xor3A_1274 = arith.xori %add3A_810, %add3A_829 : vector<16xi32>
            %xor3A_1275 = arith.xori %xor3A_1274, %add3A_848 : vector<16xi32>
            %xor3A_1276 = arith.xori %xor3A_1275, %mul3A_864 : vector<16xi32>
            %and3A_1277 = arith.constant 524287 : i32
            %and3A_1278 = vector.broadcast %and3A_1277 : i32 to vector<16xi32>
            %and3A_1279 = arith.andi %xor3A_1276, %and3A_1278 : vector<16xi32>
            %shift_right_arithmetic3A_1280 = arith.constant 3 : i32
            %shift_right_arithmetic3A_1281 = vector.broadcast %shift_right_arithmetic3A_1280 : i32 to vector<16xi32>
            %shift_right_arithmetic3A_1282 = arith.shrsi %and3A_1279, %shift_right_arithmetic3A_1281 : vector<16xi32>
            %add3A_1283 = vector.broadcast %mul3A_27 : i32 to vector<16xi32>
            %add3A_1284 = arith.addi %shift_right_arithmetic3A_1282, %add3A_1283 : vector<16xi32>
            %add3A_1285 = arith.constant 0 : i32
            %add3A_1286 = arith.addi %add3A_1285, %mul3A_243 : i32
            %swap3A_1287 = arith.constant 15 : i32
            %swap3A_1288 = arith.index_cast %and3A_19 : i32 to index
            %swap3A_1289 = arith.index_cast %swap3A_1287 : i32 to index
            %swap3A_1290 = arith.index_cast %add3A_1286 : i32 to index
            %swap3A_1291 = tpu.vector_load %arg11[%swap3A_1288, %swap3A_1289, %swap3A_1290] {strides = array<i32>} : memref<2x16x128xi32, #tpu.memory_space<vmem>>, vector<16xi32>,
            tpu.vector_store %arg11[%swap3A_1288, %swap3A_1289, %swap3A_1290], %add3A_1284 {strides = array<i32>} : memref<2x16x128xi32, #tpu.memory_space<vmem>>, vector<16xi32>,
            %and3A_1292 = arith.constant 7 : i32
            %and3A_1293 = vector.broadcast %and3A_1292 : i32 to vector<16xi32>
            %and3A_1294 = arith.andi %and3A_1279, %and3A_1293 : vector<16xi32>
            %mul3A_1295 = arith.constant 2 : i32
            %mul3A_1296 = vector.broadcast %mul3A_1295 : i32 to vector<16xi32>
            %mul3A_1297 = arith.muli %and3A_1294, %mul3A_1296 : vector<16xi32>
            %swap3A_1298 = arith.constant 30 : i32
            %swap3A_1299 = arith.index_cast %and3A_19 : i32 to index
            %swap3A_1300 = arith.index_cast %swap3A_1298 : i32 to index
            %swap3A_1301 = arith.index_cast %mul3A_243 : i32 to index
            %swap3A_1302 = tpu.vector_load %arg12[%swap3A_1299, %swap3A_1300, %swap3A_1301] {strides = array<i32>} : memref<2x32x64xi32, #tpu.memory_space<vmem>>, vector<16xi32>,
            tpu.vector_store %arg12[%swap3A_1299, %swap3A_1300, %swap3A_1301], %mul3A_1297 {strides = array<i32>} : memref<2x32x64xi32, #tpu.memory_space<vmem>>, vector<16xi32>,
            %xor3A_1303 = arith.xori %add3A_810, %add3A_829 : vector<16xi32>
            %xor3A_1304 = arith.xori %xor3A_1303, %add3A_848 : vector<16xi32>
            %xor3A_1305 = arith.xori %xor3A_1304, %add3A_867 : vector<16xi32>
            %and3A_1306 = arith.constant 524287 : i32
            %and3A_1307 = vector.broadcast %and3A_1306 : i32 to vector<16xi32>
            %and3A_1308 = arith.andi %xor3A_1305, %and3A_1307 : vector<16xi32>
            %shift_right_arithmetic3A_1309 = arith.constant 3 : i32
            %shift_right_arithmetic3A_1310 = vector.broadcast %shift_right_arithmetic3A_1309 : i32 to vector<16xi32>
            %shift_right_arithmetic3A_1311 = arith.shrsi %and3A_1308, %shift_right_arithmetic3A_1310 : vector<16xi32>
            %add3A_1312 = vector.broadcast %mul3A_27 : i32 to vector<16xi32>
            %add3A_1313 = arith.addi %shift_right_arithmetic3A_1311, %add3A_1312 : vector<16xi32>
            %add3A_1314 = arith.constant 64 : i32
            %add3A_1315 = arith.addi %add3A_1314, %mul3A_243 : i32
            %swap3A_1316 = arith.constant 15 : i32
            %swap3A_1317 = arith.index_cast %and3A_19 : i32 to index
            %swap3A_1318 = arith.index_cast %swap3A_1316 : i32 to index
            %swap3A_1319 = arith.index_cast %add3A_1315 : i32 to index
            %swap3A_1320 = tpu.vector_load %arg11[%swap3A_1317, %swap3A_1318, %swap3A_1319] {strides = array<i32>} : memref<2x16x128xi32, #tpu.memory_space<vmem>>, vector<16xi32>,
            tpu.vector_store %arg11[%swap3A_1317, %swap3A_1318, %swap3A_1319], %add3A_1313 {strides = array<i32>} : memref<2x16x128xi32, #tpu.memory_space<vmem>>, vector<16xi32>,
            %and3A_1321 = arith.constant 7 : i32
            %and3A_1322 = vector.broadcast %and3A_1321 : i32 to vector<16xi32>
            %and3A_1323 = arith.andi %and3A_1308, %and3A_1322 : vector<16xi32>
            %mul3A_1324 = arith.constant 2 : i32
            %mul3A_1325 = vector.broadcast %mul3A_1324 : i32 to vector<16xi32>
            %mul3A_1326 = arith.muli %and3A_1323, %mul3A_1325 : vector<16xi32>
            %swap3A_1327 = arith.constant 31 : i32
            %swap3A_1328 = arith.index_cast %and3A_19 : i32 to index
            %swap3A_1329 = arith.index_cast %swap3A_1327 : i32 to index
            %swap3A_1330 = arith.index_cast %mul3A_243 : i32 to index
            %swap3A_1331 = tpu.vector_load %arg12[%swap3A_1328, %swap3A_1329, %swap3A_1330] {strides = array<i32>} : memref<2x32x64xi32, #tpu.memory_space<vmem>>, vector<16xi32>,
            tpu.vector_store %arg12[%swap3A_1328, %swap3A_1329, %swap3A_1330], %mul3A_1326 {strides = array<i32>} : memref<2x32x64xi32, #tpu.memory_space<vmem>>, vector<16xi32>,
          }
          %scan3A_33 = arith.constant 4 : i32
          %dma_start3A = arith.constant 0 : i32
          %dma_start3A_34 = arith.constant 0 : i32
          %dma_start3A_35 = arith.constant 0 : i32
          %dma_start3A_36 = tpu.memref_slice %arg13[%and3A_19, %dma_start3A_34, %dma_start3A_35] : memref<2x2048x16xf32, #tpu.memory_space<vmem>> -> memref<1x128x16xf32, #tpu.memory_space<vmem>>
          %dma_start3A_37 = tpu.memref_squeeze %dma_start3A_36 : memref<1x128x16xf32, #tpu.memory_space<vmem>> -> memref<128x16xf32, #tpu.memory_space<vmem>>
          %dma_start3A_38 = arith.constant 0 : i32
          %dma_start3A_39 = tpu.memref_slice %arg11[%and3A_19, %dma_start3A, %dma_start3A_38] : memref<2x16x128xi32, #tpu.memory_space<vmem>> -> memref<1x1x128xi32, #tpu.memory_space<vmem>>
          %dma_start3A_40 = tpu.memref_squeeze %dma_start3A_39 : memref<1x1x128xi32, #tpu.memory_space<vmem>> -> memref<128xi32, #tpu.memory_space<vmem>>
          %dma_start3A_41 = arith.constant 0 : i32
          %dma_start3A_42 = arith.constant 0 : i32
          %dma_start3A_43 = tpu.memref_slice %arg3[%dma_start3A_41, %dma_start3A_42] : memref<1048576x16xf32, #tpu.memory_space<hbm>> -> memref<1048576x16xf32, #tpu.memory_space<hbm>>
          %dma_start3A_44 = tpu.memref_slice %arg15[%and3A_19] : memref<2x!tpu.dma_semaphore, #tpu.memory_space<semaphore_mem>> -> memref<1x!tpu.dma_semaphore, #tpu.memory_space<semaphore_mem>>
          %dma_start3A_45 = tpu.memref_squeeze %dma_start3A_44 : memref<1x!tpu.dma_semaphore, #tpu.memory_space<semaphore_mem>> -> memref<!tpu.dma_semaphore, #tpu.memory_space<semaphore_mem>>
          tpu.enqueue_indirect_dma source(%dma_start3A_43 : memref<1048576x16xf32, #tpu.memory_space<hbm>>) target(%dma_start3A_37 : memref<128x16xf32, #tpu.memory_space<vmem>>) offsets(%dma_start3A_40 : memref<128xi32, #tpu.memory_space<vmem>>) semaphore(%dma_start3A_45 : memref<!tpu.dma_semaphore, #tpu.memory_space<semaphore_mem>>)
          %dma_start3A_46 = arith.constant 1 : i32
          %dma_start3A_47 = arith.constant 128 : i32
          %dma_start3A_48 = arith.constant 0 : i32
          %dma_start3A_49 = tpu.memref_slice %arg13[%and3A_19, %dma_start3A_47, %dma_start3A_48] : memref<2x2048x16xf32, #tpu.memory_space<vmem>> -> memref<1x128x16xf32, #tpu.memory_space<vmem>>
          %dma_start3A_50 = tpu.memref_squeeze %dma_start3A_49 : memref<1x128x16xf32, #tpu.memory_space<vmem>> -> memref<128x16xf32, #tpu.memory_space<vmem>>
          %dma_start3A_51 = arith.constant 0 : i32
          %dma_start3A_52 = tpu.memref_slice %arg11[%and3A_19, %dma_start3A_46, %dma_start3A_51] : memref<2x16x128xi32, #tpu.memory_space<vmem>> -> memref<1x1x128xi32, #tpu.memory_space<vmem>>
          %dma_start3A_53 = tpu.memref_squeeze %dma_start3A_52 : memref<1x1x128xi32, #tpu.memory_space<vmem>> -> memref<128xi32, #tpu.memory_space<vmem>>
          %dma_start3A_54 = arith.constant 0 : i32
          %dma_start3A_55 = arith.constant 0 : i32
          %dma_start3A_56 = tpu.memref_slice %arg3[%dma_start3A_54, %dma_start3A_55] : memref<1048576x16xf32, #tpu.memory_space<hbm>> -> memref<1048576x16xf32, #tpu.memory_space<hbm>>
          %dma_start3A_57 = tpu.memref_slice %arg15[%and3A_19] : memref<2x!tpu.dma_semaphore, #tpu.memory_space<semaphore_mem>> -> memref<1x!tpu.dma_semaphore, #tpu.memory_space<semaphore_mem>>
          %dma_start3A_58 = tpu.memref_squeeze %dma_start3A_57 : memref<1x!tpu.dma_semaphore, #tpu.memory_space<semaphore_mem>> -> memref<!tpu.dma_semaphore, #tpu.memory_space<semaphore_mem>>
          tpu.enqueue_indirect_dma source(%dma_start3A_56 : memref<1048576x16xf32, #tpu.memory_space<hbm>>) target(%dma_start3A_50 : memref<128x16xf32, #tpu.memory_space<vmem>>) offsets(%dma_start3A_53 : memref<128xi32, #tpu.memory_space<vmem>>) semaphore(%dma_start3A_58 : memref<!tpu.dma_semaphore, #tpu.memory_space<semaphore_mem>>)
          %dma_start3A_59 = arith.constant 2 : i32
          %dma_start3A_60 = arith.constant 256 : i32
          %dma_start3A_61 = arith.constant 0 : i32
          %dma_start3A_62 = tpu.memref_slice %arg13[%and3A_19, %dma_start3A_60, %dma_start3A_61] : memref<2x2048x16xf32, #tpu.memory_space<vmem>> -> memref<1x128x16xf32, #tpu.memory_space<vmem>>
          %dma_start3A_63 = tpu.memref_squeeze %dma_start3A_62 : memref<1x128x16xf32, #tpu.memory_space<vmem>> -> memref<128x16xf32, #tpu.memory_space<vmem>>
          %dma_start3A_64 = arith.constant 0 : i32
          %dma_start3A_65 = tpu.memref_slice %arg11[%and3A_19, %dma_start3A_59, %dma_start3A_64] : memref<2x16x128xi32, #tpu.memory_space<vmem>> -> memref<1x1x128xi32, #tpu.memory_space<vmem>>
          %dma_start3A_66 = tpu.memref_squeeze %dma_start3A_65 : memref<1x1x128xi32, #tpu.memory_space<vmem>> -> memref<128xi32, #tpu.memory_space<vmem>>
          %dma_start3A_67 = arith.constant 0 : i32
          %dma_start3A_68 = arith.constant 0 : i32
          %dma_start3A_69 = tpu.memref_slice %arg3[%dma_start3A_67, %dma_start3A_68] : memref<1048576x16xf32, #tpu.memory_space<hbm>> -> memref<1048576x16xf32, #tpu.memory_space<hbm>>
          %dma_start3A_70 = tpu.memref_slice %arg15[%and3A_19] : memref<2x!tpu.dma_semaphore, #tpu.memory_space<semaphore_mem>> -> memref<1x!tpu.dma_semaphore, #tpu.memory_space<semaphore_mem>>
          %dma_start3A_71 = tpu.memref_squeeze %dma_start3A_70 : memref<1x!tpu.dma_semaphore, #tpu.memory_space<semaphore_mem>> -> memref<!tpu.dma_semaphore, #tpu.memory_space<semaphore_mem>>
          tpu.enqueue_indirect_dma source(%dma_start3A_69 : memref<1048576x16xf32, #tpu.memory_space<hbm>>) target(%dma_start3A_63 : memref<128x16xf32, #tpu.memory_space<vmem>>) offsets(%dma_start3A_66 : memref<128xi32, #tpu.memory_space<vmem>>) semaphore(%dma_start3A_71 : memref<!tpu.dma_semaphore, #tpu.memory_space<semaphore_mem>>)
          %dma_start3A_72 = arith.constant 3 : i32
          %dma_start3A_73 = arith.constant 384 : i32
          %dma_start3A_74 = arith.constant 0 : i32
          %dma_start3A_75 = tpu.memref_slice %arg13[%and3A_19, %dma_start3A_73, %dma_start3A_74] : memref<2x2048x16xf32, #tpu.memory_space<vmem>> -> memref<1x128x16xf32, #tpu.memory_space<vmem>>
          %dma_start3A_76 = tpu.memref_squeeze %dma_start3A_75 : memref<1x128x16xf32, #tpu.memory_space<vmem>> -> memref<128x16xf32, #tpu.memory_space<vmem>>
          %dma_start3A_77 = arith.constant 0 : i32
          %dma_start3A_78 = tpu.memref_slice %arg11[%and3A_19, %dma_start3A_72, %dma_start3A_77] : memref<2x16x128xi32, #tpu.memory_space<vmem>> -> memref<1x1x128xi32, #tpu.memory_space<vmem>>
          %dma_start3A_79 = tpu.memref_squeeze %dma_start3A_78 : memref<1x1x128xi32, #tpu.memory_space<vmem>> -> memref<128xi32, #tpu.memory_space<vmem>>
          %dma_start3A_80 = arith.constant 0 : i32
          %dma_start3A_81 = arith.constant 0 : i32
          %dma_start3A_82 = tpu.memref_slice %arg3[%dma_start3A_80, %dma_start3A_81] : memref<1048576x16xf32, #tpu.memory_space<hbm>> -> memref<1048576x16xf32, #tpu.memory_space<hbm>>
          %dma_start3A_83 = tpu.memref_slice %arg15[%and3A_19] : memref<2x!tpu.dma_semaphore, #tpu.memory_space<semaphore_mem>> -> memref<1x!tpu.dma_semaphore, #tpu.memory_space<semaphore_mem>>
          %dma_start3A_84 = tpu.memref_squeeze %dma_start3A_83 : memref<1x!tpu.dma_semaphore, #tpu.memory_space<semaphore_mem>> -> memref<!tpu.dma_semaphore, #tpu.memory_space<semaphore_mem>>
          tpu.enqueue_indirect_dma source(%dma_start3A_82 : memref<1048576x16xf32, #tpu.memory_space<hbm>>) target(%dma_start3A_76 : memref<128x16xf32, #tpu.memory_space<vmem>>) offsets(%dma_start3A_79 : memref<128xi32, #tpu.memory_space<vmem>>) semaphore(%dma_start3A_84 : memref<!tpu.dma_semaphore, #tpu.memory_space<semaphore_mem>>)
          %dma_start3A_85 = arith.constant 4 : i32
          %dma_start3A_86 = arith.constant 512 : i32
          %dma_start3A_87 = arith.constant 0 : i32
          %dma_start3A_88 = tpu.memref_slice %arg13[%and3A_19, %dma_start3A_86, %dma_start3A_87] : memref<2x2048x16xf32, #tpu.memory_space<vmem>> -> memref<1x128x16xf32, #tpu.memory_space<vmem>>
          %dma_start3A_89 = tpu.memref_squeeze %dma_start3A_88 : memref<1x128x16xf32, #tpu.memory_space<vmem>> -> memref<128x16xf32, #tpu.memory_space<vmem>>
          %dma_start3A_90 = arith.constant 0 : i32
          %dma_start3A_91 = tpu.memref_slice %arg11[%and3A_19, %dma_start3A_85, %dma_start3A_90] : memref<2x16x128xi32, #tpu.memory_space<vmem>> -> memref<1x1x128xi32, #tpu.memory_space<vmem>>
          %dma_start3A_92 = tpu.memref_squeeze %dma_start3A_91 : memref<1x1x128xi32, #tpu.memory_space<vmem>> -> memref<128xi32, #tpu.memory_space<vmem>>
          %dma_start3A_93 = arith.constant 0 : i32
          %dma_start3A_94 = arith.constant 0 : i32
          %dma_start3A_95 = tpu.memref_slice %arg4[%dma_start3A_93, %dma_start3A_94] : memref<1048576x16xf32, #tpu.memory_space<hbm>> -> memref<1048576x16xf32, #tpu.memory_space<hbm>>
          %dma_start3A_96 = tpu.memref_slice %arg15[%and3A_19] : memref<2x!tpu.dma_semaphore, #tpu.memory_space<semaphore_mem>> -> memref<1x!tpu.dma_semaphore, #tpu.memory_space<semaphore_mem>>
          %dma_start3A_97 = tpu.memref_squeeze %dma_start3A_96 : memref<1x!tpu.dma_semaphore, #tpu.memory_space<semaphore_mem>> -> memref<!tpu.dma_semaphore, #tpu.memory_space<semaphore_mem>>
          tpu.enqueue_indirect_dma source(%dma_start3A_95 : memref<1048576x16xf32, #tpu.memory_space<hbm>>) target(%dma_start3A_89 : memref<128x16xf32, #tpu.memory_space<vmem>>) offsets(%dma_start3A_92 : memref<128xi32, #tpu.memory_space<vmem>>) semaphore(%dma_start3A_97 : memref<!tpu.dma_semaphore, #tpu.memory_space<semaphore_mem>>)
          %dma_start3A_98 = arith.constant 5 : i32
          %dma_start3A_99 = arith.constant 640 : i32
          %dma_start3A_100 = arith.constant 0 : i32
          %dma_start3A_101 = tpu.memref_slice %arg13[%and3A_19, %dma_start3A_99, %dma_start3A_100] : memref<2x2048x16xf32, #tpu.memory_space<vmem>> -> memref<1x128x16xf32, #tpu.memory_space<vmem>>
          %dma_start3A_102 = tpu.memref_squeeze %dma_start3A_101 : memref<1x128x16xf32, #tpu.memory_space<vmem>> -> memref<128x16xf32, #tpu.memory_space<vmem>>
          %dma_start3A_103 = arith.constant 0 : i32
          %dma_start3A_104 = tpu.memref_slice %arg11[%and3A_19, %dma_start3A_98, %dma_start3A_103] : memref<2x16x128xi32, #tpu.memory_space<vmem>> -> memref<1x1x128xi32, #tpu.memory_space<vmem>>
          %dma_start3A_105 = tpu.memref_squeeze %dma_start3A_104 : memref<1x1x128xi32, #tpu.memory_space<vmem>> -> memref<128xi32, #tpu.memory_space<vmem>>
          %dma_start3A_106 = arith.constant 0 : i32
          %dma_start3A_107 = arith.constant 0 : i32
          %dma_start3A_108 = tpu.memref_slice %arg4[%dma_start3A_106, %dma_start3A_107] : memref<1048576x16xf32, #tpu.memory_space<hbm>> -> memref<1048576x16xf32, #tpu.memory_space<hbm>>
          %dma_start3A_109 = tpu.memref_slice %arg15[%and3A_19] : memref<2x!tpu.dma_semaphore, #tpu.memory_space<semaphore_mem>> -> memref<1x!tpu.dma_semaphore, #tpu.memory_space<semaphore_mem>>
          %dma_start3A_110 = tpu.memref_squeeze %dma_start3A_109 : memref<1x!tpu.dma_semaphore, #tpu.memory_space<semaphore_mem>> -> memref<!tpu.dma_semaphore, #tpu.memory_space<semaphore_mem>>
          tpu.enqueue_indirect_dma source(%dma_start3A_108 : memref<1048576x16xf32, #tpu.memory_space<hbm>>) target(%dma_start3A_102 : memref<128x16xf32, #tpu.memory_space<vmem>>) offsets(%dma_start3A_105 : memref<128xi32, #tpu.memory_space<vmem>>) semaphore(%dma_start3A_110 : memref<!tpu.dma_semaphore, #tpu.memory_space<semaphore_mem>>)
          %dma_start3A_111 = arith.constant 6 : i32
          %dma_start3A_112 = arith.constant 768 : i32
          %dma_start3A_113 = arith.constant 0 : i32
          %dma_start3A_114 = tpu.memref_slice %arg13[%and3A_19, %dma_start3A_112, %dma_start3A_113] : memref<2x2048x16xf32, #tpu.memory_space<vmem>> -> memref<1x128x16xf32, #tpu.memory_space<vmem>>
          %dma_start3A_115 = tpu.memref_squeeze %dma_start3A_114 : memref<1x128x16xf32, #tpu.memory_space<vmem>> -> memref<128x16xf32, #tpu.memory_space<vmem>>
          %dma_start3A_116 = arith.constant 0 : i32
          %dma_start3A_117 = tpu.memref_slice %arg11[%and3A_19, %dma_start3A_111, %dma_start3A_116] : memref<2x16x128xi32, #tpu.memory_space<vmem>> -> memref<1x1x128xi32, #tpu.memory_space<vmem>>
          %dma_start3A_118 = tpu.memref_squeeze %dma_start3A_117 : memref<1x1x128xi32, #tpu.memory_space<vmem>> -> memref<128xi32, #tpu.memory_space<vmem>>
          %dma_start3A_119 = arith.constant 0 : i32
          %dma_start3A_120 = arith.constant 0 : i32
          %dma_start3A_121 = tpu.memref_slice %arg4[%dma_start3A_119, %dma_start3A_120] : memref<1048576x16xf32, #tpu.memory_space<hbm>> -> memref<1048576x16xf32, #tpu.memory_space<hbm>>
          %dma_start3A_122 = tpu.memref_slice %arg15[%and3A_19] : memref<2x!tpu.dma_semaphore, #tpu.memory_space<semaphore_mem>> -> memref<1x!tpu.dma_semaphore, #tpu.memory_space<semaphore_mem>>
          %dma_start3A_123 = tpu.memref_squeeze %dma_start3A_122 : memref<1x!tpu.dma_semaphore, #tpu.memory_space<semaphore_mem>> -> memref<!tpu.dma_semaphore, #tpu.memory_space<semaphore_mem>>
          tpu.enqueue_indirect_dma source(%dma_start3A_121 : memref<1048576x16xf32, #tpu.memory_space<hbm>>) target(%dma_start3A_115 : memref<128x16xf32, #tpu.memory_space<vmem>>) offsets(%dma_start3A_118 : memref<128xi32, #tpu.memory_space<vmem>>) semaphore(%dma_start3A_123 : memref<!tpu.dma_semaphore, #tpu.memory_space<semaphore_mem>>)
          %dma_start3A_124 = arith.constant 7 : i32
          %dma_start3A_125 = arith.constant 896 : i32
          %dma_start3A_126 = arith.constant 0 : i32
          %dma_start3A_127 = tpu.memref_slice %arg13[%and3A_19, %dma_start3A_125, %dma_start3A_126] : memref<2x2048x16xf32, #tpu.memory_space<vmem>> -> memref<1x128x16xf32, #tpu.memory_space<vmem>>
          %dma_start3A_128 = tpu.memref_squeeze %dma_start3A_127 : memref<1x128x16xf32, #tpu.memory_space<vmem>> -> memref<128x16xf32, #tpu.memory_space<vmem>>
          %dma_start3A_129 = arith.constant 0 : i32
          %dma_start3A_130 = tpu.memref_slice %arg11[%and3A_19, %dma_start3A_124, %dma_start3A_129] : memref<2x16x128xi32, #tpu.memory_space<vmem>> -> memref<1x1x128xi32, #tpu.memory_space<vmem>>
          %dma_start3A_131 = tpu.memref_squeeze %dma_start3A_130 : memref<1x1x128xi32, #tpu.memory_space<vmem>> -> memref<128xi32, #tpu.memory_space<vmem>>
          %dma_start3A_132 = arith.constant 0 : i32
          %dma_start3A_133 = arith.constant 0 : i32
          %dma_start3A_134 = tpu.memref_slice %arg4[%dma_start3A_132, %dma_start3A_133] : memref<1048576x16xf32, #tpu.memory_space<hbm>> -> memref<1048576x16xf32, #tpu.memory_space<hbm>>
          %dma_start3A_135 = tpu.memref_slice %arg15[%and3A_19] : memref<2x!tpu.dma_semaphore, #tpu.memory_space<semaphore_mem>> -> memref<1x!tpu.dma_semaphore, #tpu.memory_space<semaphore_mem>>
          %dma_start3A_136 = tpu.memref_squeeze %dma_start3A_135 : memref<1x!tpu.dma_semaphore, #tpu.memory_space<semaphore_mem>> -> memref<!tpu.dma_semaphore, #tpu.memory_space<semaphore_mem>>
          tpu.enqueue_indirect_dma source(%dma_start3A_134 : memref<1048576x16xf32, #tpu.memory_space<hbm>>) target(%dma_start3A_128 : memref<128x16xf32, #tpu.memory_space<vmem>>) offsets(%dma_start3A_131 : memref<128xi32, #tpu.memory_space<vmem>>) semaphore(%dma_start3A_136 : memref<!tpu.dma_semaphore, #tpu.memory_space<semaphore_mem>>)
          %dma_start3A_137 = arith.constant 8 : i32
          %dma_start3A_138 = arith.constant 1024 : i32
          %dma_start3A_139 = arith.constant 0 : i32
          %dma_start3A_140 = tpu.memref_slice %arg13[%and3A_19, %dma_start3A_138, %dma_start3A_139] : memref<2x2048x16xf32, #tpu.memory_space<vmem>> -> memref<1x128x16xf32, #tpu.memory_space<vmem>>
          %dma_start3A_141 = tpu.memref_squeeze %dma_start3A_140 : memref<1x128x16xf32, #tpu.memory_space<vmem>> -> memref<128x16xf32, #tpu.memory_space<vmem>>
          %dma_start3A_142 = arith.constant 0 : i32
          %dma_start3A_143 = tpu.memref_slice %arg11[%and3A_19, %dma_start3A_137, %dma_start3A_142] : memref<2x16x128xi32, #tpu.memory_space<vmem>> -> memref<1x1x128xi32, #tpu.memory_space<vmem>>
          %dma_start3A_144 = tpu.memref_squeeze %dma_start3A_143 : memref<1x1x128xi32, #tpu.memory_space<vmem>> -> memref<128xi32, #tpu.memory_space<vmem>>
          %dma_start3A_145 = arith.constant 0 : i32
          %dma_start3A_146 = arith.constant 0 : i32
          %dma_start3A_147 = tpu.memref_slice %arg5[%dma_start3A_145, %dma_start3A_146] : memref<1048576x16xf32, #tpu.memory_space<hbm>> -> memref<1048576x16xf32, #tpu.memory_space<hbm>>
          %dma_start3A_148 = tpu.memref_slice %arg15[%and3A_19] : memref<2x!tpu.dma_semaphore, #tpu.memory_space<semaphore_mem>> -> memref<1x!tpu.dma_semaphore, #tpu.memory_space<semaphore_mem>>
          %dma_start3A_149 = tpu.memref_squeeze %dma_start3A_148 : memref<1x!tpu.dma_semaphore, #tpu.memory_space<semaphore_mem>> -> memref<!tpu.dma_semaphore, #tpu.memory_space<semaphore_mem>>
          tpu.enqueue_indirect_dma source(%dma_start3A_147 : memref<1048576x16xf32, #tpu.memory_space<hbm>>) target(%dma_start3A_141 : memref<128x16xf32, #tpu.memory_space<vmem>>) offsets(%dma_start3A_144 : memref<128xi32, #tpu.memory_space<vmem>>) semaphore(%dma_start3A_149 : memref<!tpu.dma_semaphore, #tpu.memory_space<semaphore_mem>>)
          %dma_start3A_150 = arith.constant 9 : i32
          %dma_start3A_151 = arith.constant 1152 : i32
          %dma_start3A_152 = arith.constant 0 : i32
          %dma_start3A_153 = tpu.memref_slice %arg13[%and3A_19, %dma_start3A_151, %dma_start3A_152] : memref<2x2048x16xf32, #tpu.memory_space<vmem>> -> memref<1x128x16xf32, #tpu.memory_space<vmem>>
          %dma_start3A_154 = tpu.memref_squeeze %dma_start3A_153 : memref<1x128x16xf32, #tpu.memory_space<vmem>> -> memref<128x16xf32, #tpu.memory_space<vmem>>
          %dma_start3A_155 = arith.constant 0 : i32
          %dma_start3A_156 = tpu.memref_slice %arg11[%and3A_19, %dma_start3A_150, %dma_start3A_155] : memref<2x16x128xi32, #tpu.memory_space<vmem>> -> memref<1x1x128xi32, #tpu.memory_space<vmem>>
          %dma_start3A_157 = tpu.memref_squeeze %dma_start3A_156 : memref<1x1x128xi32, #tpu.memory_space<vmem>> -> memref<128xi32, #tpu.memory_space<vmem>>
          %dma_start3A_158 = arith.constant 0 : i32
          %dma_start3A_159 = arith.constant 0 : i32
          %dma_start3A_160 = tpu.memref_slice %arg5[%dma_start3A_158, %dma_start3A_159] : memref<1048576x16xf32, #tpu.memory_space<hbm>> -> memref<1048576x16xf32, #tpu.memory_space<hbm>>
          %dma_start3A_161 = tpu.memref_slice %arg15[%and3A_19] : memref<2x!tpu.dma_semaphore, #tpu.memory_space<semaphore_mem>> -> memref<1x!tpu.dma_semaphore, #tpu.memory_space<semaphore_mem>>
          %dma_start3A_162 = tpu.memref_squeeze %dma_start3A_161 : memref<1x!tpu.dma_semaphore, #tpu.memory_space<semaphore_mem>> -> memref<!tpu.dma_semaphore, #tpu.memory_space<semaphore_mem>>
          tpu.enqueue_indirect_dma source(%dma_start3A_160 : memref<1048576x16xf32, #tpu.memory_space<hbm>>) target(%dma_start3A_154 : memref<128x16xf32, #tpu.memory_space<vmem>>) offsets(%dma_start3A_157 : memref<128xi32, #tpu.memory_space<vmem>>) semaphore(%dma_start3A_162 : memref<!tpu.dma_semaphore, #tpu.memory_space<semaphore_mem>>)
          %dma_start3A_163 = arith.constant 10 : i32
          %dma_start3A_164 = arith.constant 1280 : i32
          %dma_start3A_165 = arith.constant 0 : i32
          %dma_start3A_166 = tpu.memref_slice %arg13[%and3A_19, %dma_start3A_164, %dma_start3A_165] : memref<2x2048x16xf32, #tpu.memory_space<vmem>> -> memref<1x128x16xf32, #tpu.memory_space<vmem>>
          %dma_start3A_167 = tpu.memref_squeeze %dma_start3A_166 : memref<1x128x16xf32, #tpu.memory_space<vmem>> -> memref<128x16xf32, #tpu.memory_space<vmem>>
          %dma_start3A_168 = arith.constant 0 : i32
          %dma_start3A_169 = tpu.memref_slice %arg11[%and3A_19, %dma_start3A_163, %dma_start3A_168] : memref<2x16x128xi32, #tpu.memory_space<vmem>> -> memref<1x1x128xi32, #tpu.memory_space<vmem>>
          %dma_start3A_170 = tpu.memref_squeeze %dma_start3A_169 : memref<1x1x128xi32, #tpu.memory_space<vmem>> -> memref<128xi32, #tpu.memory_space<vmem>>
          %dma_start3A_171 = arith.constant 0 : i32
          %dma_start3A_172 = arith.constant 0 : i32
          %dma_start3A_173 = tpu.memref_slice %arg5[%dma_start3A_171, %dma_start3A_172] : memref<1048576x16xf32, #tpu.memory_space<hbm>> -> memref<1048576x16xf32, #tpu.memory_space<hbm>>
          %dma_start3A_174 = tpu.memref_slice %arg15[%and3A_19] : memref<2x!tpu.dma_semaphore, #tpu.memory_space<semaphore_mem>> -> memref<1x!tpu.dma_semaphore, #tpu.memory_space<semaphore_mem>>
          %dma_start3A_175 = tpu.memref_squeeze %dma_start3A_174 : memref<1x!tpu.dma_semaphore, #tpu.memory_space<semaphore_mem>> -> memref<!tpu.dma_semaphore, #tpu.memory_space<semaphore_mem>>
          tpu.enqueue_indirect_dma source(%dma_start3A_173 : memref<1048576x16xf32, #tpu.memory_space<hbm>>) target(%dma_start3A_167 : memref<128x16xf32, #tpu.memory_space<vmem>>) offsets(%dma_start3A_170 : memref<128xi32, #tpu.memory_space<vmem>>) semaphore(%dma_start3A_175 : memref<!tpu.dma_semaphore, #tpu.memory_space<semaphore_mem>>)
          %dma_start3A_176 = arith.constant 11 : i32
          %dma_start3A_177 = arith.constant 1408 : i32
          %dma_start3A_178 = arith.constant 0 : i32
          %dma_start3A_179 = tpu.memref_slice %arg13[%and3A_19, %dma_start3A_177, %dma_start3A_178] : memref<2x2048x16xf32, #tpu.memory_space<vmem>> -> memref<1x128x16xf32, #tpu.memory_space<vmem>>
          %dma_start3A_180 = tpu.memref_squeeze %dma_start3A_179 : memref<1x128x16xf32, #tpu.memory_space<vmem>> -> memref<128x16xf32, #tpu.memory_space<vmem>>
          %dma_start3A_181 = arith.constant 0 : i32
          %dma_start3A_182 = tpu.memref_slice %arg11[%and3A_19, %dma_start3A_176, %dma_start3A_181] : memref<2x16x128xi32, #tpu.memory_space<vmem>> -> memref<1x1x128xi32, #tpu.memory_space<vmem>>
          %dma_start3A_183 = tpu.memref_squeeze %dma_start3A_182 : memref<1x1x128xi32, #tpu.memory_space<vmem>> -> memref<128xi32, #tpu.memory_space<vmem>>
          %dma_start3A_184 = arith.constant 0 : i32
          %dma_start3A_185 = arith.constant 0 : i32
          %dma_start3A_186 = tpu.memref_slice %arg5[%dma_start3A_184, %dma_start3A_185] : memref<1048576x16xf32, #tpu.memory_space<hbm>> -> memref<1048576x16xf32, #tpu.memory_space<hbm>>
          %dma_start3A_187 = tpu.memref_slice %arg15[%and3A_19] : memref<2x!tpu.dma_semaphore, #tpu.memory_space<semaphore_mem>> -> memref<1x!tpu.dma_semaphore, #tpu.memory_space<semaphore_mem>>
          %dma_start3A_188 = tpu.memref_squeeze %dma_start3A_187 : memref<1x!tpu.dma_semaphore, #tpu.memory_space<semaphore_mem>> -> memref<!tpu.dma_semaphore, #tpu.memory_space<semaphore_mem>>
          tpu.enqueue_indirect_dma source(%dma_start3A_186 : memref<1048576x16xf32, #tpu.memory_space<hbm>>) target(%dma_start3A_180 : memref<128x16xf32, #tpu.memory_space<vmem>>) offsets(%dma_start3A_183 : memref<128xi32, #tpu.memory_space<vmem>>) semaphore(%dma_start3A_188 : memref<!tpu.dma_semaphore, #tpu.memory_space<semaphore_mem>>)
          %dma_start3A_189 = arith.constant 12 : i32
          %dma_start3A_190 = arith.constant 1536 : i32
          %dma_start3A_191 = arith.constant 0 : i32
          %dma_start3A_192 = tpu.memref_slice %arg13[%and3A_19, %dma_start3A_190, %dma_start3A_191] : memref<2x2048x16xf32, #tpu.memory_space<vmem>> -> memref<1x128x16xf32, #tpu.memory_space<vmem>>
          %dma_start3A_193 = tpu.memref_squeeze %dma_start3A_192 : memref<1x128x16xf32, #tpu.memory_space<vmem>> -> memref<128x16xf32, #tpu.memory_space<vmem>>
          %dma_start3A_194 = arith.constant 0 : i32
          %dma_start3A_195 = tpu.memref_slice %arg11[%and3A_19, %dma_start3A_189, %dma_start3A_194] : memref<2x16x128xi32, #tpu.memory_space<vmem>> -> memref<1x1x128xi32, #tpu.memory_space<vmem>>
          %dma_start3A_196 = tpu.memref_squeeze %dma_start3A_195 : memref<1x1x128xi32, #tpu.memory_space<vmem>> -> memref<128xi32, #tpu.memory_space<vmem>>
          %dma_start3A_197 = arith.constant 0 : i32
          %dma_start3A_198 = arith.constant 0 : i32
          %dma_start3A_199 = tpu.memref_slice %arg5[%dma_start3A_197, %dma_start3A_198] : memref<1048576x16xf32, #tpu.memory_space<hbm>> -> memref<1048576x16xf32, #tpu.memory_space<hbm>>
          %dma_start3A_200 = tpu.memref_slice %arg15[%and3A_19] : memref<2x!tpu.dma_semaphore, #tpu.memory_space<semaphore_mem>> -> memref<1x!tpu.dma_semaphore, #tpu.memory_space<semaphore_mem>>
          %dma_start3A_201 = tpu.memref_squeeze %dma_start3A_200 : memref<1x!tpu.dma_semaphore, #tpu.memory_space<semaphore_mem>> -> memref<!tpu.dma_semaphore, #tpu.memory_space<semaphore_mem>>
          tpu.enqueue_indirect_dma source(%dma_start3A_199 : memref<1048576x16xf32, #tpu.memory_space<hbm>>) target(%dma_start3A_193 : memref<128x16xf32, #tpu.memory_space<vmem>>) offsets(%dma_start3A_196 : memref<128xi32, #tpu.memory_space<vmem>>) semaphore(%dma_start3A_201 : memref<!tpu.dma_semaphore, #tpu.memory_space<semaphore_mem>>)
          %dma_start3A_202 = arith.constant 13 : i32
          %dma_start3A_203 = arith.constant 1664 : i32
          %dma_start3A_204 = arith.constant 0 : i32
          %dma_start3A_205 = tpu.memref_slice %arg13[%and3A_19, %dma_start3A_203, %dma_start3A_204] : memref<2x2048x16xf32, #tpu.memory_space<vmem>> -> memref<1x128x16xf32, #tpu.memory_space<vmem>>
          %dma_start3A_206 = tpu.memref_squeeze %dma_start3A_205 : memref<1x128x16xf32, #tpu.memory_space<vmem>> -> memref<128x16xf32, #tpu.memory_space<vmem>>
          %dma_start3A_207 = arith.constant 0 : i32
          %dma_start3A_208 = tpu.memref_slice %arg11[%and3A_19, %dma_start3A_202, %dma_start3A_207] : memref<2x16x128xi32, #tpu.memory_space<vmem>> -> memref<1x1x128xi32, #tpu.memory_space<vmem>>
          %dma_start3A_209 = tpu.memref_squeeze %dma_start3A_208 : memref<1x1x128xi32, #tpu.memory_space<vmem>> -> memref<128xi32, #tpu.memory_space<vmem>>
          %dma_start3A_210 = arith.constant 0 : i32
          %dma_start3A_211 = arith.constant 0 : i32
          %dma_start3A_212 = tpu.memref_slice %arg5[%dma_start3A_210, %dma_start3A_211] : memref<1048576x16xf32, #tpu.memory_space<hbm>> -> memref<1048576x16xf32, #tpu.memory_space<hbm>>
          %dma_start3A_213 = tpu.memref_slice %arg15[%and3A_19] : memref<2x!tpu.dma_semaphore, #tpu.memory_space<semaphore_mem>> -> memref<1x!tpu.dma_semaphore, #tpu.memory_space<semaphore_mem>>
          %dma_start3A_214 = tpu.memref_squeeze %dma_start3A_213 : memref<1x!tpu.dma_semaphore, #tpu.memory_space<semaphore_mem>> -> memref<!tpu.dma_semaphore, #tpu.memory_space<semaphore_mem>>
          tpu.enqueue_indirect_dma source(%dma_start3A_212 : memref<1048576x16xf32, #tpu.memory_space<hbm>>) target(%dma_start3A_206 : memref<128x16xf32, #tpu.memory_space<vmem>>) offsets(%dma_start3A_209 : memref<128xi32, #tpu.memory_space<vmem>>) semaphore(%dma_start3A_214 : memref<!tpu.dma_semaphore, #tpu.memory_space<semaphore_mem>>)
          %dma_start3A_215 = arith.constant 14 : i32
          %dma_start3A_216 = arith.constant 1792 : i32
          %dma_start3A_217 = arith.constant 0 : i32
          %dma_start3A_218 = tpu.memref_slice %arg13[%and3A_19, %dma_start3A_216, %dma_start3A_217] : memref<2x2048x16xf32, #tpu.memory_space<vmem>> -> memref<1x128x16xf32, #tpu.memory_space<vmem>>
          %dma_start3A_219 = tpu.memref_squeeze %dma_start3A_218 : memref<1x128x16xf32, #tpu.memory_space<vmem>> -> memref<128x16xf32, #tpu.memory_space<vmem>>
          %dma_start3A_220 = arith.constant 0 : i32
          %dma_start3A_221 = tpu.memref_slice %arg11[%and3A_19, %dma_start3A_215, %dma_start3A_220] : memref<2x16x128xi32, #tpu.memory_space<vmem>> -> memref<1x1x128xi32, #tpu.memory_space<vmem>>
          %dma_start3A_222 = tpu.memref_squeeze %dma_start3A_221 : memref<1x1x128xi32, #tpu.memory_space<vmem>> -> memref<128xi32, #tpu.memory_space<vmem>>
          %dma_start3A_223 = arith.constant 0 : i32
          %dma_start3A_224 = arith.constant 0 : i32
          %dma_start3A_225 = tpu.memref_slice %arg5[%dma_start3A_223, %dma_start3A_224] : memref<1048576x16xf32, #tpu.memory_space<hbm>> -> memref<1048576x16xf32, #tpu.memory_space<hbm>>
          %dma_start3A_226 = tpu.memref_slice %arg15[%and3A_19] : memref<2x!tpu.dma_semaphore, #tpu.memory_space<semaphore_mem>> -> memref<1x!tpu.dma_semaphore, #tpu.memory_space<semaphore_mem>>
          %dma_start3A_227 = tpu.memref_squeeze %dma_start3A_226 : memref<1x!tpu.dma_semaphore, #tpu.memory_space<semaphore_mem>> -> memref<!tpu.dma_semaphore, #tpu.memory_space<semaphore_mem>>
          tpu.enqueue_indirect_dma source(%dma_start3A_225 : memref<1048576x16xf32, #tpu.memory_space<hbm>>) target(%dma_start3A_219 : memref<128x16xf32, #tpu.memory_space<vmem>>) offsets(%dma_start3A_222 : memref<128xi32, #tpu.memory_space<vmem>>) semaphore(%dma_start3A_227 : memref<!tpu.dma_semaphore, #tpu.memory_space<semaphore_mem>>)
          %dma_start3A_228 = arith.constant 15 : i32
          %dma_start3A_229 = arith.constant 1920 : i32
          %dma_start3A_230 = arith.constant 0 : i32
          %dma_start3A_231 = tpu.memref_slice %arg13[%and3A_19, %dma_start3A_229, %dma_start3A_230] : memref<2x2048x16xf32, #tpu.memory_space<vmem>> -> memref<1x128x16xf32, #tpu.memory_space<vmem>>
          %dma_start3A_232 = tpu.memref_squeeze %dma_start3A_231 : memref<1x128x16xf32, #tpu.memory_space<vmem>> -> memref<128x16xf32, #tpu.memory_space<vmem>>
          %dma_start3A_233 = arith.constant 0 : i32
          %dma_start3A_234 = tpu.memref_slice %arg11[%and3A_19, %dma_start3A_228, %dma_start3A_233] : memref<2x16x128xi32, #tpu.memory_space<vmem>> -> memref<1x1x128xi32, #tpu.memory_space<vmem>>
          %dma_start3A_235 = tpu.memref_squeeze %dma_start3A_234 : memref<1x1x128xi32, #tpu.memory_space<vmem>> -> memref<128xi32, #tpu.memory_space<vmem>>
          %dma_start3A_236 = arith.constant 0 : i32
          %dma_start3A_237 = arith.constant 0 : i32
          %dma_start3A_238 = tpu.memref_slice %arg5[%dma_start3A_236, %dma_start3A_237] : memref<1048576x16xf32, #tpu.memory_space<hbm>> -> memref<1048576x16xf32, #tpu.memory_space<hbm>>
          %dma_start3A_239 = tpu.memref_slice %arg15[%and3A_19] : memref<2x!tpu.dma_semaphore, #tpu.memory_space<semaphore_mem>> -> memref<1x!tpu.dma_semaphore, #tpu.memory_space<semaphore_mem>>
          %dma_start3A_240 = tpu.memref_squeeze %dma_start3A_239 : memref<1x!tpu.dma_semaphore, #tpu.memory_space<semaphore_mem>> -> memref<!tpu.dma_semaphore, #tpu.memory_space<semaphore_mem>>
          tpu.enqueue_indirect_dma source(%dma_start3A_238 : memref<1048576x16xf32, #tpu.memory_space<hbm>>) target(%dma_start3A_232 : memref<128x16xf32, #tpu.memory_space<vmem>>) offsets(%dma_start3A_235 : memref<128xi32, #tpu.memory_space<vmem>>) semaphore(%dma_start3A_240 : memref<!tpu.dma_semaphore, #tpu.memory_space<semaphore_mem>>)
        } else {
        }
        %gt3A = arith.constant 0 : i32
        %gt3A_22 = arith.cmpi sgt, %scan3A_18, %gt3A : i32
        %convert_element_type3A_23 = arith.extui %gt3A_22 : i1 to i32
        %cond3A_24 = arith.constant 0 : i32
        %cond3A_25 = arith.cmpi ne, %convert_element_type3A_23, %cond3A_24 : i32
        scf.if %cond3A_25 {
          %sub3A = arith.constant 1 : i32
          %sub3A_26 = arith.subi %sub3A, %and3A_19 : i32
          %sub3A_27 = arith.constant 1 : i32
          %sub3A_28 = arith.subi %sub3A_27, %and3A_19 : i32
          %dma_wait3A = arith.constant 0 : i32
          %dma_wait3A_29 = arith.constant 0 : i32
          %dma_wait3A_30 = tpu.memref_slice %arg13[%sub3A_26, %dma_wait3A, %dma_wait3A_29] : memref<2x2048x16xf32, #tpu.memory_space<vmem>> -> memref<1x2048x16xf32, #tpu.memory_space<vmem>>
          %dma_wait3A_31 = tpu.memref_squeeze %dma_wait3A_30 : memref<1x2048x16xf32, #tpu.memory_space<vmem>> -> memref<2048x16xf32, #tpu.memory_space<vmem>>
          %dma_wait3A_32 = arith.constant 0 : i32
          %dma_wait3A_33 = arith.constant 0 : i32
          %dma_wait3A_34 = tpu.memref_slice %arg3[%dma_wait3A_32, %dma_wait3A_33] : memref<1048576x16xf32, #tpu.memory_space<hbm>> -> memref<2048x16xf32, #tpu.memory_space<hbm>>
          %dma_wait3A_35 = tpu.memref_slice %arg15[%sub3A_28] : memref<2x!tpu.dma_semaphore, #tpu.memory_space<semaphore_mem>> -> memref<1x!tpu.dma_semaphore, #tpu.memory_space<semaphore_mem>>
          %dma_wait3A_36 = tpu.memref_squeeze %dma_wait3A_35 : memref<1x!tpu.dma_semaphore, #tpu.memory_space<semaphore_mem>> -> memref<!tpu.dma_semaphore, #tpu.memory_space<semaphore_mem>>
          %dma_wait3A_37 = arith.constant 0 : i32
          %dma_wait3A_38 = arith.constant 0 : i32
          %dma_wait3A_39 = tpu.memref_slice %arg13[%sub3A_26, %dma_wait3A_37, %dma_wait3A_38] : memref<2x2048x16xf32, #tpu.memory_space<vmem>> -> memref<1x2048x16xf32, #tpu.memory_space<vmem>>
          %dma_wait3A_40 = tpu.memref_squeeze %dma_wait3A_39 : memref<1x2048x16xf32, #tpu.memory_space<vmem>> -> memref<2048x16xf32, #tpu.memory_space<vmem>>
          %dma_wait3A_41 = arith.constant 0 : i32
          %dma_wait3A_42 = arith.constant 0 : i32
          %dma_wait3A_43 = tpu.memref_slice %arg3[%dma_wait3A_41, %dma_wait3A_42] : memref<1048576x16xf32, #tpu.memory_space<hbm>> -> memref<2048x16xf32, #tpu.memory_space<hbm>>
          tpu.wait_dma2 semaphore(%dma_wait3A_36 : memref<!tpu.dma_semaphore, #tpu.memory_space<semaphore_mem>>) src(%dma_wait3A_43 : memref<2048x16xf32, #tpu.memory_space<hbm>>) dst(%dma_wait3A_40 : memref<2048x16xf32, #tpu.memory_space<vmem>>)
          %sub3A_44 = arith.constant 1 : i32
          %sub3A_45 = arith.subi %scan3A_18, %sub3A_44 : i32
          %sub3A_46 = arith.constant 1 : i32
          %sub3A_47 = arith.subi %sub3A_46, %and3A_19 : i32
          %scan3A_48 = arith.constant 0 : i32
          %scan3A_49 = arith.constant 0 : i32
          %scan3A_50 = arith.constant 4 : i32
          %scan3A_51 = arith.addi %scan3A_49, %scan3A_50 : i32
          %scan3A_52 = arith.constant 1 : i32
          scf.for %scan3A_54 = %scan3A_49 to %scan3A_51 step %scan3A_52  : i32 {
            %mul3A_55 = arith.constant 16 : i32
            %mul3A_56 = arith.muli %scan3A_54, %mul3A_55 : i32
            %add3A_57 = vector.broadcast %mul3A_56 : i32 to vector<16xi32>
            %add3A_58 = arith.addi %add3A_57, %iota3A : vector<16xi32>
            %get3A = arith.constant 0 : i32
            %get3A_59 = arith.index_cast %sub3A_47 : i32 to index
            %get3A_60 = arith.index_cast %get3A : i32 to index
            %get3A_61 = arith.index_cast %mul3A_56 : i32 to index
            %get3A_62 = tpu.vector_load %arg10[%get3A_59, %get3A_60, %get3A_61] {strides = array<i32>} : memref<2x10x64xf32, #tpu.memory_space<vmem>>, vector<16xf32>,
            %get3A_63 = arith.constant 1 : i32
            %get3A_64 = arith.index_cast %sub3A_47 : i32 to index
            %get3A_65 = arith.index_cast %get3A_63 : i32 to index
            %get3A_66 = arith.index_cast %mul3A_56 : i32 to index
            %get3A_67 = tpu.vector_load %arg10[%get3A_64, %get3A_65, %get3A_66] {strides = array<i32>} : memref<2x10x64xf32, #tpu.memory_space<vmem>>, vector<16xf32>,
            %get3A_68 = arith.constant 2 : i32
            %get3A_69 = arith.index_cast %sub3A_47 : i32 to index
            %get3A_70 = arith.index_cast %get3A_68 : i32 to index
            %get3A_71 = arith.index_cast %mul3A_56 : i32 to index
            %get3A_72 = tpu.vector_load %arg10[%get3A_69, %get3A_70, %get3A_71] {strides = array<i32>} : memref<2x10x64xf32, #tpu.memory_space<vmem>>, vector<16xf32>,
            %sub3A_73 = arith.constant 1.000000e+00 : f32
            %sub3A_74 = vector.broadcast %sub3A_73 : f32 to vector<16xf32>
            %sub3A_75 = arith.subf %sub3A_74, %get3A_62 : vector<16xf32>
            %sub3A_76 = arith.constant 1.000000e+00 : f32
            %sub3A_77 = vector.broadcast %sub3A_76 : f32 to vector<16xf32>
            %sub3A_78 = arith.subf %sub3A_77, %get3A_67 : vector<16xf32>
            %sub3A_79 = arith.constant 1.000000e+00 : f32
            %sub3A_80 = vector.broadcast %sub3A_79 : f32 to vector<16xf32>
            %sub3A_81 = arith.subf %sub3A_80, %get3A_72 : vector<16xf32>
            %mul3A_82 = arith.mulf %sub3A_75, %sub3A_78 : vector<16xf32>
            %mul3A_83 = arith.mulf %sub3A_75, %get3A_67 : vector<16xf32>
            %mul3A_84 = arith.mulf %get3A_62, %sub3A_78 : vector<16xf32>
            %mul3A_85 = arith.mulf %get3A_62, %get3A_67 : vector<16xf32>
            %mul3A_86 = arith.mulf %mul3A_82, %sub3A_81 : vector<16xf32>
            %get3A_87 = arith.constant 0 : i32
            %get3A_88 = arith.index_cast %sub3A_47 : i32 to index
            %get3A_89 = arith.index_cast %get3A_87 : i32 to index
            %get3A_90 = arith.index_cast %mul3A_56 : i32 to index
            %get3A_91 = tpu.vector_load %arg12[%get3A_88, %get3A_89, %get3A_90] {strides = array<i32>} : memref<2x32x64xi32, #tpu.memory_space<vmem>>, vector<16xi32>,
            %broadcast_in_dim3A = vector.broadcast %sub3A_47 : i32 to vector<16xi32>
            %add3A_92 = arith.constant 0 : i32
            %add3A_93 = vector.broadcast %add3A_92 : i32 to vector<16xi32>
            %add3A_94 = arith.addi %add3A_93, %add3A_58 : vector<16xi32>
            %gather3A = tpu.vector_load_idx %arg13[%broadcast_in_dim3A, %add3A_94, %get3A_91] : memref<2x2048x16xf32, #tpu.memory_space<vmem>>[vector<16xi32>, vector<16xi32>, vector<16xi32>], vector<16xf32>,
            %broadcast_in_dim3A_95 = vector.broadcast %sub3A_47 : i32 to vector<16xi32>
            %add3A_96 = arith.constant 0 : i32
            %add3A_97 = vector.broadcast %add3A_96 : i32 to vector<16xi32>
            %add3A_98 = arith.addi %add3A_97, %add3A_58 : vector<16xi32>
            %add3A_99 = arith.constant 1 : i32
            %add3A_100 = vector.broadcast %add3A_99 : i32 to vector<16xi32>
            %add3A_101 = arith.addi %get3A_91, %add3A_100 : vector<16xi32>
            %gather3A_102 = tpu.vector_load_idx %arg13[%broadcast_in_dim3A_95, %add3A_98, %add3A_101] : memref<2x2048x16xf32, #tpu.memory_space<vmem>>[vector<16xi32>, vector<16xi32>, vector<16xi32>], vector<16xf32>,
            %mul3A_103 = arith.mulf %mul3A_86, %gather3A : vector<16xf32>
            %mul3A_104 = arith.mulf %mul3A_86, %gather3A_102 : vector<16xf32>
            %mul3A_105 = arith.mulf %mul3A_82, %get3A_72 : vector<16xf32>
            %get3A_106 = arith.constant 1 : i32
            %get3A_107 = arith.index_cast %sub3A_47 : i32 to index
            %get3A_108 = arith.index_cast %get3A_106 : i32 to index
            %get3A_109 = arith.index_cast %mul3A_56 : i32 to index
            %get3A_110 = tpu.vector_load %arg12[%get3A_107, %get3A_108, %get3A_109] {strides = array<i32>} : memref<2x32x64xi32, #tpu.memory_space<vmem>>, vector<16xi32>,
            %broadcast_in_dim3A_111 = vector.broadcast %sub3A_47 : i32 to vector<16xi32>
            %add3A_112 = arith.constant 64 : i32
            %add3A_113 = vector.broadcast %add3A_112 : i32 to vector<16xi32>
            %add3A_114 = arith.addi %add3A_113, %add3A_58 : vector<16xi32>
            %gather3A_115 = tpu.vector_load_idx %arg13[%broadcast_in_dim3A_111, %add3A_114, %get3A_110] : memref<2x2048x16xf32, #tpu.memory_space<vmem>>[vector<16xi32>, vector<16xi32>, vector<16xi32>], vector<16xf32>,
            %broadcast_in_dim3A_116 = vector.broadcast %sub3A_47 : i32 to vector<16xi32>
            %add3A_117 = arith.constant 64 : i32
            %add3A_118 = vector.broadcast %add3A_117 : i32 to vector<16xi32>
            %add3A_119 = arith.addi %add3A_118, %add3A_58 : vector<16xi32>
            %add3A_120 = arith.constant 1 : i32
            %add3A_121 = vector.broadcast %add3A_120 : i32 to vector<16xi32>
            %add3A_122 = arith.addi %get3A_110, %add3A_121 : vector<16xi32>
            %gather3A_123 = tpu.vector_load_idx %arg13[%broadcast_in_dim3A_116, %add3A_119, %add3A_122] : memref<2x2048x16xf32, #tpu.memory_space<vmem>>[vector<16xi32>, vector<16xi32>, vector<16xi32>], vector<16xf32>,
            %mul3A_124 = arith.mulf %mul3A_105, %gather3A_115 : vector<16xf32>
            %add3A_125 = arith.addf %mul3A_103, %mul3A_124 : vector<16xf32>
            %mul3A_126 = arith.mulf %mul3A_105, %gather3A_123 : vector<16xf32>
            %add3A_127 = arith.addf %mul3A_104, %mul3A_126 : vector<16xf32>
            %mul3A_128 = arith.mulf %mul3A_83, %sub3A_81 : vector<16xf32>
            %get3A_129 = arith.constant 2 : i32
            %get3A_130 = arith.index_cast %sub3A_47 : i32 to index
            %get3A_131 = arith.index_cast %get3A_129 : i32 to index
            %get3A_132 = arith.index_cast %mul3A_56 : i32 to index
            %get3A_133 = tpu.vector_load %arg12[%get3A_130, %get3A_131, %get3A_132] {strides = array<i32>} : memref<2x32x64xi32, #tpu.memory_space<vmem>>, vector<16xi32>,
            %broadcast_in_dim3A_134 = vector.broadcast %sub3A_47 : i32 to vector<16xi32>
            %add3A_135 = arith.constant 128 : i32
            %add3A_136 = vector.broadcast %add3A_135 : i32 to vector<16xi32>
            %add3A_137 = arith.addi %add3A_136, %add3A_58 : vector<16xi32>
            %gather3A_138 = tpu.vector_load_idx %arg13[%broadcast_in_dim3A_134, %add3A_137, %get3A_133] : memref<2x2048x16xf32, #tpu.memory_space<vmem>>[vector<16xi32>, vector<16xi32>, vector<16xi32>], vector<16xf32>,
            %broadcast_in_dim3A_139 = vector.broadcast %sub3A_47 : i32 to vector<16xi32>
            %add3A_140 = arith.constant 128 : i32
            %add3A_141 = vector.broadcast %add3A_140 : i32 to vector<16xi32>
            %add3A_142 = arith.addi %add3A_141, %add3A_58 : vector<16xi32>
            %add3A_143 = arith.constant 1 : i32
            %add3A_144 = vector.broadcast %add3A_143 : i32 to vector<16xi32>
            %add3A_145 = arith.addi %get3A_133, %add3A_144 : vector<16xi32>
            %gather3A_146 = tpu.vector_load_idx %arg13[%broadcast_in_dim3A_139, %add3A_142, %add3A_145] : memref<2x2048x16xf32, #tpu.memory_space<vmem>>[vector<16xi32>, vector<16xi32>, vector<16xi32>], vector<16xf32>,
            %mul3A_147 = arith.mulf %mul3A_128, %gather3A_138 : vector<16xf32>
            %add3A_148 = arith.addf %add3A_125, %mul3A_147 : vector<16xf32>
            %mul3A_149 = arith.mulf %mul3A_128, %gather3A_146 : vector<16xf32>
            %add3A_150 = arith.addf %add3A_127, %mul3A_149 : vector<16xf32>
            %mul3A_151 = arith.mulf %mul3A_83, %get3A_72 : vector<16xf32>
            %get3A_152 = arith.constant 3 : i32
            %get3A_153 = arith.index_cast %sub3A_47 : i32 to index
            %get3A_154 = arith.index_cast %get3A_152 : i32 to index
            %get3A_155 = arith.index_cast %mul3A_56 : i32 to index
            %get3A_156 = tpu.vector_load %arg12[%get3A_153, %get3A_154, %get3A_155] {strides = array<i32>} : memref<2x32x64xi32, #tpu.memory_space<vmem>>, vector<16xi32>,
            %broadcast_in_dim3A_157 = vector.broadcast %sub3A_47 : i32 to vector<16xi32>
            %add3A_158 = arith.constant 192 : i32
            %add3A_159 = vector.broadcast %add3A_158 : i32 to vector<16xi32>
            %add3A_160 = arith.addi %add3A_159, %add3A_58 : vector<16xi32>
            %gather3A_161 = tpu.vector_load_idx %arg13[%broadcast_in_dim3A_157, %add3A_160, %get3A_156] : memref<2x2048x16xf32, #tpu.memory_space<vmem>>[vector<16xi32>, vector<16xi32>, vector<16xi32>], vector<16xf32>,
            %broadcast_in_dim3A_162 = vector.broadcast %sub3A_47 : i32 to vector<16xi32>
            %add3A_163 = arith.constant 192 : i32
            %add3A_164 = vector.broadcast %add3A_163 : i32 to vector<16xi32>
            %add3A_165 = arith.addi %add3A_164, %add3A_58 : vector<16xi32>
            %add3A_166 = arith.constant 1 : i32
            %add3A_167 = vector.broadcast %add3A_166 : i32 to vector<16xi32>
            %add3A_168 = arith.addi %get3A_156, %add3A_167 : vector<16xi32>
            %gather3A_169 = tpu.vector_load_idx %arg13[%broadcast_in_dim3A_162, %add3A_165, %add3A_168] : memref<2x2048x16xf32, #tpu.memory_space<vmem>>[vector<16xi32>, vector<16xi32>, vector<16xi32>], vector<16xf32>,
            %mul3A_170 = arith.mulf %mul3A_151, %gather3A_161 : vector<16xf32>
            %add3A_171 = arith.addf %add3A_148, %mul3A_170 : vector<16xf32>
            %mul3A_172 = arith.mulf %mul3A_151, %gather3A_169 : vector<16xf32>
            %add3A_173 = arith.addf %add3A_150, %mul3A_172 : vector<16xf32>
            %mul3A_174 = arith.mulf %mul3A_84, %sub3A_81 : vector<16xf32>
            %get3A_175 = arith.constant 4 : i32
            %get3A_176 = arith.index_cast %sub3A_47 : i32 to index
            %get3A_177 = arith.index_cast %get3A_175 : i32 to index
            %get3A_178 = arith.index_cast %mul3A_56 : i32 to index
            %get3A_179 = tpu.vector_load %arg12[%get3A_176, %get3A_177, %get3A_178] {strides = array<i32>} : memref<2x32x64xi32, #tpu.memory_space<vmem>>, vector<16xi32>,
            %broadcast_in_dim3A_180 = vector.broadcast %sub3A_47 : i32 to vector<16xi32>
            %add3A_181 = arith.constant 256 : i32
            %add3A_182 = vector.broadcast %add3A_181 : i32 to vector<16xi32>
            %add3A_183 = arith.addi %add3A_182, %add3A_58 : vector<16xi32>
            %gather3A_184 = tpu.vector_load_idx %arg13[%broadcast_in_dim3A_180, %add3A_183, %get3A_179] : memref<2x2048x16xf32, #tpu.memory_space<vmem>>[vector<16xi32>, vector<16xi32>, vector<16xi32>], vector<16xf32>,
            %broadcast_in_dim3A_185 = vector.broadcast %sub3A_47 : i32 to vector<16xi32>
            %add3A_186 = arith.constant 256 : i32
            %add3A_187 = vector.broadcast %add3A_186 : i32 to vector<16xi32>
            %add3A_188 = arith.addi %add3A_187, %add3A_58 : vector<16xi32>
            %add3A_189 = arith.constant 1 : i32
            %add3A_190 = vector.broadcast %add3A_189 : i32 to vector<16xi32>
            %add3A_191 = arith.addi %get3A_179, %add3A_190 : vector<16xi32>
            %gather3A_192 = tpu.vector_load_idx %arg13[%broadcast_in_dim3A_185, %add3A_188, %add3A_191] : memref<2x2048x16xf32, #tpu.memory_space<vmem>>[vector<16xi32>, vector<16xi32>, vector<16xi32>], vector<16xf32>,
            %mul3A_193 = arith.mulf %mul3A_174, %gather3A_184 : vector<16xf32>
            %add3A_194 = arith.addf %add3A_171, %mul3A_193 : vector<16xf32>
            %mul3A_195 = arith.mulf %mul3A_174, %gather3A_192 : vector<16xf32>
            %add3A_196 = arith.addf %add3A_173, %mul3A_195 : vector<16xf32>
            %mul3A_197 = arith.mulf %mul3A_84, %get3A_72 : vector<16xf32>
            %get3A_198 = arith.constant 5 : i32
            %get3A_199 = arith.index_cast %sub3A_47 : i32 to index
            %get3A_200 = arith.index_cast %get3A_198 : i32 to index
            %get3A_201 = arith.index_cast %mul3A_56 : i32 to index
            %get3A_202 = tpu.vector_load %arg12[%get3A_199, %get3A_200, %get3A_201] {strides = array<i32>} : memref<2x32x64xi32, #tpu.memory_space<vmem>>, vector<16xi32>,
            %broadcast_in_dim3A_203 = vector.broadcast %sub3A_47 : i32 to vector<16xi32>
            %add3A_204 = arith.constant 320 : i32
            %add3A_205 = vector.broadcast %add3A_204 : i32 to vector<16xi32>
            %add3A_206 = arith.addi %add3A_205, %add3A_58 : vector<16xi32>
            %gather3A_207 = tpu.vector_load_idx %arg13[%broadcast_in_dim3A_203, %add3A_206, %get3A_202] : memref<2x2048x16xf32, #tpu.memory_space<vmem>>[vector<16xi32>, vector<16xi32>, vector<16xi32>], vector<16xf32>,
            %broadcast_in_dim3A_208 = vector.broadcast %sub3A_47 : i32 to vector<16xi32>
            %add3A_209 = arith.constant 320 : i32
            %add3A_210 = vector.broadcast %add3A_209 : i32 to vector<16xi32>
            %add3A_211 = arith.addi %add3A_210, %add3A_58 : vector<16xi32>
            %add3A_212 = arith.constant 1 : i32
            %add3A_213 = vector.broadcast %add3A_212 : i32 to vector<16xi32>
            %add3A_214 = arith.addi %get3A_202, %add3A_213 : vector<16xi32>
            %gather3A_215 = tpu.vector_load_idx %arg13[%broadcast_in_dim3A_208, %add3A_211, %add3A_214] : memref<2x2048x16xf32, #tpu.memory_space<vmem>>[vector<16xi32>, vector<16xi32>, vector<16xi32>], vector<16xf32>,
            %mul3A_216 = arith.mulf %mul3A_197, %gather3A_207 : vector<16xf32>
            %add3A_217 = arith.addf %add3A_194, %mul3A_216 : vector<16xf32>
            %mul3A_218 = arith.mulf %mul3A_197, %gather3A_215 : vector<16xf32>
            %add3A_219 = arith.addf %add3A_196, %mul3A_218 : vector<16xf32>
            %mul3A_220 = arith.mulf %mul3A_85, %sub3A_81 : vector<16xf32>
            %get3A_221 = arith.constant 6 : i32
            %get3A_222 = arith.index_cast %sub3A_47 : i32 to index
            %get3A_223 = arith.index_cast %get3A_221 : i32 to index
            %get3A_224 = arith.index_cast %mul3A_56 : i32 to index
            %get3A_225 = tpu.vector_load %arg12[%get3A_222, %get3A_223, %get3A_224] {strides = array<i32>} : memref<2x32x64xi32, #tpu.memory_space<vmem>>, vector<16xi32>,
            %broadcast_in_dim3A_226 = vector.broadcast %sub3A_47 : i32 to vector<16xi32>
            %add3A_227 = arith.constant 384 : i32
            %add3A_228 = vector.broadcast %add3A_227 : i32 to vector<16xi32>
            %add3A_229 = arith.addi %add3A_228, %add3A_58 : vector<16xi32>
            %gather3A_230 = tpu.vector_load_idx %arg13[%broadcast_in_dim3A_226, %add3A_229, %get3A_225] : memref<2x2048x16xf32, #tpu.memory_space<vmem>>[vector<16xi32>, vector<16xi32>, vector<16xi32>], vector<16xf32>,
            %broadcast_in_dim3A_231 = vector.broadcast %sub3A_47 : i32 to vector<16xi32>
            %add3A_232 = arith.constant 384 : i32
            %add3A_233 = vector.broadcast %add3A_232 : i32 to vector<16xi32>
            %add3A_234 = arith.addi %add3A_233, %add3A_58 : vector<16xi32>
            %add3A_235 = arith.constant 1 : i32
            %add3A_236 = vector.broadcast %add3A_235 : i32 to vector<16xi32>
            %add3A_237 = arith.addi %get3A_225, %add3A_236 : vector<16xi32>
            %gather3A_238 = tpu.vector_load_idx %arg13[%broadcast_in_dim3A_231, %add3A_234, %add3A_237] : memref<2x2048x16xf32, #tpu.memory_space<vmem>>[vector<16xi32>, vector<16xi32>, vector<16xi32>], vector<16xf32>,
            %mul3A_239 = arith.mulf %mul3A_220, %gather3A_230 : vector<16xf32>
            %add3A_240 = arith.addf %add3A_217, %mul3A_239 : vector<16xf32>
            %mul3A_241 = arith.mulf %mul3A_220, %gather3A_238 : vector<16xf32>
            %add3A_242 = arith.addf %add3A_219, %mul3A_241 : vector<16xf32>
            %mul3A_243 = arith.mulf %mul3A_85, %get3A_72 : vector<16xf32>
            %get3A_244 = arith.constant 7 : i32
            %get3A_245 = arith.index_cast %sub3A_47 : i32 to index
            %get3A_246 = arith.index_cast %get3A_244 : i32 to index
            %get3A_247 = arith.index_cast %mul3A_56 : i32 to index
            %get3A_248 = tpu.vector_load %arg12[%get3A_245, %get3A_246, %get3A_247] {strides = array<i32>} : memref<2x32x64xi32, #tpu.memory_space<vmem>>, vector<16xi32>,
            %broadcast_in_dim3A_249 = vector.broadcast %sub3A_47 : i32 to vector<16xi32>
            %add3A_250 = arith.constant 448 : i32
            %add3A_251 = vector.broadcast %add3A_250 : i32 to vector<16xi32>
            %add3A_252 = arith.addi %add3A_251, %add3A_58 : vector<16xi32>
            %gather3A_253 = tpu.vector_load_idx %arg13[%broadcast_in_dim3A_249, %add3A_252, %get3A_248] : memref<2x2048x16xf32, #tpu.memory_space<vmem>>[vector<16xi32>, vector<16xi32>, vector<16xi32>], vector<16xf32>,
            %broadcast_in_dim3A_254 = vector.broadcast %sub3A_47 : i32 to vector<16xi32>
            %add3A_255 = arith.constant 448 : i32
            %add3A_256 = vector.broadcast %add3A_255 : i32 to vector<16xi32>
            %add3A_257 = arith.addi %add3A_256, %add3A_58 : vector<16xi32>
            %add3A_258 = arith.constant 1 : i32
            %add3A_259 = vector.broadcast %add3A_258 : i32 to vector<16xi32>
            %add3A_260 = arith.addi %get3A_248, %add3A_259 : vector<16xi32>
            %gather3A_261 = tpu.vector_load_idx %arg13[%broadcast_in_dim3A_254, %add3A_257, %add3A_260] : memref<2x2048x16xf32, #tpu.memory_space<vmem>>[vector<16xi32>, vector<16xi32>, vector<16xi32>], vector<16xf32>,
            %mul3A_262 = arith.mulf %mul3A_243, %gather3A_253 : vector<16xf32>
            %add3A_263 = arith.addf %add3A_240, %mul3A_262 : vector<16xf32>
            %mul3A_264 = arith.mulf %mul3A_243, %gather3A_261 : vector<16xf32>
            %add3A_265 = arith.addf %add3A_242, %mul3A_264 : vector<16xf32>
            %mul3A_266 = arith.constant 2 : i32
            %mul3A_267 = arith.muli %mul3A_266, %sub3A_45 : i32
            %add3A_268 = arith.constant 0 : i32
            %add3A_269 = arith.addi %add3A_268, %mul3A_267 : i32
            %swap3A = arith.index_cast %add3A_269 : i32 to index
            %swap3A_270 = arith.index_cast %mul3A_56 : i32 to index
            %swap3A_271 = tpu.vector_load %arg14[%swap3A, %swap3A_270] {strides = array<i32>} : memref<96x64xf32, #tpu.memory_space<vmem>>, vector<16xf32>,
            tpu.vector_store %arg14[%swap3A, %swap3A_270], %add3A_263 {strides = array<i32>} : memref<96x64xf32, #tpu.memory_space<vmem>>, vector<16xf32>,
            %mul3A_272 = arith.constant 2 : i32
            %mul3A_273 = arith.muli %mul3A_272, %sub3A_45 : i32
            %add3A_274 = arith.constant 0 : i32
            %add3A_275 = arith.addi %add3A_274, %mul3A_273 : i32
            %add3A_276 = arith.constant 1 : i32
            %add3A_277 = arith.addi %add3A_275, %add3A_276 : i32
            %swap3A_278 = arith.index_cast %add3A_277 : i32 to index
            %swap3A_279 = arith.index_cast %mul3A_56 : i32 to index
            %swap3A_280 = tpu.vector_load %arg14[%swap3A_278, %swap3A_279] {strides = array<i32>} : memref<96x64xf32, #tpu.memory_space<vmem>>, vector<16xf32>,
            tpu.vector_store %arg14[%swap3A_278, %swap3A_279], %add3A_265 {strides = array<i32>} : memref<96x64xf32, #tpu.memory_space<vmem>>, vector<16xf32>,
            %get3A_281 = arith.constant 3 : i32
            %get3A_282 = arith.index_cast %sub3A_47 : i32 to index
            %get3A_283 = arith.index_cast %get3A_281 : i32 to index
            %get3A_284 = arith.index_cast %mul3A_56 : i32 to index
            %get3A_285 = tpu.vector_load %arg10[%get3A_282, %get3A_283, %get3A_284] {strides = array<i32>} : memref<2x10x64xf32, #tpu.memory_space<vmem>>, vector<16xf32>,
            %get3A_286 = arith.constant 4 : i32
            %get3A_287 = arith.index_cast %sub3A_47 : i32 to index
            %get3A_288 = arith.index_cast %get3A_286 : i32 to index
            %get3A_289 = arith.index_cast %mul3A_56 : i32 to index
            %get3A_290 = tpu.vector_load %arg10[%get3A_287, %get3A_288, %get3A_289] {strides = array<i32>} : memref<2x10x64xf32, #tpu.memory_space<vmem>>, vector<16xf32>,
            %get3A_291 = arith.constant 5 : i32
            %get3A_292 = arith.index_cast %sub3A_47 : i32 to index
            %get3A_293 = arith.index_cast %get3A_291 : i32 to index
            %get3A_294 = arith.index_cast %mul3A_56 : i32 to index
            %get3A_295 = tpu.vector_load %arg10[%get3A_292, %get3A_293, %get3A_294] {strides = array<i32>} : memref<2x10x64xf32, #tpu.memory_space<vmem>>, vector<16xf32>,
            %sub3A_296 = arith.constant 1.000000e+00 : f32
            %sub3A_297 = vector.broadcast %sub3A_296 : f32 to vector<16xf32>
            %sub3A_298 = arith.subf %sub3A_297, %get3A_285 : vector<16xf32>
            %sub3A_299 = arith.constant 1.000000e+00 : f32
            %sub3A_300 = vector.broadcast %sub3A_299 : f32 to vector<16xf32>
            %sub3A_301 = arith.subf %sub3A_300, %get3A_290 : vector<16xf32>
            %sub3A_302 = arith.constant 1.000000e+00 : f32
            %sub3A_303 = vector.broadcast %sub3A_302 : f32 to vector<16xf32>
            %sub3A_304 = arith.subf %sub3A_303, %get3A_295 : vector<16xf32>
            %mul3A_305 = arith.mulf %sub3A_298, %sub3A_301 : vector<16xf32>
            %mul3A_306 = arith.mulf %sub3A_298, %get3A_290 : vector<16xf32>
            %mul3A_307 = arith.mulf %get3A_285, %sub3A_301 : vector<16xf32>
            %mul3A_308 = arith.mulf %get3A_285, %get3A_290 : vector<16xf32>
            %mul3A_309 = arith.mulf %mul3A_305, %sub3A_304 : vector<16xf32>
            %get3A_310 = arith.constant 8 : i32
            %get3A_311 = arith.index_cast %sub3A_47 : i32 to index
            %get3A_312 = arith.index_cast %get3A_310 : i32 to index
            %get3A_313 = arith.index_cast %mul3A_56 : i32 to index
            %get3A_314 = tpu.vector_load %arg12[%get3A_311, %get3A_312, %get3A_313] {strides = array<i32>} : memref<2x32x64xi32, #tpu.memory_space<vmem>>, vector<16xi32>,
            %broadcast_in_dim3A_315 = vector.broadcast %sub3A_47 : i32 to vector<16xi32>
            %add3A_316 = arith.constant 512 : i32
            %add3A_317 = vector.broadcast %add3A_316 : i32 to vector<16xi32>
            %add3A_318 = arith.addi %add3A_317, %add3A_58 : vector<16xi32>
            %gather3A_319 = tpu.vector_load_idx %arg13[%broadcast_in_dim3A_315, %add3A_318, %get3A_314] : memref<2x2048x16xf32, #tpu.memory_space<vmem>>[vector<16xi32>, vector<16xi32>, vector<16xi32>], vector<16xf32>,
            %broadcast_in_dim3A_320 = vector.broadcast %sub3A_47 : i32 to vector<16xi32>
            %add3A_321 = arith.constant 512 : i32
            %add3A_322 = vector.broadcast %add3A_321 : i32 to vector<16xi32>
            %add3A_323 = arith.addi %add3A_322, %add3A_58 : vector<16xi32>
            %add3A_324 = arith.constant 1 : i32
            %add3A_325 = vector.broadcast %add3A_324 : i32 to vector<16xi32>
            %add3A_326 = arith.addi %get3A_314, %add3A_325 : vector<16xi32>
            %gather3A_327 = tpu.vector_load_idx %arg13[%broadcast_in_dim3A_320, %add3A_323, %add3A_326] : memref<2x2048x16xf32, #tpu.memory_space<vmem>>[vector<16xi32>, vector<16xi32>, vector<16xi32>], vector<16xf32>,
            %mul3A_328 = arith.mulf %mul3A_309, %gather3A_319 : vector<16xf32>
            %mul3A_329 = arith.mulf %mul3A_309, %gather3A_327 : vector<16xf32>
            %mul3A_330 = arith.mulf %mul3A_305, %get3A_295 : vector<16xf32>
            %get3A_331 = arith.constant 9 : i32
            %get3A_332 = arith.index_cast %sub3A_47 : i32 to index
            %get3A_333 = arith.index_cast %get3A_331 : i32 to index
            %get3A_334 = arith.index_cast %mul3A_56 : i32 to index
            %get3A_335 = tpu.vector_load %arg12[%get3A_332, %get3A_333, %get3A_334] {strides = array<i32>} : memref<2x32x64xi32, #tpu.memory_space<vmem>>, vector<16xi32>,
            %broadcast_in_dim3A_336 = vector.broadcast %sub3A_47 : i32 to vector<16xi32>
            %add3A_337 = arith.constant 576 : i32
            %add3A_338 = vector.broadcast %add3A_337 : i32 to vector<16xi32>
            %add3A_339 = arith.addi %add3A_338, %add3A_58 : vector<16xi32>
            %gather3A_340 = tpu.vector_load_idx %arg13[%broadcast_in_dim3A_336, %add3A_339, %get3A_335] : memref<2x2048x16xf32, #tpu.memory_space<vmem>>[vector<16xi32>, vector<16xi32>, vector<16xi32>], vector<16xf32>,
            %broadcast_in_dim3A_341 = vector.broadcast %sub3A_47 : i32 to vector<16xi32>
            %add3A_342 = arith.constant 576 : i32
            %add3A_343 = vector.broadcast %add3A_342 : i32 to vector<16xi32>
            %add3A_344 = arith.addi %add3A_343, %add3A_58 : vector<16xi32>
            %add3A_345 = arith.constant 1 : i32
            %add3A_346 = vector.broadcast %add3A_345 : i32 to vector<16xi32>
            %add3A_347 = arith.addi %get3A_335, %add3A_346 : vector<16xi32>
            %gather3A_348 = tpu.vector_load_idx %arg13[%broadcast_in_dim3A_341, %add3A_344, %add3A_347] : memref<2x2048x16xf32, #tpu.memory_space<vmem>>[vector<16xi32>, vector<16xi32>, vector<16xi32>], vector<16xf32>,
            %mul3A_349 = arith.mulf %mul3A_330, %gather3A_340 : vector<16xf32>
            %add3A_350 = arith.addf %mul3A_328, %mul3A_349 : vector<16xf32>
            %mul3A_351 = arith.mulf %mul3A_330, %gather3A_348 : vector<16xf32>
            %add3A_352 = arith.addf %mul3A_329, %mul3A_351 : vector<16xf32>
            %mul3A_353 = arith.mulf %mul3A_306, %sub3A_304 : vector<16xf32>
            %get3A_354 = arith.constant 10 : i32
            %get3A_355 = arith.index_cast %sub3A_47 : i32 to index
            %get3A_356 = arith.index_cast %get3A_354 : i32 to index
            %get3A_357 = arith.index_cast %mul3A_56 : i32 to index
            %get3A_358 = tpu.vector_load %arg12[%get3A_355, %get3A_356, %get3A_357] {strides = array<i32>} : memref<2x32x64xi32, #tpu.memory_space<vmem>>, vector<16xi32>,
            %broadcast_in_dim3A_359 = vector.broadcast %sub3A_47 : i32 to vector<16xi32>
            %add3A_360 = arith.constant 640 : i32
            %add3A_361 = vector.broadcast %add3A_360 : i32 to vector<16xi32>
            %add3A_362 = arith.addi %add3A_361, %add3A_58 : vector<16xi32>
            %gather3A_363 = tpu.vector_load_idx %arg13[%broadcast_in_dim3A_359, %add3A_362, %get3A_358] : memref<2x2048x16xf32, #tpu.memory_space<vmem>>[vector<16xi32>, vector<16xi32>, vector<16xi32>], vector<16xf32>,
            %broadcast_in_dim3A_364 = vector.broadcast %sub3A_47 : i32 to vector<16xi32>
            %add3A_365 = arith.constant 640 : i32
            %add3A_366 = vector.broadcast %add3A_365 : i32 to vector<16xi32>
            %add3A_367 = arith.addi %add3A_366, %add3A_58 : vector<16xi32>
            %add3A_368 = arith.constant 1 : i32
            %add3A_369 = vector.broadcast %add3A_368 : i32 to vector<16xi32>
            %add3A_370 = arith.addi %get3A_358, %add3A_369 : vector<16xi32>
            %gather3A_371 = tpu.vector_load_idx %arg13[%broadcast_in_dim3A_364, %add3A_367, %add3A_370] : memref<2x2048x16xf32, #tpu.memory_space<vmem>>[vector<16xi32>, vector<16xi32>, vector<16xi32>], vector<16xf32>,
            %mul3A_372 = arith.mulf %mul3A_353, %gather3A_363 : vector<16xf32>
            %add3A_373 = arith.addf %add3A_350, %mul3A_372 : vector<16xf32>
            %mul3A_374 = arith.mulf %mul3A_353, %gather3A_371 : vector<16xf32>
            %add3A_375 = arith.addf %add3A_352, %mul3A_374 : vector<16xf32>
            %mul3A_376 = arith.mulf %mul3A_306, %get3A_295 : vector<16xf32>
            %get3A_377 = arith.constant 11 : i32
            %get3A_378 = arith.index_cast %sub3A_47 : i32 to index
            %get3A_379 = arith.index_cast %get3A_377 : i32 to index
            %get3A_380 = arith.index_cast %mul3A_56 : i32 to index
            %get3A_381 = tpu.vector_load %arg12[%get3A_378, %get3A_379, %get3A_380] {strides = array<i32>} : memref<2x32x64xi32, #tpu.memory_space<vmem>>, vector<16xi32>,
            %broadcast_in_dim3A_382 = vector.broadcast %sub3A_47 : i32 to vector<16xi32>
            %add3A_383 = arith.constant 704 : i32
            %add3A_384 = vector.broadcast %add3A_383 : i32 to vector<16xi32>
            %add3A_385 = arith.addi %add3A_384, %add3A_58 : vector<16xi32>
            %gather3A_386 = tpu.vector_load_idx %arg13[%broadcast_in_dim3A_382, %add3A_385, %get3A_381] : memref<2x2048x16xf32, #tpu.memory_space<vmem>>[vector<16xi32>, vector<16xi32>, vector<16xi32>], vector<16xf32>,
            %broadcast_in_dim3A_387 = vector.broadcast %sub3A_47 : i32 to vector<16xi32>
            %add3A_388 = arith.constant 704 : i32
            %add3A_389 = vector.broadcast %add3A_388 : i32 to vector<16xi32>
            %add3A_390 = arith.addi %add3A_389, %add3A_58 : vector<16xi32>
            %add3A_391 = arith.constant 1 : i32
            %add3A_392 = vector.broadcast %add3A_391 : i32 to vector<16xi32>
            %add3A_393 = arith.addi %get3A_381, %add3A_392 : vector<16xi32>
            %gather3A_394 = tpu.vector_load_idx %arg13[%broadcast_in_dim3A_387, %add3A_390, %add3A_393] : memref<2x2048x16xf32, #tpu.memory_space<vmem>>[vector<16xi32>, vector<16xi32>, vector<16xi32>], vector<16xf32>,
            %mul3A_395 = arith.mulf %mul3A_376, %gather3A_386 : vector<16xf32>
            %add3A_396 = arith.addf %add3A_373, %mul3A_395 : vector<16xf32>
            %mul3A_397 = arith.mulf %mul3A_376, %gather3A_394 : vector<16xf32>
            %add3A_398 = arith.addf %add3A_375, %mul3A_397 : vector<16xf32>
            %mul3A_399 = arith.mulf %mul3A_307, %sub3A_304 : vector<16xf32>
            %get3A_400 = arith.constant 12 : i32
            %get3A_401 = arith.index_cast %sub3A_47 : i32 to index
            %get3A_402 = arith.index_cast %get3A_400 : i32 to index
            %get3A_403 = arith.index_cast %mul3A_56 : i32 to index
            %get3A_404 = tpu.vector_load %arg12[%get3A_401, %get3A_402, %get3A_403] {strides = array<i32>} : memref<2x32x64xi32, #tpu.memory_space<vmem>>, vector<16xi32>,
            %broadcast_in_dim3A_405 = vector.broadcast %sub3A_47 : i32 to vector<16xi32>
            %add3A_406 = arith.constant 768 : i32
            %add3A_407 = vector.broadcast %add3A_406 : i32 to vector<16xi32>
            %add3A_408 = arith.addi %add3A_407, %add3A_58 : vector<16xi32>
            %gather3A_409 = tpu.vector_load_idx %arg13[%broadcast_in_dim3A_405, %add3A_408, %get3A_404] : memref<2x2048x16xf32, #tpu.memory_space<vmem>>[vector<16xi32>, vector<16xi32>, vector<16xi32>], vector<16xf32>,
            %broadcast_in_dim3A_410 = vector.broadcast %sub3A_47 : i32 to vector<16xi32>
            %add3A_411 = arith.constant 768 : i32
            %add3A_412 = vector.broadcast %add3A_411 : i32 to vector<16xi32>
            %add3A_413 = arith.addi %add3A_412, %add3A_58 : vector<16xi32>
            %add3A_414 = arith.constant 1 : i32
            %add3A_415 = vector.broadcast %add3A_414 : i32 to vector<16xi32>
            %add3A_416 = arith.addi %get3A_404, %add3A_415 : vector<16xi32>
            %gather3A_417 = tpu.vector_load_idx %arg13[%broadcast_in_dim3A_410, %add3A_413, %add3A_416] : memref<2x2048x16xf32, #tpu.memory_space<vmem>>[vector<16xi32>, vector<16xi32>, vector<16xi32>], vector<16xf32>,
            %mul3A_418 = arith.mulf %mul3A_399, %gather3A_409 : vector<16xf32>
            %add3A_419 = arith.addf %add3A_396, %mul3A_418 : vector<16xf32>
            %mul3A_420 = arith.mulf %mul3A_399, %gather3A_417 : vector<16xf32>
            %add3A_421 = arith.addf %add3A_398, %mul3A_420 : vector<16xf32>
            %mul3A_422 = arith.mulf %mul3A_307, %get3A_295 : vector<16xf32>
            %get3A_423 = arith.constant 13 : i32
            %get3A_424 = arith.index_cast %sub3A_47 : i32 to index
            %get3A_425 = arith.index_cast %get3A_423 : i32 to index
            %get3A_426 = arith.index_cast %mul3A_56 : i32 to index
            %get3A_427 = tpu.vector_load %arg12[%get3A_424, %get3A_425, %get3A_426] {strides = array<i32>} : memref<2x32x64xi32, #tpu.memory_space<vmem>>, vector<16xi32>,
            %broadcast_in_dim3A_428 = vector.broadcast %sub3A_47 : i32 to vector<16xi32>
            %add3A_429 = arith.constant 832 : i32
            %add3A_430 = vector.broadcast %add3A_429 : i32 to vector<16xi32>
            %add3A_431 = arith.addi %add3A_430, %add3A_58 : vector<16xi32>
            %gather3A_432 = tpu.vector_load_idx %arg13[%broadcast_in_dim3A_428, %add3A_431, %get3A_427] : memref<2x2048x16xf32, #tpu.memory_space<vmem>>[vector<16xi32>, vector<16xi32>, vector<16xi32>], vector<16xf32>,
            %broadcast_in_dim3A_433 = vector.broadcast %sub3A_47 : i32 to vector<16xi32>
            %add3A_434 = arith.constant 832 : i32
            %add3A_435 = vector.broadcast %add3A_434 : i32 to vector<16xi32>
            %add3A_436 = arith.addi %add3A_435, %add3A_58 : vector<16xi32>
            %add3A_437 = arith.constant 1 : i32
            %add3A_438 = vector.broadcast %add3A_437 : i32 to vector<16xi32>
            %add3A_439 = arith.addi %get3A_427, %add3A_438 : vector<16xi32>
            %gather3A_440 = tpu.vector_load_idx %arg13[%broadcast_in_dim3A_433, %add3A_436, %add3A_439] : memref<2x2048x16xf32, #tpu.memory_space<vmem>>[vector<16xi32>, vector<16xi32>, vector<16xi32>], vector<16xf32>,
            %mul3A_441 = arith.mulf %mul3A_422, %gather3A_432 : vector<16xf32>
            %add3A_442 = arith.addf %add3A_419, %mul3A_441 : vector<16xf32>
            %mul3A_443 = arith.mulf %mul3A_422, %gather3A_440 : vector<16xf32>
            %add3A_444 = arith.addf %add3A_421, %mul3A_443 : vector<16xf32>
            %mul3A_445 = arith.mulf %mul3A_308, %sub3A_304 : vector<16xf32>
            %get3A_446 = arith.constant 14 : i32
            %get3A_447 = arith.index_cast %sub3A_47 : i32 to index
            %get3A_448 = arith.index_cast %get3A_446 : i32 to index
            %get3A_449 = arith.index_cast %mul3A_56 : i32 to index
            %get3A_450 = tpu.vector_load %arg12[%get3A_447, %get3A_448, %get3A_449] {strides = array<i32>} : memref<2x32x64xi32, #tpu.memory_space<vmem>>, vector<16xi32>,
            %broadcast_in_dim3A_451 = vector.broadcast %sub3A_47 : i32 to vector<16xi32>
            %add3A_452 = arith.constant 896 : i32
            %add3A_453 = vector.broadcast %add3A_452 : i32 to vector<16xi32>
            %add3A_454 = arith.addi %add3A_453, %add3A_58 : vector<16xi32>
            %gather3A_455 = tpu.vector_load_idx %arg13[%broadcast_in_dim3A_451, %add3A_454, %get3A_450] : memref<2x2048x16xf32, #tpu.memory_space<vmem>>[vector<16xi32>, vector<16xi32>, vector<16xi32>], vector<16xf32>,
            %broadcast_in_dim3A_456 = vector.broadcast %sub3A_47 : i32 to vector<16xi32>
            %add3A_457 = arith.constant 896 : i32
            %add3A_458 = vector.broadcast %add3A_457 : i32 to vector<16xi32>
            %add3A_459 = arith.addi %add3A_458, %add3A_58 : vector<16xi32>
            %add3A_460 = arith.constant 1 : i32
            %add3A_461 = vector.broadcast %add3A_460 : i32 to vector<16xi32>
            %add3A_462 = arith.addi %get3A_450, %add3A_461 : vector<16xi32>
            %gather3A_463 = tpu.vector_load_idx %arg13[%broadcast_in_dim3A_456, %add3A_459, %add3A_462] : memref<2x2048x16xf32, #tpu.memory_space<vmem>>[vector<16xi32>, vector<16xi32>, vector<16xi32>], vector<16xf32>,
            %mul3A_464 = arith.mulf %mul3A_445, %gather3A_455 : vector<16xf32>
            %add3A_465 = arith.addf %add3A_442, %mul3A_464 : vector<16xf32>
            %mul3A_466 = arith.mulf %mul3A_445, %gather3A_463 : vector<16xf32>
            %add3A_467 = arith.addf %add3A_444, %mul3A_466 : vector<16xf32>
            %mul3A_468 = arith.mulf %mul3A_308, %get3A_295 : vector<16xf32>
            %get3A_469 = arith.constant 15 : i32
            %get3A_470 = arith.index_cast %sub3A_47 : i32 to index
            %get3A_471 = arith.index_cast %get3A_469 : i32 to index
            %get3A_472 = arith.index_cast %mul3A_56 : i32 to index
            %get3A_473 = tpu.vector_load %arg12[%get3A_470, %get3A_471, %get3A_472] {strides = array<i32>} : memref<2x32x64xi32, #tpu.memory_space<vmem>>, vector<16xi32>,
            %broadcast_in_dim3A_474 = vector.broadcast %sub3A_47 : i32 to vector<16xi32>
            %add3A_475 = arith.constant 960 : i32
            %add3A_476 = vector.broadcast %add3A_475 : i32 to vector<16xi32>
            %add3A_477 = arith.addi %add3A_476, %add3A_58 : vector<16xi32>
            %gather3A_478 = tpu.vector_load_idx %arg13[%broadcast_in_dim3A_474, %add3A_477, %get3A_473] : memref<2x2048x16xf32, #tpu.memory_space<vmem>>[vector<16xi32>, vector<16xi32>, vector<16xi32>], vector<16xf32>,
            %broadcast_in_dim3A_479 = vector.broadcast %sub3A_47 : i32 to vector<16xi32>
            %add3A_480 = arith.constant 960 : i32
            %add3A_481 = vector.broadcast %add3A_480 : i32 to vector<16xi32>
            %add3A_482 = arith.addi %add3A_481, %add3A_58 : vector<16xi32>
            %add3A_483 = arith.constant 1 : i32
            %add3A_484 = vector.broadcast %add3A_483 : i32 to vector<16xi32>
            %add3A_485 = arith.addi %get3A_473, %add3A_484 : vector<16xi32>
            %gather3A_486 = tpu.vector_load_idx %arg13[%broadcast_in_dim3A_479, %add3A_482, %add3A_485] : memref<2x2048x16xf32, #tpu.memory_space<vmem>>[vector<16xi32>, vector<16xi32>, vector<16xi32>], vector<16xf32>,
            %mul3A_487 = arith.mulf %mul3A_468, %gather3A_478 : vector<16xf32>
            %add3A_488 = arith.addf %add3A_465, %mul3A_487 : vector<16xf32>
            %mul3A_489 = arith.mulf %mul3A_468, %gather3A_486 : vector<16xf32>
            %add3A_490 = arith.addf %add3A_467, %mul3A_489 : vector<16xf32>
            %mul3A_491 = arith.constant 2 : i32
            %mul3A_492 = arith.muli %mul3A_491, %sub3A_45 : i32
            %add3A_493 = arith.constant 32 : i32
            %add3A_494 = arith.addi %add3A_493, %mul3A_492 : i32
            %swap3A_495 = arith.index_cast %add3A_494 : i32 to index
            %swap3A_496 = arith.index_cast %mul3A_56 : i32 to index
            %swap3A_497 = tpu.vector_load %arg14[%swap3A_495, %swap3A_496] {strides = array<i32>} : memref<96x64xf32, #tpu.memory_space<vmem>>, vector<16xf32>,
            tpu.vector_store %arg14[%swap3A_495, %swap3A_496], %add3A_488 {strides = array<i32>} : memref<96x64xf32, #tpu.memory_space<vmem>>, vector<16xf32>,
            %mul3A_498 = arith.constant 2 : i32
            %mul3A_499 = arith.muli %mul3A_498, %sub3A_45 : i32
            %add3A_500 = arith.constant 32 : i32
            %add3A_501 = arith.addi %add3A_500, %mul3A_499 : i32
            %add3A_502 = arith.constant 1 : i32
            %add3A_503 = arith.addi %add3A_501, %add3A_502 : i32
            %swap3A_504 = arith.index_cast %add3A_503 : i32 to index
            %swap3A_505 = arith.index_cast %mul3A_56 : i32 to index
            %swap3A_506 = tpu.vector_load %arg14[%swap3A_504, %swap3A_505] {strides = array<i32>} : memref<96x64xf32, #tpu.memory_space<vmem>>, vector<16xf32>,
            tpu.vector_store %arg14[%swap3A_504, %swap3A_505], %add3A_490 {strides = array<i32>} : memref<96x64xf32, #tpu.memory_space<vmem>>, vector<16xf32>,
            %get3A_507 = arith.constant 6 : i32
            %get3A_508 = arith.index_cast %sub3A_47 : i32 to index
            %get3A_509 = arith.index_cast %get3A_507 : i32 to index
            %get3A_510 = arith.index_cast %mul3A_56 : i32 to index
            %get3A_511 = tpu.vector_load %arg10[%get3A_508, %get3A_509, %get3A_510] {strides = array<i32>} : memref<2x10x64xf32, #tpu.memory_space<vmem>>, vector<16xf32>,
            %get3A_512 = arith.constant 7 : i32
            %get3A_513 = arith.index_cast %sub3A_47 : i32 to index
            %get3A_514 = arith.index_cast %get3A_512 : i32 to index
            %get3A_515 = arith.index_cast %mul3A_56 : i32 to index
            %get3A_516 = tpu.vector_load %arg10[%get3A_513, %get3A_514, %get3A_515] {strides = array<i32>} : memref<2x10x64xf32, #tpu.memory_space<vmem>>, vector<16xf32>,
            %get3A_517 = arith.constant 8 : i32
            %get3A_518 = arith.index_cast %sub3A_47 : i32 to index
            %get3A_519 = arith.index_cast %get3A_517 : i32 to index
            %get3A_520 = arith.index_cast %mul3A_56 : i32 to index
            %get3A_521 = tpu.vector_load %arg10[%get3A_518, %get3A_519, %get3A_520] {strides = array<i32>} : memref<2x10x64xf32, #tpu.memory_space<vmem>>, vector<16xf32>,
            %get3A_522 = arith.constant 9 : i32
            %get3A_523 = arith.index_cast %sub3A_47 : i32 to index
            %get3A_524 = arith.index_cast %get3A_522 : i32 to index
            %get3A_525 = arith.index_cast %mul3A_56 : i32 to index
            %get3A_526 = tpu.vector_load %arg10[%get3A_523, %get3A_524, %get3A_525] {strides = array<i32>} : memref<2x10x64xf32, #tpu.memory_space<vmem>>, vector<16xf32>,
            %sub3A_527 = arith.constant 1.000000e+00 : f32
            %sub3A_528 = vector.broadcast %sub3A_527 : f32 to vector<16xf32>
            %sub3A_529 = arith.subf %sub3A_528, %get3A_511 : vector<16xf32>
            %sub3A_530 = arith.constant 1.000000e+00 : f32
            %sub3A_531 = vector.broadcast %sub3A_530 : f32 to vector<16xf32>
            %sub3A_532 = arith.subf %sub3A_531, %get3A_516 : vector<16xf32>
            %sub3A_533 = arith.constant 1.000000e+00 : f32
            %sub3A_534 = vector.broadcast %sub3A_533 : f32 to vector<16xf32>
            %sub3A_535 = arith.subf %sub3A_534, %get3A_521 : vector<16xf32>
            %sub3A_536 = arith.constant 1.000000e+00 : f32
            %sub3A_537 = vector.broadcast %sub3A_536 : f32 to vector<16xf32>
            %sub3A_538 = arith.subf %sub3A_537, %get3A_526 : vector<16xf32>
            %mul3A_539 = arith.mulf %sub3A_529, %sub3A_532 : vector<16xf32>
            %mul3A_540 = arith.mulf %sub3A_529, %get3A_516 : vector<16xf32>
            %mul3A_541 = arith.mulf %get3A_511, %sub3A_532 : vector<16xf32>
            %mul3A_542 = arith.mulf %get3A_511, %get3A_516 : vector<16xf32>
            %mul3A_543 = arith.mulf %sub3A_535, %sub3A_538 : vector<16xf32>
            %mul3A_544 = arith.mulf %sub3A_535, %get3A_526 : vector<16xf32>
            %mul3A_545 = arith.mulf %get3A_521, %sub3A_538 : vector<16xf32>
            %mul3A_546 = arith.mulf %get3A_521, %get3A_526 : vector<16xf32>
            %mul3A_547 = arith.mulf %mul3A_539, %mul3A_543 : vector<16xf32>
            %get3A_548 = arith.constant 16 : i32
            %get3A_549 = arith.index_cast %sub3A_47 : i32 to index
            %get3A_550 = arith.index_cast %get3A_548 : i32 to index
            %get3A_551 = arith.index_cast %mul3A_56 : i32 to index
            %get3A_552 = tpu.vector_load %arg12[%get3A_549, %get3A_550, %get3A_551] {strides = array<i32>} : memref<2x32x64xi32, #tpu.memory_space<vmem>>, vector<16xi32>,
            %broadcast_in_dim3A_553 = vector.broadcast %sub3A_47 : i32 to vector<16xi32>
            %add3A_554 = arith.constant 1024 : i32
            %add3A_555 = vector.broadcast %add3A_554 : i32 to vector<16xi32>
            %add3A_556 = arith.addi %add3A_555, %add3A_58 : vector<16xi32>
            %gather3A_557 = tpu.vector_load_idx %arg13[%broadcast_in_dim3A_553, %add3A_556, %get3A_552] : memref<2x2048x16xf32, #tpu.memory_space<vmem>>[vector<16xi32>, vector<16xi32>, vector<16xi32>], vector<16xf32>,
            %broadcast_in_dim3A_558 = vector.broadcast %sub3A_47 : i32 to vector<16xi32>
            %add3A_559 = arith.constant 1024 : i32
            %add3A_560 = vector.broadcast %add3A_559 : i32 to vector<16xi32>
            %add3A_561 = arith.addi %add3A_560, %add3A_58 : vector<16xi32>
            %add3A_562 = arith.constant 1 : i32
            %add3A_563 = vector.broadcast %add3A_562 : i32 to vector<16xi32>
            %add3A_564 = arith.addi %get3A_552, %add3A_563 : vector<16xi32>
            %gather3A_565 = tpu.vector_load_idx %arg13[%broadcast_in_dim3A_558, %add3A_561, %add3A_564] : memref<2x2048x16xf32, #tpu.memory_space<vmem>>[vector<16xi32>, vector<16xi32>, vector<16xi32>], vector<16xf32>,
            %mul3A_566 = arith.mulf %mul3A_547, %gather3A_557 : vector<16xf32>
            %mul3A_567 = arith.mulf %mul3A_547, %gather3A_565 : vector<16xf32>
            %mul3A_568 = arith.mulf %mul3A_539, %mul3A_544 : vector<16xf32>
            %get3A_569 = arith.constant 17 : i32
            %get3A_570 = arith.index_cast %sub3A_47 : i32 to index
            %get3A_571 = arith.index_cast %get3A_569 : i32 to index
            %get3A_572 = arith.index_cast %mul3A_56 : i32 to index
            %get3A_573 = tpu.vector_load %arg12[%get3A_570, %get3A_571, %get3A_572] {strides = array<i32>} : memref<2x32x64xi32, #tpu.memory_space<vmem>>, vector<16xi32>,
            %broadcast_in_dim3A_574 = vector.broadcast %sub3A_47 : i32 to vector<16xi32>
            %add3A_575 = arith.constant 1088 : i32
            %add3A_576 = vector.broadcast %add3A_575 : i32 to vector<16xi32>
            %add3A_577 = arith.addi %add3A_576, %add3A_58 : vector<16xi32>
            %gather3A_578 = tpu.vector_load_idx %arg13[%broadcast_in_dim3A_574, %add3A_577, %get3A_573] : memref<2x2048x16xf32, #tpu.memory_space<vmem>>[vector<16xi32>, vector<16xi32>, vector<16xi32>], vector<16xf32>,
            %broadcast_in_dim3A_579 = vector.broadcast %sub3A_47 : i32 to vector<16xi32>
            %add3A_580 = arith.constant 1088 : i32
            %add3A_581 = vector.broadcast %add3A_580 : i32 to vector<16xi32>
            %add3A_582 = arith.addi %add3A_581, %add3A_58 : vector<16xi32>
            %add3A_583 = arith.constant 1 : i32
            %add3A_584 = vector.broadcast %add3A_583 : i32 to vector<16xi32>
            %add3A_585 = arith.addi %get3A_573, %add3A_584 : vector<16xi32>
            %gather3A_586 = tpu.vector_load_idx %arg13[%broadcast_in_dim3A_579, %add3A_582, %add3A_585] : memref<2x2048x16xf32, #tpu.memory_space<vmem>>[vector<16xi32>, vector<16xi32>, vector<16xi32>], vector<16xf32>,
            %mul3A_587 = arith.mulf %mul3A_568, %gather3A_578 : vector<16xf32>
            %add3A_588 = arith.addf %mul3A_566, %mul3A_587 : vector<16xf32>
            %mul3A_589 = arith.mulf %mul3A_568, %gather3A_586 : vector<16xf32>
            %add3A_590 = arith.addf %mul3A_567, %mul3A_589 : vector<16xf32>
            %mul3A_591 = arith.mulf %mul3A_539, %mul3A_545 : vector<16xf32>
            %get3A_592 = arith.constant 18 : i32
            %get3A_593 = arith.index_cast %sub3A_47 : i32 to index
            %get3A_594 = arith.index_cast %get3A_592 : i32 to index
            %get3A_595 = arith.index_cast %mul3A_56 : i32 to index
            %get3A_596 = tpu.vector_load %arg12[%get3A_593, %get3A_594, %get3A_595] {strides = array<i32>} : memref<2x32x64xi32, #tpu.memory_space<vmem>>, vector<16xi32>,
            %broadcast_in_dim3A_597 = vector.broadcast %sub3A_47 : i32 to vector<16xi32>
            %add3A_598 = arith.constant 1152 : i32
            %add3A_599 = vector.broadcast %add3A_598 : i32 to vector<16xi32>
            %add3A_600 = arith.addi %add3A_599, %add3A_58 : vector<16xi32>
            %gather3A_601 = tpu.vector_load_idx %arg13[%broadcast_in_dim3A_597, %add3A_600, %get3A_596] : memref<2x2048x16xf32, #tpu.memory_space<vmem>>[vector<16xi32>, vector<16xi32>, vector<16xi32>], vector<16xf32>,
            %broadcast_in_dim3A_602 = vector.broadcast %sub3A_47 : i32 to vector<16xi32>
            %add3A_603 = arith.constant 1152 : i32
            %add3A_604 = vector.broadcast %add3A_603 : i32 to vector<16xi32>
            %add3A_605 = arith.addi %add3A_604, %add3A_58 : vector<16xi32>
            %add3A_606 = arith.constant 1 : i32
            %add3A_607 = vector.broadcast %add3A_606 : i32 to vector<16xi32>
            %add3A_608 = arith.addi %get3A_596, %add3A_607 : vector<16xi32>
            %gather3A_609 = tpu.vector_load_idx %arg13[%broadcast_in_dim3A_602, %add3A_605, %add3A_608] : memref<2x2048x16xf32, #tpu.memory_space<vmem>>[vector<16xi32>, vector<16xi32>, vector<16xi32>], vector<16xf32>,
            %mul3A_610 = arith.mulf %mul3A_591, %gather3A_601 : vector<16xf32>
            %add3A_611 = arith.addf %add3A_588, %mul3A_610 : vector<16xf32>
            %mul3A_612 = arith.mulf %mul3A_591, %gather3A_609 : vector<16xf32>
            %add3A_613 = arith.addf %add3A_590, %mul3A_612 : vector<16xf32>
            %mul3A_614 = arith.mulf %mul3A_539, %mul3A_546 : vector<16xf32>
            %get3A_615 = arith.constant 19 : i32
            %get3A_616 = arith.index_cast %sub3A_47 : i32 to index
            %get3A_617 = arith.index_cast %get3A_615 : i32 to index
            %get3A_618 = arith.index_cast %mul3A_56 : i32 to index
            %get3A_619 = tpu.vector_load %arg12[%get3A_616, %get3A_617, %get3A_618] {strides = array<i32>} : memref<2x32x64xi32, #tpu.memory_space<vmem>>, vector<16xi32>,
            %broadcast_in_dim3A_620 = vector.broadcast %sub3A_47 : i32 to vector<16xi32>
            %add3A_621 = arith.constant 1216 : i32
            %add3A_622 = vector.broadcast %add3A_621 : i32 to vector<16xi32>
            %add3A_623 = arith.addi %add3A_622, %add3A_58 : vector<16xi32>
            %gather3A_624 = tpu.vector_load_idx %arg13[%broadcast_in_dim3A_620, %add3A_623, %get3A_619] : memref<2x2048x16xf32, #tpu.memory_space<vmem>>[vector<16xi32>, vector<16xi32>, vector<16xi32>], vector<16xf32>,
            %broadcast_in_dim3A_625 = vector.broadcast %sub3A_47 : i32 to vector<16xi32>
            %add3A_626 = arith.constant 1216 : i32
            %add3A_627 = vector.broadcast %add3A_626 : i32 to vector<16xi32>
            %add3A_628 = arith.addi %add3A_627, %add3A_58 : vector<16xi32>
            %add3A_629 = arith.constant 1 : i32
            %add3A_630 = vector.broadcast %add3A_629 : i32 to vector<16xi32>
            %add3A_631 = arith.addi %get3A_619, %add3A_630 : vector<16xi32>
            %gather3A_632 = tpu.vector_load_idx %arg13[%broadcast_in_dim3A_625, %add3A_628, %add3A_631] : memref<2x2048x16xf32, #tpu.memory_space<vmem>>[vector<16xi32>, vector<16xi32>, vector<16xi32>], vector<16xf32>,
            %mul3A_633 = arith.mulf %mul3A_614, %gather3A_624 : vector<16xf32>
            %add3A_634 = arith.addf %add3A_611, %mul3A_633 : vector<16xf32>
            %mul3A_635 = arith.mulf %mul3A_614, %gather3A_632 : vector<16xf32>
            %add3A_636 = arith.addf %add3A_613, %mul3A_635 : vector<16xf32>
            %mul3A_637 = arith.mulf %mul3A_540, %mul3A_543 : vector<16xf32>
            %get3A_638 = arith.constant 20 : i32
            %get3A_639 = arith.index_cast %sub3A_47 : i32 to index
            %get3A_640 = arith.index_cast %get3A_638 : i32 to index
            %get3A_641 = arith.index_cast %mul3A_56 : i32 to index
            %get3A_642 = tpu.vector_load %arg12[%get3A_639, %get3A_640, %get3A_641] {strides = array<i32>} : memref<2x32x64xi32, #tpu.memory_space<vmem>>, vector<16xi32>,
            %broadcast_in_dim3A_643 = vector.broadcast %sub3A_47 : i32 to vector<16xi32>
            %add3A_644 = arith.constant 1280 : i32
            %add3A_645 = vector.broadcast %add3A_644 : i32 to vector<16xi32>
            %add3A_646 = arith.addi %add3A_645, %add3A_58 : vector<16xi32>
            %gather3A_647 = tpu.vector_load_idx %arg13[%broadcast_in_dim3A_643, %add3A_646, %get3A_642] : memref<2x2048x16xf32, #tpu.memory_space<vmem>>[vector<16xi32>, vector<16xi32>, vector<16xi32>], vector<16xf32>,
            %broadcast_in_dim3A_648 = vector.broadcast %sub3A_47 : i32 to vector<16xi32>
            %add3A_649 = arith.constant 1280 : i32
            %add3A_650 = vector.broadcast %add3A_649 : i32 to vector<16xi32>
            %add3A_651 = arith.addi %add3A_650, %add3A_58 : vector<16xi32>
            %add3A_652 = arith.constant 1 : i32
            %add3A_653 = vector.broadcast %add3A_652 : i32 to vector<16xi32>
            %add3A_654 = arith.addi %get3A_642, %add3A_653 : vector<16xi32>
            %gather3A_655 = tpu.vector_load_idx %arg13[%broadcast_in_dim3A_648, %add3A_651, %add3A_654] : memref<2x2048x16xf32, #tpu.memory_space<vmem>>[vector<16xi32>, vector<16xi32>, vector<16xi32>], vector<16xf32>,
            %mul3A_656 = arith.mulf %mul3A_637, %gather3A_647 : vector<16xf32>
            %add3A_657 = arith.addf %add3A_634, %mul3A_656 : vector<16xf32>
            %mul3A_658 = arith.mulf %mul3A_637, %gather3A_655 : vector<16xf32>
            %add3A_659 = arith.addf %add3A_636, %mul3A_658 : vector<16xf32>
            %mul3A_660 = arith.mulf %mul3A_540, %mul3A_544 : vector<16xf32>
            %get3A_661 = arith.constant 21 : i32
            %get3A_662 = arith.index_cast %sub3A_47 : i32 to index
            %get3A_663 = arith.index_cast %get3A_661 : i32 to index
            %get3A_664 = arith.index_cast %mul3A_56 : i32 to index
            %get3A_665 = tpu.vector_load %arg12[%get3A_662, %get3A_663, %get3A_664] {strides = array<i32>} : memref<2x32x64xi32, #tpu.memory_space<vmem>>, vector<16xi32>,
            %broadcast_in_dim3A_666 = vector.broadcast %sub3A_47 : i32 to vector<16xi32>
            %add3A_667 = arith.constant 1344 : i32
            %add3A_668 = vector.broadcast %add3A_667 : i32 to vector<16xi32>
            %add3A_669 = arith.addi %add3A_668, %add3A_58 : vector<16xi32>
            %gather3A_670 = tpu.vector_load_idx %arg13[%broadcast_in_dim3A_666, %add3A_669, %get3A_665] : memref<2x2048x16xf32, #tpu.memory_space<vmem>>[vector<16xi32>, vector<16xi32>, vector<16xi32>], vector<16xf32>,
            %broadcast_in_dim3A_671 = vector.broadcast %sub3A_47 : i32 to vector<16xi32>
            %add3A_672 = arith.constant 1344 : i32
            %add3A_673 = vector.broadcast %add3A_672 : i32 to vector<16xi32>
            %add3A_674 = arith.addi %add3A_673, %add3A_58 : vector<16xi32>
            %add3A_675 = arith.constant 1 : i32
            %add3A_676 = vector.broadcast %add3A_675 : i32 to vector<16xi32>
            %add3A_677 = arith.addi %get3A_665, %add3A_676 : vector<16xi32>
            %gather3A_678 = tpu.vector_load_idx %arg13[%broadcast_in_dim3A_671, %add3A_674, %add3A_677] : memref<2x2048x16xf32, #tpu.memory_space<vmem>>[vector<16xi32>, vector<16xi32>, vector<16xi32>], vector<16xf32>,
            %mul3A_679 = arith.mulf %mul3A_660, %gather3A_670 : vector<16xf32>
            %add3A_680 = arith.addf %add3A_657, %mul3A_679 : vector<16xf32>
            %mul3A_681 = arith.mulf %mul3A_660, %gather3A_678 : vector<16xf32>
            %add3A_682 = arith.addf %add3A_659, %mul3A_681 : vector<16xf32>
            %mul3A_683 = arith.mulf %mul3A_540, %mul3A_545 : vector<16xf32>
            %get3A_684 = arith.constant 22 : i32
            %get3A_685 = arith.index_cast %sub3A_47 : i32 to index
            %get3A_686 = arith.index_cast %get3A_684 : i32 to index
            %get3A_687 = arith.index_cast %mul3A_56 : i32 to index
            %get3A_688 = tpu.vector_load %arg12[%get3A_685, %get3A_686, %get3A_687] {strides = array<i32>} : memref<2x32x64xi32, #tpu.memory_space<vmem>>, vector<16xi32>,
            %broadcast_in_dim3A_689 = vector.broadcast %sub3A_47 : i32 to vector<16xi32>
            %add3A_690 = arith.constant 1408 : i32
            %add3A_691 = vector.broadcast %add3A_690 : i32 to vector<16xi32>
            %add3A_692 = arith.addi %add3A_691, %add3A_58 : vector<16xi32>
            %gather3A_693 = tpu.vector_load_idx %arg13[%broadcast_in_dim3A_689, %add3A_692, %get3A_688] : memref<2x2048x16xf32, #tpu.memory_space<vmem>>[vector<16xi32>, vector<16xi32>, vector<16xi32>], vector<16xf32>,
            %broadcast_in_dim3A_694 = vector.broadcast %sub3A_47 : i32 to vector<16xi32>
            %add3A_695 = arith.constant 1408 : i32
            %add3A_696 = vector.broadcast %add3A_695 : i32 to vector<16xi32>
            %add3A_697 = arith.addi %add3A_696, %add3A_58 : vector<16xi32>
            %add3A_698 = arith.constant 1 : i32
            %add3A_699 = vector.broadcast %add3A_698 : i32 to vector<16xi32>
            %add3A_700 = arith.addi %get3A_688, %add3A_699 : vector<16xi32>
            %gather3A_701 = tpu.vector_load_idx %arg13[%broadcast_in_dim3A_694, %add3A_697, %add3A_700] : memref<2x2048x16xf32, #tpu.memory_space<vmem>>[vector<16xi32>, vector<16xi32>, vector<16xi32>], vector<16xf32>,
            %mul3A_702 = arith.mulf %mul3A_683, %gather3A_693 : vector<16xf32>
            %add3A_703 = arith.addf %add3A_680, %mul3A_702 : vector<16xf32>
            %mul3A_704 = arith.mulf %mul3A_683, %gather3A_701 : vector<16xf32>
            %add3A_705 = arith.addf %add3A_682, %mul3A_704 : vector<16xf32>
            %mul3A_706 = arith.mulf %mul3A_540, %mul3A_546 : vector<16xf32>
            %get3A_707 = arith.constant 23 : i32
            %get3A_708 = arith.index_cast %sub3A_47 : i32 to index
            %get3A_709 = arith.index_cast %get3A_707 : i32 to index
            %get3A_710 = arith.index_cast %mul3A_56 : i32 to index
            %get3A_711 = tpu.vector_load %arg12[%get3A_708, %get3A_709, %get3A_710] {strides = array<i32>} : memref<2x32x64xi32, #tpu.memory_space<vmem>>, vector<16xi32>,
            %broadcast_in_dim3A_712 = vector.broadcast %sub3A_47 : i32 to vector<16xi32>
            %add3A_713 = arith.constant 1472 : i32
            %add3A_714 = vector.broadcast %add3A_713 : i32 to vector<16xi32>
            %add3A_715 = arith.addi %add3A_714, %add3A_58 : vector<16xi32>
            %gather3A_716 = tpu.vector_load_idx %arg13[%broadcast_in_dim3A_712, %add3A_715, %get3A_711] : memref<2x2048x16xf32, #tpu.memory_space<vmem>>[vector<16xi32>, vector<16xi32>, vector<16xi32>], vector<16xf32>,
            %broadcast_in_dim3A_717 = vector.broadcast %sub3A_47 : i32 to vector<16xi32>
            %add3A_718 = arith.constant 1472 : i32
            %add3A_719 = vector.broadcast %add3A_718 : i32 to vector<16xi32>
            %add3A_720 = arith.addi %add3A_719, %add3A_58 : vector<16xi32>
            %add3A_721 = arith.constant 1 : i32
            %add3A_722 = vector.broadcast %add3A_721 : i32 to vector<16xi32>
            %add3A_723 = arith.addi %get3A_711, %add3A_722 : vector<16xi32>
            %gather3A_724 = tpu.vector_load_idx %arg13[%broadcast_in_dim3A_717, %add3A_720, %add3A_723] : memref<2x2048x16xf32, #tpu.memory_space<vmem>>[vector<16xi32>, vector<16xi32>, vector<16xi32>], vector<16xf32>,
            %mul3A_725 = arith.mulf %mul3A_706, %gather3A_716 : vector<16xf32>
            %add3A_726 = arith.addf %add3A_703, %mul3A_725 : vector<16xf32>
            %mul3A_727 = arith.mulf %mul3A_706, %gather3A_724 : vector<16xf32>
            %add3A_728 = arith.addf %add3A_705, %mul3A_727 : vector<16xf32>
            %mul3A_729 = arith.mulf %mul3A_541, %mul3A_543 : vector<16xf32>
            %get3A_730 = arith.constant 24 : i32
            %get3A_731 = arith.index_cast %sub3A_47 : i32 to index
            %get3A_732 = arith.index_cast %get3A_730 : i32 to index
            %get3A_733 = arith.index_cast %mul3A_56 : i32 to index
            %get3A_734 = tpu.vector_load %arg12[%get3A_731, %get3A_732, %get3A_733] {strides = array<i32>} : memref<2x32x64xi32, #tpu.memory_space<vmem>>, vector<16xi32>,
            %broadcast_in_dim3A_735 = vector.broadcast %sub3A_47 : i32 to vector<16xi32>
            %add3A_736 = arith.constant 1536 : i32
            %add3A_737 = vector.broadcast %add3A_736 : i32 to vector<16xi32>
            %add3A_738 = arith.addi %add3A_737, %add3A_58 : vector<16xi32>
            %gather3A_739 = tpu.vector_load_idx %arg13[%broadcast_in_dim3A_735, %add3A_738, %get3A_734] : memref<2x2048x16xf32, #tpu.memory_space<vmem>>[vector<16xi32>, vector<16xi32>, vector<16xi32>], vector<16xf32>,
            %broadcast_in_dim3A_740 = vector.broadcast %sub3A_47 : i32 to vector<16xi32>
            %add3A_741 = arith.constant 1536 : i32
            %add3A_742 = vector.broadcast %add3A_741 : i32 to vector<16xi32>
            %add3A_743 = arith.addi %add3A_742, %add3A_58 : vector<16xi32>
            %add3A_744 = arith.constant 1 : i32
            %add3A_745 = vector.broadcast %add3A_744 : i32 to vector<16xi32>
            %add3A_746 = arith.addi %get3A_734, %add3A_745 : vector<16xi32>
            %gather3A_747 = tpu.vector_load_idx %arg13[%broadcast_in_dim3A_740, %add3A_743, %add3A_746] : memref<2x2048x16xf32, #tpu.memory_space<vmem>>[vector<16xi32>, vector<16xi32>, vector<16xi32>], vector<16xf32>,
            %mul3A_748 = arith.mulf %mul3A_729, %gather3A_739 : vector<16xf32>
            %add3A_749 = arith.addf %add3A_726, %mul3A_748 : vector<16xf32>
            %mul3A_750 = arith.mulf %mul3A_729, %gather3A_747 : vector<16xf32>
            %add3A_751 = arith.addf %add3A_728, %mul3A_750 : vector<16xf32>
            %mul3A_752 = arith.mulf %mul3A_541, %mul3A_544 : vector<16xf32>
            %get3A_753 = arith.constant 25 : i32
            %get3A_754 = arith.index_cast %sub3A_47 : i32 to index
            %get3A_755 = arith.index_cast %get3A_753 : i32 to index
            %get3A_756 = arith.index_cast %mul3A_56 : i32 to index
            %get3A_757 = tpu.vector_load %arg12[%get3A_754, %get3A_755, %get3A_756] {strides = array<i32>} : memref<2x32x64xi32, #tpu.memory_space<vmem>>, vector<16xi32>,
            %broadcast_in_dim3A_758 = vector.broadcast %sub3A_47 : i32 to vector<16xi32>
            %add3A_759 = arith.constant 1600 : i32
            %add3A_760 = vector.broadcast %add3A_759 : i32 to vector<16xi32>
            %add3A_761 = arith.addi %add3A_760, %add3A_58 : vector<16xi32>
            %gather3A_762 = tpu.vector_load_idx %arg13[%broadcast_in_dim3A_758, %add3A_761, %get3A_757] : memref<2x2048x16xf32, #tpu.memory_space<vmem>>[vector<16xi32>, vector<16xi32>, vector<16xi32>], vector<16xf32>,
            %broadcast_in_dim3A_763 = vector.broadcast %sub3A_47 : i32 to vector<16xi32>
            %add3A_764 = arith.constant 1600 : i32
            %add3A_765 = vector.broadcast %add3A_764 : i32 to vector<16xi32>
            %add3A_766 = arith.addi %add3A_765, %add3A_58 : vector<16xi32>
            %add3A_767 = arith.constant 1 : i32
            %add3A_768 = vector.broadcast %add3A_767 : i32 to vector<16xi32>
            %add3A_769 = arith.addi %get3A_757, %add3A_768 : vector<16xi32>
            %gather3A_770 = tpu.vector_load_idx %arg13[%broadcast_in_dim3A_763, %add3A_766, %add3A_769] : memref<2x2048x16xf32, #tpu.memory_space<vmem>>[vector<16xi32>, vector<16xi32>, vector<16xi32>], vector<16xf32>,
            %mul3A_771 = arith.mulf %mul3A_752, %gather3A_762 : vector<16xf32>
            %add3A_772 = arith.addf %add3A_749, %mul3A_771 : vector<16xf32>
            %mul3A_773 = arith.mulf %mul3A_752, %gather3A_770 : vector<16xf32>
            %add3A_774 = arith.addf %add3A_751, %mul3A_773 : vector<16xf32>
            %mul3A_775 = arith.mulf %mul3A_541, %mul3A_545 : vector<16xf32>
            %get3A_776 = arith.constant 26 : i32
            %get3A_777 = arith.index_cast %sub3A_47 : i32 to index
            %get3A_778 = arith.index_cast %get3A_776 : i32 to index
            %get3A_779 = arith.index_cast %mul3A_56 : i32 to index
            %get3A_780 = tpu.vector_load %arg12[%get3A_777, %get3A_778, %get3A_779] {strides = array<i32>} : memref<2x32x64xi32, #tpu.memory_space<vmem>>, vector<16xi32>,
            %broadcast_in_dim3A_781 = vector.broadcast %sub3A_47 : i32 to vector<16xi32>
            %add3A_782 = arith.constant 1664 : i32
            %add3A_783 = vector.broadcast %add3A_782 : i32 to vector<16xi32>
            %add3A_784 = arith.addi %add3A_783, %add3A_58 : vector<16xi32>
            %gather3A_785 = tpu.vector_load_idx %arg13[%broadcast_in_dim3A_781, %add3A_784, %get3A_780] : memref<2x2048x16xf32, #tpu.memory_space<vmem>>[vector<16xi32>, vector<16xi32>, vector<16xi32>], vector<16xf32>,
            %broadcast_in_dim3A_786 = vector.broadcast %sub3A_47 : i32 to vector<16xi32>
            %add3A_787 = arith.constant 1664 : i32
            %add3A_788 = vector.broadcast %add3A_787 : i32 to vector<16xi32>
            %add3A_789 = arith.addi %add3A_788, %add3A_58 : vector<16xi32>
            %add3A_790 = arith.constant 1 : i32
            %add3A_791 = vector.broadcast %add3A_790 : i32 to vector<16xi32>
            %add3A_792 = arith.addi %get3A_780, %add3A_791 : vector<16xi32>
            %gather3A_793 = tpu.vector_load_idx %arg13[%broadcast_in_dim3A_786, %add3A_789, %add3A_792] : memref<2x2048x16xf32, #tpu.memory_space<vmem>>[vector<16xi32>, vector<16xi32>, vector<16xi32>], vector<16xf32>,
            %mul3A_794 = arith.mulf %mul3A_775, %gather3A_785 : vector<16xf32>
            %add3A_795 = arith.addf %add3A_772, %mul3A_794 : vector<16xf32>
            %mul3A_796 = arith.mulf %mul3A_775, %gather3A_793 : vector<16xf32>
            %add3A_797 = arith.addf %add3A_774, %mul3A_796 : vector<16xf32>
            %mul3A_798 = arith.mulf %mul3A_541, %mul3A_546 : vector<16xf32>
            %get3A_799 = arith.constant 27 : i32
            %get3A_800 = arith.index_cast %sub3A_47 : i32 to index
            %get3A_801 = arith.index_cast %get3A_799 : i32 to index
            %get3A_802 = arith.index_cast %mul3A_56 : i32 to index
            %get3A_803 = tpu.vector_load %arg12[%get3A_800, %get3A_801, %get3A_802] {strides = array<i32>} : memref<2x32x64xi32, #tpu.memory_space<vmem>>, vector<16xi32>,
            %broadcast_in_dim3A_804 = vector.broadcast %sub3A_47 : i32 to vector<16xi32>
            %add3A_805 = arith.constant 1728 : i32
            %add3A_806 = vector.broadcast %add3A_805 : i32 to vector<16xi32>
            %add3A_807 = arith.addi %add3A_806, %add3A_58 : vector<16xi32>
            %gather3A_808 = tpu.vector_load_idx %arg13[%broadcast_in_dim3A_804, %add3A_807, %get3A_803] : memref<2x2048x16xf32, #tpu.memory_space<vmem>>[vector<16xi32>, vector<16xi32>, vector<16xi32>], vector<16xf32>,
            %broadcast_in_dim3A_809 = vector.broadcast %sub3A_47 : i32 to vector<16xi32>
            %add3A_810 = arith.constant 1728 : i32
            %add3A_811 = vector.broadcast %add3A_810 : i32 to vector<16xi32>
            %add3A_812 = arith.addi %add3A_811, %add3A_58 : vector<16xi32>
            %add3A_813 = arith.constant 1 : i32
            %add3A_814 = vector.broadcast %add3A_813 : i32 to vector<16xi32>
            %add3A_815 = arith.addi %get3A_803, %add3A_814 : vector<16xi32>
            %gather3A_816 = tpu.vector_load_idx %arg13[%broadcast_in_dim3A_809, %add3A_812, %add3A_815] : memref<2x2048x16xf32, #tpu.memory_space<vmem>>[vector<16xi32>, vector<16xi32>, vector<16xi32>], vector<16xf32>,
            %mul3A_817 = arith.mulf %mul3A_798, %gather3A_808 : vector<16xf32>
            %add3A_818 = arith.addf %add3A_795, %mul3A_817 : vector<16xf32>
            %mul3A_819 = arith.mulf %mul3A_798, %gather3A_816 : vector<16xf32>
            %add3A_820 = arith.addf %add3A_797, %mul3A_819 : vector<16xf32>
            %mul3A_821 = arith.mulf %mul3A_542, %mul3A_543 : vector<16xf32>
            %get3A_822 = arith.constant 28 : i32
            %get3A_823 = arith.index_cast %sub3A_47 : i32 to index
            %get3A_824 = arith.index_cast %get3A_822 : i32 to index
            %get3A_825 = arith.index_cast %mul3A_56 : i32 to index
            %get3A_826 = tpu.vector_load %arg12[%get3A_823, %get3A_824, %get3A_825] {strides = array<i32>} : memref<2x32x64xi32, #tpu.memory_space<vmem>>, vector<16xi32>,
            %broadcast_in_dim3A_827 = vector.broadcast %sub3A_47 : i32 to vector<16xi32>
            %add3A_828 = arith.constant 1792 : i32
            %add3A_829 = vector.broadcast %add3A_828 : i32 to vector<16xi32>
            %add3A_830 = arith.addi %add3A_829, %add3A_58 : vector<16xi32>
            %gather3A_831 = tpu.vector_load_idx %arg13[%broadcast_in_dim3A_827, %add3A_830, %get3A_826] : memref<2x2048x16xf32, #tpu.memory_space<vmem>>[vector<16xi32>, vector<16xi32>, vector<16xi32>], vector<16xf32>,
            %broadcast_in_dim3A_832 = vector.broadcast %sub3A_47 : i32 to vector<16xi32>
            %add3A_833 = arith.constant 1792 : i32
            %add3A_834 = vector.broadcast %add3A_833 : i32 to vector<16xi32>
            %add3A_835 = arith.addi %add3A_834, %add3A_58 : vector<16xi32>
            %add3A_836 = arith.constant 1 : i32
            %add3A_837 = vector.broadcast %add3A_836 : i32 to vector<16xi32>
            %add3A_838 = arith.addi %get3A_826, %add3A_837 : vector<16xi32>
            %gather3A_839 = tpu.vector_load_idx %arg13[%broadcast_in_dim3A_832, %add3A_835, %add3A_838] : memref<2x2048x16xf32, #tpu.memory_space<vmem>>[vector<16xi32>, vector<16xi32>, vector<16xi32>], vector<16xf32>,
            %mul3A_840 = arith.mulf %mul3A_821, %gather3A_831 : vector<16xf32>
            %add3A_841 = arith.addf %add3A_818, %mul3A_840 : vector<16xf32>
            %mul3A_842 = arith.mulf %mul3A_821, %gather3A_839 : vector<16xf32>
            %add3A_843 = arith.addf %add3A_820, %mul3A_842 : vector<16xf32>
            %mul3A_844 = arith.mulf %mul3A_542, %mul3A_544 : vector<16xf32>
            %get3A_845 = arith.constant 29 : i32
            %get3A_846 = arith.index_cast %sub3A_47 : i32 to index
            %get3A_847 = arith.index_cast %get3A_845 : i32 to index
            %get3A_848 = arith.index_cast %mul3A_56 : i32 to index
            %get3A_849 = tpu.vector_load %arg12[%get3A_846, %get3A_847, %get3A_848] {strides = array<i32>} : memref<2x32x64xi32, #tpu.memory_space<vmem>>, vector<16xi32>,
            %broadcast_in_dim3A_850 = vector.broadcast %sub3A_47 : i32 to vector<16xi32>
            %add3A_851 = arith.constant 1856 : i32
            %add3A_852 = vector.broadcast %add3A_851 : i32 to vector<16xi32>
            %add3A_853 = arith.addi %add3A_852, %add3A_58 : vector<16xi32>
            %gather3A_854 = tpu.vector_load_idx %arg13[%broadcast_in_dim3A_850, %add3A_853, %get3A_849] : memref<2x2048x16xf32, #tpu.memory_space<vmem>>[vector<16xi32>, vector<16xi32>, vector<16xi32>], vector<16xf32>,
            %broadcast_in_dim3A_855 = vector.broadcast %sub3A_47 : i32 to vector<16xi32>
            %add3A_856 = arith.constant 1856 : i32
            %add3A_857 = vector.broadcast %add3A_856 : i32 to vector<16xi32>
            %add3A_858 = arith.addi %add3A_857, %add3A_58 : vector<16xi32>
            %add3A_859 = arith.constant 1 : i32
            %add3A_860 = vector.broadcast %add3A_859 : i32 to vector<16xi32>
            %add3A_861 = arith.addi %get3A_849, %add3A_860 : vector<16xi32>
            %gather3A_862 = tpu.vector_load_idx %arg13[%broadcast_in_dim3A_855, %add3A_858, %add3A_861] : memref<2x2048x16xf32, #tpu.memory_space<vmem>>[vector<16xi32>, vector<16xi32>, vector<16xi32>], vector<16xf32>,
            %mul3A_863 = arith.mulf %mul3A_844, %gather3A_854 : vector<16xf32>
            %add3A_864 = arith.addf %add3A_841, %mul3A_863 : vector<16xf32>
            %mul3A_865 = arith.mulf %mul3A_844, %gather3A_862 : vector<16xf32>
            %add3A_866 = arith.addf %add3A_843, %mul3A_865 : vector<16xf32>
            %mul3A_867 = arith.mulf %mul3A_542, %mul3A_545 : vector<16xf32>
            %get3A_868 = arith.constant 30 : i32
            %get3A_869 = arith.index_cast %sub3A_47 : i32 to index
            %get3A_870 = arith.index_cast %get3A_868 : i32 to index
            %get3A_871 = arith.index_cast %mul3A_56 : i32 to index
            %get3A_872 = tpu.vector_load %arg12[%get3A_869, %get3A_870, %get3A_871] {strides = array<i32>} : memref<2x32x64xi32, #tpu.memory_space<vmem>>, vector<16xi32>,
            %broadcast_in_dim3A_873 = vector.broadcast %sub3A_47 : i32 to vector<16xi32>
            %add3A_874 = arith.constant 1920 : i32
            %add3A_875 = vector.broadcast %add3A_874 : i32 to vector<16xi32>
            %add3A_876 = arith.addi %add3A_875, %add3A_58 : vector<16xi32>
            %gather3A_877 = tpu.vector_load_idx %arg13[%broadcast_in_dim3A_873, %add3A_876, %get3A_872] : memref<2x2048x16xf32, #tpu.memory_space<vmem>>[vector<16xi32>, vector<16xi32>, vector<16xi32>], vector<16xf32>,
            %broadcast_in_dim3A_878 = vector.broadcast %sub3A_47 : i32 to vector<16xi32>
            %add3A_879 = arith.constant 1920 : i32
            %add3A_880 = vector.broadcast %add3A_879 : i32 to vector<16xi32>
            %add3A_881 = arith.addi %add3A_880, %add3A_58 : vector<16xi32>
            %add3A_882 = arith.constant 1 : i32
            %add3A_883 = vector.broadcast %add3A_882 : i32 to vector<16xi32>
            %add3A_884 = arith.addi %get3A_872, %add3A_883 : vector<16xi32>
            %gather3A_885 = tpu.vector_load_idx %arg13[%broadcast_in_dim3A_878, %add3A_881, %add3A_884] : memref<2x2048x16xf32, #tpu.memory_space<vmem>>[vector<16xi32>, vector<16xi32>, vector<16xi32>], vector<16xf32>,
            %mul3A_886 = arith.mulf %mul3A_867, %gather3A_877 : vector<16xf32>
            %add3A_887 = arith.addf %add3A_864, %mul3A_886 : vector<16xf32>
            %mul3A_888 = arith.mulf %mul3A_867, %gather3A_885 : vector<16xf32>
            %add3A_889 = arith.addf %add3A_866, %mul3A_888 : vector<16xf32>
            %mul3A_890 = arith.mulf %mul3A_542, %mul3A_546 : vector<16xf32>
            %get3A_891 = arith.constant 31 : i32
            %get3A_892 = arith.index_cast %sub3A_47 : i32 to index
            %get3A_893 = arith.index_cast %get3A_891 : i32 to index
            %get3A_894 = arith.index_cast %mul3A_56 : i32 to index
            %get3A_895 = tpu.vector_load %arg12[%get3A_892, %get3A_893, %get3A_894] {strides = array<i32>} : memref<2x32x64xi32, #tpu.memory_space<vmem>>, vector<16xi32>,
            %broadcast_in_dim3A_896 = vector.broadcast %sub3A_47 : i32 to vector<16xi32>
            %add3A_897 = arith.constant 1984 : i32
            %add3A_898 = vector.broadcast %add3A_897 : i32 to vector<16xi32>
            %add3A_899 = arith.addi %add3A_898, %add3A_58 : vector<16xi32>
            %gather3A_900 = tpu.vector_load_idx %arg13[%broadcast_in_dim3A_896, %add3A_899, %get3A_895] : memref<2x2048x16xf32, #tpu.memory_space<vmem>>[vector<16xi32>, vector<16xi32>, vector<16xi32>], vector<16xf32>,
            %broadcast_in_dim3A_901 = vector.broadcast %sub3A_47 : i32 to vector<16xi32>
            %add3A_902 = arith.constant 1984 : i32
            %add3A_903 = vector.broadcast %add3A_902 : i32 to vector<16xi32>
            %add3A_904 = arith.addi %add3A_903, %add3A_58 : vector<16xi32>
            %add3A_905 = arith.constant 1 : i32
            %add3A_906 = vector.broadcast %add3A_905 : i32 to vector<16xi32>
            %add3A_907 = arith.addi %get3A_895, %add3A_906 : vector<16xi32>
            %gather3A_908 = tpu.vector_load_idx %arg13[%broadcast_in_dim3A_901, %add3A_904, %add3A_907] : memref<2x2048x16xf32, #tpu.memory_space<vmem>>[vector<16xi32>, vector<16xi32>, vector<16xi32>], vector<16xf32>,
            %mul3A_909 = arith.mulf %mul3A_890, %gather3A_900 : vector<16xf32>
            %add3A_910 = arith.addf %add3A_887, %mul3A_909 : vector<16xf32>
            %mul3A_911 = arith.mulf %mul3A_890, %gather3A_908 : vector<16xf32>
            %add3A_912 = arith.addf %add3A_889, %mul3A_911 : vector<16xf32>
            %mul3A_913 = arith.constant 2 : i32
            %mul3A_914 = arith.muli %mul3A_913, %sub3A_45 : i32
            %add3A_915 = arith.constant 64 : i32
            %add3A_916 = arith.addi %add3A_915, %mul3A_914 : i32
            %swap3A_917 = arith.index_cast %add3A_916 : i32 to index
            %swap3A_918 = arith.index_cast %mul3A_56 : i32 to index
            %swap3A_919 = tpu.vector_load %arg14[%swap3A_917, %swap3A_918] {strides = array<i32>} : memref<96x64xf32, #tpu.memory_space<vmem>>, vector<16xf32>,
            tpu.vector_store %arg14[%swap3A_917, %swap3A_918], %add3A_910 {strides = array<i32>} : memref<96x64xf32, #tpu.memory_space<vmem>>, vector<16xf32>,
            %mul3A_920 = arith.constant 2 : i32
            %mul3A_921 = arith.muli %mul3A_920, %sub3A_45 : i32
            %add3A_922 = arith.constant 64 : i32
            %add3A_923 = arith.addi %add3A_922, %mul3A_921 : i32
            %add3A_924 = arith.constant 1 : i32
            %add3A_925 = arith.addi %add3A_923, %add3A_924 : i32
            %swap3A_926 = arith.index_cast %add3A_925 : i32 to index
            %swap3A_927 = arith.index_cast %mul3A_56 : i32 to index
            %swap3A_928 = tpu.vector_load %arg14[%swap3A_926, %swap3A_927] {strides = array<i32>} : memref<96x64xf32, #tpu.memory_space<vmem>>, vector<16xf32>,
            tpu.vector_store %arg14[%swap3A_926, %swap3A_927], %add3A_912 {strides = array<i32>} : memref<96x64xf32, #tpu.memory_space<vmem>>, vector<16xf32>,
          }
          %scan3A_53 = arith.constant 4 : i32
        } else {
        }
      }
      %scan3A_12 = arith.constant 17 : i32
      %mul3A_13 = arith.constant 4096 : i32
      %mul3A_14 = arith.muli %add3A, %mul3A_13 : i32
      %mul3A_15 = arith.constant 64 : i32
      %mul3A_16 = arith.muli %scan3A_6, %mul3A_15 : i32
      %add3A_17 = arith.addi %mul3A_14, %mul3A_16 : i32
      "tpu.region"() ({
        %run_scoped3A = tpu.sem_alloc : memref<!tpu.dma_semaphore, #tpu.memory_space<semaphore_mem>>
        %dma_start3A = arith.constant 0 : i32
        %dma_start3A_18 = tpu.memref_slice %arg7[%dma_start3A, %add3A_17] : memref<96x131072xf32, #tpu.memory_space<hbm>> -> memref<96x64xf32, #tpu.memory_space<hbm>>
        %dma_start3A_19 = arith.constant 0 : i32
        %dma_start3A_20 = tpu.memref_slice %arg7[%dma_start3A_19, %add3A_17] : memref<96x131072xf32, #tpu.memory_space<hbm>> -> memref<96x64xf32, #tpu.memory_space<hbm>>
        tpu.enqueue_dma source(%arg14 : memref<96x64xf32, #tpu.memory_space<vmem>>) target(%dma_start3A_20 : memref<96x64xf32, #tpu.memory_space<hbm>>) target_semaphore(%run_scoped3A : memref<!tpu.dma_semaphore, #tpu.memory_space<semaphore_mem>>)
        %dma_wait3A = arith.constant 0 : i32
        %dma_wait3A_21 = tpu.memref_slice %arg7[%dma_wait3A, %add3A_17] : memref<96x131072xf32, #tpu.memory_space<hbm>> -> memref<96x64xf32, #tpu.memory_space<hbm>>
        %dma_wait3A_22 = arith.constant 0 : i32
        %dma_wait3A_23 = tpu.memref_slice %arg7[%dma_wait3A_22, %add3A_17] : memref<96x131072xf32, #tpu.memory_space<hbm>> -> memref<96x64xf32, #tpu.memory_space<hbm>>
        tpu.wait_dma2 semaphore(%run_scoped3A : memref<!tpu.dma_semaphore, #tpu.memory_space<semaphore_mem>>) src(%arg14 : memref<96x64xf32, #tpu.memory_space<vmem>>) dst(%dma_wait3A_23 : memref<96x64xf32, #tpu.memory_space<hbm>>)
        tpu.yield
      }) : () -> ()
    }
    %scan3A_5 = arith.constant 64 : i32
    return
  }
}

module attributes {stable_mosaic.version = 14 : i64} {
  func.func @_mlp_body(%arg0: i32, %arg1: memref<96x8192xf32, #tpu.memory_space<vmem>>, %arg2: memref<96x64xf32, #tpu.memory_space<vmem>>, %arg3: memref<64x64xf32, #tpu.memory_space<vmem>>, %arg4: memref<64x9xf32, #tpu.memory_space<vmem>>, %arg5: memref<8192x9xf32, #tpu.memory_space<vmem>>) attributes {dimension_semantics = [#tpu.dimension_semantics<arbitrary>], iteration_bounds = array<i64: 16>, scalar_prefetch = 0 : i64, scratch_operands = 0 : i64, tpu.core_type = #tpu.core_type<tc>, window_params = [{transform_indices = @transform_0, window_bounds = array<i64: 96, 8192>}, {pipeline_mode = #tpu.pipeline_mode<synchronous>, transform_indices = @transform_1, window_bounds = array<i64: 96, 64>}, {pipeline_mode = #tpu.pipeline_mode<synchronous>, transform_indices = @transform_2, window_bounds = array<i64: 64, 64>}, {pipeline_mode = #tpu.pipeline_mode<synchronous>, transform_indices = @transform_3, window_bounds = array<i64: 64, 9>}, {transform_indices = @transform_4, window_bounds = array<i64: 8192, 9>}]} {
    %get3A = arith.constant 0 : index
    %get3A_0 = arith.constant 0 : index
    %get3A_1 = vector.load %arg1[%get3A, %get3A_0] : memref<96x8192xf32, #tpu.memory_space<vmem>>, vector<96x8192xf32>
    %get3A_2 = arith.constant 0 : index
    %get3A_3 = arith.constant 0 : index
    %get3A_4 = vector.load %arg2[%get3A_2, %get3A_3] : memref<96x64xf32, #tpu.memory_space<vmem>>, vector<96x64xf32>
    %dot_general3A = arith.constant dense<0.000000e+00> : vector<8192x64xf32>
    %dot_general3A_5 = tpu.matmul %get3A_1, %get3A_4, %dot_general3A {dimension_numbers = #tpu.dot_dimension_numbers<[0], [0], [1], [1], [0, 1, 1, 1], [], []>, transpose_lhs_hint = false} : vector<96x8192xf32>, vector<96x64xf32>, vector<8192x64xf32> -> vector<8192x64xf32>
    %max3A = arith.constant 0.000000e+00 : f32
    %max3A_6 = vector.broadcast %max3A : f32 to vector<8192x64xf32>
    %max3A_7 = arith.maximumf %dot_general3A_5, %max3A_6 : vector<8192x64xf32>
    %get3A_8 = arith.constant 0 : index
    %get3A_9 = arith.constant 0 : index
    %get3A_10 = vector.load %arg3[%get3A_8, %get3A_9] : memref<64x64xf32, #tpu.memory_space<vmem>>, vector<64x64xf32>
    %dot_general3A_11 = arith.constant dense<0.000000e+00> : vector<8192x64xf32>
    %dot_general3A_12 = tpu.matmul %max3A_7, %get3A_10, %dot_general3A_11 {dimension_numbers = #tpu.dot_dimension_numbers<[1], [0], [0], [1], [0, 0, 1, 1], [], []>, transpose_lhs_hint = false} : vector<8192x64xf32>, vector<64x64xf32>, vector<8192x64xf32> -> vector<8192x64xf32>
    %max3A_13 = arith.constant 0.000000e+00 : f32
    %max3A_14 = vector.broadcast %max3A_13 : f32 to vector<8192x64xf32>
    %max3A_15 = arith.maximumf %dot_general3A_12, %max3A_14 : vector<8192x64xf32>
    %get3A_16 = arith.constant 0 : index
    %get3A_17 = arith.constant 0 : index
    %get3A_18 = vector.load %arg4[%get3A_16, %get3A_17] : memref<64x9xf32, #tpu.memory_space<vmem>>, vector<64x9xf32>
    %dot_general3A_19 = arith.constant dense<0.000000e+00> : vector<8192x9xf32>
    %dot_general3A_20 = tpu.matmul %max3A_15, %get3A_18, %dot_general3A_19 {dimension_numbers = #tpu.dot_dimension_numbers<[1], [0], [0], [1], [0, 0, 1, 1], [], []>, transpose_lhs_hint = false} : vector<8192x64xf32>, vector<64x9xf32>, vector<8192x9xf32> -> vector<8192x9xf32>
    %swap3A = arith.constant 0 : index
    %swap3A_21 = arith.constant 0 : index
    %swap3A_22 = vector.load %arg5[%swap3A, %swap3A_21] : memref<8192x9xf32, #tpu.memory_space<vmem>>, vector<8192x9xf32>
    tpu.vector_store %arg5[%swap3A, %swap3A_21], %dot_general3A_20 {strides = array<i32>} : memref<8192x9xf32, #tpu.memory_space<vmem>>, vector<8192x9xf32>,
    return
  }
  func.func @transform_0(%arg0: i32) -> (i32, i32) {
    %c0_i32 = arith.constant 0 : i32
    %c0_i32_0 = arith.constant 0 : i32
    return %c0_i32, %arg0 : i32, i32
  }
  func.func @transform_1(%arg0: i32) -> (i32, i32) {
    %c0_i32 = arith.constant 0 : i32
    %c0_i32_0 = arith.constant 0 : i32
    %c0_i32_1 = arith.constant 0 : i32
    return %c0_i32, %c0_i32_0 : i32, i32
  }
  func.func @transform_2(%arg0: i32) -> (i32, i32) {
    %c0_i32 = arith.constant 0 : i32
    %c0_i32_0 = arith.constant 0 : i32
    %c0_i32_1 = arith.constant 0 : i32
    return %c0_i32, %c0_i32_0 : i32, i32
  }
  func.func @transform_3(%arg0: i32) -> (i32, i32) {
    %c0_i32 = arith.constant 0 : i32
    %c0_i32_0 = arith.constant 0 : i32
    %c0_i32_1 = arith.constant 0 : i32
    return %c0_i32, %c0_i32_0 : i32, i32
  }
  func.func @transform_4(%arg0: i32) -> (i32, i32) {
    %c0_i32 = arith.constant 0 : i32
    %c0_i32_0 = arith.constant 0 : i32
    return %arg0, %c0_i32 : i32, i32
  }
}

</mosaic_0001>

<sc_bundles>
// kernel: kernel.5.cloned.1.call-start
scs
__scs_entry_jumppad:
0x0: {  	(pc) =	sbr.rel $0x88, $3  }
0x1: {  	(tag) =	ssettag $0x0;
	lr =	simm.s32 $0x1  }
0x2: {  	[smem:$0x3F98] =	sst lr;
	_ =	strace $0xD0000000  }
0x3: {  	_ = 	snop  }
0x4: {  	_ = 	snop  }
0x5: {  	_ = 	snop  }
0x6: {  	_ = 	snop  }
0x7: {  	_ = 	snop  }
__scs_overlays_trampoline_lowered:
0x8: {  	[smem:$0x3FA7] =	sst s0  }
0x9: {  	[smem:$0x3FA8] =	sst s1  }
0xa: {  	[smem:$0x3FA9] =	sst s2  }
0xb: {  	[smem:$0x3FAA] =	sst s3  }
0xc: {  	[smem:$0x3FAB] =	sst s4  }
0xd: {  	[smem:$0x3FAC] =	sst s5  }
0xe: {  	[smem:$0x3FAD] =	sst s6  }
0xf: {  	[smem:$0x3FAE] =	sst s7  }
0x10: {  	[smem:$0x3FAF] =	sst s8  }
0x11: {  	[smem:$0x3FB0] =	sst s9;
	s0 =	simm.s32 @!p0 $0x0  }
0x12: {  	s1 =	sld [smem:$0x3F96];
	s0 =	simm.s32 @p0 $0x1  }
0x13: {  	[smem:$0x3FB1] =	sst s0;
	s0 =	simm.s32 @!p1 $0x0  }
0x14: {  	s2 =	sld [smem:$0x3F95];
	s0 =	simm.s32 @p1 $0x1  }
0x15: {  	[smem:$0x3FB2] =	sst s0;
	s0 =	simm.s32 @!p2 $0x0  }
0x16: {  	s3 =	sld [smem:$0x3FDB];
	s0 =	simm.s32 @p2 $0x1  }
0x17: {  	s4 =	simm.s32 $0x1BF5;
	[smem:$0x3FB4] =	sst s0  }
0x18: {  	s0 =	sld [smem:$0x3F97];
	_ =	swait.ge [sflag:s4], $0x0  }
0x19: {  	s7 =	sld [smem:$0x3F98]  }
0x1a: {  	s8 =	sadd.s32 $0xFFFFE003, lr  }
0x1b: {  	s9 =	sadd.s32 $0xFFFFFEF7, lr;
	s5 =	simm.s32 $0xFFFFFFFF;
	p2 =	slt.u32 s8, $0xFFFFF086  }
0x1c: {  	p1 =	slt.u32 s9, $0xF7A;
	s5 =	simm.s32 @!p2 $0x0  }
0x1d: {  	s5 =	simm.s32 @p1 $0x1;
	p0 =	seq.s32 s7, s2  }
0x1e: {  	s7 =	smul.u32 @!p0 $0xF7A, s2;
	p2 =	seq.s32 @!p0 s5, $0x0  }
0x1f: {  	s9 =	smul.u32 $0xF7A, s1;
	s8 =	simm.s32 @!p0 $0x1BF5;
	p2 =	por !p2, p0  }
0x20: {  	[sflag:s8] =	ssyncset.s32 @!p0 $0xFFFFF086;
	s6 =	sadd.s32 @!p0 s3, s7;
	s7 =	simm.s32 @!p0 $0x108  }
0x21: {  	s3 =	sadd.s32 s3, s9;
	s6 =	sadd.s32 @!p0 $0x88, s6;
	s7 =	simm.s32 @p2 $0x1082  }
0x22: {  	[simem:s7], [sflag:s8] =	dma.local @!p0 [hbm:s6], $0xF7A  }
0x23: {  	s9 =	sor.u32 $0xD0000000, s2;
	s6 =	simm.s32 $0x108;
	_ =	swait.ge @!p0 [sflag:s8], $0x0  }
0x24: {  	s3 =	sadd.s32 $0x88, s3;
	s6 =	simm.s32 @!p1 $0x1082;
	[sflag:s4] =	ssyncset.s32 $0xFFFFF086  }
0x25: {  	[simem:s6], [sflag:s4] =	dma.local [hbm:s3], $0xF7A  }
0x26: {  	[smem:$0x3F98] =	sst s1;
	(tag) =	ssettag s2;
	_ =	strace s9  }
0x27: {  	s1 =	sld [smem:$0x3FA8]  }
0x28: {  	s2 =	sld [smem:$0x3FA9]  }
0x29: {  	s4 =	sld [smem:$0x3FAB]  }
0x2a: {  	p0 =	seq.s32 s5, $0x0;
	s5 =	sld [smem:$0x3FAC]  }
0x2b: {  	s6 =	sld [smem:$0x3FAD]  }
0x2c: {  	s7 =	sld [smem:$0x3FAE]  }
0x2d: {  	s3 =	simm.s32 $0x108;
	s8 =	sld [smem:$0x3FAF]  }
0x2e: {  	s3 =	simm.s32 @!p0 $0x1082;
	s9 =	sld [smem:$0x3FB0]  }
0x2f: {  	lr =	sadd.s32 s0, s3;
	s0 =	sld [smem:$0x3FA7]  }
0x30: {  	s3 =	sld [smem:$0x3FAA]  }
0x31: {  	[smem:$0x3FB3] =	sst s10  }
0x32: {  	s10 =	sld [smem:$0x3FB1];
	_ =	sdelay $0x3  }
0x33: {  	p0 =	seq.s32 s10, $0x1;
	s10 =	sld [smem:$0x3FB3];
	_ =	sdelay $0x3  }
0x34: {  	[smem:$0x3FB3] =	sst s10  }
0x35: {  	s10 =	sld [smem:$0x3FB2];
	_ =	sdelay $0x3  }
0x36: {  	p1 =	seq.s32 s10, $0x1;
	s10 =	sld [smem:$0x3FB3];
	_ =	sdelay $0x3  }
0x37: {  	[smem:$0x3FB3] =	sst s10  }
0x38: {  	s10 =	sld [smem:$0x3FB4]  }
0x39: {  	_ = 	snop;
	(pc) =	sbr.ind lr, $3  }
0x3a: {  	_ = 	snop  }
0x3b: {  	_ = 	snop  }
0x3c: {  	p2 =	seq.s32 s10, $0x1;
	s10 =	sld [smem:$0x3FB3]  }
0x3d: {  	_ =	shalt  }
0x3e: {  	_ =	shalt  }
0x3f: {  	_ =	shalt  }
0x40: {  	_ =	shalt  }
0x41: {  	_ =	shalt  }
0x42: {  	_ =	shalt  }
0x43: {  	_ =	shalt  }
0x44: {  	_ =	shalt  }
0x45: {  	_ =	shalt  }
0x46: {  	_ =	shalt  }
0x47: {  	_ =	shalt  }
0x48: {  	_ =	shalt  }
0x49: {  	_ =	shalt  }
0x4a: {  	_ =	shalt  }
0x4b: {  	_ =	shalt  }
0x4c: {  	_ =	shalt  }
0x4d: {  	_ =	shalt  }
0x4e: {  	_ =	shalt  }
0x4f: {  	_ =	shalt  }
0x50: {  	_ =	shalt  }
0x51: {  	_ =	shalt  }
0x52: {  	_ =	shalt  }
0x53: {  	_ =	shalt  }
0x54: {  	_ =	shalt  }
0x55: {  	_ =	shalt  }
0x56: {  	_ =	shalt  }
0x57: {  	_ =	shalt  }
0x58: {  	_ =	shalt  }
0x59: {  	_ =	shalt  }
0x5a: {  	_ =	shalt  }
0x5b: {  	_ =	shalt  }
0x5c: {  	_ =	shalt  }
0x5d: {  	_ =	shalt  }
0x5e: {  	_ =	shalt  }
0x5f: {  	_ =	shalt  }
0x60: {  	_ =	shalt  }
0x61: {  	_ =	shalt  }
0x62: {  	_ =	shalt  }
0x63: {  	_ =	shalt  }
0x64: {  	_ =	shalt  }
0x65: {  	_ =	shalt  }
0x66: {  	_ =	shalt  }
0x67: {  	_ =	shalt  }
0x68: {  	_ =	shalt  }
0x69: {  	_ =	shalt  }
0x6a: {  	_ =	shalt  }
0x6b: {  	_ =	shalt  }
0x6c: {  	_ =	shalt  }
0x6d: {  	_ =	shalt  }
0x6e: {  	_ =	shalt  }
0x6f: {  	_ =	shalt  }
0x70: {  	_ =	shalt  }
0x71: {  	_ =	shalt  }
0x72: {  	_ =	shalt  }
0x73: {  	_ =	shalt  }
0x74: {  	_ =	shalt  }
0x75: {  	_ =	shalt  }
0x76: {  	_ =	shalt  }
0x77: {  	_ =	shalt  }
0x78: {  	_ =	shalt  }
0x79: {  	_ =	shalt  }
0x7a: {  	_ =	shalt  }
0x7b: {  	_ =	shalt  }
0x7c: {  	_ =	shalt  }
0x7d: {  	_ =	shalt  }
0x7e: {  	_ =	shalt  }
0x7f: {  	_ =	shalt  }
0x80: {  	_ =	shalt  }
0x81: {  	_ =	shalt  }
0x82: {  	_ =	shalt  }
0x83: {  	_ =	shalt  }
0x84: {  	_ =	shalt  }
0x85: {  	_ =	shalt  }
0x86: {  	_ =	shalt  }
0x87: {  	_ =	shalt  }
.Lfunc_end0:
.L_simem_size_0:
called_computation_lowered:
.L_overlay_start_0:
0x88: {  	s2 =	sld [smem:$0x3FD9]  }
0x89: {  	s3 =	sld [smem:$0x3FFE];
	_ =	sdelay $0x1  }
0x8a: {  	s1 =	srdreg.scid  }
0x8b: {  	s0 =	sand.u32 $0x1, s1  }
0x8c: {  	s17 =	sshll.u32 s0, $0xA;
	s2 =	sadd.s32 s3, s2  }
0x8d: {  	s2 =	sadd.s32 s2, s17  }
0x8e: {  	[smem:$0x3FBF] =	sst s2  }
0x8f: {  	_ = 	snop  }
0x90: {  	s2 =	sld [smem:$0x3FC6]  }
0x91: {  	s18 =	sld [smem:$0x3FC5]  }
0x92: {  	s4 =	sld [smem:$0x3FC4];
	(tm) =	ssettm $0x1  }
0x93: {  	s5 =	sld [smem:$0x3FFB];
	_ =	sdelay $0x3  }
0x94: {  	_ =	strace s5  }
0x95: {  	s5 =	sld [smem:$0x3FFC];
	_ =	sdelay $0x3  }
0x96: {  	_ =	strace s5  }
0x97: {  	s5 =	sld [smem:$0x3FFD];
	_ =	sdelay $0x3  }
0x98: {  	_ =	strace s5  }
0x99: {  	_ =	strace $0x8FFFFFFF  }
0x9a: {  	s19 =	sld [smem:$0x3FDB];
	_ =	sdelay $0x1  }
0x9b: {  	s6 =	simm.s32 $_scs_section_size  }
0x9c: {  	s7 =	simm.s32 $_size__tile_overlayer_lowered;
	s8 =	simm.s32 $_tile_overlayer_lowered  }
0x9d: {  	s22 =	simm.s32 $0x1BFF;
	s21 =	sshll.u32 s8, $0x1;
	s5 =	sadd.s32 s6, s19  }
0x9e: {  	s9 =	simm.s32 $0x0;
	s20 =	sshll.u32 s7, $0x1;
	s7 =	sadd.s32 s21, s5  }
0x9f: {  	[timem:s9], [sflag:s22] =	dma.local [hbm:s7], s20  }
0xa0: {  	_ =	swait.ge [sflag:s22], s20  }
0xa1: {  	s6 =	ssub.s32 $0x0, s20;
	[sflag:s22] =	ssyncset.done $0x0  }
0xa2: {  	[sflag:s22] =	ssyncadd.s32 s6;
	_ =	sdelay $0x1  }
0xa3: {  	s23 =	simm.s32 $0x1B8B  }
0xa4: {  	_ =	swait.ge [sflag:s23], $0x1  }
0xa5: {  	[sflag:s23] =	ssyncset.done $0x0  }
0xa6: {  	s25 =	simm.s32 $0x1B8E;
	s24 =	sld [smem:$0x3FFE];
	[sflag:s23] =	ssyncadd.s32 $0xFFFFFFFF  }
0xa7: {  	s26 =	simm.s32 $execute0_lowered;
	[smem:$0x3FD2] =	sst s25  }
0xa8: {  	s7 =	sshll.u32 s26, $0x1;
	_ =	strace $0x80000046;
	[dreg:$0x1] =	wrdreg $0xFFFFFFFF  }
0xa9: {  	s28 =	simm.s32 $_size_execute0_lowered;
	s5 =	sadd.s32 s5, s7;
	[dreg:$0x0] =	wrdreg $0x0  }
0xaa: {  	s7 =	sshll.u32 s28, $0x1;
	[dreg:$0x2] =	wrdreg s5  }
0xab: {  	[dreg:$0x3] =	wrdreg s7  }
0xac: {  	[dreg:$0x4] =	wrdreg $0xC0  }
0xad: {  	_ =	task [dreg:s9], $0x5FFFF  }
0xae: {  	[dreg:$0x1] =	wrdreg $0xFFFFFFFF  }
0xaf: {  	[dreg:$0x0] =	wrdreg $0x60  }
0xb0: {  	[dreg:$0x2] =	wrdreg s2  }
0xb1: {  	[dreg:$0x3] =	wrdreg s18  }
0xb2: {  	[dreg:$0x4] =	wrdreg s4  }
0xb3: {  	[dreg:$0x5] =	wrdreg s24  }
0xb4: {  	[dreg:$0x6] =	wrdreg $0x9  }
0xb5: {  	_ =	task.clear_ibuf [dreg:s9], $0x7FFFF;
	_ =	strace $0x90000046  }
0xb6: {  	s29 =	simm.s32 $0x9;
	_ =	strace $0x80000048  }
0xb7: {  	_ =	swait.ge [sflag:s29], $0x1  }
0xb8: {  	[sflag:s29] =	ssyncadd.s32 $0xFFFFFFFF  }
0xb9: {  	_ =	strace $0x90000048  }
0xba: {  	_ =	sfence  }
0xbb: {  	s30 =	sld [smem:$0x0];
	_ =	sdelay $0x2  }
0xbc: {  	s31 =	sshll.u32 s1, $0xD;
	s1 =	sshrl.u32 s1, $0x2  }
0xbd: {  	s3 =	sand.u32 $0x4000, s31;
	s1 =	sadd.s32 s1, s30  }
0xbe: {  	s0 =	sor.u32 s3, s0;
	s1 =	sshll.u32 s1, $0x11  }
0xbf: {  	s0 =	sor.u32 s1, s0  }
0xc0: {  	s0 =	sadd.s32 $0x8F2B, s0  }
0xc1: {  	[sflag:s0] =	ssyncadd.remote.s32 $0x1  }
0xc2: {  	_ =	sfence.sel $0xFFFF  }
0xc3: {  	[dreg:$0x0] =	wrdreg $0xFFFFFFFF;
	(pc) =	sbr.abs _section_cstart, $3  }
0xc4: {  	[dreg:$0x1] =	wrdreg $0xFFFFFFFF  }
0xc5: {  	_ =	task.clear_ibuf [dreg:s9], $0x2FFFF;
	_ =	strace $0x9FFFFFFF  }
0xc6: {  	(tm) =	ssettm $0x7FFFFFFF  }
0xc7: {  	_ =	shalt  }
tec
execute0_lowered:
.L_overlay_start_1:
0x0: {  	(tag) =	ssettag $0x1  }
0x1: {  	s6 =	rddreg [dreg:$0x0]  }
0x2: {  	s8 =	rddreg [dreg:$0x1]  }
0x3: {  	s9 =	rddreg [dreg:$0x2]  }
0x4: {  	s5 =	rddreg [dreg:$0x3]  }
0x5: {  	s0 =	rddreg [dreg:$0x4];
	s1 =	simm.s32 $0x0  }
0x6: {  	s7 =	srdreg.scid;
	s2 =	stileid.u32;
	s13 =	simm.s32 $0x0  }
0x7: {  	[smem:$0x7FF] =	sst s1;
	s3 =	sadd.s32 $0x1A00, s5;
	s4 =	sadd.s32 $0x201A00, s5  }
0x8: {  	s7 =	sand.u32 $0x1, s7;
	s10 =	sshll.u32 s2, $0x1;
	s5 =	sadd.s32 $0x401A00, s5  }
.Ltmp0:
0x9: {  	s11 =	ssub.s32 $0x2, s7;
	s7 =	sor.u32 s7, s10;
	(pc) =	sbr.rel .LBB2_1-.Ltmp0, $4  }
0xa: {  	_ =	strace $0x80000047;
	s31 =	sshrl.u32 s11, $0x1;
	s12 =	sshll.u32 s7, $0x10  }
0xb: {  	v0 =	vlaneseq.u32;
	s7 =	sshll.u32 s7, $0x13;
	s10 =	ssub.s32 s11, s31;
	s6 =	sadd.s32 s6, s12  }
0xc: {  	v1 =	vand.u32 $0x1, v0;
	v0 =	vshrl.u32 v0, $0x1;
	s7 =	sadd.s32 $0xFFFFC000, s7;
	s8 =	sadd.s32 s8, s12;
	s9 =	sadd.s32 s9, s12  }
0xd: {  	v1 =	vmul.u32 $0x80, v1;
	v2 =	vor.u32 $0x8, v0;
	s11 =	simm.s32 $0x3;
	s12 =	simm.s32 $0x4;
	s10 =	smax.u32 s10, $0x1  }
.LBB2_28:
0xe: {  	s13 =	sadd.s32 $0x1, s13  }
0xf: {  	_ =	swait.ge [sflag:s11], $0x4000;
	p0 =	sne.s32 s13, s10  }
.Ltmp1:
0x10: {  	[sflag:s11] =	ssyncset.done $0x0;
	(pc) =	sbr.rel @!p0 .LBB2_29-.Ltmp1, $4  }
0x11: {  	[sflag:s11] =	ssyncadd.s32 $0xFFFFC000  }
0x12: {  	_ =	swait.ge [sflag:s12], $0x4000  }
0x13: {  	[sflag:s12] =	ssyncset.done $0x0  }
0x14: {  	[sflag:s12] =	ssyncadd.s32 $0xFFFFC000  }
.LBB2_1:
.Ltmp2:
0x15: {  	(pc) =	sbr.rel .LBB2_2-.Ltmp2, $2  }
0x16: {  	_ =	sdelay $0x2  }
0x17: {  	s14 =	simm.s32 $0x0  }
.LBB2_9:
0x18: {  	s14 =	sadd.s32 $0x1, s14  }
0x19: {  	p0 =	sne.s32 s14, $0x21  }
.Ltmp3:
0x1a: {  	_ = 	snop;
	(pc) =	sbr.rel @!p0 .LBB2_10-.Ltmp3, $1  }
0x1b: {  	_ =	sdelay $0x3  }
.LBB2_2:
0x1c: {  	p0 =	seq.s32 s14, $0x20  }
.Ltmp4:
0x1d: {  	_ = 	snop;
	(pc) =	sbr.rel @p0 .LBB2_5-.Ltmp4, $2  }
0x1e: {  	_ =	sdelay $0x2  }
0x1f: {  	s15 =	simm.s32 $0x1  }
0x20: {  	p0 =	seq.s32 s14, $0x0  }
.Ltmp5:
0x21: {  	_ = 	snop;
	(pc) =	sbr.rel @p0 .LBB2_9-.Ltmp5, $4  }
0x22: {  	_ = 	snop  }
0x23: {  	s15 =	sand.u32 $0x1, s14;
	s16 =	sshll.u32 s14, $0xB  }
0x24: {  	s17 =	sshll.u32 s15, $0xE;
	s18 =	sadd.s32 $0x1, s15;
	s16 =	sadd.s32 s16, s6  }
0x25: {  	[tilespmem:s17], [sflag:s18] =	stream.linear.gather [hbm4b:s16+s1], $0x4000, $0x38;
	[tilespmem:$0x10000] =	vst v63  }
0x26: {  	p0 =	slt.u32 s14, $0x3  }
.Ltmp6:
0x27: {  	_ = 	snop;
	(pc) =	sbr.rel @p0 .LBB2_6-.Ltmp6, $2  }
0x28: {  	_ =	sdelay $0x2  }
0x29: {  	s15 =	sxor.u32 $0x1, s15  }
.LBB2_5:
0x2a: {  	s16 =	sadd.s32 $0x3, s15  }
0x2b: {  	_ =	swait.ge [sflag:s16], $0x4000  }
0x2c: {  	[sflag:s16] =	ssyncset.done $0x0  }
0x2d: {  	[sflag:s16] =	ssyncadd.s32 $0xFFFFC000  }
.LBB2_6:
0x2e: {  	s16 =	simm.s32 $0x0  }
0x2f: {  	v3 =	vmov s16  }
0x30: {  	s24 =	sshll.u32 s15, $0xE;
	v4 =	vshll.u32 v3, $0x4  }
0x31: {  	v3 =	vmov s24;
	v4 =	vor.u32 v1, v4  }
0x32: {  	v4 =	vadd.s32 v3, v4  }
0x33: {  	v5 =	vor.u32 v0, v4  }
0x34: {  	s17 =	sadd.s32 $0x1, s15  }
0x35: {  	_ =	swait.ge [sflag:s17], $0x4000  }
0x36: {  	[sflag:s17] =	ssyncset.done $0x0  }
0x37: {  	[sflag:s17] =	ssyncadd.s32 $0xFFFFC000  }
0x38: {  	v5 =	vld.idx.msk [tilespmem:v5+s1+$0x0], $0xffff  }
0x39: {  	v4 =	vor.u32 v2, v4  }
0x3a: {  	s25 =	simm.s32 $0x1  }
0x3b: {  	v6 =	vmov s25  }
0x3c: {  	v6 =	vshll.u32 v6, $0x4;
	s17 =	sor.u32 $0x8080, s24  }
0x3d: {  	[tilespmem:s17+$0xFFFFFF80] =	vst v5;
	v5 =	vor.u32 v1, v6  }
0x3e: {  	v4 =	vld.idx.msk [tilespmem:v4+s1+$0x0], $0xffff;
	v5 =	vadd.s32 v3, v5  }
0x3f: {  	v6 =	vor.u32 v0, v5;
	_ =	sdelay $0x3  }
0x40: {  	[tilespmem:s17+$0xFFFFFF90] =	vst v4  }
0x41: {  	v4 =	vld.idx.msk [tilespmem:v6+s1+$0x0], $0xffff  }
0x42: {  	v5 =	vor.u32 v2, v5  }
0x43: {  	s18 =	simm.s32 $0x2  }
0x44: {  	v6 =	vmov s18  }
0x45: {  	v6 =	vshll.u32 v6, $0x4  }
0x46: {  	[tilespmem:s17+$0xFFFFFFA0] =	vst v4;
	v4 =	vor.u32 v1, v6  }
0x47: {  	v5 =	vld.idx.msk [tilespmem:v5+s1+$0x0], $0xffff;
	v4 =	vadd.s32 v3, v4  }
0x48: {  	v6 =	vor.u32 v0, v4;
	_ =	sdelay $0x3  }
0x49: {  	[tilespmem:s17+$0xFFFFFFB0] =	vst v5  }
0x4a: {  	v5 =	vld.idx.msk [tilespmem:v6+s1+$0x0], $0xffff  }
0x4b: {  	v4 =	vor.u32 v2, v4  }
0x4c: {  	s26 =	simm.s32 $0x3  }
0x4d: {  	v6 =	vmov s26  }
0x4e: {  	v6 =	vshll.u32 v6, $0x4  }
0x4f: {  	[tilespmem:s17+$0xFFFFFFC0] =	vst v5;
	v5 =	vor.u32 v1, v6  }
0x50: {  	v4 =	vld.idx.msk [tilespmem:v4+s1+$0x0], $0xffff;
	v5 =	vadd.s32 v3, v5  }
0x51: {  	v6 =	vor.u32 v0, v5;
	_ =	sdelay $0x3  }
0x52: {  	[tilespmem:s17+$0xFFFFFFD0] =	vst v4  }
0x53: {  	v4 =	vld.idx.msk [tilespmem:v6+s1+$0x0], $0xffff  }
0x54: {  	v5 =	vor.u32 v2, v5  }
0x55: {  	s28 =	simm.s32 $0x4  }
0x56: {  	v6 =	vmov s28  }
0x57: {  	v6 =	vshll.u32 v6, $0x4  }
0x58: {  	[tilespmem:s17+$0xFFFFFFE0] =	vst v4;
	v4 =	vor.u32 v1, v6  }
0x59: {  	v5 =	vld.idx.msk [tilespmem:v5+s1+$0x0], $0xffff;
	v4 =	vadd.s32 v3, v4  }
0x5a: {  	v6 =	vor.u32 v0, v4;
	_ =	sdelay $0x3  }
0x5b: {  	[tilespmem:s17+$0xFFFFFFF0] =	vst v5  }
0x5c: {  	v5 =	vld.idx.msk [tilespmem:v6+s1+$0x0], $0xffff  }
0x5d: {  	v4 =	vor.u32 v2, v4  }
0x5e: {  	s29 =	simm.s32 $0x5  }
0x5f: {  	v6 =	vmov s29  }
0x60: {  	v6 =	vshll.u32 v6, $0x4  }
0x61: {  	[tilespmem:s17+$0x0] =	vst v5;
	v5 =	vor.u32 v1, v6  }
0x62: {  	v4 =	vld.idx.msk [tilespmem:v4+s1+$0x0], $0xffff;
	v5 =	vadd.s32 v3, v5  }
0x63: {  	v6 =	vor.u32 v0, v5;
	_ =	sdelay $0x3  }
0x64: {  	[tilespmem:s17+$0x10] =	vst v4  }
0x65: {  	v4 =	vld.idx.msk [tilespmem:v6+s1+$0x0], $0xffff  }
0x66: {  	v5 =	vor.u32 v2, v5  }
0x67: {  	s30 =	simm.s32 $0x6  }
0x68: {  	v6 =	vmov s30  }
0x69: {  	v6 =	vshll.u32 v6, $0x4  }
0x6a: {  	[tilespmem:s17+$0x20] =	vst v4;
	v4 =	vor.u32 v1, v6  }
0x6b: {  	v5 =	vld.idx.msk [tilespmem:v5+s1+$0x0], $0xffff;
	v4 =	vadd.s32 v3, v4  }
0x6c: {  	v6 =	vor.u32 v0, v4;
	_ =	sdelay $0x3  }
0x6d: {  	[tilespmem:s17+$0x30] =	vst v5  }
0x6e: {  	v5 =	vld.idx.msk [tilespmem:v6+s1+$0x0], $0xffff  }
0x6f: {  	v4 =	vor.u32 v2, v4  }
0x70: {  	s31 =	simm.s32 $0x7  }
0x71: {  	v6 =	vmov s31  }
0x72: {  	v6 =	vshll.u32 v6, $0x4  }
0x73: {  	[tilespmem:s17+$0x40] =	vst v5;
	v5 =	vor.u32 v1, v6  }
0x74: {  	v4 =	vld.idx.msk [tilespmem:v4+s1+$0x0], $0xffff;
	v6 =	vadd.s32 v3, v5  }
0x75: {  	v5 =	vor.u32 v0, v6;
	_ =	sdelay $0x3  }
0x76: {  	[tilespmem:s17+$0x50] =	vst v4  }
0x77: {  	v5 =	vld.idx.msk [tilespmem:v5+s1+$0x0], $0xffff  }
0x78: {  	v4 =	vor.u32 v2, v6  }
0x79: {  	s20 =	simm.s32 $0x10  }
0x7a: {  	s19 =	simm.s32 $0x27;
	s16 =	sor.u32 $0x8000, s24;
	s18 =	simm.s32 $0x17  }
.LBB2_7:
0x7b: {  	p0 =	sne.s32 s19, $0x3F7;
	v6 =	vmov s20  }
0x7c: {  	v6 =	vshll.u32 v6, $0x4;
	[tilespmem:s17+$0x60] =	vst v5  }
0x7d: {  	v5 =	vor.u32 v1, v6;
	v4 =	vld.idx.msk [tilespmem:v4+s1+$0x0], $0xffff  }
0x7e: {  	v5 =	vadd.s32 v3, v5  }
0x7f: {  	v6 =	vor.u32 v0, v5;
	_ =	sdelay $0x3  }
0x80: {  	[tilespmem:s17+$0x70] =	vst v4  }
0x81: {  	v4 =	vld.idx.msk [tilespmem:v6+s1+$0x0], $0xffff;
	_ =	sdelay $0x1  }
0x82: {  	v5 =	vor.u32 v2, v5;
	_ =	sdelay $0x1  }
0x83: {  	s20 =	sadd.s32 $0xFFFFFFFA, s18  }
0x84: {  	s17 =	sadd.s32 $0x100, s17;
	v6 =	vmov s20  }
0x85: {  	[tilespmem:s17+$0xFFFFFF80] =	vst v4;
	v4 =	vshll.u32 v6, $0x4  }
0x86: {  	v5 =	vld.idx.msk [tilespmem:v5+s1+$0x0], $0xffff;
	v4 =	vor.u32 v1, v4  }
0x87: {  	v4 =	vadd.s32 v3, v4  }
0x88: {  	v6 =	vor.u32 v0, v4;
	_ =	sdelay $0x3  }
0x89: {  	[tilespmem:s17+$0xFFFFFF90] =	vst v5  }
0x8a: {  	v5 =	vld.idx.msk [tilespmem:v6+s1+$0x0], $0xffff;
	_ =	sdelay $0x1  }
0x8b: {  	v4 =	vor.u32 v2, v4;
	_ =	sdelay $0x1  }
0x8c: {  	s20 =	sadd.s32 $0xFFFFFFFB, s18  }
0x8d: {  	v6 =	vmov s20  }
0x8e: {  	[tilespmem:s17+$0xFFFFFFA0] =	vst v5;
	v5 =	vshll.u32 v6, $0x4  }
0x8f: {  	v4 =	vld.idx.msk [tilespmem:v4+s1+$0x0], $0xffff;
	v5 =	vor.u32 v1, v5  }
0x90: {  	v5 =	vadd.s32 v3, v5  }
0x91: {  	v6 =	vor.u32 v0, v5;
	_ =	sdelay $0x3  }
0x92: {  	[tilespmem:s17+$0xFFFFFFB0] =	vst v4  }
0x93: {  	v4 =	vld.idx.msk [tilespmem:v6+s1+$0x0], $0xffff;
	_ =	sdelay $0x1  }
0x94: {  	v5 =	vor.u32 v2, v5;
	_ =	sdelay $0x1  }
0x95: {  	s20 =	sadd.s32 $0xFFFFFFFC, s18  }
0x96: {  	v6 =	vmov s20  }
0x97: {  	[tilespmem:s17+$0xFFFFFFC0] =	vst v4;
	v4 =	vshll.u32 v6, $0x4  }
0x98: {  	v5 =	vld.idx.msk [tilespmem:v5+s1+$0x0], $0xffff;
	v4 =	vor.u32 v1, v4  }
0x99: {  	v4 =	vadd.s32 v3, v4  }
0x9a: {  	v6 =	vor.u32 v0, v4;
	_ =	sdelay $0x3  }
0x9b: {  	[tilespmem:s17+$0xFFFFFFD0] =	vst v5  }
0x9c: {  	v5 =	vld.idx.msk [tilespmem:v6+s1+$0x0], $0xffff;
	_ =	sdelay $0x1  }
0x9d: {  	v4 =	vor.u32 v2, v4;
	_ =	sdelay $0x1  }
0x9e: {  	s20 =	sadd.s32 $0xFFFFFFFD, s18  }
0x9f: {  	v6 =	vmov s20  }
0xa0: {  	[tilespmem:s17+$0xFFFFFFE0] =	vst v5;
	v5 =	vshll.u32 v6, $0x4  }
0xa1: {  	v4 =	vld.idx.msk [tilespmem:v4+s1+$0x0], $0xffff;
	v5 =	vor.u32 v1, v5  }
0xa2: {  	v5 =	vadd.s32 v3, v5  }
0xa3: {  	v6 =	vor.u32 v0, v5;
	_ =	sdelay $0x3  }
0xa4: {  	[tilespmem:s17+$0xFFFFFFF0] =	vst v4  }
0xa5: {  	v4 =	vld.idx.msk [tilespmem:v6+s1+$0x0], $0xffff;
	_ =	sdelay $0x1  }
0xa6: {  	v5 =	vor.u32 v2, v5;
	_ =	sdelay $0x1  }
0xa7: {  	s20 =	sadd.s32 $0xFFFFFFFE, s18  }
0xa8: {  	v6 =	vmov s20  }
0xa9: {  	[tilespmem:s17+$0x0] =	vst v4;
	v4 =	vshll.u32 v6, $0x4  }
0xaa: {  	v5 =	vld.idx.msk [tilespmem:v5+s1+$0x0], $0xffff;
	v4 =	vor.u32 v1, v4  }
0xab: {  	v4 =	vadd.s32 v3, v4  }
0xac: {  	v6 =	vor.u32 v0, v4;
	_ =	sdelay $0x3  }
0xad: {  	[tilespmem:s17+$0x10] =	vst v5  }
0xae: {  	v5 =	vld.idx.msk [tilespmem:v6+s1+$0x0], $0xffff;
	_ =	sdelay $0x1  }
0xaf: {  	v4 =	vor.u32 v2, v4;
	_ =	sdelay $0x1  }
0xb0: {  	s20 =	sadd.s32 $0xFFFFFFFF, s18  }
0xb1: {  	v6 =	vmov s20  }
0xb2: {  	[tilespmem:s17+$0x20] =	vst v5;
	v5 =	vshll.u32 v6, $0x4  }
0xb3: {  	v4 =	vld.idx.msk [tilespmem:v4+s1+$0x0], $0xffff;
	v5 =	vor.u32 v1, v5  }
0xb4: {  	v5 =	vadd.s32 v3, v5  }
0xb5: {  	v6 =	vor.u32 v0, v5;
	_ =	sdelay $0x3  }
0xb6: {  	[tilespmem:s17+$0x30] =	vst v4  }
0xb7: {  	v4 =	vld.idx.msk [tilespmem:v6+s1+$0x0], $0xffff;
	_ =	sdelay $0x1  }
0xb8: {  	v5 =	vor.u32 v2, v5;
	_ =	sdelay $0x2  }
0xb9: {  	v6 =	vmov s18;
	s18 =	smov.u32 s19  }
0xba: {  	[tilespmem:s17+$0x40] =	vst v4;
	v4 =	vshll.u32 v6, $0x4  }
0xbb: {  	v5 =	vld.idx.msk [tilespmem:v5+s1+$0x0], $0xffff;
	v4 =	vor.u32 v1, v4  }
0xbc: {  	v4 =	vadd.s32 v3, v4  }
0xbd: {  	v6 =	vor.u32 v0, v4;
	_ =	sdelay $0x3  }
0xbe: {  	[tilespmem:s17+$0x50] =	vst v5  }
.Ltmp7:
0xbf: {  	v5 =	vld.idx.msk [tilespmem:v6+s1+$0x0], $0xffff;
	(pc) =	sbr.rel @p0 .LBB2_7-.Ltmp7, $3  }
0xc0: {  	_ = 	snop  }
0xc1: {  	v4 =	vor.u32 v2, v4;
	_ =	sdelay $0x1  }
0xc2: {  	s19 =	sadd.s32 $0x10, s19;
	s20 =	sadd.s32 $0xFFFFFFF9, s18  }
0xc3: {  	_ = 	snop  }
0xc4: {  	v6 =	vmov s20  }
0xc5: {  	v6 =	vshll.u32 v6, $0x4  }
0xc6: {  	[tilespmem:s17+$0x60] =	vst v5;
	v42 =	vor.u32 v1, v6  }
0xc7: {  	v4 =	vld.idx.msk [tilespmem:v4+s1+$0x0], $0xffff;
	v5 =	vadd.s32 v3, v42  }
0xc8: {  	v43 =	vor.u32 v0, v5;
	_ =	sdelay $0x3  }
0xc9: {  	[tilespmem:s17+$0x70] =	vst v4  }
0xca: {  	v4 =	vld.idx.msk [tilespmem:v43+s1+$0x0], $0xffff  }
0xcb: {  	v5 =	vor.u32 v2, v5  }
0xcc: {  	s19 =	sadd.s32 $0xFFFFFFFA, s18  }
0xcd: {  	v44 =	vmov s19  }
0xce: {  	s23 =	sadd.s32 $0x100, s17;
	v6 =	vshll.u32 v44, $0x4  }
0xcf: {  	v45 =	vor.u32 v1, v6;
	[tilespmem:s23+$0xFFFFFF80] =	vst v4  }
0xd0: {  	v4 =	vadd.s32 v3, v45;
	v5 =	vld.idx.msk [tilespmem:v5+s1+$0x0], $0xffff  }
0xd1: {  	v46 =	vor.u32 v0, v4;
	_ =	sdelay $0x3  }
0xd2: {  	[tilespmem:s23+$0xFFFFFF90] =	vst v5  }
0xd3: {  	v5 =	vld.idx.msk [tilespmem:v46+s1+$0x0], $0xffff  }
0xd4: {  	v4 =	vor.u32 v2, v4  }
0xd5: {  	s24 =	sadd.s32 $0xFFFFFFFB, s18  }
0xd6: {  	v47 =	vmov s24  }
0xd7: {  	v6 =	vshll.u32 v47, $0x4  }
0xd8: {  	v48 =	vor.u32 v1, v6;
	[tilespmem:s23+$0xFFFFFFA0] =	vst v5  }
0xd9: {  	v5 =	vadd.s32 v3, v48;
	v4 =	vld.idx.msk [tilespmem:v4+s1+$0x0], $0xffff  }
0xda: {  	v49 =	vor.u32 v0, v5;
	_ =	sdelay $0x3  }
0xdb: {  	[tilespmem:s23+$0xFFFFFFB0] =	vst v4  }
0xdc: {  	v4 =	vld.idx.msk [tilespmem:v49+s1+$0x0], $0xffff  }
0xdd: {  	v5 =	vor.u32 v2, v5  }
0xde: {  	s25 =	sadd.s32 $0xFFFFFFFC, s18  }
0xdf: {  	v50 =	vmov s25  }
0xe0: {  	v6 =	vshll.u32 v50, $0x4  }
0xe1: {  	v51 =	vor.u32 v1, v6;
	[tilespmem:s23+$0xFFFFFFC0] =	vst v4  }
0xe2: {  	v4 =	vadd.s32 v3, v51;
	v5 =	vld.idx.msk [tilespmem:v5+s1+$0x0], $0xffff  }
0xe3: {  	v52 =	vor.u32 v0, v4;
	_ =	sdelay $0x3  }
0xe4: {  	[tilespmem:s23+$0xFFFFFFD0] =	vst v5  }
0xe5: {  	v5 =	vld.idx.msk [tilespmem:v52+s1+$0x0], $0xffff  }
0xe6: {  	v4 =	vor.u32 v2, v4  }
0xe7: {  	s26 =	sadd.s32 $0xFFFFFFFD, s18  }
0xe8: {  	v53 =	vmov s26  }
0xe9: {  	v6 =	vshll.u32 v53, $0x4  }
0xea: {  	v54 =	vor.u32 v1, v6;
	[tilespmem:s23+$0xFFFFFFE0] =	vst v5  }
0xeb: {  	v5 =	vadd.s32 v3, v54;
	v4 =	vld.idx.msk [tilespmem:v4+s1+$0x0], $0xffff  }
0xec: {  	v55 =	vor.u32 v0, v5;
	_ =	sdelay $0x3  }
0xed: {  	[tilespmem:s23+$0xFFFFFFF0] =	vst v4  }
0xee: {  	v4 =	vld.idx.msk [tilespmem:v55+s1+$0x0], $0xffff  }
0xef: {  	v5 =	vor.u32 v2, v5  }
0xf0: {  	s28 =	sadd.s32 $0xFFFFFFFE, s18  }
0xf1: {  	v56 =	vmov s28  }
0xf2: {  	v6 =	vshll.u32 v56, $0x4  }
0xf3: {  	v57 =	vor.u32 v1, v6;
	[tilespmem:s23+$0x0] =	vst v4  }
0xf4: {  	v4 =	vadd.s32 v3, v57;
	v5 =	vld.idx.msk [tilespmem:v5+s1+$0x0], $0xffff  }
0xf5: {  	v58 =	vor.u32 v0, v4;
	_ =	sdelay $0x3  }
0xf6: {  	[tilespmem:s23+$0x10] =	vst v5  }
0xf7: {  	v5 =	vld.idx.msk [tilespmem:v58+s1+$0x0], $0xffff  }
0xf8: {  	v4 =	vor.u32 v2, v4  }
0xf9: {  	s29 =	sadd.s32 $0xFFFFFFFF, s18  }
0xfa: {  	v59 =	vmov s29  }
0xfb: {  	v6 =	vshll.u32 v59, $0x4  }
0xfc: {  	v60 =	vor.u32 v1, v6;
	[tilespmem:s23+$0x20] =	vst v5  }
0xfd: {  	v5 =	vadd.s32 v3, v60;
	v4 =	vld.idx.msk [tilespmem:v4+s1+$0x0], $0xffff  }
0xfe: {  	v61 =	vor.u32 v0, v5;
	_ =	sdelay $0x3  }
0xff: {  	[tilespmem:s23+$0x30] =	vst v4  }
0x100: {  	v4 =	vld.idx.msk [tilespmem:v61+s1+$0x0], $0xffff  }
0x101: {  	v5 =	vor.u32 v2, v5;
	_ =	sdelay $0x1  }
0x102: {  	v62 =	vmov s18  }
0x103: {  	v6 =	vshll.u32 v62, $0x4  }
0x104: {  	v63 =	vor.u32 v1, v6;
	[tilespmem:s23+$0x40] =	vst v4  }
0x105: {  	v3 =	vadd.s32 v3, v63;
	v5 =	vld.idx.msk [tilespmem:v5+s1+$0x0], $0xffff  }
0x106: {  	v4 =	vor.u32 v0, v3;
	_ =	sdelay $0x3  }
0x107: {  	[tilespmem:s23+$0x50] =	vst v5  }
0x108: {  	v4 =	vld.idx.msk [tilespmem:v4+s1+$0x0], $0xffff  }
0x109: {  	v3 =	vor.u32 v2, v3;
	_ =	sdelay $0x3  }
0x10a: {  	[tilespmem:s23+$0x60] =	vst v4  }
0x10b: {  	v3 =	vld.idx.msk [tilespmem:v3+s1+$0x0], $0xffff;
	_ =	sdelay $0x1  }
.Ltmp8:
0x10c: {  	s30 =	sshll.u32 s14, $0xE;
	(pc) =	sbr.rel .LBB2_9-.Ltmp8, $4  }
0x10d: {  	s18 =	sadd.s32 s30, s7  }
0x10e: {  	s18 =	sshrl.u32 s18, $0x3  }
0x10f: {  	s15 =	sadd.s32 $0x3, s15;
	s31 =	sadd.s32 s3, s18;
	[tilespmem:s23+$0x70] =	vst v3  }
0x110: {  	[hbm4b:s31+s1] =	stream.linear.scatter [tilespmem:s16], [sflag:s15], $0x4000, $0x38;
	[tilespmem:$0x10000] =	vst v63  }
.LBB2_10:
0x111: {  	_ =	swait.ge [sflag:s11], $0x4000  }
.Ltmp9:
0x112: {  	[sflag:s11] =	ssyncset.done $0x0;
	(pc) =	sbr.rel .LBB2_11-.Ltmp9, $4  }
0x113: {  	[sflag:s11] =	ssyncadd.s32 $0xFFFFC000  }
0x114: {  	_ =	swait.ge [sflag:s12], $0x4000  }
0x115: {  	[sflag:s12] =	ssyncset.done $0x0  }
0x116: {  	s14 =	simm.s32 $0x0;
	[sflag:s12] =	ssyncadd.s32 $0xFFFFC000  }
.LBB2_18:
0x117: {  	s14 =	sadd.s32 $0x1, s14  }
0x118: {  	p0 =	sne.s32 s14, $0x21  }
.Ltmp10:
0x119: {  	_ = 	snop;
	(pc) =	sbr.rel @!p0 .LBB2_19-.Ltmp10, $1  }
0x11a: {  	_ =	sdelay $0x3  }
.LBB2_11:
0x11b: {  	p0 =	seq.s32 s14, $0x20  }
.Ltmp11:
0x11c: {  	_ = 	snop;
	(pc) =	sbr.rel @p0 .LBB2_14-.Ltmp11, $2  }
0x11d: {  	_ =	sdelay $0x2  }
0x11e: {  	s15 =	simm.s32 $0x1  }
0x11f: {  	p0 =	seq.s32 s14, $0x0  }
.Ltmp12:
0x120: {  	_ = 	snop;
	(pc) =	sbr.rel @p0 .LBB2_18-.Ltmp12, $4  }
0x121: {  	_ = 	snop  }
0x122: {  	s15 =	sand.u32 $0x1, s14;
	s16 =	sshll.u32 s14, $0xB  }
0x123: {  	s17 =	sshll.u32 s15, $0xE;
	s18 =	sadd.s32 $0x1, s15;
	s16 =	sadd.s32 s16, s8  }
0x124: {  	[tilespmem:s17], [sflag:s18] =	stream.linear.gather [hbm4b:s16+s1], $0x4000, $0x38;
	[tilespmem:$0x10000] =	vst v63  }
0x125: {  	p0 =	slt.u32 s14, $0x3  }
.Ltmp13:
0x126: {  	_ = 	snop;
	(pc) =	sbr.rel @p0 .LBB2_15-.Ltmp13, $2  }
0x127: {  	_ =	sdelay $0x2  }
0x128: {  	s15 =	sxor.u32 $0x1, s15  }
.LBB2_14:
0x129: {  	s16 =	sadd.s32 $0x3, s15  }
0x12a: {  	_ =	swait.ge [sflag:s16], $0x4000  }
0x12b: {  	[sflag:s16] =	ssyncset.done $0x0  }
0x12c: {  	[sflag:s16] =	ssyncadd.s32 $0xFFFFC000  }
.LBB2_15:
0x12d: {  	s16 =	simm.s32 $0x0  }
0x12e: {  	v3 =	vmov s16  }
0x12f: {  	s24 =	sshll.u32 s15, $0xE;
	v4 =	vshll.u32 v3, $0x4  }
0x130: {  	v3 =	vmov s24;
	v4 =	vor.u32 v1, v4  }
0x131: {  	v4 =	vadd.s32 v3, v4  }
0x132: {  	v5 =	vor.u32 v0, v4  }
0x133: {  	s17 =	sadd.s32 $0x1, s15  }
0x134: {  	_ =	swait.ge [sflag:s17], $0x4000  }
0x135: {  	[sflag:s17] =	ssyncset.done $0x0  }
0x136: {  	[sflag:s17] =	ssyncadd.s32 $0xFFFFC000  }
0x137: {  	v5 =	vld.idx.msk [tilespmem:v5+s1+$0x0], $0xffff  }
0x138: {  	v4 =	vor.u32 v2, v4  }
0x139: {  	s25 =	simm.s32 $0x1  }
0x13a: {  	v6 =	vmov s25  }
0x13b: {  	v6 =	vshll.u32 v6, $0x4;
	s17 =	sor.u32 $0x8080, s24  }
0x13c: {  	[tilespmem:s17+$0xFFFFFF80] =	vst v5;
	v5 =	vor.u32 v1, v6  }
0x13d: {  	v4 =	vld.idx.msk [tilespmem:v4+s1+$0x0], $0xffff;
	v5 =	vadd.s32 v3, v5  }
0x13e: {  	v6 =	vor.u32 v0, v5;
	_ =	sdelay $0x3  }
0x13f: {  	[tilespmem:s17+$0xFFFFFF90] =	vst v4  }
0x140: {  	v4 =	vld.idx.msk [tilespmem:v6+s1+$0x0], $0xffff  }
0x141: {  	v5 =	vor.u32 v2, v5  }
0x142: {  	s18 =	simm.s32 $0x2  }
0x143: {  	v6 =	vmov s18  }
0x144: {  	v6 =	vshll.u32 v6, $0x4  }
0x145: {  	[tilespmem:s17+$0xFFFFFFA0] =	vst v4;
	v4 =	vor.u32 v1, v6  }
0x146: {  	v5 =	vld.idx.msk [tilespmem:v5+s1+$0x0], $0xffff;
	v4 =	vadd.s32 v3, v4  }
0x147: {  	v6 =	vor.u32 v0, v4;
	_ =	sdelay $0x3  }
0x148: {  	[tilespmem:s17+$0xFFFFFFB0] =	vst v5  }
0x149: {  	v5 =	vld.idx.msk [tilespmem:v6+s1+$0x0], $0xffff  }
0x14a: {  	v4 =	vor.u32 v2, v4  }
0x14b: {  	s26 =	simm.s32 $0x3  }
0x14c: {  	v6 =	vmov s26  }
0x14d: {  	v6 =	vshll.u32 v6, $0x4  }
0x14e: {  	[tilespmem:s17+$0xFFFFFFC0] =	vst v5;
	v5 =	vor.u32 v1, v6  }
0x14f: {  	v4 =	vld.idx.msk [tilespmem:v4+s1+$0x0], $0xffff;
	v5 =	vadd.s32 v3, v5  }
0x150: {  	v6 =	vor.u32 v0, v5;
	_ =	sdelay $0x3  }
0x151: {  	[tilespmem:s17+$0xFFFFFFD0] =	vst v4  }
0x152: {  	v4 =	vld.idx.msk [tilespmem:v6+s1+$0x0], $0xffff  }
0x153: {  	v5 =	vor.u32 v2, v5  }
0x154: {  	s28 =	simm.s32 $0x4  }
0x155: {  	v6 =	vmov s28  }
0x156: {  	v6 =	vshll.u32 v6, $0x4  }
0x157: {  	[tilespmem:s17+$0xFFFFFFE0] =	vst v4;
	v4 =	vor.u32 v1, v6  }
0x158: {  	v5 =	vld.idx.msk [tilespmem:v5+s1+$0x0], $0xffff;
	v4 =	vadd.s32 v3, v4  }
0x159: {  	v6 =	vor.u32 v0, v4;
	_ =	sdelay $0x3  }
0x15a: {  	[tilespmem:s17+$0xFFFFFFF0] =	vst v5  }
0x15b: {  	v5 =	vld.idx.msk [tilespmem:v6+s1+$0x0], $0xffff  }
0x15c: {  	v4 =	vor.u32 v2, v4  }
0x15d: {  	s29 =	simm.s32 $0x5  }
0x15e: {  	v6 =	vmov s29  }
0x15f: {  	v6 =	vshll.u32 v6, $0x4  }
0x160: {  	[tilespmem:s17+$0x0] =	vst v5;
	v5 =	vor.u32 v1, v6  }
0x161: {  	v4 =	vld.idx.msk [tilespmem:v4+s1+$0x0], $0xffff;
	v5 =	vadd.s32 v3, v5  }
0x162: {  	v6 =	vor.u32 v0, v5;
	_ =	sdelay $0x3  }
0x163: {  	[tilespmem:s17+$0x10] =	vst v4  }
0x164: {  	v4 =	vld.idx.msk [tilespmem:v6+s1+$0x0], $0xffff  }
0x165: {  	v5 =	vor.u32 v2, v5  }
0x166: {  	s30 =	simm.s32 $0x6  }
0x167: {  	v6 =	vmov s30  }
0x168: {  	v6 =	vshll.u32 v6, $0x4  }
0x169: {  	[tilespmem:s17+$0x20] =	vst v4;
	v4 =	vor.u32 v1, v6  }
0x16a: {  	v5 =	vld.idx.msk [tilespmem:v5+s1+$0x0], $0xffff;
	v4 =	vadd.s32 v3, v4  }
0x16b: {  	v6 =	vor.u32 v0, v4;
	_ =	sdelay $0x3  }
0x16c: {  	[tilespmem:s17+$0x30] =	vst v5  }
0x16d: {  	v5 =	vld.idx.msk [tilespmem:v6+s1+$0x0], $0xffff  }
0x16e: {  	v4 =	vor.u32 v2, v4  }
0x16f: {  	s31 =	simm.s32 $0x7  }
0x170: {  	v6 =	vmov s31  }
0x171: {  	v6 =	vshll.u32 v6, $0x4  }
0x172: {  	[tilespmem:s17+$0x40] =	vst v5;
	v5 =	vor.u32 v1, v6  }
0x173: {  	v4 =	vld.idx.msk [tilespmem:v4+s1+$0x0], $0xffff;
	v6 =	vadd.s32 v3, v5  }
0x174: {  	v5 =	vor.u32 v0, v6;
	_ =	sdelay $0x3  }
0x175: {  	[tilespmem:s17+$0x50] =	vst v4  }
0x176: {  	v5 =	vld.idx.msk [tilespmem:v5+s1+$0x0], $0xffff  }
0x177: {  	v4 =	vor.u32 v2, v6  }
0x178: {  	s20 =	simm.s32 $0x10  }
0x179: {  	s19 =	simm.s32 $0x27;
	s16 =	sor.u32 $0x8000, s24;
	s18 =	simm.s32 $0x17  }
.LBB2_16:
0x17a: {  	p0 =	sne.s32 s19, $0x3F7;
	v6 =	vmov s20  }
0x17b: {  	v6 =	vshll.u32 v6, $0x4;
	[tilespmem:s17+$0x60] =	vst v5  }
0x17c: {  	v5 =	vor.u32 v1, v6;
	v4 =	vld.idx.msk [tilespmem:v4+s1+$0x0], $0xffff  }
0x17d: {  	v5 =	vadd.s32 v3, v5  }
0x17e: {  	v6 =	vor.u32 v0, v5;
	_ =	sdelay $0x3  }
0x17f: {  	[tilespmem:s17+$0x70] =	vst v4  }
0x180: {  	v4 =	vld.idx.msk [tilespmem:v6+s1+$0x0], $0xffff;
	_ =	sdelay $0x1  }
0x181: {  	v5 =	vor.u32 v2, v5;
	_ =	sdelay $0x1  }
0x182: {  	s20 =	sadd.s32 $0xFFFFFFFA, s18  }
0x183: {  	s17 =	sadd.s32 $0x100, s17;
	v6 =	vmov s20  }
0x184: {  	[tilespmem:s17+$0xFFFFFF80] =	vst v4;
	v4 =	vshll.u32 v6, $0x4  }
0x185: {  	v5 =	vld.idx.msk [tilespmem:v5+s1+$0x0], $0xffff;
	v4 =	vor.u32 v1, v4  }
0x186: {  	v4 =	vadd.s32 v3, v4  }
0x187: {  	v6 =	vor.u32 v0, v4;
	_ =	sdelay $0x3  }
0x188: {  	[tilespmem:s17+$0xFFFFFF90] =	vst v5  }
0x189: {  	v5 =	vld.idx.msk [tilespmem:v6+s1+$0x0], $0xffff;
	_ =	sdelay $0x1  }
0x18a: {  	v4 =	vor.u32 v2, v4;
	_ =	sdelay $0x1  }
0x18b: {  	s20 =	sadd.s32 $0xFFFFFFFB, s18  }
0x18c: {  	v6 =	vmov s20  }
0x18d: {  	[tilespmem:s17+$0xFFFFFFA0] =	vst v5;
	v5 =	vshll.u32 v6, $0x4  }
0x18e: {  	v4 =	vld.idx.msk [tilespmem:v4+s1+$0x0], $0xffff;
	v5 =	vor.u32 v1, v5  }
0x18f: {  	v5 =	vadd.s32 v3, v5  }
0x190: {  	v6 =	vor.u32 v0, v5;
	_ =	sdelay $0x3  }
0x191: {  	[tilespmem:s17+$0xFFFFFFB0] =	vst v4  }
0x192: {  	v4 =	vld.idx.msk [tilespmem:v6+s1+$0x0], $0xffff;
	_ =	sdelay $0x1  }
0x193: {  	v5 =	vor.u32 v2, v5;
	_ =	sdelay $0x1  }
0x194: {  	s20 =	sadd.s32 $0xFFFFFFFC, s18  }
0x195: {  	v6 =	vmov s20  }
0x196: {  	[tilespmem:s17+$0xFFFFFFC0] =	vst v4;
	v4 =	vshll.u32 v6, $0x4  }
0x197: {  	v5 =	vld.idx.msk [tilespmem:v5+s1+$0x0], $0xffff;
	v4 =	vor.u32 v1, v4  }
0x198: {  	v4 =	vadd.s32 v3, v4  }
0x199: {  	v6 =	vor.u32 v0, v4;
	_ =	sdelay $0x3  }
0x19a: {  	[tilespmem:s17+$0xFFFFFFD0] =	vst v5  }
0x19b: {  	v5 =	vld.idx.msk [tilespmem:v6+s1+$0x0], $0xffff;
	_ =	sdelay $0x1  }
0x19c: {  	v4 =	vor.u32 v2, v4;
	_ =	sdelay $0x1  }
0x19d: {  	s20 =	sadd.s32 $0xFFFFFFFD, s18  }
0x19e: {  	v6 =	vmov s20  }
0x19f: {  	[tilespmem:s17+$0xFFFFFFE0] =	vst v5;
	v5 =	vshll.u32 v6, $0x4  }
0x1a0: {  	v4 =	vld.idx.msk [tilespmem:v4+s1+$0x0], $0xffff;
	v5 =	vor.u32 v1, v5  }
0x1a1: {  	v5 =	vadd.s32 v3, v5  }
0x1a2: {  	v6 =	vor.u32 v0, v5;
	_ =	sdelay $0x3  }
0x1a3: {  	[tilespmem:s17+$0xFFFFFFF0] =	vst v4  }
0x1a4: {  	v4 =	vld.idx.msk [tilespmem:v6+s1+$0x0], $0xffff;
	_ =	sdelay $0x1  }
0x1a5: {  	v5 =	vor.u32 v2, v5;
	_ =	sdelay $0x1  }
0x1a6: {  	s20 =	sadd.s32 $0xFFFFFFFE, s18  }
0x1a7: {  	v6 =	vmov s20  }
0x1a8: {  	[tilespmem:s17+$0x0] =	vst v4;
	v4 =	vshll.u32 v6, $0x4  }
0x1a9: {  	v5 =	vld.idx.msk [tilespmem:v5+s1+$0x0], $0xffff;
	v4 =	vor.u32 v1, v4  }
0x1aa: {  	v4 =	vadd.s32 v3, v4  }
0x1ab: {  	v6 =	vor.u32 v0, v4;
	_ =	sdelay $0x3  }
0x1ac: {  	[tilespmem:s17+$0x10] =	vst v5  }
0x1ad: {  	v5 =	vld.idx.msk [tilespmem:v6+s1+$0x0], $0xffff;
	_ =	sdelay $0x1  }
0x1ae: {  	v4 =	vor.u32 v2, v4;
	_ =	sdelay $0x1  }
0x1af: {  	s20 =	sadd.s32 $0xFFFFFFFF, s18  }
0x1b0: {  	v6 =	vmov s20  }
0x1b1: {  	[tilespmem:s17+$0x20] =	vst v5;
	v5 =	vshll.u32 v6, $0x4  }
0x1b2: {  	v4 =	vld.idx.msk [tilespmem:v4+s1+$0x0], $0xffff;
	v5 =	vor.u32 v1, v5  }
0x1b3: {  	v5 =	vadd.s32 v3, v5  }
0x1b4: {  	v6 =	vor.u32 v0, v5;
	_ =	sdelay $0x3  }
0x1b5: {  	[tilespmem:s17+$0x30] =	vst v4  }
0x1b6: {  	v4 =	vld.idx.msk [tilespmem:v6+s1+$0x0], $0xffff;
	_ =	sdelay $0x1  }
0x1b7: {  	v5 =	vor.u32 v2, v5;
	_ =	sdelay $0x2  }
0x1b8: {  	v6 =	vmov s18;
	s18 =	smov.u32 s19  }
0x1b9: {  	[tilespmem:s17+$0x40] =	vst v4;
	v4 =	vshll.u32 v6, $0x4  }
0x1ba: {  	v5 =	vld.idx.msk [tilespmem:v5+s1+$0x0], $0xffff;
	v4 =	vor.u32 v1, v4  }
0x1bb: {  	v4 =	vadd.s32 v3, v4  }
0x1bc: {  	v6 =	vor.u32 v0, v4;
	_ =	sdelay $0x3  }
0x1bd: {  	[tilespmem:s17+$0x50] =	vst v5  }
.Ltmp14:
0x1be: {  	v5 =	vld.idx.msk [tilespmem:v6+s1+$0x0], $0xffff;
	(pc) =	sbr.rel @p0 .LBB2_16-.Ltmp14, $3  }
0x1bf: {  	_ = 	snop  }
0x1c0: {  	v4 =	vor.u32 v2, v4;
	_ =	sdelay $0x1  }
0x1c1: {  	s19 =	sadd.s32 $0x10, s19;
	s20 =	sadd.s32 $0xFFFFFFF9, s18  }
0x1c2: {  	_ = 	snop  }
0x1c3: {  	v6 =	vmov s20  }
0x1c4: {  	v6 =	vshll.u32 v6, $0x4  }
0x1c5: {  	[tilespmem:s17+$0x60] =	vst v5;
	v42 =	vor.u32 v1, v6  }
0x1c6: {  	v4 =	vld.idx.msk [tilespmem:v4+s1+$0x0], $0xffff;
	v5 =	vadd.s32 v3, v42  }
0x1c7: {  	v43 =	vor.u32 v0, v5;
	_ =	sdelay $0x3  }
0x1c8: {  	[tilespmem:s17+$0x70] =	vst v4  }
0x1c9: {  	v4 =	vld.idx.msk [tilespmem:v43+s1+$0x0], $0xffff  }
0x1ca: {  	v5 =	vor.u32 v2, v5  }
0x1cb: {  	s19 =	sadd.s32 $0xFFFFFFFA, s18  }
0x1cc: {  	v44 =	vmov s19  }
0x1cd: {  	s23 =	sadd.s32 $0x100, s17;
	v6 =	vshll.u32 v44, $0x4  }
0x1ce: {  	v45 =	vor.u32 v1, v6;
	[tilespmem:s23+$0xFFFFFF80] =	vst v4  }
0x1cf: {  	v4 =	vadd.s32 v3, v45;
	v5 =	vld.idx.msk [tilespmem:v5+s1+$0x0], $0xffff  }
0x1d0: {  	v46 =	vor.u32 v0, v4;
	_ =	sdelay $0x3  }
0x1d1: {  	[tilespmem:s23+$0xFFFFFF90] =	vst v5  }
0x1d2: {  	v5 =	vld.idx.msk [tilespmem:v46+s1+$0x0], $0xffff  }
0x1d3: {  	v4 =	vor.u32 v2, v4  }
0x1d4: {  	s24 =	sadd.s32 $0xFFFFFFFB, s18  }
0x1d5: {  	v47 =	vmov s24  }
0x1d6: {  	v6 =	vshll.u32 v47, $0x4  }
0x1d7: {  	v48 =	vor.u32 v1, v6;
	[tilespmem:s23+$0xFFFFFFA0] =	vst v5  }
0x1d8: {  	v5 =	vadd.s32 v3, v48;
	v4 =	vld.idx.msk [tilespmem:v4+s1+$0x0], $0xffff  }
0x1d9: {  	v49 =	vor.u32 v0, v5;
	_ =	sdelay $0x3  }
0x1da: {  	[tilespmem:s23+$0xFFFFFFB0] =	vst v4  }
0x1db: {  	v4 =	vld.idx.msk [tilespmem:v49+s1+$0x0], $0xffff  }
0x1dc: {  	v5 =	vor.u32 v2, v5  }
0x1dd: {  	s25 =	sadd.s32 $0xFFFFFFFC, s18  }
0x1de: {  	v50 =	vmov s25  }
0x1df: {  	v6 =	vshll.u32 v50, $0x4  }
0x1e0: {  	v51 =	vor.u32 v1, v6;
	[tilespmem:s23+$0xFFFFFFC0] =	vst v4  }
0x1e1: {  	v4 =	vadd.s32 v3, v51;
	v5 =	vld.idx.msk [tilespmem:v5+s1+$0x0], $0xffff  }
0x1e2: {  	v52 =	vor.u32 v0, v4;
	_ =	sdelay $0x3  }
0x1e3: {  	[tilespmem:s23+$0xFFFFFFD0] =	vst v5  }
0x1e4: {  	v5 =	vld.idx.msk [tilespmem:v52+s1+$0x0], $0xffff  }
0x1e5: {  	v4 =	vor.u32 v2, v4  }
0x1e6: {  	s26 =	sadd.s32 $0xFFFFFFFD, s18  }
0x1e7: {  	v53 =	vmov s26  }
0x1e8: {  	v6 =	vshll.u32 v53, $0x4  }
0x1e9: {  	v54 =	vor.u32 v1, v6;
	[tilespmem:s23+$0xFFFFFFE0] =	vst v5  }
0x1ea: {  	v5 =	vadd.s32 v3, v54;
	v4 =	vld.idx.msk [tilespmem:v4+s1+$0x0], $0xffff  }
0x1eb: {  	v55 =	vor.u32 v0, v5;
	_ =	sdelay $0x3  }
0x1ec: {  	[tilespmem:s23+$0xFFFFFFF0] =	vst v4  }
0x1ed: {  	v4 =	vld.idx.msk [tilespmem:v55+s1+$0x0], $0xffff  }
0x1ee: {  	v5 =	vor.u32 v2, v5  }
0x1ef: {  	s28 =	sadd.s32 $0xFFFFFFFE, s18  }
0x1f0: {  	v56 =	vmov s28  }
0x1f1: {  	v6 =	vshll.u32 v56, $0x4  }
0x1f2: {  	v57 =	vor.u32 v1, v6;
	[tilespmem:s23+$0x0] =	vst v4  }
0x1f3: {  	v4 =	vadd.s32 v3, v57;
	v5 =	vld.idx.msk [tilespmem:v5+s1+$0x0], $0xffff  }
0x1f4: {  	v58 =	vor.u32 v0, v4;
	_ =	sdelay $0x3  }
0x1f5: {  	[tilespmem:s23+$0x10] =	vst v5  }
0x1f6: {  	v5 =	vld.idx.msk [tilespmem:v58+s1+$0x0], $0xffff  }
0x1f7: {  	v4 =	vor.u32 v2, v4  }
0x1f8: {  	s29 =	sadd.s32 $0xFFFFFFFF, s18  }
0x1f9: {  	v59 =	vmov s29  }
0x1fa: {  	v6 =	vshll.u32 v59, $0x4  }
0x1fb: {  	v60 =	vor.u32 v1, v6;
	[tilespmem:s23+$0x20] =	vst v5  }
0x1fc: {  	v5 =	vadd.s32 v3, v60;
	v4 =	vld.idx.msk [tilespmem:v4+s1+$0x0], $0xffff  }
0x1fd: {  	v61 =	vor.u32 v0, v5;
	_ =	sdelay $0x3  }
0x1fe: {  	[tilespmem:s23+$0x30] =	vst v4  }
0x1ff: {  	v4 =	vld.idx.msk [tilespmem:v61+s1+$0x0], $0xffff  }
0x200: {  	v5 =	vor.u32 v2, v5;
	_ =	sdelay $0x1  }
0x201: {  	v62 =	vmov s18  }
0x202: {  	v6 =	vshll.u32 v62, $0x4  }
0x203: {  	v63 =	vor.u32 v1, v6;
	[tilespmem:s23+$0x40] =	vst v4  }
0x204: {  	v3 =	vadd.s32 v3, v63;
	v5 =	vld.idx.msk [tilespmem:v5+s1+$0x0], $0xffff  }
0x205: {  	v4 =	vor.u32 v0, v3;
	_ =	sdelay $0x3  }
0x206: {  	[tilespmem:s23+$0x50] =	vst v5  }
0x207: {  	v4 =	vld.idx.msk [tilespmem:v4+s1+$0x0], $0xffff  }
0x208: {  	v3 =	vor.u32 v2, v3;
	_ =	sdelay $0x3  }
0x209: {  	[tilespmem:s23+$0x60] =	vst v4  }
0x20a: {  	v3 =	vld.idx.msk [tilespmem:v3+s1+$0x0], $0xffff;
	_ =	sdelay $0x1  }
.Ltmp15:
0x20b: {  	s30 =	sshll.u32 s14, $0xE;
	(pc) =	sbr.rel .LBB2_18-.Ltmp15, $4  }
0x20c: {  	s18 =	sadd.s32 s30, s7  }
0x20d: {  	s18 =	sshrl.u32 s18, $0x3  }
0x20e: {  	s15 =	sadd.s32 $0x3, s15;
	s31 =	sadd.s32 s4, s18;
	[tilespmem:s23+$0x70] =	vst v3  }
0x20f: {  	[hbm4b:s31+s1] =	stream.linear.scatter [tilespmem:s16], [sflag:s15], $0x4000, $0x38;
	[tilespmem:$0x10000] =	vst v63  }
.LBB2_19:
0x210: {  	_ =	swait.ge [sflag:s11], $0x4000  }
.Ltmp16:
0x211: {  	[sflag:s11] =	ssyncset.done $0x0;
	(pc) =	sbr.rel .LBB2_20-.Ltmp16, $4  }
0x212: {  	[sflag:s11] =	ssyncadd.s32 $0xFFFFC000  }
0x213: {  	_ =	swait.ge [sflag:s12], $0x4000  }
0x214: {  	[sflag:s12] =	ssyncset.done $0x0  }
0x215: {  	s14 =	simm.s32 $0x0;
	[sflag:s12] =	ssyncadd.s32 $0xFFFFC000  }
.LBB2_27:
0x216: {  	s14 =	sadd.s32 $0x1, s14  }
0x217: {  	p0 =	sne.s32 s14, $0x21  }
.Ltmp17:
0x218: {  	_ = 	snop;
	(pc) =	sbr.rel @!p0 .LBB2_28-.Ltmp17, $1  }
0x219: {  	_ =	sdelay $0x3  }
.LBB2_20:
0x21a: {  	p0 =	seq.s32 s14, $0x20  }
.Ltmp18:
0x21b: {  	_ = 	snop;
	(pc) =	sbr.rel @p0 .LBB2_23-.Ltmp18, $2  }
0x21c: {  	_ =	sdelay $0x2  }
0x21d: {  	s15 =	simm.s32 $0x1  }
0x21e: {  	p0 =	seq.s32 s14, $0x0  }
.Ltmp19:
0x21f: {  	_ = 	snop;
	(pc) =	sbr.rel @p0 .LBB2_27-.Ltmp19, $4  }
0x220: {  	_ = 	snop  }
0x221: {  	s15 =	sand.u32 $0x1, s14;
	s16 =	sshll.u32 s14, $0xB  }
0x222: {  	s17 =	sshll.u32 s15, $0xE;
	s18 =	sadd.s32 $0x1, s15;
	s16 =	sadd.s32 s16, s9  }
0x223: {  	[tilespmem:s17], [sflag:s18] =	stream.linear.gather [hbm4b:s16+s1], $0x4000, $0x38;
	[tilespmem:$0x10000] =	vst v63  }
0x224: {  	p0 =	slt.u32 s14, $0x3  }
.Ltmp20:
0x225: {  	_ = 	snop;
	(pc) =	sbr.rel @p0 .LBB2_24-.Ltmp20, $2  }
0x226: {  	_ =	sdelay $0x2  }
0x227: {  	s15 =	sxor.u32 $0x1, s15  }
.LBB2_23:
0x228: {  	s16 =	sadd.s32 $0x3, s15  }
0x229: {  	_ =	swait.ge [sflag:s16], $0x4000  }
0x22a: {  	[sflag:s16] =	ssyncset.done $0x0  }
0x22b: {  	[sflag:s16] =	ssyncadd.s32 $0xFFFFC000  }
.LBB2_24:
0x22c: {  	s16 =	simm.s32 $0x0  }
0x22d: {  	v3 =	vmov s16  }
0x22e: {  	s24 =	sshll.u32 s15, $0xE;
	v4 =	vshll.u32 v3, $0x4  }
0x22f: {  	v3 =	vmov s24;
	v4 =	vor.u32 v1, v4  }
0x230: {  	v4 =	vadd.s32 v3, v4  }
0x231: {  	v5 =	vor.u32 v0, v4  }
0x232: {  	s17 =	sadd.s32 $0x1, s15  }
0x233: {  	_ =	swait.ge [sflag:s17], $0x4000  }
0x234: {  	[sflag:s17] =	ssyncset.done $0x0  }
0x235: {  	[sflag:s17] =	ssyncadd.s32 $0xFFFFC000  }
0x236: {  	v5 =	vld.idx.msk [tilespmem:v5+s1+$0x0], $0xffff  }
0x237: {  	v4 =	vor.u32 v2, v4  }
0x238: {  	s25 =	simm.s32 $0x1  }
0x239: {  	v6 =	vmov s25  }
0x23a: {  	v6 =	vshll.u32 v6, $0x4;
	s17 =	sor.u32 $0x8080, s24  }
0x23b: {  	[tilespmem:s17+$0xFFFFFF80] =	vst v5;
	v5 =	vor.u32 v1, v6  }
0x23c: {  	v4 =	vld.idx.msk [tilespmem:v4+s1+$0x0], $0xffff;
	v5 =	vadd.s32 v3, v5  }
0x23d: {  	v6 =	vor.u32 v0, v5;
	_ =	sdelay $0x3  }
0x23e: {  	[tilespmem:s17+$0xFFFFFF90] =	vst v4  }
0x23f: {  	v4 =	vld.idx.msk [tilespmem:v6+s1+$0x0], $0xffff  }
0x240: {  	v5 =	vor.u32 v2, v5  }
0x241: {  	s18 =	simm.s32 $0x2  }
0x242: {  	v6 =	vmov s18  }
0x243: {  	v6 =	vshll.u32 v6, $0x4  }
0x244: {  	[tilespmem:s17+$0xFFFFFFA0] =	vst v4;
	v4 =	vor.u32 v1, v6  }
0x245: {  	v5 =	vld.idx.msk [tilespmem:v5+s1+$0x0], $0xffff;
	v4 =	vadd.s32 v3, v4  }
0x246: {  	v6 =	vor.u32 v0, v4;
	_ =	sdelay $0x3  }
0x247: {  	[tilespmem:s17+$0xFFFFFFB0] =	vst v5  }
0x248: {  	v5 =	vld.idx.msk [tilespmem:v6+s1+$0x0], $0xffff  }
0x249: {  	v4 =	vor.u32 v2, v4  }
0x24a: {  	s26 =	simm.s32 $0x3  }
0x24b: {  	v6 =	vmov s26  }
0x24c: {  	v6 =	vshll.u32 v6, $0x4  }
0x24d: {  	[tilespmem:s17+$0xFFFFFFC0] =	vst v5;
	v5 =	vor.u32 v1, v6  }
0x24e: {  	v4 =	vld.idx.msk [tilespmem:v4+s1+$0x0], $0xffff;
	v5 =	vadd.s32 v3, v5  }
0x24f: {  	v6 =	vor.u32 v0, v5;
	_ =	sdelay $0x3  }
0x250: {  	[tilespmem:s17+$0xFFFFFFD0] =	vst v4  }
0x251: {  	v4 =	vld.idx.msk [tilespmem:v6+s1+$0x0], $0xffff  }
0x252: {  	v5 =	vor.u32 v2, v5  }
0x253: {  	s28 =	simm.s32 $0x4  }
0x254: {  	v6 =	vmov s28  }
0x255: {  	v6 =	vshll.u32 v6, $0x4  }
0x256: {  	[tilespmem:s17+$0xFFFFFFE0] =	vst v4;
	v4 =	vor.u32 v1, v6  }
0x257: {  	v5 =	vld.idx.msk [tilespmem:v5+s1+$0x0], $0xffff;
	v4 =	vadd.s32 v3, v4  }
0x258: {  	v6 =	vor.u32 v0, v4;
	_ =	sdelay $0x3  }
0x259: {  	[tilespmem:s17+$0xFFFFFFF0] =	vst v5  }
0x25a: {  	v5 =	vld.idx.msk [tilespmem:v6+s1+$0x0], $0xffff  }
0x25b: {  	v4 =	vor.u32 v2, v4  }
0x25c: {  	s29 =	simm.s32 $0x5  }
0x25d: {  	v6 =	vmov s29  }
0x25e: {  	v6 =	vshll.u32 v6, $0x4  }
0x25f: {  	[tilespmem:s17+$0x0] =	vst v5;
	v5 =	vor.u32 v1, v6  }
0x260: {  	v4 =	vld.idx.msk [tilespmem:v4+s1+$0x0], $0xffff;
	v5 =	vadd.s32 v3, v5  }
0x261: {  	v6 =	vor.u32 v0, v5;
	_ =	sdelay $0x3  }
0x262: {  	[tilespmem:s17+$0x10] =	vst v4  }
0x263: {  	v4 =	vld.idx.msk [tilespmem:v6+s1+$0x0], $0xffff  }
0x264: {  	v5 =	vor.u32 v2, v5  }
0x265: {  	s30 =	simm.s32 $0x6  }
0x266: {  	v6 =	vmov s30  }
0x267: {  	v6 =	vshll.u32 v6, $0x4  }
0x268: {  	[tilespmem:s17+$0x20] =	vst v4;
	v4 =	vor.u32 v1, v6  }
0x269: {  	v5 =	vld.idx.msk [tilespmem:v5+s1+$0x0], $0xffff;
	v4 =	vadd.s32 v3, v4  }
0x26a: {  	v6 =	vor.u32 v0, v4;
	_ =	sdelay $0x3  }
0x26b: {  	[tilespmem:s17+$0x30] =	vst v5  }
0x26c: {  	v5 =	vld.idx.msk [tilespmem:v6+s1+$0x0], $0xffff  }
0x26d: {  	v4 =	vor.u32 v2, v4  }
0x26e: {  	s31 =	simm.s32 $0x7  }
0x26f: {  	v6 =	vmov s31  }
0x270: {  	v6 =	vshll.u32 v6, $0x4  }
0x271: {  	[tilespmem:s17+$0x40] =	vst v5;
	v5 =	vor.u32 v1, v6  }
0x272: {  	v4 =	vld.idx.msk [tilespmem:v4+s1+$0x0], $0xffff;
	v6 =	vadd.s32 v3, v5  }
0x273: {  	v5 =	vor.u32 v0, v6;
	_ =	sdelay $0x3  }
0x274: {  	[tilespmem:s17+$0x50] =	vst v4  }
0x275: {  	v5 =	vld.idx.msk [tilespmem:v5+s1+$0x0], $0xffff  }
0x276: {  	v4 =	vor.u32 v2, v6  }
0x277: {  	s20 =	simm.s32 $0x10  }
0x278: {  	s19 =	simm.s32 $0x27;
	s16 =	sor.u32 $0x8000, s24;
	s18 =	simm.s32 $0x17  }
.LBB2_25:
0x279: {  	p0 =	sne.s32 s19, $0x3F7;
	v6 =	vmov s20  }
0x27a: {  	v6 =	vshll.u32 v6, $0x4;
	[tilespmem:s17+$0x60] =	vst v5  }
0x27b: {  	v5 =	vor.u32 v1, v6;
	v4 =	vld.idx.msk [tilespmem:v4+s1+$0x0], $0xffff  }
0x27c: {  	v5 =	vadd.s32 v3, v5  }
0x27d: {  	v6 =	vor.u32 v0, v5;
	_ =	sdelay $0x3  }
0x27e: {  	[tilespmem:s17+$0x70] =	vst v4  }
0x27f: {  	v4 =	vld.idx.msk [tilespmem:v6+s1+$0x0], $0xffff;
	_ =	sdelay $0x1  }
0x280: {  	v5 =	vor.u32 v2, v5;
	_ =	sdelay $0x1  }
0x281: {  	s20 =	sadd.s32 $0xFFFFFFFA, s18  }
0x282: {  	s17 =	sadd.s32 $0x100, s17;
	v6 =	vmov s20  }
0x283: {  	[tilespmem:s17+$0xFFFFFF80] =	vst v4;
	v4 =	vshll.u32 v6, $0x4  }
0x284: {  	v5 =	vld.idx.msk [tilespmem:v5+s1+$0x0], $0xffff;
	v4 =	vor.u32 v1, v4  }
0x285: {  	v4 =	vadd.s32 v3, v4  }
0x286: {  	v6 =	vor.u32 v0, v4;
	_ =	sdelay $0x3  }
0x287: {  	[tilespmem:s17+$0xFFFFFF90] =	vst v5  }
0x288: {  	v5 =	vld.idx.msk [tilespmem:v6+s1+$0x0], $0xffff;
	_ =	sdelay $0x1  }
0x289: {  	v4 =	vor.u32 v2, v4;
	_ =	sdelay $0x1  }
0x28a: {  	s20 =	sadd.s32 $0xFFFFFFFB, s18  }
0x28b: {  	v6 =	vmov s20  }
0x28c: {  	[tilespmem:s17+$0xFFFFFFA0] =	vst v5;
	v5 =	vshll.u32 v6, $0x4  }
0x28d: {  	v4 =	vld.idx.msk [tilespmem:v4+s1+$0x0], $0xffff;
	v5 =	vor.u32 v1, v5  }
0x28e: {  	v5 =	vadd.s32 v3, v5  }
0x28f: {  	v6 =	vor.u32 v0, v5;
	_ =	sdelay $0x3  }
0x290: {  	[tilespmem:s17+$0xFFFFFFB0] =	vst v4  }
0x291: {  	v4 =	vld.idx.msk [tilespmem:v6+s1+$0x0], $0xffff;
	_ =	sdelay $0x1  }
0x292: {  	v5 =	vor.u32 v2, v5;
	_ =	sdelay $0x1  }
0x293: {  	s20 =	sadd.s32 $0xFFFFFFFC, s18  }
0x294: {  	v6 =	vmov s20  }
0x295: {  	[tilespmem:s17+$0xFFFFFFC0] =	vst v4;
	v4 =	vshll.u32 v6, $0x4  }
0x296: {  	v5 =	vld.idx.msk [tilespmem:v5+s1+$0x0], $0xffff;
	v4 =	vor.u32 v1, v4  }
0x297: {  	v4 =	vadd.s32 v3, v4  }
0x298: {  	v6 =	vor.u32 v0, v4;
	_ =	sdelay $0x3  }
0x299: {  	[tilespmem:s17+$0xFFFFFFD0] =	vst v5  }
0x29a: {  	v5 =	vld.idx.msk [tilespmem:v6+s1+$0x0], $0xffff;
	_ =	sdelay $0x1  }
0x29b: {  	v4 =	vor.u32 v2, v4;
	_ =	sdelay $0x1  }
0x29c: {  	s20 =	sadd.s32 $0xFFFFFFFD, s18  }
0x29d: {  	v6 =	vmov s20  }
0x29e: {  	[tilespmem:s17+$0xFFFFFFE0] =	vst v5;
	v5 =	vshll.u32 v6, $0x4  }
0x29f: {  	v4 =	vld.idx.msk [tilespmem:v4+s1+$0x0], $0xffff;
	v5 =	vor.u32 v1, v5  }
0x2a0: {  	v5 =	vadd.s32 v3, v5  }
0x2a1: {  	v6 =	vor.u32 v0, v5;
	_ =	sdelay $0x3  }
0x2a2: {  	[tilespmem:s17+$0xFFFFFFF0] =	vst v4  }
0x2a3: {  	v4 =	vld.idx.msk [tilespmem:v6+s1+$0x0], $0xffff;
	_ =	sdelay $0x1  }
0x2a4: {  	v5 =	vor.u32 v2, v5;
	_ =	sdelay $0x1  }
0x2a5: {  	s20 =	sadd.s32 $0xFFFFFFFE, s18  }
0x2a6: {  	v6 =	vmov s20  }
0x2a7: {  	[tilespmem:s17+$0x0] =	vst v4;
	v4 =	vshll.u32 v6, $0x4  }
0x2a8: {  	v5 =	vld.idx.msk [tilespmem:v5+s1+$0x0], $0xffff;
	v4 =	vor.u32 v1, v4  }
0x2a9: {  	v4 =	vadd.s32 v3, v4  }
0x2aa: {  	v6 =	vor.u32 v0, v4;
	_ =	sdelay $0x3  }
0x2ab: {  	[tilespmem:s17+$0x10] =	vst v5  }
0x2ac: {  	v5 =	vld.idx.msk [tilespmem:v6+s1+$0x0], $0xffff;
	_ =	sdelay $0x1  }
0x2ad: {  	v4 =	vor.u32 v2, v4;
	_ =	sdelay $0x1  }
0x2ae: {  	s20 =	sadd.s32 $0xFFFFFFFF, s18  }
0x2af: {  	v6 =	vmov s20  }
0x2b0: {  	[tilespmem:s17+$0x20] =	vst v5;
	v5 =	vshll.u32 v6, $0x4  }
0x2b1: {  	v4 =	vld.idx.msk [tilespmem:v4+s1+$0x0], $0xffff;
	v5 =	vor.u32 v1, v5  }
0x2b2: {  	v5 =	vadd.s32 v3, v5  }
0x2b3: {  	v6 =	vor.u32 v0, v5;
	_ =	sdelay $0x3  }
0x2b4: {  	[tilespmem:s17+$0x30] =	vst v4  }
0x2b5: {  	v4 =	vld.idx.msk [tilespmem:v6+s1+$0x0], $0xffff;
	_ =	sdelay $0x1  }
0x2b6: {  	v5 =	vor.u32 v2, v5;
	_ =	sdelay $0x2  }
0x2b7: {  	v6 =	vmov s18;
	s18 =	smov.u32 s19  }
0x2b8: {  	[tilespmem:s17+$0x40] =	vst v4;
	v4 =	vshll.u32 v6, $0x4  }
0x2b9: {  	v5 =	vld.idx.msk [tilespmem:v5+s1+$0x0], $0xffff;
	v4 =	vor.u32 v1, v4  }
0x2ba: {  	v4 =	vadd.s32 v3, v4  }
0x2bb: {  	v6 =	vor.u32 v0, v4;
	_ =	sdelay $0x3  }
0x2bc: {  	[tilespmem:s17+$0x50] =	vst v5  }
.Ltmp21:
0x2bd: {  	v5 =	vld.idx.msk [tilespmem:v6+s1+$0x0], $0xffff;
	(pc) =	sbr.rel @p0 .LBB2_25-.Ltmp21, $3  }
0x2be: {  	_ = 	snop  }
0x2bf: {  	v4 =	vor.u32 v2, v4;
	_ =	sdelay $0x1  }
0x2c0: {  	s19 =	sadd.s32 $0x10, s19;
	s20 =	sadd.s32 $0xFFFFFFF9, s18  }
0x2c1: {  	_ = 	snop  }
0x2c2: {  	v6 =	vmov s20  }
0x2c3: {  	v6 =	vshll.u32 v6, $0x4  }
0x2c4: {  	[tilespmem:s17+$0x60] =	vst v5;
	v42 =	vor.u32 v1, v6  }
0x2c5: {  	v4 =	vld.idx.msk [tilespmem:v4+s1+$0x0], $0xffff;
	v5 =	vadd.s32 v3, v42  }
0x2c6: {  	v43 =	vor.u32 v0, v5;
	_ =	sdelay $0x3  }
0x2c7: {  	[tilespmem:s17+$0x70] =	vst v4  }
0x2c8: {  	v4 =	vld.idx.msk [tilespmem:v43+s1+$0x0], $0xffff  }
0x2c9: {  	v5 =	vor.u32 v2, v5  }
0x2ca: {  	s19 =	sadd.s32 $0xFFFFFFFA, s18  }
0x2cb: {  	v44 =	vmov s19  }
0x2cc: {  	s23 =	sadd.s32 $0x100, s17;
	v6 =	vshll.u32 v44, $0x4  }
0x2cd: {  	v45 =	vor.u32 v1, v6;
	[tilespmem:s23+$0xFFFFFF80] =	vst v4  }
0x2ce: {  	v4 =	vadd.s32 v3, v45;
	v5 =	vld.idx.msk [tilespmem:v5+s1+$0x0], $0xffff  }
0x2cf: {  	v46 =	vor.u32 v0, v4;
	_ =	sdelay $0x3  }
0x2d0: {  	[tilespmem:s23+$0xFFFFFF90] =	vst v5  }
0x2d1: {  	v5 =	vld.idx.msk [tilespmem:v46+s1+$0x0], $0xffff  }
0x2d2: {  	v4 =	vor.u32 v2, v4  }
0x2d3: {  	s24 =	sadd.s32 $0xFFFFFFFB, s18  }
0x2d4: {  	v47 =	vmov s24  }
0x2d5: {  	v6 =	vshll.u32 v47, $0x4  }
0x2d6: {  	v48 =	vor.u32 v1, v6;
	[tilespmem:s23+$0xFFFFFFA0] =	vst v5  }
0x2d7: {  	v5 =	vadd.s32 v3, v48;
	v4 =	vld.idx.msk [tilespmem:v4+s1+$0x0], $0xffff  }
0x2d8: {  	v49 =	vor.u32 v0, v5;
	_ =	sdelay $0x3  }
0x2d9: {  	[tilespmem:s23+$0xFFFFFFB0] =	vst v4  }
0x2da: {  	v4 =	vld.idx.msk [tilespmem:v49+s1+$0x0], $0xffff  }
0x2db: {  	v5 =	vor.u32 v2, v5  }
0x2dc: {  	s25 =	sadd.s32 $0xFFFFFFFC, s18  }
0x2dd: {  	v50 =	vmov s25  }
0x2de: {  	v6 =	vshll.u32 v50, $0x4  }
0x2df: {  	v51 =	vor.u32 v1, v6;
	[tilespmem:s23+$0xFFFFFFC0] =	vst v4  }
0x2e0: {  	v4 =	vadd.s32 v3, v51;
	v5 =	vld.idx.msk [tilespmem:v5+s1+$0x0], $0xffff  }
0x2e1: {  	v52 =	vor.u32 v0, v4;
	_ =	sdelay $0x3  }
0x2e2: {  	[tilespmem:s23+$0xFFFFFFD0] =	vst v5  }
0x2e3: {  	v5 =	vld.idx.msk [tilespmem:v52+s1+$0x0], $0xffff  }
0x2e4: {  	v4 =	vor.u32 v2, v4  }
0x2e5: {  	s26 =	sadd.s32 $0xFFFFFFFD, s18  }
0x2e6: {  	v53 =	vmov s26  }
0x2e7: {  	v6 =	vshll.u32 v53, $0x4  }
0x2e8: {  	v54 =	vor.u32 v1, v6;
	[tilespmem:s23+$0xFFFFFFE0] =	vst v5  }
0x2e9: {  	v5 =	vadd.s32 v3, v54;
	v4 =	vld.idx.msk [tilespmem:v4+s1+$0x0], $0xffff  }
0x2ea: {  	v55 =	vor.u32 v0, v5;
	_ =	sdelay $0x3  }
0x2eb: {  	[tilespmem:s23+$0xFFFFFFF0] =	vst v4  }
0x2ec: {  	v4 =	vld.idx.msk [tilespmem:v55+s1+$0x0], $0xffff  }
0x2ed: {  	v5 =	vor.u32 v2, v5  }
0x2ee: {  	s28 =	sadd.s32 $0xFFFFFFFE, s18  }
0x2ef: {  	v56 =	vmov s28  }
0x2f0: {  	v6 =	vshll.u32 v56, $0x4  }
0x2f1: {  	v57 =	vor.u32 v1, v6;
	[tilespmem:s23+$0x0] =	vst v4  }
0x2f2: {  	v4 =	vadd.s32 v3, v57;
	v5 =	vld.idx.msk [tilespmem:v5+s1+$0x0], $0xffff  }
0x2f3: {  	v58 =	vor.u32 v0, v4;
	_ =	sdelay $0x3  }
0x2f4: {  	[tilespmem:s23+$0x10] =	vst v5  }
0x2f5: {  	v5 =	vld.idx.msk [tilespmem:v58+s1+$0x0], $0xffff  }
0x2f6: {  	v4 =	vor.u32 v2, v4  }
0x2f7: {  	s29 =	sadd.s32 $0xFFFFFFFF, s18  }
0x2f8: {  	v59 =	vmov s29  }
0x2f9: {  	v6 =	vshll.u32 v59, $0x4  }
0x2fa: {  	v60 =	vor.u32 v1, v6;
	[tilespmem:s23+$0x20] =	vst v5  }
0x2fb: {  	v5 =	vadd.s32 v3, v60;
	v4 =	vld.idx.msk [tilespmem:v4+s1+$0x0], $0xffff  }
0x2fc: {  	v61 =	vor.u32 v0, v5;
	_ =	sdelay $0x3  }
0x2fd: {  	[tilespmem:s23+$0x30] =	vst v4  }
0x2fe: {  	v4 =	vld.idx.msk [tilespmem:v61+s1+$0x0], $0xffff  }
0x2ff: {  	v5 =	vor.u32 v2, v5;
	_ =	sdelay $0x1  }
0x300: {  	v62 =	vmov s18  }
0x301: {  	v6 =	vshll.u32 v62, $0x4  }
0x302: {  	v63 =	vor.u32 v1, v6;
	[tilespmem:s23+$0x40] =	vst v4  }
0x303: {  	v3 =	vadd.s32 v3, v63;
	v5 =	vld.idx.msk [tilespmem:v5+s1+$0x0], $0xffff  }
0x304: {  	v4 =	vor.u32 v0, v3;
	_ =	sdelay $0x3  }
0x305: {  	[tilespmem:s23+$0x50] =	vst v5  }
0x306: {  	v4 =	vld.idx.msk [tilespmem:v4+s1+$0x0], $0xffff  }
0x307: {  	v3 =	vor.u32 v2, v3;
	_ =	sdelay $0x3  }
0x308: {  	[tilespmem:s23+$0x60] =	vst v4  }
0x309: {  	v3 =	vld.idx.msk [tilespmem:v3+s1+$0x0], $0xffff;
	_ =	sdelay $0x1  }
.Ltmp22:
0x30a: {  	s30 =	sshll.u32 s14, $0xE;
	(pc) =	sbr.rel .LBB2_27-.Ltmp22, $4  }
0x30b: {  	s18 =	sadd.s32 s30, s7  }
0x30c: {  	s18 =	sshrl.u32 s18, $0x3  }
0x30d: {  	s15 =	sadd.s32 $0x3, s15;
	s31 =	sadd.s32 s5, s18;
	[tilespmem:s23+$0x70] =	vst v3  }
0x30e: {  	[hbm4b:s31+s1] =	stream.linear.scatter [tilespmem:s16], [sflag:s15], $0x4000, $0x38;
	[tilespmem:$0x10000] =	vst v63  }
.LBB2_29:
0x30f: {  	_ =	sfence.sel $0x180000  }
0x310: {  	[bflag:$0x0] =	sbarrier.arrive $0xFFFF  }
0x311: {  	p0 =	sne.s32 s2, $0x0;
	_ =	strace $0x90000047  }
0x312: {  	s0 =	sadd.s32 @!p0 $0x100000, s0;
	[bflag:$0x2] =	sbarrier.arrive $0xFFFF  }
0x313: {  	[sflag:s0] =	ssyncadd.tile.s32 @!p0 $0x1;
	_ =	shalt  }
.Lfunc_end2:
_tile_overlayer_lowered:
.L_overlay_start_2:
0x314: {  	(tag) =	ssettag $0x2  }
0x315: {  	s0 =	rddreg [dreg:$0x0];
	s2 =	stileid.u32  }
0x316: {  	s1 =	rddreg [dreg:$0x1];
	p0 =	sne.s32 s2, $0x0  }
0x317: {  	s3 =	rddreg [dreg:$0x2];
	[bflag:$0x3] =	sbarrier.arrive $0xFFFF;
	s2 =	simm.s32 @!p0 $0x1C05  }
0x318: {  	[timem:s3], [sflag:s2] =	dma.local @!p0 [hbm:s0], s1  }
0x319: {  	s0 =	simm.s32 @!p0 $0x5  }
0x31a: {  	_ =	swait.ge @!p0 [sflag:s0], s1  }
0x31b: {  	s1 =	ssub.s32 @!p0 $0x0, s1;
	[sflag:s0] =	ssyncset.done @!p0 $0x0  }
0x31c: {  	[sflag:s0] =	ssyncadd.s32 @!p0 s1  }
0x31d: {  	[bflag:$0x3] =	sbarrier.arrive $0xFFFF  }
0x31e: {  	_ =	shalt  }

// kernel: kernel.8.cloned.1.call-start
scs
__scs_entry_jumppad:
0x0: {  	(pc) =	sbr.rel $0x88, $3  }
0x1: {  	(tag) =	ssettag $0x0;
	lr =	simm.s32 $0x1  }
0x2: {  	[smem:$0x3F98] =	sst lr;
	_ =	strace $0xD0000000  }
0x3: {  	_ = 	snop  }
0x4: {  	_ = 	snop  }
0x5: {  	_ = 	snop  }
0x6: {  	_ = 	snop  }
0x7: {  	_ = 	snop  }
__scs_overlays_trampoline_lowered:
0x8: {  	[smem:$0x3FA7] =	sst s0  }
0x9: {  	[smem:$0x3FA8] =	sst s1  }
0xa: {  	[smem:$0x3FA9] =	sst s2  }
0xb: {  	[smem:$0x3FAA] =	sst s3  }
0xc: {  	[smem:$0x3FAB] =	sst s4  }
0xd: {  	[smem:$0x3FAC] =	sst s5  }
0xe: {  	[smem:$0x3FAD] =	sst s6  }
0xf: {  	[smem:$0x3FAE] =	sst s7  }
0x10: {  	[smem:$0x3FAF] =	sst s8  }
0x11: {  	[smem:$0x3FB0] =	sst s9;
	s0 =	simm.s32 @!p0 $0x0  }
0x12: {  	s1 =	sld [smem:$0x3F96];
	s0 =	simm.s32 @p0 $0x1  }
0x13: {  	[smem:$0x3FB1] =	sst s0;
	s0 =	simm.s32 @!p1 $0x0  }
0x14: {  	s2 =	sld [smem:$0x3F95];
	s0 =	simm.s32 @p1 $0x1  }
0x15: {  	[smem:$0x3FB2] =	sst s0;
	s0 =	simm.s32 @!p2 $0x0  }
0x16: {  	s3 =	sld [smem:$0x3FDB];
	s0 =	simm.s32 @p2 $0x1  }
0x17: {  	s4 =	simm.s32 $0x1BF5;
	[smem:$0x3FB4] =	sst s0  }
0x18: {  	s0 =	sld [smem:$0x3F97];
	_ =	swait.ge [sflag:s4], $0x0  }
0x19: {  	s7 =	sld [smem:$0x3F98]  }
0x1a: {  	s8 =	sadd.s32 $0xFFFFE003, lr  }
0x1b: {  	s9 =	sadd.s32 $0xFFFFFEF7, lr;
	s5 =	simm.s32 $0xFFFFFFFF;
	p2 =	slt.u32 s8, $0xFFFFF086  }
0x1c: {  	p1 =	slt.u32 s9, $0xF7A;
	s5 =	simm.s32 @!p2 $0x0  }
0x1d: {  	s5 =	simm.s32 @p1 $0x1;
	p0 =	seq.s32 s7, s2  }
0x1e: {  	s7 =	smul.u32 @!p0 $0xF7A, s2;
	p2 =	seq.s32 @!p0 s5, $0x0  }
0x1f: {  	s9 =	smul.u32 $0xF7A, s1;
	s8 =	simm.s32 @!p0 $0x1BF5;
	p2 =	por !p2, p0  }
0x20: {  	[sflag:s8] =	ssyncset.s32 @!p0 $0xFFFFF086;
	s6 =	sadd.s32 @!p0 s3, s7;
	s7 =	simm.s32 @!p0 $0x108  }
0x21: {  	s3 =	sadd.s32 s3, s9;
	s6 =	sadd.s32 @!p0 $0x88, s6;
	s7 =	simm.s32 @p2 $0x1082  }
0x22: {  	[simem:s7], [sflag:s8] =	dma.local @!p0 [hbm:s6], $0xF7A  }
0x23: {  	s9 =	sor.u32 $0xD0000000, s2;
	s6 =	simm.s32 $0x108;
	_ =	swait.ge @!p0 [sflag:s8], $0x0  }
0x24: {  	s3 =	sadd.s32 $0x88, s3;
	s6 =	simm.s32 @!p1 $0x1082;
	[sflag:s4] =	ssyncset.s32 $0xFFFFF086  }
0x25: {  	[simem:s6], [sflag:s4] =	dma.local [hbm:s3], $0xF7A  }
0x26: {  	[smem:$0x3F98] =	sst s1;
	(tag) =	ssettag s2;
	_ =	strace s9  }
0x27: {  	s1 =	sld [smem:$0x3FA8]  }
0x28: {  	s2 =	sld [smem:$0x3FA9]  }
0x29: {  	s4 =	sld [smem:$0x3FAB]  }
0x2a: {  	p0 =	seq.s32 s5, $0x0;
	s5 =	sld [smem:$0x3FAC]  }
0x2b: {  	s6 =	sld [smem:$0x3FAD]  }
0x2c: {  	s7 =	sld [smem:$0x3FAE]  }
0x2d: {  	s3 =	simm.s32 $0x108;
	s8 =	sld [smem:$0x3FAF]  }
0x2e: {  	s3 =	simm.s32 @!p0 $0x1082;
	s9 =	sld [smem:$0x3FB0]  }
0x2f: {  	lr =	sadd.s32 s0, s3;
	s0 =	sld [smem:$0x3FA7]  }
0x30: {  	s3 =	sld [smem:$0x3FAA]  }
0x31: {  	[smem:$0x3FB3] =	sst s10  }
0x32: {  	s10 =	sld [smem:$0x3FB1];
	_ =	sdelay $0x3  }
0x33: {  	p0 =	seq.s32 s10, $0x1;
	s10 =	sld [smem:$0x3FB3];
	_ =	sdelay $0x3  }
0x34: {  	[smem:$0x3FB3] =	sst s10  }
0x35: {  	s10 =	sld [smem:$0x3FB2];
	_ =	sdelay $0x3  }
0x36: {  	p1 =	seq.s32 s10, $0x1;
	s10 =	sld [smem:$0x3FB3];
	_ =	sdelay $0x3  }
0x37: {  	[smem:$0x3FB3] =	sst s10  }
0x38: {  	s10 =	sld [smem:$0x3FB4]  }
0x39: {  	_ = 	snop;
	(pc) =	sbr.ind lr, $3  }
0x3a: {  	_ = 	snop  }
0x3b: {  	_ = 	snop  }
0x3c: {  	p2 =	seq.s32 s10, $0x1;
	s10 =	sld [smem:$0x3FB3]  }
0x3d: {  	_ =	shalt  }
0x3e: {  	_ =	shalt  }
0x3f: {  	_ =	shalt  }
0x40: {  	_ =	shalt  }
0x41: {  	_ =	shalt  }
0x42: {  	_ =	shalt  }
0x43: {  	_ =	shalt  }
0x44: {  	_ =	shalt  }
0x45: {  	_ =	shalt  }
0x46: {  	_ =	shalt  }
0x47: {  	_ =	shalt  }
0x48: {  	_ =	shalt  }
0x49: {  	_ =	shalt  }
0x4a: {  	_ =	shalt  }
0x4b: {  	_ =	shalt  }
0x4c: {  	_ =	shalt  }
0x4d: {  	_ =	shalt  }
0x4e: {  	_ =	shalt  }
0x4f: {  	_ =	shalt  }
0x50: {  	_ =	shalt  }
0x51: {  	_ =	shalt  }
0x52: {  	_ =	shalt  }
0x53: {  	_ =	shalt  }
0x54: {  	_ =	shalt  }
0x55: {  	_ =	shalt  }
0x56: {  	_ =	shalt  }
0x57: {  	_ =	shalt  }
0x58: {  	_ =	shalt  }
0x59: {  	_ =	shalt  }
0x5a: {  	_ =	shalt  }
0x5b: {  	_ =	shalt  }
0x5c: {  	_ =	shalt  }
0x5d: {  	_ =	shalt  }
0x5e: {  	_ =	shalt  }
0x5f: {  	_ =	shalt  }
0x60: {  	_ =	shalt  }
0x61: {  	_ =	shalt  }
0x62: {  	_ =	shalt  }
0x63: {  	_ =	shalt  }
0x64: {  	_ =	shalt  }
0x65: {  	_ =	shalt  }
0x66: {  	_ =	shalt  }
0x67: {  	_ =	shalt  }
0x68: {  	_ =	shalt  }
0x69: {  	_ =	shalt  }
0x6a: {  	_ =	shalt  }
0x6b: {  	_ =	shalt  }
0x6c: {  	_ =	shalt  }
0x6d: {  	_ =	shalt  }
0x6e: {  	_ =	shalt  }
0x6f: {  	_ =	shalt  }
0x70: {  	_ =	shalt  }
0x71: {  	_ =	shalt  }
0x72: {  	_ =	shalt  }
0x73: {  	_ =	shalt  }
0x74: {  	_ =	shalt  }
0x75: {  	_ =	shalt  }
0x76: {  	_ =	shalt  }
0x77: {  	_ =	shalt  }
0x78: {  	_ =	shalt  }
0x79: {  	_ =	shalt  }
0x7a: {  	_ =	shalt  }
0x7b: {  	_ =	shalt  }
0x7c: {  	_ =	shalt  }
0x7d: {  	_ =	shalt  }
0x7e: {  	_ =	shalt  }
0x7f: {  	_ =	shalt  }
0x80: {  	_ =	shalt  }
0x81: {  	_ =	shalt  }
0x82: {  	_ =	shalt  }
0x83: {  	_ =	shalt  }
0x84: {  	_ =	shalt  }
0x85: {  	_ =	shalt  }
0x86: {  	_ =	shalt  }
0x87: {  	_ =	shalt  }
.Lfunc_end0:
.L_simem_size_0:
called_computation.1_lowered:
.L_overlay_start_0:
0x88: {  	s2 =	sld [smem:$0x3FD9]  }
0x89: {  	s3 =	sld [smem:$0x3FFE];
	_ =	sdelay $0x1  }
0x8a: {  	s1 =	srdreg.scid  }
0x8b: {  	s0 =	sand.u32 $0x1, s1  }
0x8c: {  	s17 =	sshll.u32 s0, $0xA;
	s2 =	sadd.s32 s3, s2  }
0x8d: {  	s2 =	sadd.s32 s2, s17  }
0x8e: {  	[smem:$0x3FBF] =	sst s2  }
0x8f: {  	_ = 	snop  }
0x90: {  	s2 =	sld [smem:$0x3FD0];
	(tm) =	ssettm $0x1  }
0x91: {  	s18 =	sld [smem:$0x3FFB];
	_ =	sdelay $0x3  }
0x92: {  	_ =	strace s18  }
0x93: {  	s3 =	sld [smem:$0x3FFC];
	_ =	sdelay $0x3  }
0x94: {  	_ =	strace s3  }
0x95: {  	s3 =	sld [smem:$0x3FFD];
	_ =	sdelay $0x3  }
0x96: {  	_ =	strace s3  }
0x97: {  	_ =	strace $0x8FFFFFFF  }
0x98: {  	s19 =	sld [smem:$0x3FDB];
	_ =	sdelay $0x1  }
0x99: {  	s4 =	simm.s32 $_scs_section_size  }
0x9a: {  	s5 =	simm.s32 $_size__tile_overlayer_lowered;
	s6 =	simm.s32 $_tile_overlayer_lowered  }
0x9b: {  	s22 =	simm.s32 $0x1BFF;
	s21 =	sshll.u32 s6, $0x1;
	s3 =	sadd.s32 s4, s19  }
0x9c: {  	s7 =	simm.s32 $0x0;
	s20 =	sshll.u32 s5, $0x1;
	s5 =	sadd.s32 s21, s3  }
0x9d: {  	[timem:s7], [sflag:s22] =	dma.local [hbm:s5], s20  }
0x9e: {  	_ =	swait.ge [sflag:s22], s20  }
0x9f: {  	s4 =	ssub.s32 $0x0, s20;
	[sflag:s22] =	ssyncset.done $0x0  }
0xa0: {  	[sflag:s22] =	ssyncadd.s32 s4;
	_ =	sdelay $0x1  }
0xa1: {  	s23 =	simm.s32 $0x1B8B  }
0xa2: {  	_ =	swait.ge [sflag:s23], $0x1  }
0xa3: {  	[sflag:s23] =	ssyncset.done $0x0  }
0xa4: {  	s25 =	simm.s32 $0x1B8E;
	s24 =	sld [smem:$0x3FFE];
	[sflag:s23] =	ssyncadd.s32 $0xFFFFFFFF  }
0xa5: {  	s26 =	simm.s32 $execute0_lowered;
	[smem:$0x3FD2] =	sst s25  }
0xa6: {  	s5 =	sshll.u32 s26, $0x1;
	_ =	strace $0x80000049;
	[dreg:$0x1] =	wrdreg $0xFFFFFFFF  }
0xa7: {  	s28 =	simm.s32 $_size_execute0_lowered;
	s3 =	sadd.s32 s3, s5;
	[dreg:$0x0] =	wrdreg $0x0  }
0xa8: {  	s5 =	sshll.u32 s28, $0x1;
	[dreg:$0x2] =	wrdreg s3  }
0xa9: {  	[dreg:$0x3] =	wrdreg s5  }
0xaa: {  	[dreg:$0x4] =	wrdreg $0xC0  }
0xab: {  	_ =	task [dreg:s7], $0x5FFFF  }
0xac: {  	[dreg:$0x1] =	wrdreg $0xFFFFFFFF  }
0xad: {  	[dreg:$0x0] =	wrdreg $0x60  }
0xae: {  	[dreg:$0x2] =	wrdreg s2  }
0xaf: {  	[dreg:$0x3] =	wrdreg s24  }
0xb0: {  	[dreg:$0x4] =	wrdreg $0x9  }
0xb1: {  	_ =	task.clear_ibuf [dreg:s7], $0x5FFFF;
	_ =	strace $0x90000049  }
0xb2: {  	s29 =	simm.s32 $0x9;
	_ =	strace $0x8000004B  }
0xb3: {  	_ =	swait.ge [sflag:s29], $0x1  }
0xb4: {  	[sflag:s29] =	ssyncadd.s32 $0xFFFFFFFF  }
0xb5: {  	_ =	strace $0x9000004B  }
0xb6: {  	_ =	sfence  }
0xb7: {  	s30 =	sld [smem:$0x0];
	_ =	sdelay $0x2  }
0xb8: {  	s31 =	sshll.u32 s1, $0xD;
	s1 =	sshrl.u32 s1, $0x2  }
0xb9: {  	s3 =	sand.u32 $0x4000, s31;
	s1 =	sadd.s32 s1, s30  }
0xba: {  	s0 =	sor.u32 s3, s0;
	s1 =	sshll.u32 s1, $0x11  }
0xbb: {  	s0 =	sor.u32 s1, s0  }
0xbc: {  	s0 =	sadd.s32 $0x8F2B, s0  }
0xbd: {  	[sflag:s0] =	ssyncadd.remote.s32 $0x1  }
0xbe: {  	_ =	sfence.sel $0xFFFF  }
0xbf: {  	[dreg:$0x0] =	wrdreg $0xFFFFFFFF;
	(pc) =	sbr.abs _section_cstart, $3  }
0xc0: {  	[dreg:$0x1] =	wrdreg $0xFFFFFFFF  }
0xc1: {  	_ =	task.clear_ibuf [dreg:s7], $0x2FFFF;
	_ =	strace $0x9FFFFFFF  }
0xc2: {  	(tm) =	ssettm $0x7FFFFFFF  }
0xc3: {  	_ =	shalt  }
tec
execute0_lowered:
.L_overlay_start_1:
0x0: {  	(tag) =	ssettag $0x1  }
0x1: {  	v0 =	vlaneseq.u32  }
0x2: {  	v0 =	vmul.u32 $0x10, v0  }
0x3: {  	s1 =	rddreg [dreg:$0x0]  }
0x4: {  	s8 =	rddreg [dreg:$0x1];
	v1 =	vor.u32 $0x7C00, v0  }
0x5: {  	s0 =	rddreg [dreg:$0x2];
	s2 =	simm.s32 $0x0;
	s4 =	srdreg.scid;
	v2 =	vor.u32 $0x7800, v0;
	v3 =	vor.u32 $0x7400, v0;
	v4 =	vor.u32 $0x7000, v0  }
0x6: {  	s3 =	stileid.u32;
	s12 =	simm.s32 $0x10;
	s13 =	simm.s32 $0x2790;
	v5 =	vor.u32 $0x6C00, v0;
	v6 =	vor.u32 $0x6800, v0;
	v7 =	vor.u32 $0x6400, v0  }
0x7: {  	s14 =	simm.s32 $0x40;
	s15 =	simm.s32 $0x20000;
	s16 =	simm.s32 $0x12790;
	v8 =	vor.u32 $0x6000, v0;
	v9 =	vor.u32 $0x5C00, v0;
	v10 =	vor.u32 $0x5800, v0  }
0x8: {  	s17 =	simm.s32 $0x80;
	s18 =	simm.s32 $0x0;
	[smem:$0x7FF] =	sst s2;
	v11 =	vor.u32 $0x5400, v0;
	v12 =	vor.u32 $0x5000, v0;
	v13 =	vor.u32 $0x4C00, v0  }
0x9: {  	s7 =	sand.u32 $0x1, s4;
	s4 =	sadd.s32 $0x1A00, s8;
	s5 =	sadd.s32 $0x201A00, s8;
	v14 =	vor.u32 $0x4800, v0;
	v15 =	vor.u32 $0x4400, v0;
	v16 =	vor.u32 $0x4000, v0  }
.Ltmp0:
0xa: {  	s6 =	sshll.u32 s3, $0x1;
	_ =	strace $0x8000004A;
	v17 =	vor.u32 $0x3C00, v0;
	v18 =	vor.u32 $0x3800, v0;
	v19 =	vor.u32 $0x3400, v0;
	(pc) =	sbr.rel .LBB2_1-.Ltmp0, $4  }
0xb: {  	s9 =	sor.u32 s7, s6;
	s6 =	sadd.s32 $0x401A00, s8;
	s11 =	ssub.s32 $0x2, s7;
	v20 =	vor.u32 $0x3000, v0;
	v21 =	vor.u32 $0x2C00, v0;
	v22 =	vor.u32 $0x2800, v0  }
0xc: {  	s7 =	sadd.s32 $0x601A00, s8;
	s10 =	sshll.u32 s9, $0x9;
	s31 =	sshrl.u32 s11, $0x1;
	v23 =	vor.u32 $0x2400, v0;
	v24 =	vor.u32 $0x2000, v0;
	v25 =	vor.u32 $0x1C00, v0  }
0xd: {  	v26 =	vor.u32 $0x1800, v0;
	v27 =	vor.u32 $0x1400, v0;
	v28 =	vor.u32 $0x1000, v0;
	s10 =	sadd.s32 s10, s8;
	s11 =	ssub.s32 s11, s31;
	s8 =	smul.u32 $0xA000, s9  }
0xe: {  	v29 =	vor.u32 $0xC00, v0;
	v30 =	vor.u32 $0x800, v0;
	v31 =	vor.u32 $0x400, v0;
	s9 =	sadd.s32 $0x601C00, s10;
	s10 =	smax.u32 s11, $0x1;
	s11 =	simm.s32 $0x3  }
.LBB2_11:
0xf: {  	s18 =	sadd.s32 $0x1, s18  }
0x10: {  	p0 =	sne.s32 s18, s10  }
.Ltmp1:
0x11: {  	_ = 	snop;
	(pc) =	sbr.rel @!p0 .LBB2_12-.Ltmp1, $1  }
0x12: {  	_ =	sdelay $0x3  }
.LBB2_1:
.Ltmp2:
0x13: {  	(pc) =	sbr.rel .LBB2_2-.Ltmp2, $4  }
0x14: {  	[tilespmem:s2], [sflag:$0x3] =	stream.linear.gather [hbm4b:s7+s2], $0x10, $0x38;
	[tilespmem:$0x13F90] =	vst v63  }
0x15: {  	_ =	swait.ge [sflag:s11], $0x10  }
0x16: {  	[sflag:s11] =	ssyncset.done $0x0  }
0x17: {  	s19 =	simm.s32 $0x0;
	[sflag:s11] =	ssyncadd.s32 $0xFFFFFFF0  }
.LBB2_10:
0x18: {  	s20 =	sshll.u32 s19, $0x3;
	s19 =	sadd.s32 $0x1, s19  }
0x19: {  	p0 =	sne.s32 s19, $0x40  }
.Ltmp3:
0x1a: {  	s20 =	sadd.s32 s20, s9;
	(pc) =	sbr.rel @!p0 .LBB2_11-.Ltmp3, $4  }
0x1b: {  	[hbm4b:s20+s14] =	stream.strided.scatter [tilespmem:s16], [sflag:$0x3], $0x1800, s15, s14, $0x38;
	[tilespmem:$0x13F90] =	vst v63  }
0x1c: {  	_ =	swait.ge [sflag:s11], $0x1800  }
0x1d: {  	[sflag:s11] =	ssyncset.done $0x0  }
0x1e: {  	[sflag:s11] =	ssyncadd.s32 $0xFFFFE800  }
.LBB2_2:
0x1f: {  	s20 =	smul.u32 $0x280, s19;
	_ =	sdelay $0x1  }
0x20: {  	s20 =	sadd.s32 s8, s20  }
0x21: {  	s20 =	sshrl.u32 s20, $0x3  }
.Ltmp4:
0x22: {  	s21 =	sadd.s32 s1, s20;
	s20 =	simm.s32 $0x0;
	(pc) =	sbr.rel .LBB2_3-.Ltmp4, $4  }
0x23: {  	[tilespmem:s12], [sflag:$0x3] =	stream.linear.gather [hbm4b:s21+s20], $0x280, $0x38;
	[tilespmem:$0x13F90] =	vst v63  }
0x24: {  	_ =	swait.ge [sflag:s11], $0x280  }
0x25: {  	p0 =	por $0x0, $0x0;
	[sflag:s11] =	ssyncset.done $0x0  }
0x26: {  	p1 =	por $0x1, $0x1;
	s21 =	simm.s32 $0x12F50;
	[sflag:s11] =	ssyncadd.s32 $0xFFFFFD80  }
.LBB2_9:
0x27: {  	s20 =	sadd.s32 $0x1, s20  }
0x28: {  	p2 =	sne.s32 s20, $0x11  }
.Ltmp5:
0x29: {  	_ = 	snop;
	(pc) =	sbr.rel @!p2 .LBB2_10-.Ltmp5, $2  }
0x2a: {  	_ =	sdelay $0x2  }
0x2b: {  	p0 =	por !p0, !p0;
	s21 =	sadd.s32 $0x80, s21;
	p1 =	por !p1, !p1  }
.LBB2_3:
0x2c: {  	p2 =	seq.s32 s20, $0x10  }
.Ltmp6:
0x2d: {  	_ = 	snop;
	(pc) =	sbr.rel @p2 .LBB2_7-.Ltmp6, $2  }
0x2e: {  	_ =	sdelay $0x2  }
0x2f: {  	s22 =	sand.u32 $0x1, s20  }
0x30: {  	v32 =	vmov s20;
	_ =	sdelay $0x2  }
0x31: {  	s23 =	simm.s32 $0xFFFFFFC0  }
0x32: {  	v59 =	vld [tilespmem:s23+$0x50]  }
0x33: {  	v35 =	vld.idx.msk [tilespmem:v32+s2+$0x0], $0xffff;
	_ =	sdelay $0x2  }
0x34: {  	s24 =	simm.s32 $0x1  }
0x35: {  	s24 =	simm.s32 @!p0 $0x0  }
0x36: {  	s25 =	smul.u32 $0xA00, s24;
	v32 =	vmul.f32 v59, v35;
	_ =	sdelay $0x1  }
0x37: {  	s25 =	sshrl.u32 s25, $0x2;
	v33 =	vtrunc.f32 v32  }
0x38: {  	s25 =	sadd.s32 $0x4D0, s25;
	v37 =	vcvt.f32.s32 v33  }
0x39: {  	v36 =	vmov s25  }
0x3a: {  	v33 =	vcvt.s32.f32 v37;
	_ =	sdelay $0x1  }
0x3b: {  	v32 =	vsub.f32 v32, v33;
	_ =	sdelay $0x1  }
0x3c: {  	[tilespmem:v36+s23+$0xFFFFFE00 ss:$0x1] =	vst.idx.msk $0xffff, v32  }
0x3d: {  	v32 =	vld [tilespmem:s23+$0x90];
	_ =	sdelay $0x4  }
0x3e: {  	v32 =	vmul.f32 v32, v35;
	_ =	sdelay $0x1  }
0x3f: {  	v60 =	vtrunc.f32 v32  }
0x40: {  	v38 =	vcvt.f32.s32 v60;
	_ =	sdelay $0x1  }
0x41: {  	v33 =	vcvt.s32.f32 v38;
	_ =	sdelay $0x1  }
0x42: {  	v32 =	vsub.f32 v32, v33;
	_ =	sdelay $0x1  }
0x43: {  	[tilespmem:v36+s23+$0xFFFFFE40 ss:$0x1] =	vst.idx.msk $0xffff, v32  }
0x44: {  	v32 =	vld [tilespmem:s23+$0xD0];
	_ =	sdelay $0x4  }
0x45: {  	v39 =	vmul.f32 v32, v35;
	_ =	sdelay $0x1  }
0x46: {  	s24 =	sshll.u32 s24, $0xB;
	v32 =	vtrunc.f32 v39  }
0x47: {  	s31 =	sadd.s32 $0xB90, s24;
	v38 =	vmul.u32 $0x9E3779B1, v38;
	v40 =	vcvt.f32.s32 v32  }
0x48: {  	s26 =	sshll.u32 s20, $0x10;
	v34 =	vmov s31;
	v41 =	vadd.s32 $0x1, v37  }
0x49: {  	v33 =	vmov s26;
	v43 =	vadd.s32 $0x9E3779B1, v38;
	v42 =	vmul.u32 $0x30025795, v40  }
0x4a: {  	s24 =	sadd.s32 $0x1B90, s24;
	v44 =	vxor.u32 v37, v38;
	v38 =	vxor.u32 v41, v38;
	v40 =	vcvt.s32.f32 v40  }
0x4b: {  	v45 =	vxor.u32 v41, v43;
	v32 =	vmov s24;
	v61 =	vxor.u32 v44, v42  }
0x4c: {  	v39 =	vsub.f32 v39, v40;
	v40 =	vadd.s32 $0x30025795, v42;
	v46 =	vshrl.u32 v61, $0x3  }
0x4d: {  	v37 =	vxor.u32 v37, v43;
	v44 =	vxor.u32 v44, v40;
	v62 =	vand.u32 $0xFFFF, v46  }
0x4e: {  	v43 =	vshll.u32 v61, $0x1;
	[tilespmem:v36+s23+$0xFFFFFE80 ss:$0x1] =	vst.idx.msk $0xffff, v39;
	v48 =	vshrl.u32 v44, $0x3;
	v63 =	vor.u32 v33, v62  }
0x4f: {  	v49 =	vxor.u32 v42, v37;
	v43 =	vand.u32 $0xE, v43;
	v50 =	vand.u32 $0xFFFF, v48;
	[tilespmem:v34+s23+$0xFFFFFC40 ss:$0x1] =	vst.idx.msk $0xffff, v63  }
0x50: {  	v51 =	vshrl.u32 v49, $0x3;
	v44 =	vshll.u32 v44, $0x1;
	v39 =	vor.u32 v33, v50;
	[tilespmem:v32+s23+$0xFFFFFC40 ss:$0x1] =	vst.idx.msk $0xffff, v43  }
0x51: {  	v37 =	vxor.u32 v37, v40;
	v41 =	vand.u32 $0xFFFF, v51;
	v52 =	vand.u32 $0xE, v44;
	[tilespmem:v34+s23+$0xFFFFFC80 ss:$0x1] =	vst.idx.msk $0xffff, v39  }
0x52: {  	v54 =	vshll.u32 v49, $0x1;
	v53 =	vshrl.u32 v37, $0x3;
	v41 =	vor.u32 v33, v41;
	[tilespmem:v32+s23+$0xFFFFFC80 ss:$0x1] =	vst.idx.msk $0xffff, v52  }
0x53: {  	v55 =	vxor.u32 v38, v42;
	v56 =	vand.u32 $0xE, v54;
	v39 =	vand.u32 $0xFFFF, v53;
	[tilespmem:v34+s23+$0xFFFFFCC0 ss:$0x1] =	vst.idx.msk $0xffff, v41  }
0x54: {  	v57 =	vshrl.u32 v55, $0x3;
	v37 =	vshll.u32 v37, $0x1;
	v39 =	vor.u32 v33, v39;
	[tilespmem:v32+s23+$0xFFFFFCC0 ss:$0x1] =	vst.idx.msk $0xffff, v56  }
0x55: {  	v38 =	vxor.u32 v38, v40;
	v58 =	vand.u32 $0xFFFF, v57;
	v37 =	vand.u32 $0xE, v37;
	[tilespmem:v34+s23+$0xFFFFFD00 ss:$0x1] =	vst.idx.msk $0xffff, v39  }
0x56: {  	v59 =	vshrl.u32 v38, $0x3;
	v60 =	vor.u32 v33, v58;
	v43 =	vshll.u32 v55, $0x1;
	[tilespmem:v32+s23+$0xFFFFFD00 ss:$0x1] =	vst.idx.msk $0xffff, v37  }
0x57: {  	v61 =	vxor.u32 v42, v45;
	v62 =	vand.u32 $0xE, v43;
	v39 =	vand.u32 $0xFFFF, v59;
	[tilespmem:v34+s23+$0xFFFFFD40 ss:$0x1] =	vst.idx.msk $0xffff, v60  }
0x58: {  	v38 =	vshll.u32 v38, $0x1;
	v42 =	vshrl.u32 v61, $0x3;
	v63 =	vor.u32 v33, v39;
	[tilespmem:v32+s23+$0xFFFFFD40 ss:$0x1] =	vst.idx.msk $0xffff, v62  }
0x59: {  	v40 =	vxor.u32 v45, v40;
	v44 =	vand.u32 $0xFFFF, v42;
	v45 =	vand.u32 $0xE, v38;
	[tilespmem:v34+s23+$0xFFFFFD80 ss:$0x1] =	vst.idx.msk $0xffff, v63  }
0x5a: {  	v46 =	vshll.u32 v61, $0x1;
	v47 =	vshrl.u32 v40, $0x3;
	v48 =	vor.u32 v33, v44;
	[tilespmem:v32+s23+$0xFFFFFD80 ss:$0x1] =	vst.idx.msk $0xffff, v45  }
0x5b: {  	v49 =	vand.u32 $0xFFFF, v47;
	v50 =	vand.u32 $0xE, v46;
	[tilespmem:v34+s23+$0xFFFFFDC0 ss:$0x1] =	vst.idx.msk $0xffff, v48  }
0x5c: {  	v51 =	vshll.u32 v40, $0x1;
	v52 =	vor.u32 v33, v49;
	[tilespmem:v32+s23+$0xFFFFFDC0 ss:$0x1] =	vst.idx.msk $0xffff, v50  }
0x5d: {  	v53 =	vand.u32 $0xE, v51;
	[tilespmem:v34+s23+$0xFFFFFE00 ss:$0x1] =	vst.idx.msk $0xffff, v52  }
0x5e: {  	[tilespmem:v32+s23+$0xFFFFFE00 ss:$0x1] =	vst.idx.msk $0xffff, v53  }
0x5f: {  	v37 =	vld [tilespmem:s23+$0x110];
	_ =	sdelay $0x4  }
0x60: {  	v37 =	vmul.f32 v37, v35;
	_ =	sdelay $0x1  }
0x61: {  	v54 =	vtrunc.f32 v37  }
0x62: {  	v38 =	vcvt.f32.s32 v54;
	_ =	sdelay $0x1  }
0x63: {  	v55 =	vcvt.s32.f32 v38;
	_ =	sdelay $0x1  }
0x64: {  	v37 =	vsub.f32 v37, v55;
	_ =	sdelay $0x1  }
0x65: {  	[tilespmem:v36+s23+$0xFFFFFEC0 ss:$0x1] =	vst.idx.msk $0xffff, v37  }
0x66: {  	v37 =	vld [tilespmem:s23+$0x150];
	_ =	sdelay $0x4  }
0x67: {  	v37 =	vmul.f32 v37, v35;
	_ =	sdelay $0x1  }
0x68: {  	v56 =	vtrunc.f32 v37  }
0x69: {  	v39 =	vcvt.f32.s32 v56;
	_ =	sdelay $0x1  }
0x6a: {  	v57 =	vcvt.s32.f32 v39;
	_ =	sdelay $0x1  }
0x6b: {  	v37 =	vsub.f32 v37, v57;
	_ =	sdelay $0x1  }
0x6c: {  	[tilespmem:v36+s23+$0xFFFFFF00 ss:$0x1] =	vst.idx.msk $0xffff, v37  }
0x6d: {  	v37 =	vld [tilespmem:s23+$0x190];
	_ =	sdelay $0x4  }
0x6e: {  	v37 =	vmul.f32 v37, v35;
	_ =	sdelay $0x1  }
0x6f: {  	v58 =	vtrunc.f32 v37  }
0x70: {  	v40 =	vcvt.f32.s32 v58  }
0x71: {  	v39 =	vmul.u32 $0x9E3779B1, v39  }
0x72: {  	v60 =	vadd.s32 $0x1, v38;
	v42 =	vmul.u32 $0x30025795, v40  }
0x73: {  	v59 =	vadd.s32 $0x9E3779B1, v39;
	v61 =	vxor.u32 v38, v39;
	v40 =	vcvt.s32.f32 v40  }
0x74: {  	v39 =	vxor.u32 v60, v39;
	v45 =	vxor.u32 v60, v59;
	v62 =	vxor.u32 v61, v42  }
0x75: {  	v37 =	vsub.f32 v37, v40;
	v40 =	vadd.s32 $0x30025795, v42;
	v63 =	vshrl.u32 v62, $0x3  }
0x76: {  	v38 =	vxor.u32 v38, v59;
	v48 =	vxor.u32 v61, v40;
	v49 =	vand.u32 $0xFFFF, v63  }
0x77: {  	v41 =	vshll.u32 v62, $0x1;
	v50 =	vshrl.u32 v48, $0x3;
	[tilespmem:v36+s23+$0xFFFFFF40 ss:$0x1] =	vst.idx.msk $0xffff, v37;
	v51 =	vor.u32 v33, v49  }
0x78: {  	v53 =	vxor.u32 v42, v38;
	v54 =	vand.u32 $0xE, v41;
	v52 =	vand.u32 $0xFFFF, v50;
	[tilespmem:v34+s23+$0xFFFFFE40 ss:$0x1] =	vst.idx.msk $0xffff, v51  }
0x79: {  	v56 =	vshrl.u32 v53, $0x3;
	v55 =	vshll.u32 v48, $0x1;
	v57 =	vor.u32 v33, v52;
	[tilespmem:v32+s23+$0xFFFFFE40 ss:$0x1] =	vst.idx.msk $0xffff, v54  }
0x7a: {  	v38 =	vxor.u32 v38, v40;
	v43 =	vand.u32 $0xFFFF, v56;
	v58 =	vand.u32 $0xE, v55;
	[tilespmem:v34+s23+$0xFFFFFE80 ss:$0x1] =	vst.idx.msk $0xffff, v57  }
0x7b: {  	v59 =	vshll.u32 v53, $0x1;
	v60 =	vshrl.u32 v38, $0x3;
	v61 =	vor.u32 v33, v43;
	[tilespmem:v32+s23+$0xFFFFFE80 ss:$0x1] =	vst.idx.msk $0xffff, v58  }
0x7c: {  	v63 =	vxor.u32 v39, v42;
	v48 =	vand.u32 $0xE, v59;
	v62 =	vand.u32 $0xFFFF, v60;
	[tilespmem:v34+s23+$0xFFFFFEC0 ss:$0x1] =	vst.idx.msk $0xffff, v61  }
0x7d: {  	v38 =	vshll.u32 v38, $0x1;
	v49 =	vshrl.u32 v63, $0x3;
	v50 =	vor.u32 v33, v62;
	[tilespmem:v32+s23+$0xFFFFFEC0 ss:$0x1] =	vst.idx.msk $0xffff, v48  }
0x7e: {  	v39 =	vxor.u32 v39, v40;
	v41 =	vand.u32 $0xFFFF, v49;
	v51 =	vand.u32 $0xE, v38;
	[tilespmem:v34+s23+$0xFFFFFF00 ss:$0x1] =	vst.idx.msk $0xffff, v50  }
0x7f: {  	v53 =	vshll.u32 v63, $0x1;
	v52 =	vshrl.u32 v39, $0x3;
	v54 =	vor.u32 v33, v41;
	[tilespmem:v32+s23+$0xFFFFFF00 ss:$0x1] =	vst.idx.msk $0xffff, v51  }
0x80: {  	v55 =	vxor.u32 v42, v45;
	v56 =	vand.u32 $0xE, v53;
	v38 =	vand.u32 $0xFFFF, v52;
	[tilespmem:v34+s23+$0xFFFFFF40 ss:$0x1] =	vst.idx.msk $0xffff, v54  }
0x81: {  	v39 =	vshll.u32 v39, $0x1;
	v42 =	vshrl.u32 v55, $0x3;
	v57 =	vor.u32 v33, v38;
	[tilespmem:v32+s23+$0xFFFFFF40 ss:$0x1] =	vst.idx.msk $0xffff, v56  }
0x82: {  	v40 =	vxor.u32 v45, v40;
	v59 =	vand.u32 $0xE, v39;
	v58 =	vand.u32 $0xFFFF, v42;
	[tilespmem:v34+s23+$0xFFFFFF80 ss:$0x1] =	vst.idx.msk $0xffff, v57  }
0x83: {  	v60 =	vshll.u32 v55, $0x1;
	v61 =	vshrl.u32 v40, $0x3;
	v62 =	vor.u32 v33, v58;
	[tilespmem:v32+s23+$0xFFFFFF80 ss:$0x1] =	vst.idx.msk $0xffff, v59  }
0x84: {  	v42 =	vand.u32 $0xE, v60;
	v63 =	vand.u32 $0xFFFF, v61;
	[tilespmem:v34+s23+$0xFFFFFFC0 ss:$0x1] =	vst.idx.msk $0xffff, v62  }
0x85: {  	v43 =	vshll.u32 v40, $0x1;
	v44 =	vor.u32 v33, v63;
	[tilespmem:v32+s23+$0xFFFFFFC0 ss:$0x1] =	vst.idx.msk $0xffff, v42  }
0x86: {  	v45 =	vand.u32 $0xE, v43;
	[tilespmem:v34+s23+$0x0 ss:$0x1] =	vst.idx.msk $0xffff, v44  }
0x87: {  	[tilespmem:v32+s23+$0x0 ss:$0x1] =	vst.idx.msk $0xffff, v45  }
0x88: {  	v37 =	vld [tilespmem:s23+$0x1D0];
	_ =	sdelay $0x4  }
0x89: {  	v37 =	vmul.f32 v37, v35;
	_ =	sdelay $0x1  }
0x8a: {  	v46 =	vtrunc.f32 v37  }
0x8b: {  	v38 =	vcvt.f32.s32 v46;
	_ =	sdelay $0x1  }
0x8c: {  	v47 =	vcvt.s32.f32 v38;
	_ =	sdelay $0x1  }
0x8d: {  	v37 =	vsub.f32 v37, v47;
	_ =	sdelay $0x1  }
0x8e: {  	[tilespmem:v36+s23+$0xFFFFFF80 ss:$0x1] =	vst.idx.msk $0xffff, v37  }
0x8f: {  	v37 =	vld [tilespmem:s23+$0x210];
	_ =	sdelay $0x4  }
0x90: {  	v37 =	vmul.f32 v37, v35;
	_ =	sdelay $0x1  }
0x91: {  	v48 =	vtrunc.f32 v37  }
0x92: {  	v39 =	vcvt.f32.s32 v48;
	_ =	sdelay $0x1  }
0x93: {  	v49 =	vcvt.s32.f32 v39;
	_ =	sdelay $0x1  }
0x94: {  	v37 =	vsub.f32 v37, v49;
	_ =	sdelay $0x1  }
0x95: {  	[tilespmem:v36+s23+$0xFFFFFFC0 ss:$0x1] =	vst.idx.msk $0xffff, v37  }
0x96: {  	v37 =	vld [tilespmem:s23+$0x250];
	_ =	sdelay $0x4  }
0x97: {  	v37 =	vmul.f32 v37, v35;
	_ =	sdelay $0x1  }
0x98: {  	v50 =	vtrunc.f32 v37  }
0x99: {  	v40 =	vcvt.f32.s32 v50;
	_ =	sdelay $0x1  }
0x9a: {  	v51 =	vcvt.s32.f32 v40;
	_ =	sdelay $0x1  }
0x9b: {  	v37 =	vsub.f32 v37, v51;
	_ =	sdelay $0x1  }
0x9c: {  	[tilespmem:v36+s23+$0x0 ss:$0x1] =	vst.idx.msk $0xffff, v37  }
0x9d: {  	v37 =	vld [tilespmem:s23+$0x290];
	_ =	sdelay $0x2  }
0x9e: {  	v52 =	vmul.u32 $0x9E3779B1, v39;
	_ =	sdelay $0x1  }
0x9f: {  	v55 =	vadd.s32 $0x1, v38;
	v54 =	vadd.s32 $0x9E3779B1, v52;
	v56 =	vmul.f32 v37, v35  }
0xa0: {  	v60 =	vxor.u32 v55, v52;
	v58 =	vxor.u32 v55, v54;
	v53 =	vmul.u32 $0x30025795, v40  }
0xa1: {  	v47 =	vxor.u32 v38, v54;
	v38 =	vxor.u32 v38, v52;
	v59 =	vtrunc.f32 v56  }
0xa2: {  	v57 =	vadd.s32 $0x30025795, v53;
	v39 =	vxor.u32 v53, v58;
	v46 =	vcvt.f32.s32 v59  }
0xa3: {  	v41 =	vxor.u32 v60, v53;
	v49 =	vxor.u32 v38, v53;
	v42 =	vxor.u32 v53, v47  }
0xa4: {  	v43 =	vxor.u32 v60, v57;
	v48 =	vcvt.s32.f32 v46;
	v40 =	vmul.u32 $0xDB06C2F5, v46  }
0xa5: {  	v45 =	vxor.u32 v38, v57;
	v37 =	vxor.u32 v58, v57;
	v46 =	vxor.u32 v47, v57  }
0xa6: {  	v44 =	vsub.f32 v56, v48;
	v38 =	vadd.s32 $0xDB06C2F5, v40;
	v61 =	vxor.u32 v49, v40  }
0xa7: {  	v53 =	vxor.u32 v40, v45;
	v59 =	vxor.u32 v42, v40;
	v62 =	vshrl.u32 v61, $0x3  }
0xa8: {  	v47 =	vshll.u32 v61, $0x1;
	v49 =	vxor.u32 v49, v38;
	v48 =	vand.u32 $0xFFFF, v62  }
0xa9: {  	v55 =	vshrl.u32 v53, $0x3;
	v50 =	vshrl.u32 v49, $0x3;
	[tilespmem:v36+s23+$0x40 ss:$0x1] =	vst.idx.msk $0xffff, v44;
	v63 =	vor.u32 v33, v48  }
0xaa: {  	v45 =	vxor.u32 v45, v38;
	v54 =	vand.u32 $0xE, v47;
	v52 =	vand.u32 $0xFFFF, v50;
	[tilespmem:v34+s23+$0x40 ss:$0x1] =	vst.idx.msk $0xffff, v63  }
0xab: {  	v42 =	vxor.u32 v42, v38;
	v49 =	vshll.u32 v49, $0x1;
	v56 =	vor.u32 v33, v52;
	[tilespmem:v32+s23+$0x40 ss:$0x1] =	vst.idx.msk $0xffff, v54  }
0xac: {  	v47 =	vand.u32 $0xFFFF, v55;
	v58 =	vshrl.u32 v45, $0x3;
	v57 =	vand.u32 $0xE, v49;
	[tilespmem:v34+s23+$0x80 ss:$0x1] =	vst.idx.msk $0xffff, v56  }
0xad: {  	v62 =	vshrl.u32 v59, $0x3;
	v50 =	vshll.u32 v53, $0x1;
	v60 =	vor.u32 v33, v47;
	[tilespmem:v32+s23+$0x80 ss:$0x1] =	vst.idx.msk $0xffff, v57  }
0xae: {  	v55 =	vxor.u32 v40, v46;
	v61 =	vand.u32 $0xFFFF, v58;
	v63 =	vand.u32 $0xE, v50;
	[tilespmem:v34+s23+$0xC0 ss:$0x1] =	vst.idx.msk $0xffff, v60  }
0xaf: {  	v45 =	vshll.u32 v45, $0x1;
	v46 =	vxor.u32 v46, v38;
	v51 =	vor.u32 v33, v61;
	[tilespmem:v32+s23+$0xC0 ss:$0x1] =	vst.idx.msk $0xffff, v63  }
0xb0: {  	v48 =	vand.u32 $0xFFFF, v62;
	v49 =	vshll.u32 v59, $0x1;
	v52 =	vand.u32 $0xE, v45;
	[tilespmem:v34+s23+$0x100 ss:$0x1] =	vst.idx.msk $0xffff, v51  }
0xb1: {  	v53 =	vshrl.u32 v42, $0x3;
	v42 =	vshll.u32 v42, $0x1;
	v54 =	vor.u32 v33, v48;
	[tilespmem:v32+s23+$0x100 ss:$0x1] =	vst.idx.msk $0xffff, v52  }
0xb2: {  	v47 =	vshll.u32 v55, $0x1;
	v45 =	vand.u32 $0xFFFF, v53;
	v56 =	vand.u32 $0xE, v49;
	[tilespmem:v34+s23+$0x140 ss:$0x1] =	vst.idx.msk $0xffff, v54  }
0xb3: {  	v42 =	vand.u32 $0xE, v42;
	v58 =	vor.u32 v33, v45;
	v57 =	vshrl.u32 v55, $0x3;
	[tilespmem:v32+s23+$0x140 ss:$0x1] =	vst.idx.msk $0xffff, v56  }
0xb4: {  	v61 =	vxor.u32 v41, v40;
	v41 =	vxor.u32 v41, v38;
	v59 =	vand.u32 $0xFFFF, v57;
	[tilespmem:v34+s23+$0x180 ss:$0x1] =	vst.idx.msk $0xffff, v58  }
0xb5: {  	v60 =	vshrl.u32 v46, $0x3;
	v62 =	vor.u32 v33, v59;
	v63 =	vshrl.u32 v61, $0x3;
	[tilespmem:v32+s23+$0x180 ss:$0x1] =	vst.idx.msk $0xffff, v42  }
0xb6: {  	v49 =	vand.u32 $0xE, v47;
	v44 =	vand.u32 $0xFFFF, v60;
	v45 =	vand.u32 $0xFFFF, v63;
	[tilespmem:v34+s23+$0x1C0 ss:$0x1] =	vst.idx.msk $0xffff, v62  }
0xb7: {  	v50 =	vor.u32 v33, v44;
	v51 =	vshll.u32 v46, $0x1;
	v52 =	vshrl.u32 v41, $0x3;
	[tilespmem:v32+s23+$0x1C0 ss:$0x1] =	vst.idx.msk $0xffff, v49  }
0xb8: {  	v53 =	vand.u32 $0xE, v51;
	v55 =	vor.u32 v33, v45;
	v41 =	vshll.u32 v41, $0x1;
	[tilespmem:v34+s23+$0x200 ss:$0x1] =	vst.idx.msk $0xffff, v50  }
0xb9: {  	v54 =	vshll.u32 v61, $0x1;
	v46 =	vand.u32 $0xFFFF, v52;
	v60 =	vand.u32 $0xE, v41;
	[tilespmem:v32+s23+$0x200 ss:$0x1] =	vst.idx.msk $0xffff, v53  }
0xba: {  	v56 =	vxor.u32 v40, v43;
	v57 =	vand.u32 $0xE, v54;
	v59 =	vor.u32 v33, v46;
	[tilespmem:v34+s23+$0x240 ss:$0x1] =	vst.idx.msk $0xffff, v55  }
0xbb: {  	v43 =	vxor.u32 v43, v38;
	v58 =	vshrl.u32 v56, $0x3;
	v45 =	vshll.u32 v56, $0x1;
	[tilespmem:v32+s23+$0x240 ss:$0x1] =	vst.idx.msk $0xffff, v57  }
0xbc: {  	v61 =	vshrl.u32 v43, $0x3;
	v41 =	vshll.u32 v43, $0x1;
	v44 =	vand.u32 $0xFFFF, v58;
	[tilespmem:v34+s23+$0x280 ss:$0x1] =	vst.idx.msk $0xffff, v59  }
0xbd: {  	v63 =	vand.u32 $0xFFFF, v61;
	v42 =	vxor.u32 v39, v40;
	v62 =	vor.u32 v33, v44;
	[tilespmem:v32+s23+$0x280 ss:$0x1] =	vst.idx.msk $0xffff, v60  }
0xbe: {  	s24 =	simm.s32 $0xFFFFFF40;
	v45 =	vand.u32 $0xE, v45;
	v44 =	vor.u32 v33, v63;
	v43 =	vshrl.u32 v42, $0x3;
	[tilespmem:v34+s23+$0x2C0 ss:$0x1] =	vst.idx.msk $0xffff, v62  }
.LBB2_5:
0xbf: {  	p2 =	sne.s32 s24, $0xFFFFFFC0;
	[tilespmem:v32+s23+$0x2C0 ss:$0x1] =	vst.idx.msk $0xffff, v45;
	v42 =	vshll.u32 v42, $0x1;
	v39 =	vxor.u32 v39, v38;
	v40 =	vxor.u32 v40, v37;
	s25 =	smov.u32 s24;
	s24 =	sadd.s32 $0x40, s24  }
0xc0: {  	v41 =	vand.u32 $0xE, v41;
	v43 =	vand.u32 $0xFFFF, v43;
	s25 =	sshra.s32 s25, $0x2;
	[tilespmem:v34+s23+$0x300 ss:$0x1] =	vst.idx.msk $0xffff, v44;
	v44 =	vshrl.u32 v39, $0x3  }
0xc1: {  	v39 =	vshll.u32 v39, $0x1;
	[tilespmem:v32+s23+$0x300 ss:$0x1] =	vst.idx.msk $0xffff, v41;
	v41 =	vor.u32 v33, v43;
	v43 =	vand.u32 $0xFFFF, v44  }
0xc2: {  	[tilespmem:v34+s23+$0x340 ss:$0x1] =	vst.idx.msk $0xffff, v41;
	v41 =	vand.u32 $0xE, v42;
	v42 =	vshrl.u32 v40, $0x3;
	v40 =	vshll.u32 v40, $0x1  }
0xc3: {  	v37 =	vxor.u32 v37, v38;
	[tilespmem:v32+s23+$0x340 ss:$0x1] =	vst.idx.msk $0xffff, v41;
	v41 =	vor.u32 v33, v43;
	v42 =	vand.u32 $0xFFFF, v42  }
0xc4: {  	v38 =	vand.u32 $0xE, v39;
	v39 =	vshrl.u32 v37, $0x3;
	v37 =	vshll.u32 v37, $0x1;
	[tilespmem:v34+s23+$0x380 ss:$0x1] =	vst.idx.msk $0xffff, v41  }
0xc5: {  	v39 =	vand.u32 $0xFFFF, v39;
	[tilespmem:v32+s23+$0x380 ss:$0x1] =	vst.idx.msk $0xffff, v38;
	v38 =	vor.u32 v33, v42  }
0xc6: {  	[tilespmem:v34+s23+$0x3C0 ss:$0x1] =	vst.idx.msk $0xffff, v38;
	v38 =	vand.u32 $0xE, v40  }
0xc7: {  	[tilespmem:v32+s23+$0x3C0 ss:$0x1] =	vst.idx.msk $0xffff, v38;
	v38 =	vor.u32 v33, v39  }
0xc8: {  	v37 =	vand.u32 $0xE, v37;
	[tilespmem:v34+s23+$0x400 ss:$0x1] =	vst.idx.msk $0xffff, v38  }
0xc9: {  	[tilespmem:v32+s23+$0x400 ss:$0x1] =	vst.idx.msk $0xffff, v37;
	s23 =	smov.u32 s25  }
0xca: {  	v37 =	vld [tilespmem:s23+$0x50];
	_ =	sdelay $0x4  }
0xcb: {  	v37 =	vmul.f32 v37, v35;
	_ =	sdelay $0x1  }
0xcc: {  	v38 =	vtrunc.f32 v37  }
0xcd: {  	v38 =	vcvt.f32.s32 v38;
	_ =	sdelay $0x1  }
0xce: {  	v39 =	vcvt.s32.f32 v38;
	_ =	sdelay $0x1  }
0xcf: {  	v37 =	vsub.f32 v37, v39;
	_ =	sdelay $0x1  }
0xd0: {  	[tilespmem:v36+s23+$0xFFFFFE00 ss:$0x1] =	vst.idx.msk $0xffff, v37  }
0xd1: {  	v37 =	vld [tilespmem:s23+$0x90];
	_ =	sdelay $0x4  }
0xd2: {  	v37 =	vmul.f32 v37, v35;
	_ =	sdelay $0x1  }
0xd3: {  	v39 =	vtrunc.f32 v37  }
0xd4: {  	v39 =	vcvt.f32.s32 v39;
	_ =	sdelay $0x1  }
0xd5: {  	v40 =	vcvt.s32.f32 v39;
	_ =	sdelay $0x1  }
0xd6: {  	v37 =	vsub.f32 v37, v40  }
0xd7: {  	v39 =	vmul.u32 $0x9E3779B1, v39  }
0xd8: {  	[tilespmem:v36+s23+$0xFFFFFE40 ss:$0x1] =	vst.idx.msk $0xffff, v37  }
0xd9: {  	v40 =	vadd.s32 $0x9E3779B1, v39;
	v37 =	vadd.s32 $0x1, v38;
	v41 =	vld [tilespmem:s23+$0xD0]  }
0xda: {  	v42 =	vxor.u32 v37, v40  }
0xdb: {  	v43 =	vxor.u32 v38, v39;
	v38 =	vxor.u32 v38, v40  }
0xdc: {  	v37 =	vxor.u32 v37, v39;
	_ =	sdelay $0x1  }
0xdd: {  	v39 =	vmul.f32 v41, v35;
	_ =	sdelay $0x1  }
0xde: {  	v40 =	vtrunc.f32 v39  }
0xdf: {  	v40 =	vcvt.f32.s32 v40;
	_ =	sdelay $0x1  }
0xe0: {  	v41 =	vcvt.s32.f32 v40;
	v40 =	vmul.u32 $0x30025795, v40;
	_ =	sdelay $0x1  }
0xe1: {  	v39 =	vsub.f32 v39, v41;
	v41 =	vxor.u32 v43, v40;
	v44 =	vxor.u32 v40, v38  }
0xe2: {  	v45 =	vadd.s32 $0x30025795, v40;
	v46 =	vshrl.u32 v41, $0x3;
	v41 =	vshll.u32 v41, $0x1  }
0xe3: {  	v43 =	vxor.u32 v43, v45;
	v38 =	vxor.u32 v38, v45;
	[tilespmem:v36+s23+$0xFFFFFE80 ss:$0x1] =	vst.idx.msk $0xffff, v39;
	v39 =	vand.u32 $0xFFFF, v46  }
0xe4: {  	v48 =	vxor.u32 v40, v42;
	v46 =	vshrl.u32 v44, $0x3;
	v47 =	vshrl.u32 v38, $0x3  }
0xe5: {  	v41 =	vand.u32 $0xE, v41;
	v49 =	vshrl.u32 v43, $0x3;
	v39 =	vor.u32 v33, v39  }
0xe6: {  	v43 =	vshll.u32 v43, $0x1;
	v47 =	vand.u32 $0xFFFF, v47;
	[tilespmem:v34+s23+$0xFFFFFC40 ss:$0x1] =	vst.idx.msk $0xffff, v39;
	v39 =	vand.u32 $0xFFFF, v49  }
0xe7: {  	[tilespmem:v32+s23+$0xFFFFFC40 ss:$0x1] =	vst.idx.msk $0xffff, v41;
	v39 =	vor.u32 v33, v39;
	v41 =	vand.u32 $0xE, v43;
	v43 =	vand.u32 $0xFFFF, v46  }
0xe8: {  	v40 =	vxor.u32 v37, v40;
	v38 =	vshll.u32 v38, $0x1;
	[tilespmem:v34+s23+$0xFFFFFC80 ss:$0x1] =	vst.idx.msk $0xffff, v39;
	v39 =	vshll.u32 v44, $0x1  }
0xe9: {  	v37 =	vxor.u32 v37, v45;
	[tilespmem:v32+s23+$0xFFFFFC80 ss:$0x1] =	vst.idx.msk $0xffff, v41;
	v41 =	vor.u32 v33, v43;
	v43 =	vshrl.u32 v40, $0x3  }
0xea: {  	v39 =	vand.u32 $0xE, v39;
	[tilespmem:v34+s23+$0xFFFFFCC0 ss:$0x1] =	vst.idx.msk $0xffff, v41;
	v41 =	vand.u32 $0xFFFF, v43;
	v43 =	vshrl.u32 v37, $0x3  }
0xeb: {  	v40 =	vshll.u32 v40, $0x1;
	[tilespmem:v32+s23+$0xFFFFFCC0 ss:$0x1] =	vst.idx.msk $0xffff, v39;
	v39 =	vor.u32 v33, v47;
	v43 =	vand.u32 $0xFFFF, v43  }
0xec: {  	v38 =	vand.u32 $0xE, v38;
	v37 =	vshll.u32 v37, $0x1;
	[tilespmem:v34+s23+$0xFFFFFD00 ss:$0x1] =	vst.idx.msk $0xffff, v39;
	v39 =	vshrl.u32 v48, $0x3  }
0xed: {  	[tilespmem:v32+s23+$0xFFFFFD00 ss:$0x1] =	vst.idx.msk $0xffff, v38;
	v38 =	vor.u32 v33, v41;
	v39 =	vand.u32 $0xFFFF, v39;
	v41 =	vshll.u32 v48, $0x1  }
0xee: {  	[tilespmem:v34+s23+$0xFFFFFD40 ss:$0x1] =	vst.idx.msk $0xffff, v38;
	v38 =	vand.u32 $0xE, v40;
	v40 =	vxor.u32 v42, v45  }
0xef: {  	[tilespmem:v32+s23+$0xFFFFFD40 ss:$0x1] =	vst.idx.msk $0xffff, v38;
	v38 =	vor.u32 v33, v43;
	v42 =	vshrl.u32 v40, $0x3;
	v40 =	vshll.u32 v40, $0x1  }
0xf0: {  	v37 =	vand.u32 $0xE, v37;
	[tilespmem:v34+s23+$0xFFFFFD80 ss:$0x1] =	vst.idx.msk $0xffff, v38;
	v38 =	vand.u32 $0xFFFF, v42  }
0xf1: {  	[tilespmem:v32+s23+$0xFFFFFD80 ss:$0x1] =	vst.idx.msk $0xffff, v37;
	v37 =	vor.u32 v33, v39  }
0xf2: {  	[tilespmem:v34+s23+$0xFFFFFDC0 ss:$0x1] =	vst.idx.msk $0xffff, v37;
	v37 =	vand.u32 $0xE, v41  }
0xf3: {  	[tilespmem:v32+s23+$0xFFFFFDC0 ss:$0x1] =	vst.idx.msk $0xffff, v37;
	v37 =	vor.u32 v33, v38  }
0xf4: {  	[tilespmem:v34+s23+$0xFFFFFE00 ss:$0x1] =	vst.idx.msk $0xffff, v37;
	v37 =	vand.u32 $0xE, v40  }
0xf5: {  	[tilespmem:v32+s23+$0xFFFFFE00 ss:$0x1] =	vst.idx.msk $0xffff, v37  }
0xf6: {  	v37 =	vld [tilespmem:s23+$0x110];
	_ =	sdelay $0x4  }
0xf7: {  	v37 =	vmul.f32 v37, v35;
	_ =	sdelay $0x1  }
0xf8: {  	v38 =	vtrunc.f32 v37  }
0xf9: {  	v38 =	vcvt.f32.s32 v38;
	_ =	sdelay $0x1  }
0xfa: {  	v39 =	vcvt.s32.f32 v38;
	_ =	sdelay $0x1  }
0xfb: {  	v37 =	vsub.f32 v37, v39;
	_ =	sdelay $0x1  }
0xfc: {  	[tilespmem:v36+s23+$0xFFFFFEC0 ss:$0x1] =	vst.idx.msk $0xffff, v37  }
0xfd: {  	v37 =	vld [tilespmem:s23+$0x150];
	_ =	sdelay $0x4  }
0xfe: {  	v37 =	vmul.f32 v37, v35;
	_ =	sdelay $0x1  }
0xff: {  	v39 =	vtrunc.f32 v37  }
0x100: {  	v39 =	vcvt.f32.s32 v39;
	_ =	sdelay $0x1  }
0x101: {  	v40 =	vcvt.s32.f32 v39;
	v39 =	vmul.u32 $0x9E3779B1, v39;
	_ =	sdelay $0x1  }
0x102: {  	v37 =	vsub.f32 v37, v40;
	v40 =	vadd.s32 $0x9E3779B1, v39;
	_ =	sdelay $0x1  }
0x103: {  	[tilespmem:v36+s23+$0xFFFFFF00 ss:$0x1] =	vst.idx.msk $0xffff, v37  }
0x104: {  	v37 =	vld [tilespmem:s23+$0x190];
	_ =	sdelay $0x4  }
0x105: {  	v37 =	vmul.f32 v37, v35;
	_ =	sdelay $0x1  }
0x106: {  	v41 =	vtrunc.f32 v37  }
0x107: {  	v41 =	vcvt.f32.s32 v41  }
0x108: {  	v42 =	vadd.s32 $0x1, v38  }
0x109: {  	v44 =	vxor.u32 v42, v40;
	v43 =	vcvt.s32.f32 v41;
	v41 =	vmul.u32 $0x30025795, v41  }
0x10a: {  	v45 =	vxor.u32 v38, v39;
	v39 =	vxor.u32 v42, v39;
	v38 =	vxor.u32 v38, v40  }
0x10b: {  	v37 =	vsub.f32 v37, v43;
	v40 =	vadd.s32 $0x30025795, v41;
	v42 =	vxor.u32 v45, v41  }
0x10c: {  	v43 =	vshrl.u32 v42, $0x3;
	v42 =	vshll.u32 v42, $0x1;
	v45 =	vxor.u32 v45, v40  }
0x10d: {  	v43 =	vand.u32 $0xFFFF, v43;
	v46 =	vshrl.u32 v45, $0x3;
	v45 =	vshll.u32 v45, $0x1  }
0x10e: {  	[tilespmem:v36+s23+$0xFFFFFF40 ss:$0x1] =	vst.idx.msk $0xffff, v37;
	v37 =	vor.u32 v33, v43;
	v43 =	vand.u32 $0xFFFF, v46;
	v46 =	vxor.u32 v41, v38  }
0x10f: {  	[tilespmem:v34+s23+$0xFFFFFE40 ss:$0x1] =	vst.idx.msk $0xffff, v37;
	v37 =	vand.u32 $0xE, v42;
	v42 =	vshrl.u32 v46, $0x3;
	v46 =	vshll.u32 v46, $0x1  }
0x110: {  	v38 =	vxor.u32 v38, v40;
	[tilespmem:v32+s23+$0xFFFFFE40 ss:$0x1] =	vst.idx.msk $0xffff, v37;
	v37 =	vor.u32 v33, v43;
	v42 =	vand.u32 $0xFFFF, v42  }
0x111: {  	v43 =	vshrl.u32 v38, $0x3;
	v38 =	vshll.u32 v38, $0x1;
	[tilespmem:v34+s23+$0xFFFFFE80 ss:$0x1] =	vst.idx.msk $0xffff, v37;
	v37 =	vand.u32 $0xE, v45  }
0x112: {  	[tilespmem:v32+s23+$0xFFFFFE80 ss:$0x1] =	vst.idx.msk $0xffff, v37;
	v37 =	vor.u32 v33, v42;
	v42 =	vand.u32 $0xFFFF, v43;
	v43 =	vxor.u32 v39, v41  }
0x113: {  	v39 =	vxor.u32 v39, v40;
	[tilespmem:v34+s23+$0xFFFFFEC0 ss:$0x1] =	vst.idx.msk $0xffff, v37;
	v37 =	vand.u32 $0xE, v46;
	v45 =	vshrl.u32 v43, $0x3  }
0x114: {  	[tilespmem:v32+s23+$0xFFFFFEC0 ss:$0x1] =	vst.idx.msk $0xffff, v37;
	v37 =	vor.u32 v33, v42;
	v42 =	vand.u32 $0xFFFF, v45;
	v45 =	vshrl.u32 v39, $0x3  }
0x115: {  	[tilespmem:v34+s23+$0xFFFFFF00 ss:$0x1] =	vst.idx.msk $0xffff, v37;
	v37 =	vand.u32 $0xE, v38;
	v38 =	vshll.u32 v43, $0x1;
	v43 =	vand.u32 $0xFFFF, v45  }
0x116: {  	v41 =	vxor.u32 v41, v44;
	v39 =	vshll.u32 v39, $0x1;
	[tilespmem:v32+s23+$0xFFFFFF00 ss:$0x1] =	vst.idx.msk $0xffff, v37;
	v37 =	vor.u32 v33, v42  }
0x117: {  	[tilespmem:v34+s23+$0xFFFFFF40 ss:$0x1] =	vst.idx.msk $0xffff, v37;
	v37 =	vand.u32 $0xE, v38;
	v38 =	vshrl.u32 v41, $0x3;
	v41 =	vshll.u32 v41, $0x1  }
0x118: {  	v40 =	vxor.u32 v44, v40;
	[tilespmem:v32+s23+$0xFFFFFF40 ss:$0x1] =	vst.idx.msk $0xffff, v37;
	v37 =	vor.u32 v33, v43;
	v38 =	vand.u32 $0xFFFF, v38  }
0x119: {  	[tilespmem:v34+s23+$0xFFFFFF80 ss:$0x1] =	vst.idx.msk $0xffff, v37;
	v37 =	vand.u32 $0xE, v39;
	v39 =	vshrl.u32 v40, $0x3;
	v40 =	vshll.u32 v40, $0x1  }
0x11a: {  	[tilespmem:v32+s23+$0xFFFFFF80 ss:$0x1] =	vst.idx.msk $0xffff, v37;
	v37 =	vor.u32 v33, v38;
	v38 =	vand.u32 $0xFFFF, v39  }
0x11b: {  	[tilespmem:v34+s23+$0xFFFFFFC0 ss:$0x1] =	vst.idx.msk $0xffff, v37;
	v37 =	vand.u32 $0xE, v41  }
0x11c: {  	[tilespmem:v32+s23+$0xFFFFFFC0 ss:$0x1] =	vst.idx.msk $0xffff, v37;
	v37 =	vor.u32 v33, v38  }
0x11d: {  	[tilespmem:v34+s23+$0x0 ss:$0x1] =	vst.idx.msk $0xffff, v37;
	v37 =	vand.u32 $0xE, v40  }
0x11e: {  	[tilespmem:v32+s23+$0x0 ss:$0x1] =	vst.idx.msk $0xffff, v37  }
0x11f: {  	v37 =	vld [tilespmem:s23+$0x1D0];
	_ =	sdelay $0x4  }
0x120: {  	v37 =	vmul.f32 v37, v35;
	_ =	sdelay $0x1  }
0x121: {  	v38 =	vtrunc.f32 v37  }
0x122: {  	v38 =	vcvt.f32.s32 v38;
	_ =	sdelay $0x1  }
0x123: {  	v39 =	vcvt.s32.f32 v38;
	_ =	sdelay $0x1  }
0x124: {  	v37 =	vsub.f32 v37, v39;
	_ =	sdelay $0x1  }
0x125: {  	[tilespmem:v36+s23+$0xFFFFFF80 ss:$0x1] =	vst.idx.msk $0xffff, v37  }
0x126: {  	v37 =	vld [tilespmem:s23+$0x210];
	_ =	sdelay $0x4  }
0x127: {  	v37 =	vmul.f32 v37, v35;
	_ =	sdelay $0x1  }
0x128: {  	v39 =	vtrunc.f32 v37  }
0x129: {  	v39 =	vcvt.f32.s32 v39;
	_ =	sdelay $0x1  }
0x12a: {  	v40 =	vcvt.s32.f32 v39;
	v41 =	vmul.u32 $0x9E3779B1, v39;
	_ =	sdelay $0x1  }
0x12b: {  	v37 =	vsub.f32 v37, v40;
	v40 =	vadd.s32 $0x9E3779B1, v41;
	_ =	sdelay $0x1  }
0x12c: {  	[tilespmem:v36+s23+$0xFFFFFFC0 ss:$0x1] =	vst.idx.msk $0xffff, v37  }
0x12d: {  	v37 =	vld [tilespmem:s23+$0x250];
	_ =	sdelay $0x4  }
0x12e: {  	v37 =	vmul.f32 v37, v35;
	_ =	sdelay $0x1  }
0x12f: {  	v39 =	vtrunc.f32 v37  }
0x130: {  	v39 =	vcvt.f32.s32 v39;
	_ =	sdelay $0x1  }
0x131: {  	v42 =	vcvt.s32.f32 v39;
	v43 =	vmul.u32 $0x30025795, v39;
	_ =	sdelay $0x1  }
0x132: {  	v37 =	vsub.f32 v37, v42;
	v42 =	vadd.s32 $0x30025795, v43;
	_ =	sdelay $0x1  }
0x133: {  	[tilespmem:v36+s23+$0x0 ss:$0x1] =	vst.idx.msk $0xffff, v37  }
0x134: {  	v37 =	vld [tilespmem:s23+$0x290];
	_ =	sdelay $0x4  }
0x135: {  	v44 =	vadd.s32 $0x1, v38;
	v45 =	vmul.f32 v37, v35  }
0x136: {  	v37 =	vxor.u32 v44, v40  }
0x137: {  	v39 =	vxor.u32 v43, v37;
	v37 =	vxor.u32 v37, v42;
	v46 =	vtrunc.f32 v45  }
0x138: {  	v47 =	vxor.u32 v38, v40;
	v40 =	vxor.u32 v44, v41;
	v46 =	vcvt.f32.s32 v46  }
0x139: {  	v38 =	vxor.u32 v38, v41;
	v41 =	vxor.u32 v40, v43;
	v44 =	vxor.u32 v40, v42  }
0x13a: {  	v48 =	vcvt.s32.f32 v46;
	v40 =	vmul.u32 $0xDB06C2F5, v46;
	v46 =	vxor.u32 v47, v42  }
0x13b: {  	v49 =	vxor.u32 v38, v43;
	v43 =	vxor.u32 v43, v47;
	v42 =	vxor.u32 v38, v42  }
0x13c: {  	v45 =	vsub.f32 v45, v48;
	v38 =	vadd.s32 $0xDB06C2F5, v40;
	v47 =	vxor.u32 v49, v40  }
0x13d: {  	v48 =	vshrl.u32 v47, $0x3;
	v47 =	vshll.u32 v47, $0x1;
	v49 =	vxor.u32 v49, v38  }
0x13e: {  	[tilespmem:v36+s23+$0x40 ss:$0x1] =	vst.idx.msk $0xffff, v45;
	v45 =	vand.u32 $0xFFFF, v48;
	v48 =	vshrl.u32 v49, $0x3;
	v49 =	vshll.u32 v49, $0x1  }
0x13f: {  	v50 =	vxor.u32 v40, v42;
	v45 =	vor.u32 v33, v45;
	v48 =	vand.u32 $0xFFFF, v48  }
0x140: {  	[tilespmem:v34+s23+$0x40 ss:$0x1] =	vst.idx.msk $0xffff, v45;
	v45 =	vand.u32 $0xE, v47;
	v47 =	vshrl.u32 v50, $0x3;
	v50 =	vshll.u32 v50, $0x1  }
0x141: {  	v42 =	vxor.u32 v42, v38;
	[tilespmem:v32+s23+$0x40 ss:$0x1] =	vst.idx.msk $0xffff, v45;
	v45 =	vor.u32 v33, v48;
	v47 =	vand.u32 $0xFFFF, v47  }
0x142: {  	v48 =	vshrl.u32 v42, $0x3;
	[tilespmem:v34+s23+$0x80 ss:$0x1] =	vst.idx.msk $0xffff, v45;
	v45 =	vand.u32 $0xE, v49;
	v49 =	vxor.u32 v43, v40  }
0x143: {  	[tilespmem:v32+s23+$0x80 ss:$0x1] =	vst.idx.msk $0xffff, v45;
	v45 =	vor.u32 v33, v47;
	v47 =	vand.u32 $0xFFFF, v48;
	v48 =	vshrl.u32 v49, $0x3  }
0x144: {  	v49 =	vshll.u32 v49, $0x1;
	[tilespmem:v34+s23+$0xC0 ss:$0x1] =	vst.idx.msk $0xffff, v45;
	v45 =	vand.u32 $0xE, v50;
	v48 =	vand.u32 $0xFFFF, v48  }
0x145: {  	v42 =	vshll.u32 v42, $0x1;
	v43 =	vxor.u32 v43, v38;
	[tilespmem:v32+s23+$0xC0 ss:$0x1] =	vst.idx.msk $0xffff, v45;
	v45 =	vor.u32 v33, v47  }
0x146: {  	v42 =	vand.u32 $0xE, v42;
	[tilespmem:v34+s23+$0x100 ss:$0x1] =	vst.idx.msk $0xffff, v45;
	v45 =	vshrl.u32 v43, $0x3;
	v43 =	vshll.u32 v43, $0x1  }
0x147: {  	v47 =	vxor.u32 v40, v46;
	[tilespmem:v32+s23+$0x100 ss:$0x1] =	vst.idx.msk $0xffff, v42;
	v42 =	vor.u32 v33, v48;
	v45 =	vand.u32 $0xFFFF, v45  }
0x148: {  	v48 =	vshrl.u32 v47, $0x3;
	v47 =	vshll.u32 v47, $0x1;
	[tilespmem:v34+s23+$0x140 ss:$0x1] =	vst.idx.msk $0xffff, v42;
	v42 =	vand.u32 $0xE, v49  }
0x149: {  	v46 =	vxor.u32 v46, v38;
	[tilespmem:v32+s23+$0x140 ss:$0x1] =	vst.idx.msk $0xffff, v42;
	v42 =	vor.u32 v33, v45;
	v45 =	vand.u32 $0xFFFF, v48  }
0x14a: {  	v48 =	vxor.u32 v41, v40;
	[tilespmem:v34+s23+$0x180 ss:$0x1] =	vst.idx.msk $0xffff, v42;
	v42 =	vand.u32 $0xE, v43;
	v43 =	vshrl.u32 v46, $0x3  }
0x14b: {  	[tilespmem:v32+s23+$0x180 ss:$0x1] =	vst.idx.msk $0xffff, v42;
	v42 =	vor.u32 v33, v45;
	v43 =	vand.u32 $0xFFFF, v43;
	v45 =	vshrl.u32 v48, $0x3  }
0x14c: {  	v41 =	vxor.u32 v41, v38;
	[tilespmem:v34+s23+$0x1C0 ss:$0x1] =	vst.idx.msk $0xffff, v42;
	v42 =	vand.u32 $0xE, v47;
	v45 =	vand.u32 $0xFFFF, v45  }
0x14d: {  	[tilespmem:v32+s23+$0x1C0 ss:$0x1] =	vst.idx.msk $0xffff, v42;
	v42 =	vor.u32 v33, v43;
	v43 =	vshll.u32 v46, $0x1;
	v46 =	vshrl.u32 v41, $0x3  }
0x14e: {  	[tilespmem:v34+s23+$0x200 ss:$0x1] =	vst.idx.msk $0xffff, v42;
	v42 =	vand.u32 $0xE, v43;
	v43 =	vshll.u32 v48, $0x1;
	v46 =	vand.u32 $0xFFFF, v46  }
0x14f: {  	v41 =	vshll.u32 v41, $0x1;
	[tilespmem:v32+s23+$0x200 ss:$0x1] =	vst.idx.msk $0xffff, v42;
	v42 =	vor.u32 v33, v45;
	v45 =	vxor.u32 v40, v44  }
.Ltmp7:
0x150: {  	[tilespmem:v34+s23+$0x240 ss:$0x1] =	vst.idx.msk $0xffff, v42;
	v42 =	vand.u32 $0xE, v43;
	v43 =	vshrl.u32 v45, $0x3;
	v45 =	vshll.u32 v45, $0x1;
	(pc) =	sbr.rel @p2 .LBB2_5-.Ltmp7, $4  }
0x151: {  	v44 =	vxor.u32 v44, v38;
	[tilespmem:v32+s23+$0x240 ss:$0x1] =	vst.idx.msk $0xffff, v42;
	v42 =	vor.u32 v33, v46;
	v43 =	vand.u32 $0xFFFF, v43  }
0x152: {  	v46 =	vshrl.u32 v44, $0x3;
	[tilespmem:v34+s23+$0x280 ss:$0x1] =	vst.idx.msk $0xffff, v42;
	v42 =	vand.u32 $0xE, v41;
	v41 =	vshll.u32 v44, $0x1  }
0x153: {  	v43 =	vor.u32 v33, v43;
	v44 =	vand.u32 $0xFFFF, v46;
	[tilespmem:v32+s23+$0x280 ss:$0x1] =	vst.idx.msk $0xffff, v42;
	v42 =	vxor.u32 v39, v40  }
0x154: {  	v45 =	vand.u32 $0xE, v45;
	v44 =	vor.u32 v33, v44;
	[tilespmem:v34+s23+$0x2C0 ss:$0x1] =	vst.idx.msk $0xffff, v43;
	v43 =	vshrl.u32 v42, $0x3  }
0x155: {  	_ =	sdelay $0x3  }
0x156: {  	[tilespmem:v32+s23+$0x2C0 ss:$0x1] =	vst.idx.msk $0xffff, v45  }
0x157: {  	v35 =	vxor.u32 v39, v38;
	v36 =	vand.u32 $0xE, v41;
	v47 =	vand.u32 $0xFFFF, v43;
	[tilespmem:v34+s23+$0x300 ss:$0x1] =	vst.idx.msk $0xffff, v44  }
0x158: {  	v48 =	vshll.u32 v42, $0x1;
	v49 =	vshrl.u32 v35, $0x3;
	v50 =	vor.u32 v33, v47;
	[tilespmem:v32+s23+$0x300 ss:$0x1] =	vst.idx.msk $0xffff, v36  }
0x159: {  	v51 =	vxor.u32 v40, v37;
	v53 =	vand.u32 $0xE, v48;
	v52 =	vand.u32 $0xFFFF, v49;
	[tilespmem:v34+s23+$0x340 ss:$0x1] =	vst.idx.msk $0xffff, v50  }
0x15a: {  	v35 =	vshll.u32 v35, $0x1;
	v54 =	vshrl.u32 v51, $0x3;
	v55 =	vor.u32 v33, v52;
	[tilespmem:v32+s23+$0x340 ss:$0x1] =	vst.idx.msk $0xffff, v53  }
0x15b: {  	v57 =	vxor.u32 v37, v38;
	v56 =	vand.u32 $0xFFFF, v54;
	v35 =	vand.u32 $0xE, v35;
	[tilespmem:v34+s23+$0x380 ss:$0x1] =	vst.idx.msk $0xffff, v55  }
0x15c: {  	v58 =	vshll.u32 v51, $0x1;
	v38 =	vshrl.u32 v57, $0x3;
	v59 =	vor.u32 v33, v56;
	[tilespmem:v32+s23+$0x380 ss:$0x1] =	vst.idx.msk $0xffff, v35  }
0x15d: {  	v38 =	vand.u32 $0xFFFF, v38;
	v60 =	vand.u32 $0xE, v58;
	[tilespmem:v34+s23+$0x3C0 ss:$0x1] =	vst.idx.msk $0xffff, v59  }
0x15e: {  	v61 =	vshll.u32 v57, $0x1;
	v62 =	vor.u32 v33, v38;
	[tilespmem:v32+s23+$0x3C0 ss:$0x1] =	vst.idx.msk $0xffff, v60  }
0x15f: {  	s24 =	sshll.u32 s22, $0xF;
	s25 =	sshll.u32 s22, $0xB;
	v63 =	vand.u32 $0xE, v61;
	[tilespmem:v34+s23+$0x400 ss:$0x1] =	vst.idx.msk $0xffff, v62  }
0x160: {  	s28 =	sadd.s32 $0x1, s22;
	s29 =	sor.u32 $0x2790, s24;
	s26 =	sor.u32 $0x790, s25;
	[tilespmem:v32+s23+$0x400 ss:$0x1] =	vst.idx.msk $0xffff, v63  }
0x161: {  	[tilespmem:s29], [sflag:s28] =	stream.indirect.gather [hbm4b:s4+s17], $0x10, s26, s17, $0xb8;
	[tilespmem:$0x13F90] =	vst v63  }
0x162: {  	s30 =	sor.u32 $0x2F90, s24;
	s31 =	sadd.s32 $0x810, s25  }
0x163: {  	[tilespmem:s30], [sflag:s28] =	stream.indirect.gather [hbm4b:s4+s17], $0x10, s31, s17, $0xb8;
	[tilespmem:$0x13F90] =	vst v63  }
0x164: {  	s26 =	sor.u32 $0x3790, s24;
	s29 =	sadd.s32 $0x890, s25  }
0x165: {  	[tilespmem:s26], [sflag:s28] =	stream.indirect.gather [hbm4b:s4+s17], $0x10, s29, s17, $0xb8;
	[tilespmem:$0x13F90] =	vst v63  }
0x166: {  	s30 =	sor.u32 $0x3F90, s24;
	s31 =	sadd.s32 $0x910, s25  }
0x167: {  	[tilespmem:s30], [sflag:s28] =	stream.indirect.gather [hbm4b:s4+s17], $0x10, s31, s17, $0xb8;
	[tilespmem:$0x13F90] =	vst v63  }
0x168: {  	s26 =	sor.u32 $0x4790, s24;
	s29 =	sadd.s32 $0x990, s25  }
0x169: {  	[tilespmem:s26], [sflag:s28] =	stream.indirect.gather [hbm4b:s5+s17], $0x10, s29, s17, $0xb8;
	[tilespmem:$0x13F90] =	vst v63  }
0x16a: {  	s30 =	sor.u32 $0x4F90, s24;
	s31 =	sadd.s32 $0xA10, s25  }
0x16b: {  	[tilespmem:s30], [sflag:s28] =	stream.indirect.gather [hbm4b:s5+s17], $0x10, s31, s17, $0xb8;
	[tilespmem:$0x13F90] =	vst v63  }
0x16c: {  	s26 =	sor.u32 $0x5790, s24;
	s29 =	sadd.s32 $0xA90, s25  }
0x16d: {  	[tilespmem:s26], [sflag:s28] =	stream.indirect.gather [hbm4b:s5+s17], $0x10, s29, s17, $0xb8;
	[tilespmem:$0x13F90] =	vst v63  }
0x16e: {  	s30 =	sor.u32 $0x5F90, s24;
	s31 =	sadd.s32 $0xB10, s25  }
0x16f: {  	[tilespmem:s30], [sflag:s28] =	stream.indirect.gather [hbm4b:s5+s17], $0x10, s31, s17, $0xb8;
	[tilespmem:$0x13F90] =	vst v63  }
0x170: {  	s26 =	sor.u32 $0x6790, s24;
	s29 =	sadd.s32 $0xB90, s25  }
0x171: {  	[tilespmem:s26], [sflag:s28] =	stream.indirect.gather [hbm4b:s6+s17], $0x10, s29, s17, $0xb8;
	[tilespmem:$0x13F90] =	vst v63  }
0x172: {  	s30 =	sor.u32 $0x6F90, s24;
	s31 =	sadd.s32 $0xC10, s25  }
0x173: {  	[tilespmem:s30], [sflag:s28] =	stream.indirect.gather [hbm4b:s6+s17], $0x10, s31, s17, $0xb8;
	[tilespmem:$0x13F90] =	vst v63  }
0x174: {  	s26 =	sor.u32 $0x7790, s24;
	s29 =	sadd.s32 $0xC90, s25  }
0x175: {  	[tilespmem:s26], [sflag:s28] =	stream.indirect.gather [hbm4b:s6+s17], $0x10, s29, s17, $0xb8;
	[tilespmem:$0x13F90] =	vst v63  }
0x176: {  	s30 =	sor.u32 $0x7F90, s24;
	s31 =	sadd.s32 $0xD10, s25  }
0x177: {  	[tilespmem:s30], [sflag:s28] =	stream.indirect.gather [hbm4b:s6+s17], $0x10, s31, s17, $0xb8;
	[tilespmem:$0x13F90] =	vst v63  }
0x178: {  	s26 =	sadd.s32 $0x8790, s24;
	s29 =	sadd.s32 $0xD90, s25  }
0x179: {  	[tilespmem:s26], [sflag:s28] =	stream.indirect.gather [hbm4b:s6+s17], $0x10, s29, s17, $0xb8;
	[tilespmem:$0x13F90] =	vst v63  }
0x17a: {  	p2 =	seq.s32 s20, $0x0;
	s30 =	sadd.s32 $0x8F90, s24;
	s31 =	sadd.s32 $0xE10, s25  }
0x17b: {  	[tilespmem:s30], [sflag:s28] =	stream.indirect.gather [hbm4b:s6+s17], $0x10, s31, s17, $0xb8;
	[tilespmem:$0x13F90] =	vst v63  }
.Ltmp8:
0x17c: {  	_ = 	snop;
	(pc) =	sbr.rel @p2 .LBB2_9-.Ltmp8, $4  }
0x17d: {  	s26 =	sadd.s32 $0x9790, s24;
	s29 =	sadd.s32 $0xE90, s25  }
0x17e: {  	[tilespmem:s26], [sflag:s28] =	stream.indirect.gather [hbm4b:s6+s17], $0x10, s29, s17, $0xb8;
	[tilespmem:$0x13F90] =	vst v63  }
0x17f: {  	s30 =	sadd.s32 $0x9F90, s24;
	s31 =	sadd.s32 $0xF10, s25  }
0x180: {  	[tilespmem:s30], [sflag:s28] =	stream.indirect.gather [hbm4b:s6+s17], $0x10, s31, s17, $0xb8;
	[tilespmem:$0x13F90] =	vst v63  }
.LBB2_7:
0x181: {  	s23 =	simm.s32 $0x1  }
0x182: {  	s25 =	sxor.u32 $0x1, s22;
	s23 =	simm.s32 @!p1 $0x0  }
0x183: {  	s31 =	sadd.s32 $0x1, s25;
	s25 =	sshll.u32 s25, $0xF;
	s24 =	smul.u32 $0xA00, s23  }
0x184: {  	_ =	swait.ge [sflag:s31], $0x8000;
	s23 =	sshll.u32 s23, $0xB;
	v32 =	vmov s25;
	s25 =	smov.u32 s21  }
0x185: {  	[sflag:s31] =	ssyncset.done $0x0;
	s23 =	sadd.s32 $0x1B90, s23;
	s30 =	sshrl.u32 s24, $0x2  }
0x186: {  	[sflag:s31] =	ssyncadd.s32 $0xFFFF8000;
	s24 =	simm.s32 $0x0;
	s22 =	sadd.s32 $0x3D0, s30  }
.LBB2_8:
0x187: {  	v34 =	vld [tilespmem:s23+$0xFFFFFC00];
	v33 =	vmov s24  }
0x188: {  	v35 =	vld [tilespmem:s23+$0xFFFFFC40];
	v33 =	vshll.u32 v33, $0x4  }
0x189: {  	v40 =	vld [tilespmem:s23+$0xFFFFFC80];
	v36 =	vor.u32 v0, v33  }
0x18a: {  	v41 =	vld [tilespmem:s22+$0xFFFFFEC0];
	v39 =	vadd.s32 v31, v33;
	v44 =	vadd.s32 v30, v33;
	v58 =	vadd.s32 v29, v33  }
0x18b: {  	v60 =	vadd.s32 v28, v33;
	v36 =	vadd.s32 v32, v36;
	v39 =	vadd.s32 v32, v39  }
0x18c: {  	v44 =	vadd.s32 v32, v44;
	v37 =	vand.u32 $0xFFFFFFF8, v34;
	v38 =	vand.u32 $0x7, v34  }
0x18d: {  	v43 =	vld [tilespmem:s22+$0xFFFFFF00];
	v34 =	vadd.s32 $0x1, v34;
	v42 =	vand.u32 $0xFFFFFFF8, v35;
	v50 =	vand.u32 $0x7, v35  }
0x18e: {  	v56 =	vld [tilespmem:s23+$0xFFFFFD00];
	v35 =	vadd.s32 $0x1, v35;
	v53 =	vand.u32 $0xFFFFFFF8, v40;
	v54 =	vand.u32 $0x7, v40  }
0x18f: {  	v59 =	vld [tilespmem:s23+$0xFFFFFD40];
	v45 =	vsub.f32 $1.000000000e+00, v41;
	v37 =	vadd.s32 v36, v37;
	v49 =	vand.u32 $0xFFFFFFF8, v34  }
0x190: {  	v34 =	vand.u32 $0x7, v34;
	v42 =	vadd.s32 v39, v42;
	v37 =	vor.u32 v38, v37  }
0x191: {  	v52 =	vand.u32 $0xFFFFFFF8, v35;
	v36 =	vadd.s32 v36, v49;
	v51 =	vor.u32 v50, v42  }
0x192: {  	v35 =	vand.u32 $0x7, v35;
	v39 =	vadd.s32 v39, v52;
	v34 =	vor.u32 v34, v36  }
0x193: {  	v46 =	vsub.f32 $1.000000000e+00, v43;
	v40 =	vadd.s32 $0x1, v40;
	v38 =	vld [tilespmem:s22+$0xFFFFFF40];
	v35 =	vor.u32 v35, v39  }
0x194: {  	v61 =	vand.u32 $0xFFFFFFF8, v56;
	v63 =	vand.u32 $0xFFFFFFF8, v59;
	v55 =	vand.u32 $0xFFFFFFF8, v40;
	v49 =	vld [tilespmem:s23+$0xFFFFFCC0]  }
0x195: {  	v40 =	vand.u32 $0x7, v40;
	v42 =	vadd.s32 v44, v53;
	v47 =	vmul.f32 v46, v45;
	v37 =	vld.idx.msk [tilespmem:v37+s13+$0x0], $0xffff  }
0x196: {  	v45 =	vmul.f32 v43, v45;
	v46 =	vmul.f32 v46, v41;
	v44 =	vadd.s32 v44, v55;
	v36 =	vld.idx.msk [tilespmem:v51+s13+$0x0], $0xffff  }
0x197: {  	v52 =	vadd.s32 $0x1, v56;
	v55 =	vadd.s32 $0x1, v59;
	v39 =	vor.u32 v54, v42;
	v34 =	vld.idx.msk [tilespmem:v34+s13+$0x0], $0xffff  }
0x198: {  	v40 =	vor.u32 v40, v44;
	v53 =	vand.u32 $0xFFFFFFF8, v52;
	v42 =	vsub.f32 $1.000000000e+00, v38;
	v35 =	vld.idx.msk [tilespmem:v35+s13+$0x0], $0xffff  }
0x199: {  	v62 =	vand.u32 $0x7, v52;
	v54 =	vadd.s32 v27, v33;
	v44 =	vmul.f32 v38, v45  }
0x19a: {  	v54 =	vadd.s32 v32, v54;
	v48 =	vmul.f32 v42, v47;
	v47 =	vmul.f32 v47, v38  }
0x19b: {  	v57 =	vand.u32 $0xFFFFFFF8, v49;
	v50 =	vadd.s32 $0x1, v49;
	v49 =	vand.u32 $0x7, v49  }
0x19c: {  	v52 =	vld [tilespmem:s23+$0xFFFFFD80];
	v51 =	vand.u32 $0xFFFFFFF8, v50;
	v37 =	vmul.f32 v37, v48;
	v36 =	vmul.f32 v36, v47  }
0x19d: {  	v39 =	vld.idx.msk [tilespmem:v39+s13+$0x0], $0xffff;
	v50 =	vand.u32 $0x7, v50;
	v34 =	vmul.f32 v34, v48;
	v35 =	vmul.f32 v35, v47  }
0x19e: {  	v48 =	vadd.s32 v32, v58;
	v36 =	vadd.f32 v36, v37;
	v37 =	vmul.f32 v42, v45  }
0x19f: {  	v47 =	vadd.s32 v48, v57;
	v48 =	vadd.s32 v48, v51;
	v45 =	vand.u32 $0x7, v56  }
0x1a0: {  	v51 =	vand.u32 $0x7, v59;
	v56 =	vand.u32 $0xFFFFFFF8, v55;
	v55 =	vand.u32 $0x7, v55  }
0x1a1: {  	v47 =	vor.u32 v49, v47;
	v48 =	vor.u32 v50, v48;
	v49 =	vadd.s32 v32, v60  }
0x1a2: {  	v60 =	vand.u32 $0xFFFFFFF8, v52;
	v39 =	vmul.f32 v39, v37;
	v50 =	vadd.s32 v49, v61  }
0x1a3: {  	v49 =	vadd.s32 v49, v53;
	v53 =	vadd.s32 v54, v63;
	v54 =	vadd.s32 v54, v56  }
0x1a4: {  	v61 =	vadd.s32 v26, v33;
	v45 =	vor.u32 v45, v50;
	v50 =	vor.u32 v51, v53;
	v53 =	vld [tilespmem:s23+$0xFFFFFDC0]  }
0x1a5: {  	v49 =	vor.u32 v62, v49;
	v51 =	vor.u32 v55, v54;
	v62 =	vadd.s32 $0x1, v52  }
0x1a6: {  	v52 =	vand.u32 $0x7, v52;
	v55 =	vadd.s32 v32, v61;
	v57 =	vand.u32 $0xFFFFFFF8, v62  }
0x1a7: {  	v40 =	vld.idx.msk [tilespmem:v40+s13+$0x0], $0xffff;
	v54 =	vadd.s32 v55, v60;
	v56 =	vand.u32 $0x7, v62;
	v55 =	vadd.s32 v55, v57  }
0x1a8: {  	v63 =	vadd.s32 v25, v33;
	v52 =	vor.u32 v52, v54;
	v47 =	vld.idx.msk [tilespmem:v47+s13+$0x0], $0xffff;
	v54 =	vor.u32 v56, v55  }
0x1a9: {  	v48 =	vld.idx.msk [tilespmem:v48+s13+$0x0], $0xffff;
	v55 =	vadd.s32 v32, v63;
	v60 =	vand.u32 $0xFFFFFFF8, v53;
	v61 =	vadd.s32 $0x1, v53  }
0x1aa: {  	v45 =	vld.idx.msk [tilespmem:v45+s13+$0x0], $0xffff;
	v53 =	vand.u32 $0x7, v53;
	v56 =	vadd.s32 v55, v60;
	v58 =	vand.u32 $0xFFFFFFF8, v61  }
0x1ab: {  	v49 =	vld.idx.msk [tilespmem:v49+s13+$0x0], $0xffff;
	v62 =	vand.u32 $0x7, v61;
	v53 =	vor.u32 v53, v56;
	v55 =	vadd.s32 v55, v58  }
0x1ac: {  	v34 =	vadd.f32 v35, v34;
	v63 =	vmul.f32 v40, v37;
	v37 =	vld.idx.msk [tilespmem:v50+s13+$0x0], $0xffff;
	v55 =	vor.u32 v62, v55  }
0x1ad: {  	v36 =	vadd.f32 v39, v36;
	v57 =	vmul.f32 v42, v46;
	v58 =	vld.idx.msk [tilespmem:v51+s13+$0x0], $0xffff;
	v56 =	vmul.f32 v47, v44  }
0x1ae: {  	v41 =	vmul.f32 v43, v41;
	v34 =	vadd.f32 v63, v34;
	v60 =	vld.idx.msk [tilespmem:v52+s13+$0x0], $0xffff;
	v59 =	vmul.f32 v48, v44  }
0x1af: {  	v62 =	vmul.f32 v46, v38;
	v63 =	vld.idx.msk [tilespmem:v54+s13+$0x0], $0xffff;
	v36 =	vadd.f32 v56, v36;
	v61 =	vmul.f32 v45, v57  }
0x1b0: {  	v34 =	vadd.f32 v59, v34;
	v48 =	vmul.f32 v49, v57;
	v49 =	vld.idx.msk [tilespmem:v53+s13+$0x0], $0xffff  }
0x1b1: {  	v51 =	vmul.f32 v42, v41;
	v37 =	vmul.f32 v37, v62;
	v36 =	vadd.f32 v61, v36;
	v40 =	vld.idx.msk [tilespmem:v55+s13+$0x0], $0xffff  }
0x1b2: {  	v34 =	vadd.f32 v48, v34;
	v52 =	vmul.f32 v58, v62  }
0x1b3: {  	v38 =	vmul.f32 v38, v41;
	v53 =	vmul.f32 v60, v51;
	v36 =	vadd.f32 v37, v36  }
0x1b4: {  	v54 =	vmul.f32 v63, v51;
	v34 =	vadd.f32 v52, v34  }
0x1b5: {  	v36 =	vadd.f32 v53, v36;
	v55 =	vmul.f32 v49, v38  }
0x1b6: {  	v34 =	vadd.f32 v54, v34;
	v56 =	vmul.f32 v40, v38  }
0x1b7: {  	v36 =	vadd.f32 v55, v36  }
0x1b8: {  	v34 =	vadd.f32 v56, v34  }
0x1b9: {  	[tilespmem:s25+$0xFFFFF7C0] =	vst v36  }
0x1ba: {  	[tilespmem:s25+$0xFFFFF800] =	vst v34  }
0x1bb: {  	v34 =	vld [tilespmem:s23+$0xFFFFFE00]  }
0x1bc: {  	v57 =	vld [tilespmem:s23+$0xFFFFFE40]  }
0x1bd: {  	v41 =	vld [tilespmem:s22+$0xFFFFFF80]  }
0x1be: {  	v62 =	vadd.s32 v23, v33;
	v43 =	vld [tilespmem:s22+$0xFFFFFFC0]  }
0x1bf: {  	v58 =	vadd.s32 v24, v33;
	v39 =	vadd.s32 v32, v62;
	v53 =	vadd.s32 v22, v33  }
0x1c0: {  	v44 =	vadd.s32 v32, v53;
	v36 =	vadd.s32 v32, v58;
	v59 =	vand.u32 $0xFFFFFFF8, v34  }
0x1c1: {  	v60 =	vand.u32 $0x7, v34;
	v34 =	vadd.s32 $0x1, v34;
	v49 =	vand.u32 $0xFFFFFFF8, v57  }
0x1c2: {  	v63 =	vld [tilespmem:s23+$0xFFFFFE80];
	v50 =	vand.u32 $0x7, v57;
	v35 =	vadd.s32 $0x1, v57;
	v56 =	vsub.f32 $1.000000000e+00, v41  }
0x1c3: {  	v57 =	vsub.f32 $1.000000000e+00, v43;
	v37 =	vadd.s32 v36, v59;
	v61 =	vand.u32 $0xFFFFFFF8, v34  }
0x1c4: {  	v34 =	vand.u32 $0x7, v34;
	v42 =	vadd.s32 v39, v49;
	v37 =	vor.u32 v60, v37  }
0x1c5: {  	v38 =	vld [tilespmem:s22+$0x0];
	v52 =	vand.u32 $0xFFFFFFF8, v35;
	v36 =	vadd.s32 v36, v61;
	v51 =	vor.u32 v50, v42  }
0x1c6: {  	v62 =	vld [tilespmem:s23+$0xFFFFFF00];
	v35 =	vand.u32 $0x7, v35;
	v39 =	vadd.s32 v39, v52;
	v34 =	vor.u32 v34, v36  }
0x1c7: {  	v54 =	vand.u32 $0xFFFFFFF8, v63;
	v55 =	vand.u32 $0x7, v63;
	v60 =	vld [tilespmem:s23+$0xFFFFFEC0];
	v35 =	vor.u32 v35, v39  }
0x1c8: {  	v40 =	vadd.s32 $0x1, v63;
	v58 =	vmul.f32 v57, v56;
	v46 =	vmul.f32 v57, v41;
	v57 =	vld [tilespmem:s23+$0xFFFFFF40]  }
0x1c9: {  	v42 =	vadd.s32 v44, v54;
	v45 =	vmul.f32 v43, v56;
	v61 =	vand.u32 $0xFFFFFFF8, v40;
	v37 =	vld.idx.msk [tilespmem:v37+s13+$0x0], $0xffff  }
0x1ca: {  	v40 =	vand.u32 $0x7, v40;
	v54 =	vadd.s32 v21, v33;
	v39 =	vor.u32 v55, v42;
	v36 =	vld.idx.msk [tilespmem:v51+s13+$0x0], $0xffff  }
0x1cb: {  	v42 =	vsub.f32 $1.000000000e+00, v38;
	v44 =	vadd.s32 v44, v61;
	v48 =	vadd.s32 v32, v54;
	v34 =	vld.idx.msk [tilespmem:v34+s13+$0x0], $0xffff  }
0x1cc: {  	v47 =	vmul.f32 v58, v38;
	v40 =	vor.u32 v40, v44;
	v44 =	vmul.f32 v38, v45;
	v35 =	vld.idx.msk [tilespmem:v35+s13+$0x0], $0xffff  }
0x1cd: {  	v59 =	vmul.f32 v42, v58;
	v58 =	vadd.s32 v20, v33;
	v63 =	vand.u32 $0xFFFFFFF8, v60  }
0x1ce: {  	v55 =	vadd.s32 $0x1, v60;
	v49 =	vand.u32 $0x7, v60;
	v60 =	vadd.s32 $0x1, v62  }
0x1cf: {  	v51 =	vand.u32 $0x7, v57;
	v56 =	vand.u32 $0xFFFFFFF8, v55;
	v50 =	vand.u32 $0x7, v55  }
0x1d0: {  	v61 =	vand.u32 $0xFFFFFFF8, v60;
	v37 =	vmul.f32 v37, v59;
	v36 =	vmul.f32 v36, v47  }
0x1d1: {  	v34 =	vmul.f32 v34, v59;
	v35 =	vmul.f32 v35, v47;
	v47 =	vadd.s32 v48, v63  }
0x1d2: {  	v52 =	vld [tilespmem:s23+$0xFFFFFF80];
	v48 =	vadd.s32 v48, v56;
	v59 =	vand.u32 $0xFFFFFFF8, v62;
	v63 =	vand.u32 $0xFFFFFFF8, v57  }
0x1d3: {  	v39 =	vld.idx.msk [tilespmem:v39+s13+$0x0], $0xffff;
	v36 =	vadd.f32 v36, v37;
	v37 =	vmul.f32 v42, v45;
	v47 =	vor.u32 v49, v47  }
0x1d4: {  	v48 =	vor.u32 v50, v48;
	v49 =	vadd.s32 v32, v58;
	v45 =	vand.u32 $0x7, v62  }
0x1d5: {  	v62 =	vand.u32 $0x7, v60;
	v60 =	vadd.s32 $0x1, v57;
	v50 =	vadd.s32 v49, v59  }
0x1d6: {  	v49 =	vadd.s32 v49, v61;
	v59 =	vadd.s32 v19, v33;
	v61 =	vand.u32 $0xFFFFFFF8, v60  }
0x1d7: {  	v55 =	vand.u32 $0x7, v60;
	v60 =	vadd.s32 $0x1, v52;
	v54 =	vadd.s32 v32, v59  }
0x1d8: {  	v39 =	vmul.f32 v39, v37;
	v45 =	vor.u32 v45, v50;
	v53 =	vadd.s32 v54, v63  }
0x1d9: {  	v49 =	vor.u32 v62, v49;
	v62 =	vand.u32 $0xFFFFFFF8, v52;
	v50 =	vor.u32 v51, v53;
	v53 =	vld [tilespmem:s23+$0xFFFFFFC0]  }
0x1da: {  	v52 =	vand.u32 $0x7, v52;
	v54 =	vadd.s32 v54, v61;
	v63 =	vadd.s32 v18, v33  }
0x1db: {  	v61 =	vand.u32 $0xFFFFFFF8, v60;
	v51 =	vor.u32 v55, v54;
	v55 =	vadd.s32 v32, v63  }
0x1dc: {  	v40 =	vld.idx.msk [tilespmem:v40+s13+$0x0], $0xffff;
	v56 =	vand.u32 $0x7, v60;
	v54 =	vadd.s32 v55, v62;
	v55 =	vadd.s32 v55, v61  }
0x1dd: {  	v47 =	vld.idx.msk [tilespmem:v47+s13+$0x0], $0xffff;
	v62 =	vadd.s32 v17, v33;
	v52 =	vor.u32 v52, v54;
	v54 =	vor.u32 v56, v55  }
0x1de: {  	v48 =	vld.idx.msk [tilespmem:v48+s13+$0x0], $0xffff;
	v55 =	vadd.s32 v32, v62;
	v63 =	vand.u32 $0xFFFFFFF8, v53;
	v60 =	vadd.s32 $0x1, v53  }
0x1df: {  	v45 =	vld.idx.msk [tilespmem:v45+s13+$0x0], $0xffff;
	v53 =	vand.u32 $0x7, v53;
	v56 =	vadd.s32 v55, v63;
	v61 =	vand.u32 $0xFFFFFFF8, v60  }
0x1e0: {  	v49 =	vld.idx.msk [tilespmem:v49+s13+$0x0], $0xffff;
	v62 =	vand.u32 $0x7, v60;
	v53 =	vor.u32 v53, v56;
	v55 =	vadd.s32 v55, v61  }
0x1e1: {  	v34 =	vadd.f32 v35, v34;
	v57 =	vld.idx.msk [tilespmem:v50+s13+$0x0], $0xffff;
	v63 =	vmul.f32 v40, v37;
	v58 =	vor.u32 v62, v55  }
0x1e2: {  	v36 =	vadd.f32 v39, v36;
	v59 =	vmul.f32 v47, v44;
	v60 =	vmul.f32 v42, v46;
	v61 =	vld.idx.msk [tilespmem:v51+s13+$0x0], $0xffff  }
0x1e3: {  	v41 =	vmul.f32 v43, v41;
	v34 =	vadd.f32 v63, v34;
	v62 =	vmul.f32 v48, v44;
	v63 =	vld.idx.msk [tilespmem:v52+s13+$0x0], $0xffff  }
0x1e4: {  	v51 =	vmul.f32 v46, v38;
	v36 =	vadd.f32 v59, v36;
	v48 =	vmul.f32 v45, v60;
	v52 =	vld.idx.msk [tilespmem:v54+s13+$0x0], $0xffff  }
0x1e5: {  	v54 =	vmul.f32 v49, v60;
	v34 =	vadd.f32 v62, v34;
	v55 =	vld.idx.msk [tilespmem:v53+s13+$0x0], $0xffff  }
0x1e6: {  	v56 =	vmul.f32 v42, v41;
	v36 =	vadd.f32 v48, v36;
	v37 =	vmul.f32 v57, v51;
	v40 =	vld.idx.msk [tilespmem:v58+s13+$0x0], $0xffff  }
0x1e7: {  	v34 =	vadd.f32 v54, v34;
	v57 =	vmul.f32 v61, v51  }
0x1e8: {  	v38 =	vmul.f32 v38, v41;
	v36 =	vadd.f32 v37, v36;
	v58 =	vmul.f32 v63, v56  }
0x1e9: {  	v59 =	vmul.f32 v52, v56;
	v34 =	vadd.f32 v57, v34  }
0x1ea: {  	v36 =	vadd.f32 v58, v36;
	v60 =	vmul.f32 v55, v38  }
0x1eb: {  	v34 =	vadd.f32 v59, v34;
	v61 =	vmul.f32 v40, v38  }
0x1ec: {  	v36 =	vadd.f32 v60, v36  }
0x1ed: {  	v34 =	vadd.f32 v61, v34  }
0x1ee: {  	[tilespmem:s25+$0xFFFFFFC0] =	vst v36  }
0x1ef: {  	[tilespmem:s25+$0x0] =	vst v34  }
0x1f0: {  	v38 =	vld [tilespmem:s22+$0x40]  }
0x1f1: {  	v39 =	vld [tilespmem:s22+$0x80]  }
0x1f2: {  	v34 =	vld [tilespmem:s22+$0xC0]  }
0x1f3: {  	v41 =	vld [tilespmem:s22+$0x100]  }
0x1f4: {  	v62 =	vld [tilespmem:s23+$0x0]  }
0x1f5: {  	v50 =	vadd.s32 v16, v33;
	v63 =	vld [tilespmem:s23+$0x40]  }
0x1f6: {  	v45 =	vadd.s32 v32, v50;
	v60 =	vadd.s32 v15, v33;
	v55 =	vld [tilespmem:s23+$0x80]  }
0x1f7: {  	v57 =	vadd.s32 v14, v33;
	v49 =	vadd.s32 v32, v60;
	v42 =	vsub.f32 $1.000000000e+00, v38  }
0x1f8: {  	v60 =	vadd.s32 v13, v33;
	v40 =	vsub.f32 $1.000000000e+00, v39;
	v36 =	vsub.f32 $1.000000000e+00, v34  }
0x1f9: {  	v43 =	vsub.f32 $1.000000000e+00, v41;
	v51 =	vand.u32 $0xFFFFFFF8, v62;
	v52 =	vadd.s32 $0x1, v62  }
0x1fa: {  	v35 =	vand.u32 $0x7, v62;
	v59 =	vand.u32 $0xFFFFFFF8, v63;
	v61 =	vadd.s32 $0x1, v63  }
0x1fb: {  	v37 =	vand.u32 $0x7, v63;
	v56 =	vand.u32 $0xFFFFFFF8, v55;
	v58 =	vadd.s32 $0x1, v55  }
0x1fc: {  	v47 =	vand.u32 $0x7, v55;
	v46 =	vadd.s32 v45, v51;
	v53 =	vand.u32 $0xFFFFFFF8, v52  }
0x1fd: {  	v54 =	vand.u32 $0x7, v52;
	v62 =	vand.u32 $0xFFFFFFF8, v61;
	v48 =	vadd.s32 v49, v59  }
0x1fe: {  	v63 =	vld [tilespmem:s23+$0xC0];
	v50 =	vand.u32 $0x7, v61;
	v59 =	vand.u32 $0xFFFFFFF8, v58;
	v51 =	vand.u32 $0x7, v58  }
0x1ff: {  	v35 =	vor.u32 v35, v46;
	v45 =	vadd.s32 v45, v53;
	v49 =	vadd.s32 v49, v62  }
0x200: {  	v46 =	vor.u32 v37, v48;
	v48 =	vor.u32 v50, v49;
	v50 =	vadd.s32 v32, v57  }
0x201: {  	v44 =	vmul.f32 v40, v42;
	v45 =	vor.u32 v54, v45;
	v49 =	vadd.s32 v50, v56  }
0x202: {  	v37 =	vmul.f32 v43, v36;
	v50 =	vadd.s32 v50, v59;
	v47 =	vor.u32 v47, v49  }
0x203: {  	v49 =	vor.u32 v51, v50;
	v51 =	vld [tilespmem:s23+$0x100];
	v61 =	vand.u32 $0xFFFFFFF8, v63;
	v50 =	vadd.s32 v32, v60  }
0x204: {  	v62 =	vadd.s32 $0x1, v63;
	v63 =	vand.u32 $0x7, v63;
	v56 =	vadd.s32 v50, v61;
	v54 =	vld.idx.msk [tilespmem:v35+s13+$0x0], $0xffff  }
0x205: {  	v42 =	vmul.f32 v39, v42;
	v55 =	vor.u32 v63, v56;
	v46 =	vld.idx.msk [tilespmem:v46+s13+$0x0], $0xffff  }
0x206: {  	v59 =	vadd.s32 v12, v33;
	v53 =	vmul.f32 v37, v44;
	v57 =	vand.u32 $0xFFFFFFF8, v62;
	v45 =	vld.idx.msk [tilespmem:v45+s13+$0x0], $0xffff  }
0x207: {  	v58 =	vand.u32 $0x7, v62;
	v50 =	vadd.s32 v50, v57;
	v35 =	vmul.f32 v41, v36;
	v48 =	vld.idx.msk [tilespmem:v48+s13+$0x0], $0xffff  }
0x208: {  	v52 =	vadd.s32 v32, v59;
	v36 =	vmul.f32 v43, v34;
	v50 =	vor.u32 v58, v50;
	v47 =	vld.idx.msk [tilespmem:v47+s13+$0x0], $0xffff  }
0x209: {  	v34 =	vmul.f32 v41, v34;
	v63 =	vmul.f32 v35, v44;
	v60 =	vand.u32 $0xFFFFFFF8, v51;
	v49 =	vld.idx.msk [tilespmem:v49+s13+$0x0], $0xffff  }
0x20a: {  	v61 =	vand.u32 $0x7, v51;
	v62 =	vadd.s32 v52, v60;
	v59 =	vmul.f32 v53, v54;
	v60 =	vld.idx.msk [tilespmem:v55+s13+$0x0], $0xffff  }
0x20b: {  	v56 =	vor.u32 v61, v62;
	v46 =	vmul.f32 v46, v63;
	v61 =	vmul.f32 v36, v44;
	v55 =	vld [tilespmem:s23+$0x140]  }
0x20c: {  	v58 =	vadd.s32 v11, v33;
	v45 =	vmul.f32 v45, v53;
	v43 =	vmul.f32 v48, v63  }
0x20d: {  	v44 =	vmul.f32 v34, v44;
	v50 =	vld.idx.msk [tilespmem:v50+s13+$0x0], $0xffff;
	v41 =	vadd.f32 v46, v59;
	v62 =	vmul.f32 v47, v61  }
0x20e: {  	v43 =	vadd.f32 v43, v45;
	v63 =	vmul.f32 v49, v61;
	v45 =	vmul.f32 v37, v42  }
0x20f: {  	v49 =	vadd.s32 v32, v58;
	v41 =	vadd.f32 v62, v41;
	v54 =	vmul.f32 v60, v44  }
0x210: {  	v53 =	vld.idx.msk [tilespmem:v56+s13+$0x0], $0xffff;
	v43 =	vadd.f32 v63, v43;
	v56 =	vadd.s32 $0x1, v51;
	v59 =	vand.u32 $0xFFFFFFF8, v55  }
0x211: {  	v60 =	vand.u32 $0x7, v55;
	v51 =	vmul.f32 v35, v42;
	v61 =	vadd.s32 $0x1, v55;
	v63 =	vld [tilespmem:s23+$0x1C0]  }
0x212: {  	v62 =	vadd.s32 v10, v33;
	v44 =	vmul.f32 v50, v44;
	v57 =	vand.u32 $0xFFFFFFF8, v56;
	v50 =	vld [tilespmem:s23+$0x180]  }
0x213: {  	v46 =	vand.u32 $0x7, v56;
	v48 =	vand.u32 $0xFFFFFFF8, v61;
	v41 =	vadd.f32 v54, v41  }
0x214: {  	v48 =	vadd.s32 v49, v48;
	v43 =	vadd.f32 v44, v43;
	v44 =	vadd.s32 v52, v57  }
0x215: {  	v52 =	vadd.s32 v32, v62;
	v44 =	vor.u32 v46, v44;
	v46 =	vadd.s32 v49, v59  }
0x216: {  	v47 =	vmul.f32 v53, v45;
	v46 =	vor.u32 v60, v46;
	v60 =	vadd.s32 v9, v33  }
0x217: {  	v62 =	vand.u32 $0x7, v63;
	v53 =	vadd.s32 $0x1, v63;
	v57 =	vand.u32 $0xFFFFFFF8, v50  }
0x218: {  	v54 =	vld [tilespmem:s23+$0x200];
	v58 =	vand.u32 $0x7, v50;
	v50 =	vadd.s32 $0x1, v50;
	v41 =	vadd.f32 v47, v41  }
0x219: {  	v47 =	vand.u32 $0x7, v61;
	v49 =	vadd.s32 v52, v57;
	v59 =	vand.u32 $0xFFFFFFF8, v50  }
0x21a: {  	v50 =	vand.u32 $0x7, v50;
	v61 =	vand.u32 $0xFFFFFFF8, v63;
	v63 =	vand.u32 $0xFFFFFFF8, v53  }
0x21b: {  	v53 =	vand.u32 $0x7, v53;
	v47 =	vor.u32 v47, v48;
	v48 =	vor.u32 v58, v49  }
0x21c: {  	v49 =	vadd.s32 v52, v59;
	v52 =	vadd.s32 v32, v60;
	v60 =	vadd.s32 v8, v33  }
0x21d: {  	v57 =	vld [tilespmem:s23+$0x240];
	v49 =	vor.u32 v50, v49;
	v50 =	vadd.s32 v52, v61;
	v61 =	vand.u32 $0xFFFFFFF8, v54  }
0x21e: {  	v56 =	vadd.s32 v32, v60;
	v44 =	vld.idx.msk [tilespmem:v44+s13+$0x0], $0xffff;
	v52 =	vadd.s32 v52, v63;
	v60 =	vadd.s32 v7, v33  }
0x21f: {  	v50 =	vor.u32 v62, v50;
	v62 =	vand.u32 $0x7, v54;
	v46 =	vld.idx.msk [tilespmem:v46+s13+$0x0], $0xffff;
	v54 =	vadd.s32 $0x1, v54  }
0x220: {  	v58 =	vadd.s32 v56, v61;
	v52 =	vor.u32 v53, v52;
	v63 =	vand.u32 $0xFFFFFFF8, v54  }
0x221: {  	v53 =	vor.u32 v62, v58;
	v54 =	vand.u32 $0x7, v54;
	v55 =	vadd.s32 v56, v63;
	v47 =	vld.idx.msk [tilespmem:v47+s13+$0x0], $0xffff  }
0x222: {  	v58 =	vadd.s32 v32, v60;
	v61 =	vand.u32 $0xFFFFFFF8, v57;
	v48 =	vld.idx.msk [tilespmem:v48+s13+$0x0], $0xffff;
	v54 =	vor.u32 v54, v55  }
0x223: {  	v62 =	vand.u32 $0x7, v57;
	v63 =	vadd.s32 $0x1, v57;
	v56 =	vadd.s32 v58, v61;
	v49 =	vld.idx.msk [tilespmem:v49+s13+$0x0], $0xffff  }
0x224: {  	v55 =	vor.u32 v62, v56;
	v44 =	vmul.f32 v44, v45;
	v45 =	vmul.f32 v46, v51;
	v46 =	vld.idx.msk [tilespmem:v50+s13+$0x0], $0xffff  }
0x225: {  	v60 =	vand.u32 $0xFFFFFFF8, v63;
	v52 =	vld.idx.msk [tilespmem:v52+s13+$0x0], $0xffff  }
0x226: {  	v40 =	vmul.f32 v40, v38;
	v56 =	vand.u32 $0x7, v63;
	v50 =	vadd.s32 v58, v60;
	v63 =	vld.idx.msk [tilespmem:v53+s13+$0x0], $0xffff  }
0x227: {  	v38 =	vmul.f32 v39, v38;
	v61 =	vmul.f32 v36, v42;
	v50 =	vor.u32 v56, v50;
	v56 =	vld.idx.msk [tilespmem:v54+s13+$0x0], $0xffff  }
0x228: {  	v42 =	vmul.f32 v34, v42;
	v43 =	vadd.f32 v44, v43;
	v62 =	vmul.f32 v47, v51;
	v54 =	vld [tilespmem:s23+$0x2C0]  }
0x229: {  	v60 =	vmul.f32 v37, v40;
	v41 =	vadd.f32 v45, v41;
	v53 =	vmul.f32 v48, v61;
	v58 =	vld.idx.msk [tilespmem:v55+s13+$0x0], $0xffff  }
0x22a: {  	v48 =	vmul.f32 v36, v40;
	v57 =	vmul.f32 v49, v61;
	v61 =	vld [tilespmem:s23+$0x280];
	v43 =	vadd.f32 v62, v43  }
0x22b: {  	v41 =	vadd.f32 v53, v41;
	v59 =	vmul.f32 v46, v42;
	v42 =	vmul.f32 v52, v42  }
0x22c: {  	v53 =	vadd.s32 v6, v33;
	v62 =	vmul.f32 v63, v60;
	v43 =	vadd.f32 v57, v43  }
0x22d: {  	v63 =	vmul.f32 v35, v40;
	v40 =	vmul.f32 v34, v40;
	v41 =	vadd.f32 v59, v41  }
0x22e: {  	v51 =	vmul.f32 v56, v60;
	v60 =	vand.u32 $0xFFFFFFF8, v54;
	v42 =	vadd.f32 v42, v43  }
0x22f: {  	v50 =	vld.idx.msk [tilespmem:v50+s13+$0x0], $0xffff;
	v41 =	vadd.f32 v62, v41;
	v52 =	vmul.f32 v58, v63;
	v55 =	vand.u32 $0xFFFFFFF8, v61  }
0x230: {  	v56 =	vand.u32 $0x7, v61;
	v44 =	vadd.s32 $0x1, v61;
	v58 =	vadd.s32 v5, v33  }
0x231: {  	v59 =	vld [tilespmem:s23+$0x300];
	v61 =	vand.u32 $0x7, v54;
	v43 =	vadd.s32 $0x1, v54;
	v57 =	vand.u32 $0xFFFFFFF8, v44  }
0x232: {  	v44 =	vand.u32 $0x7, v44;
	v49 =	vadd.s32 v32, v58;
	v62 =	vand.u32 $0xFFFFFFF8, v43  }
0x233: {  	v43 =	vand.u32 $0x7, v43;
	v39 =	vadd.f32 v51, v42;
	v41 =	vadd.f32 v52, v41  }
0x234: {  	v42 =	vadd.s32 v32, v53;
	v46 =	vmul.f32 v50, v63;
	v47 =	vadd.s32 v49, v60  }
0x235: {  	v45 =	vadd.s32 v42, v55;
	v42 =	vadd.s32 v42, v57;
	v55 =	vadd.s32 v4, v33  }
0x236: {  	v63 =	vld [tilespmem:s23+$0x340];
	v57 =	vand.u32 $0x7, v59;
	v50 =	vadd.s32 $0x1, v59;
	v45 =	vor.u32 v56, v45  }
0x237: {  	v42 =	vor.u32 v44, v42;
	v44 =	vor.u32 v61, v47;
	v47 =	vadd.s32 v49, v62  }
0x238: {  	v56 =	vand.u32 $0xFFFFFFF8, v59;
	v49 =	vadd.s32 v32, v55;
	v58 =	vand.u32 $0xFFFFFFF8, v50  }
0x239: {  	v54 =	vld [tilespmem:s23+$0x380];
	v59 =	vadd.s32 v3, v33;
	v50 =	vand.u32 $0x7, v50;
	v43 =	vor.u32 v43, v47  }
0x23a: {  	v47 =	vadd.s32 v49, v56;
	v53 =	vadd.s32 v32, v59;
	v49 =	vadd.s32 v49, v58  }
0x23b: {  	v47 =	vor.u32 v57, v47;
	v49 =	vor.u32 v50, v49;
	v60 =	vand.u32 $0xFFFFFFF8, v63  }
0x23c: {  	v61 =	vand.u32 $0x7, v63;
	v51 =	vadd.s32 $0x1, v63;
	v63 =	vadd.s32 v2, v33  }
0x23d: {  	v56 =	vld [tilespmem:s23+$0x3C0];
	v33 =	vadd.s32 v1, v33;
	v55 =	vadd.s32 v53, v60;
	v62 =	vand.u32 $0xFFFFFFF8, v51  }
0x23e: {  	v51 =	vand.u32 $0x7, v51;
	v60 =	vand.u32 $0xFFFFFFF8, v54;
	v33 =	vadd.s32 v32, v33  }
0x23f: {  	v50 =	vor.u32 v61, v55;
	v52 =	vadd.s32 v53, v62;
	v55 =	vadd.s32 v32, v63  }
0x240: {  	v61 =	vand.u32 $0x7, v54;
	v54 =	vadd.s32 $0x1, v54;
	v45 =	vld.idx.msk [tilespmem:v45+s13+$0x0], $0xffff;
	v53 =	vadd.s32 v55, v60  }
0x241: {  	v42 =	vld.idx.msk [tilespmem:v42+s13+$0x0], $0xffff;
	v51 =	vor.u32 v51, v52;
	v62 =	vand.u32 $0xFFFFFFF8, v54;
	v54 =	vand.u32 $0x7, v54  }
0x242: {  	v44 =	vld.idx.msk [tilespmem:v44+s13+$0x0], $0xffff;
	v63 =	vand.u32 $0xFFFFFFF8, v56;
	v60 =	vadd.s32 $0x1, v56;
	v56 =	vand.u32 $0x7, v56  }
0x243: {  	v43 =	vld.idx.msk [tilespmem:v43+s13+$0x0], $0xffff;
	v52 =	vor.u32 v61, v53;
	v53 =	vadd.s32 v55, v62;
	v55 =	vadd.s32 v33, v63  }
0x244: {  	v61 =	vand.u32 $0xFFFFFFF8, v60;
	v47 =	vld.idx.msk [tilespmem:v47+s13+$0x0], $0xffff;
	v63 =	vand.u32 $0x7, v60;
	v53 =	vor.u32 v54, v53  }
0x245: {  	v49 =	vld.idx.msk [tilespmem:v49+s13+$0x0], $0xffff;
	v62 =	vor.u32 v56, v55;
	v33 =	vadd.s32 v33, v61;
	v45 =	vmul.f32 v45, v48  }
0x246: {  	v39 =	vadd.f32 v46, v39;
	v33 =	vor.u32 v63, v33;
	v42 =	vmul.f32 v42, v48;
	v50 =	vld.idx.msk [tilespmem:v50+s13+$0x0], $0xffff  }
0x247: {  	v37 =	vmul.f32 v37, v38;
	v44 =	vmul.f32 v44, v40;
	v51 =	vld.idx.msk [tilespmem:v51+s13+$0x0], $0xffff;
	v41 =	vadd.f32 v45, v41  }
0x248: {  	v40 =	vmul.f32 v43, v40;
	v39 =	vadd.f32 v42, v39;
	v55 =	vld.idx.msk [tilespmem:v52+s13+$0x0], $0xffff  }
0x249: {  	v35 =	vmul.f32 v35, v38;
	v56 =	vmul.f32 v47, v37;
	v57 =	vld.idx.msk [tilespmem:v53+s13+$0x0], $0xffff;
	v41 =	vadd.f32 v44, v41  }
0x24a: {  	v37 =	vmul.f32 v49, v37;
	v58 =	vld.idx.msk [tilespmem:v62+s13+$0x0], $0xffff;
	v39 =	vadd.f32 v40, v39  }
0x24b: {  	v36 =	vmul.f32 v36, v38;
	v33 =	vld.idx.msk [tilespmem:v33+s13+$0x0], $0xffff;
	v59 =	vmul.f32 v50, v35;
	v41 =	vadd.f32 v56, v41  }
0x24c: {  	v37 =	vadd.f32 v37, v39;
	v35 =	vmul.f32 v51, v35  }
0x24d: {  	v34 =	vmul.f32 v34, v38;
	v61 =	vmul.f32 v55, v36;
	v60 =	vadd.f32 v59, v41  }
0x24e: {  	v35 =	vadd.f32 v35, v37;
	v36 =	vmul.f32 v57, v36  }
0x24f: {  	p2 =	sne.s32 s24, $0x30;
	v38 =	vmul.f32 v58, v34;
	v62 =	vadd.f32 v61, v60  }
.Ltmp9:
0x250: {  	v33 =	vmul.f32 v33, v34;
	v35 =	vadd.f32 v36, v35;
	(pc) =	sbr.rel @p2 .LBB2_8-.Ltmp9, $4  }
0x251: {  	v63 =	vadd.f32 v38, v62  }
0x252: {  	v33 =	vadd.f32 v33, v35  }
0x253: {  	s24 =	sadd.s32 $0x10, s24;
	[tilespmem:s25+$0x7C0] =	vst v63  }
0x254: {  	s22 =	sadd.s32 $0x10, s22;
	s23 =	sadd.s32 $0x10, s23;
	[tilespmem:s25+$0x800] =	vst v33;
	s25 =	sadd.s32 $0x10, s25  }
.Ltmp10:
0x255: {  	_ = 	snop;
	(pc) =	sbr.rel .LBB2_9-.Ltmp10, $1  }
0x256: {  	_ =	sdelay $0x3  }
.LBB2_12:
0x257: {  	_ =	sfence.sel $0x180000  }
0x258: {  	[bflag:$0x0] =	sbarrier.arrive $0xFFFF  }
0x259: {  	p0 =	sne.s32 s3, $0x0;
	_ =	strace $0x9000004A  }
0x25a: {  	s0 =	sadd.s32 @!p0 $0x100000, s0;
	[bflag:$0x2] =	sbarrier.arrive $0xFFFF  }
0x25b: {  	[sflag:s0] =	ssyncadd.tile.s32 @!p0 $0x1;
	_ =	shalt  }
.Lfunc_end2:
_tile_overlayer_lowered:
.L_overlay_start_2:
0x25c: {  	(tag) =	ssettag $0x2  }
0x25d: {  	s0 =	rddreg [dreg:$0x0];
	s2 =	stileid.u32  }
0x25e: {  	s1 =	rddreg [dreg:$0x1];
	p0 =	sne.s32 s2, $0x0  }
0x25f: {  	s3 =	rddreg [dreg:$0x2];
	[bflag:$0x3] =	sbarrier.arrive $0xFFFF;
	s2 =	simm.s32 @!p0 $0x1C03  }
0x260: {  	[timem:s3], [sflag:s2] =	dma.local @!p0 [hbm:s0], s1  }
0x261: {  	s0 =	simm.s32 @!p0 $0x3  }
0x262: {  	_ =	swait.ge @!p0 [sflag:s0], s1  }
0x263: {  	s1 =	ssub.s32 @!p0 $0x0, s1;
	[sflag:s0] =	ssyncset.done @!p0 $0x0  }
0x264: {  	[sflag:s0] =	ssyncadd.s32 @!p0 s1  }
0x265: {  	[bflag:$0x3] =	sbarrier.arrive $0xFFFF  }
0x266: {  	_ =	shalt  }

</sc_bundles>
